<compile_context>
chip_gen: v7x
topology: tpu7x:2x2x1
jax: 0.10.2.dev20260603
libtpu: 0.0.44.dev20260713+nightly
codegen_flags: <defaults>
</compile_context>

<pallas_src>
import jax
from jax import numpy as jnp
from jax import lax
from jax.experimental import pallas as pl
from jax.experimental.pallas import tpu as pltpu
from jax.experimental.pallas import tpu_sc as plsc

_B = 16384
_EMB = 64
_L = 16
_NW = 32
_BW = _B // _NW
_CH = 16
_NCH = _BW // _CH
_RB = 16384
_D = 4


def _make_proj_body(nrows, nb):
    def _proj_body(tab_ref, w_ref, o_ref, b0, b1, b2, b3, s0, s1, s2, s3):
        bufs = [b0, b1, b2, b3]
        sems = [s0, s1, s2, s3]
        w = w_ref[...].reshape(1, 1, _EMB)

        def issue(n):
            rows = min(_RB, nrows - n * _RB)
            cp = pltpu.make_async_copy(
                tab_ref.at[pl.ds(n * _RB, rows)],
                bufs[n % _D].at[pl.ds(0, rows)],
                sems[n % _D])
            cp.start()
            return cp

        cps = {}
        for n in range(min(_D, nb)):
            cps[n] = issue(n)
        for n in range(nb):
            cps[n].wait()
            x = bufs[n % _D][...]
            o_ref[pl.ds(n * (_RB // 128), _RB // 128)] = jnp.sum(
                x.reshape(_RB // 128, 128, _EMB) * w, axis=-1)
            if n + _D < nb:
                cps[n + _D] = issue(n + _D)

    return _proj_body


def _project(table, w2d):
    nrows = table.shape[0]
    nb = -(-nrows // _RB)
    return pl.pallas_call(
        _make_proj_body(nrows, nb),
        out_shape=jax.ShapeDtypeStruct((nb * (_RB // 128), 128),
                                       jnp.float32),
        in_specs=[pl.BlockSpec(memory_space=pl.ANY),
                  pl.BlockSpec(memory_space=pltpu.MemorySpace.VMEM)],
        out_specs=pl.BlockSpec(memory_space=pltpu.MemorySpace.VMEM),
        scratch_shapes=[pltpu.VMEM((_RB, _EMB), jnp.float32)] * _D
        + [pltpu.SemaphoreType.DMA] * _D,
    )(table, w2d)


def _gat_body(users_ref, items_ref, uproj, iproj, bref, out_ref,
              ubuf, ibuf, urow, irow, ug0, ug1, ig0, ig1, outb,
              bbuf, sem0, sem1):
    wid = lax.axis_index('s') * 2 + lax.axis_index('c')
    base = wid * _BW

    pltpu.sync_copy(users_ref.at[pl.ds(base, _BW)], ubuf)
    pltpu.sync_copy(items_ref.at[pl.ds(base, _BW)], ibuf)
    pltpu.sync_copy(bref, bbuf)

    def rows_body(t, carry):
        urow[pl.ds(t * _L, _L)] = ubuf[pl.ds(t * _L, _L)] >> 7
        irow[pl.ds(t * _L, _L)] = ibuf[pl.ds(t * _L, _L)] >> 7
        return carry

    lax.fori_loop(0, _BW // _L, rows_body, 0)

    bv = bbuf[...]
    iota = lax.iota(jnp.int32, _L)
    ugs = [ug0, ug1]
    igs = [ig0, ig1]
    sems = [sem0, sem1]

    def fire(c):
        s = sems[c % 2]
        du = pltpu.async_copy(
            uproj.at[urow.at[pl.ds(c * _CH, _CH)]],
            ugs[c % 2], s)
        di = pltpu.async_copy(
            iproj.at[irow.at[pl.ds(c * _CH, _CH)]],
            igs[c % 2], s)
        return (du, di)

    pending = fire(0)
    for c in range(_NCH):
        nxt = fire(c + 1) if c + 1 < _NCH else None
        du, di = pending
        du.wait()
        di.wait()
        ug = ugs[c % 2]
        ig = igs[c % 2]
        uv = ubuf[pl.ds(c * _CH, _CH)]
        iv = ibuf[pl.ds(c * _CH, _CH)]
        uval = plsc.load_gather(ug, [iota, uv & 127])
        ival = plsc.load_gather(ig, [iota, iv & 127])
        outb[pl.ds(c * _CH, _CH)] = uval + ival + bv
        pending = nxt

    pltpu.sync_copy(outb, out_ref.at[pl.ds(base, _BW)])


def kernel(users, items, user_table, item_table, W, b):
    users1d = users.astype(jnp.int32)
    items1d = items.astype(jnp.int32)
    wflat = W.reshape(2 * _EMB)
    wu = wflat[:_EMB].reshape(1, _EMB)
    wi = wflat[_EMB:].reshape(1, _EMB)
    b16 = jnp.broadcast_to(b, (_L,))

    uproj = _project(user_table, wu)
    iproj = _project(item_table, wi)

    mesh = plsc.VectorSubcoreMesh(core_axis_name='c', subcore_axis_name='s')
    f = pl.kernel(
        _gat_body,
        out_type=jax.ShapeDtypeStruct((_B,), jnp.float32),
        mesh=mesh,
        compiler_params=pltpu.CompilerParams(needs_layout_passes=False),
        scratch_types=[
            pltpu.VMEM((_BW,), jnp.int32),
            pltpu.VMEM((_BW,), jnp.int32),
            pltpu.VMEM((_BW,), jnp.int32),
            pltpu.VMEM((_BW,), jnp.int32),
            pltpu.VMEM((_CH, 128), jnp.float32),
            pltpu.VMEM((_CH, 128), jnp.float32),
            pltpu.VMEM((_CH, 128), jnp.float32),
            pltpu.VMEM((_CH, 128), jnp.float32),
            pltpu.VMEM((_BW,), jnp.float32),
            pltpu.VMEM((_L,), jnp.float32),
            pltpu.SemaphoreType.DMA,
            pltpu.SemaphoreType.DMA,
        ],
    )
    out = f(users1d, items1d, uproj, iproj, b16)
    return out.reshape(_B, 1)

# --- scband reference (transcript-rebuilt; emitter-appended) ---
"""Pipeline reference for scband-recommender-net-84121229459535 (READ-ONLY COPY).

The authoritative reference and input builder live on the scoring server;
editing this copy changes nothing except your own understanding.
"""

import jax, jax.numpy as jnp
import numpy as np

N_USERS = 1000000
N_ITEMS = 100000
EMB = 64
BATCH = 16384

def setup_inputs(seed: int = 0) -> dict:
    key = jax.random.key(seed)
    k1, k2, k3, k4, k5, k6 = jax.random.split(key, 6)
    users = jax.random.randint(k1, (BATCH,), 0, N_USERS, dtype=jnp.int64 if jax.config.read('jax_enable_x64') else jnp.int32)
    items = jax.random.randint(k2, (BATCH,), 0, N_ITEMS, dtype=jnp.int64 if jax.config.read('jax_enable_x64') else jnp.int32)
    user_table = jax.random.normal(k3, (N_USERS, EMB), dtype=jnp.float32)
    item_table = jax.random.normal(k4, (N_ITEMS, EMB), dtype=jnp.float32)
    W = jax.random.normal(k5, (1, 2 * EMB), dtype=jnp.float32) * (1.0 / np.sqrt(2 * EMB))
    b = jax.random.normal(k6, (1,), dtype=jnp.float32) * 0.01
    return {"users": users, "items": items, "user_table": user_table, "item_table": item_table, "W": W, "b": b}

def reference(users, items, user_table, item_table, W, b):
    user_emb = jnp.take(user_table, users, axis=0)
    item_emb = jnp.take(item_table, items, axis=0)
    x = jnp.concatenate([user_emb, item_emb], axis=1)
    out = x @ W.T + b
    return out

if __name__ == "__main__":
    import jax
    _d = setup_inputs()
    print(jax.jit(kernel)(*tuple(_d.values())))

</pallas_src>

<mosaic_0001>
#map = affine_map<(d0, d1) -> (0)>
#map1 = affine_map<(d0, d1) -> (0, 0)>
module attributes {stable_mosaic.version = 14 : i64} {
  func.func @_gat_body(%arg0: i32, %arg1: i32, %arg2: memref<16384xi32, #tpu.memory_space<hbm>>, %arg3: memref<16384xi32, #tpu.memory_space<hbm>>, %arg4: memref<7936x128xf32, #tpu.memory_space<hbm>>, %arg5: memref<896x128xf32, #tpu.memory_space<hbm>>, %arg6: memref<16xf32, #tpu.memory_space<hbm>>, %arg7: memref<16384xf32, #tpu.memory_space<hbm>>, %arg8: memref<512xi32, #tpu.memory_space<vmem>>, %arg9: memref<512xi32, #tpu.memory_space<vmem>>, %arg10: memref<512xi32, #tpu.memory_space<vmem>>, %arg11: memref<512xi32, #tpu.memory_space<vmem>>, %arg12: memref<16x128xf32, #tpu.memory_space<vmem>>, %arg13: memref<16x128xf32, #tpu.memory_space<vmem>>, %arg14: memref<16x128xf32, #tpu.memory_space<vmem>>, %arg15: memref<16x128xf32, #tpu.memory_space<vmem>>, %arg16: memref<512xf32, #tpu.memory_space<vmem>>, %arg17: memref<16xf32, #tpu.memory_space<vmem>>, %arg18: memref<!tpu.dma_semaphore, #tpu.memory_space<semaphore_mem>>, %arg19: memref<!tpu.dma_semaphore, #tpu.memory_space<semaphore_mem>>) attributes {dimension_semantics = [#tpu.dimension_semantics<core_parallel>, #tpu.dimension_semantics<subcore_parallel>], iteration_bounds = array<i64: 2, 16>, scalar_prefetch = 0 : i64, scratch_operands = 12 : i64, tpu.core_type = #tpu.core_type<sc_vector_subcore>, window_params = [{transform_indices = #map}, {transform_indices = #map}, {transform_indices = #map1}, {transform_indices = #map1}, {transform_indices = #map}, {transform_indices = #map}]} {
    %mul3A = arith.constant 2 : i32
    %mul3A_0 = arith.muli %arg1, %mul3A : i32
    %add3A = arith.addi %mul3A_0, %arg0 : i32
    %mul3A_1 = arith.constant 512 : i32
    %mul3A_2 = arith.muli %add3A, %mul3A_1 : i32
    "tpu.region"() ({
      %run_scoped3A = tpu.sem_alloc : memref<!tpu.dma_semaphore, #tpu.memory_space<semaphore_mem>>
      %dma_start3A_1156 = tpu.memref_slice %arg2[%mul3A_2] : memref<16384xi32, #tpu.memory_space<hbm>> -> memref<512xi32, #tpu.memory_space<hbm>>
      %dma_start3A_1157 = tpu.memref_slice %arg2[%mul3A_2] : memref<16384xi32, #tpu.memory_space<hbm>> -> memref<512xi32, #tpu.memory_space<hbm>>
      tpu.enqueue_dma source(%dma_start3A_1157 : memref<512xi32, #tpu.memory_space<hbm>>) target(%arg8 : memref<512xi32, #tpu.memory_space<vmem>>) target_semaphore(%run_scoped3A : memref<!tpu.dma_semaphore, #tpu.memory_space<semaphore_mem>>)
      %dma_wait3A_1158 = tpu.memref_slice %arg2[%mul3A_2] : memref<16384xi32, #tpu.memory_space<hbm>> -> memref<512xi32, #tpu.memory_space<hbm>>
      %dma_wait3A_1159 = tpu.memref_slice %arg2[%mul3A_2] : memref<16384xi32, #tpu.memory_space<hbm>> -> memref<512xi32, #tpu.memory_space<hbm>>
      tpu.wait_dma2 semaphore(%run_scoped3A : memref<!tpu.dma_semaphore, #tpu.memory_space<semaphore_mem>>) src(%dma_wait3A_1159 : memref<512xi32, #tpu.memory_space<hbm>>) dst(%arg8 : memref<512xi32, #tpu.memory_space<vmem>>)
      tpu.yield
    }) : () -> ()
    "tpu.region"() ({
      %run_scoped3A = tpu.sem_alloc : memref<!tpu.dma_semaphore, #tpu.memory_space<semaphore_mem>>
      %dma_start3A_1156 = tpu.memref_slice %arg3[%mul3A_2] : memref<16384xi32, #tpu.memory_space<hbm>> -> memref<512xi32, #tpu.memory_space<hbm>>
      %dma_start3A_1157 = tpu.memref_slice %arg3[%mul3A_2] : memref<16384xi32, #tpu.memory_space<hbm>> -> memref<512xi32, #tpu.memory_space<hbm>>
      tpu.enqueue_dma source(%dma_start3A_1157 : memref<512xi32, #tpu.memory_space<hbm>>) target(%arg9 : memref<512xi32, #tpu.memory_space<vmem>>) target_semaphore(%run_scoped3A : memref<!tpu.dma_semaphore, #tpu.memory_space<semaphore_mem>>)
      %dma_wait3A_1158 = tpu.memref_slice %arg3[%mul3A_2] : memref<16384xi32, #tpu.memory_space<hbm>> -> memref<512xi32, #tpu.memory_space<hbm>>
      %dma_wait3A_1159 = tpu.memref_slice %arg3[%mul3A_2] : memref<16384xi32, #tpu.memory_space<hbm>> -> memref<512xi32, #tpu.memory_space<hbm>>
      tpu.wait_dma2 semaphore(%run_scoped3A : memref<!tpu.dma_semaphore, #tpu.memory_space<semaphore_mem>>) src(%dma_wait3A_1159 : memref<512xi32, #tpu.memory_space<hbm>>) dst(%arg9 : memref<512xi32, #tpu.memory_space<vmem>>)
      tpu.yield
    }) : () -> ()
    "tpu.region"() ({
      %run_scoped3A = tpu.sem_alloc : memref<!tpu.dma_semaphore, #tpu.memory_space<semaphore_mem>>
      tpu.enqueue_dma source(%arg6 : memref<16xf32, #tpu.memory_space<hbm>>) target(%arg17 : memref<16xf32, #tpu.memory_space<vmem>>) target_semaphore(%run_scoped3A : memref<!tpu.dma_semaphore, #tpu.memory_space<semaphore_mem>>)
      tpu.wait_dma2 semaphore(%run_scoped3A : memref<!tpu.dma_semaphore, #tpu.memory_space<semaphore_mem>>) src(%arg6 : memref<16xf32, #tpu.memory_space<hbm>>) dst(%arg17 : memref<16xf32, #tpu.memory_space<vmem>>)
      tpu.yield
    }) : () -> ()
    %scan3A = arith.constant 0 : i32
    %scan3A_3 = arith.constant 0 : i32
    %scan3A_4 = arith.constant 32 : i32
    %scan3A_5 = arith.addi %scan3A_3, %scan3A_4 : i32
    %scan3A_6 = arith.constant 1 : i32
    scf.for %scan3A_1156 = %scan3A_3 to %scan3A_5 step %scan3A_6  : i32 {
      %mul3A_1157 = arith.constant 16 : i32
      %mul3A_1158 = arith.muli %scan3A_1156, %mul3A_1157 : i32
      %get3A_1159 = arith.index_cast %mul3A_1158 : i32 to index
      %get3A_1160 = tpu.vector_load %arg8[%get3A_1159] {strides = array<i32>} : memref<512xi32, #tpu.memory_space<vmem>>, vector<16xi32>,
      %shift_right_arithmetic3A = arith.constant 7 : i32
      %shift_right_arithmetic3A_1161 = vector.broadcast %shift_right_arithmetic3A : i32 to vector<16xi32>
      %shift_right_arithmetic3A_1162 = arith.shrsi %get3A_1160, %shift_right_arithmetic3A_1161 : vector<16xi32>
      %mul3A_1163 = arith.constant 16 : i32
      %mul3A_1164 = arith.muli %scan3A_1156, %mul3A_1163 : i32
      %swap3A_1165 = arith.index_cast %mul3A_1164 : i32 to index
      %swap3A_1166 = tpu.vector_load %arg10[%swap3A_1165] {strides = array<i32>} : memref<512xi32, #tpu.memory_space<vmem>>, vector<16xi32>,
      tpu.vector_store %arg10[%swap3A_1165], %shift_right_arithmetic3A_1162 {strides = array<i32>} : memref<512xi32, #tpu.memory_space<vmem>>, vector<16xi32>,
      %mul3A_1167 = arith.constant 16 : i32
      %mul3A_1168 = arith.muli %scan3A_1156, %mul3A_1167 : i32
      %get3A_1169 = arith.index_cast %mul3A_1168 : i32 to index
      %get3A_1170 = tpu.vector_load %arg9[%get3A_1169] {strides = array<i32>} : memref<512xi32, #tpu.memory_space<vmem>>, vector<16xi32>,
      %shift_right_arithmetic3A_1171 = arith.constant 7 : i32
      %shift_right_arithmetic3A_1172 = vector.broadcast %shift_right_arithmetic3A_1171 : i32 to vector<16xi32>
      %shift_right_arithmetic3A_1173 = arith.shrsi %get3A_1170, %shift_right_arithmetic3A_1172 : vector<16xi32>
      %mul3A_1174 = arith.constant 16 : i32
      %mul3A_1175 = arith.muli %scan3A_1156, %mul3A_1174 : i32
      %swap3A_1176 = arith.index_cast %mul3A_1175 : i32 to index
      %swap3A_1177 = tpu.vector_load %arg11[%swap3A_1176] {strides = array<i32>} : memref<512xi32, #tpu.memory_space<vmem>>, vector<16xi32>,
      tpu.vector_store %arg11[%swap3A_1176], %shift_right_arithmetic3A_1173 {strides = array<i32>} : memref<512xi32, #tpu.memory_space<vmem>>, vector<16xi32>,
    }
    %scan3A_7 = arith.constant 32 : i32
    %get3A = arith.constant 0 : index
    %get3A_8 = tpu.vector_load %arg17[%get3A] {strides = array<i32>} : memref<16xf32, #tpu.memory_space<vmem>>, vector<16xf32>,
    %iota3A = tpu.iota {dimensions = array<i32: 0>} : vector<16xi32>
    %dma_start3A = arith.constant 0 : i32
    %dma_start3A_9 = tpu.memref_slice %arg10[%dma_start3A] : memref<512xi32, #tpu.memory_space<vmem>> -> memref<16xi32, #tpu.memory_space<vmem>>
    %dma_start3A_10 = arith.constant 0 : i32
    %dma_start3A_11 = arith.constant 0 : i32
    %dma_start3A_12 = tpu.memref_slice %arg4[%dma_start3A_10, %dma_start3A_11] : memref<7936x128xf32, #tpu.memory_space<hbm>> -> memref<7936x128xf32, #tpu.memory_space<hbm>>
    tpu.enqueue_indirect_dma source(%dma_start3A_12 : memref<7936x128xf32, #tpu.memory_space<hbm>>) target(%arg12 : memref<16x128xf32, #tpu.memory_space<vmem>>) offsets(%dma_start3A_9 : memref<16xi32, #tpu.memory_space<vmem>>) semaphore(%arg18 : memref<!tpu.dma_semaphore, #tpu.memory_space<semaphore_mem>>)
    %dma_start3A_13 = arith.constant 0 : i32
    %dma_start3A_14 = tpu.memref_slice %arg11[%dma_start3A_13] : memref<512xi32, #tpu.memory_space<vmem>> -> memref<16xi32, #tpu.memory_space<vmem>>
    %dma_start3A_15 = arith.constant 0 : i32
    %dma_start3A_16 = arith.constant 0 : i32
    %dma_start3A_17 = tpu.memref_slice %arg5[%dma_start3A_15, %dma_start3A_16] : memref<896x128xf32, #tpu.memory_space<hbm>> -> memref<896x128xf32, #tpu.memory_space<hbm>>
    tpu.enqueue_indirect_dma source(%dma_start3A_17 : memref<896x128xf32, #tpu.memory_space<hbm>>) target(%arg14 : memref<16x128xf32, #tpu.memory_space<vmem>>) offsets(%dma_start3A_14 : memref<16xi32, #tpu.memory_space<vmem>>) semaphore(%arg18 : memref<!tpu.dma_semaphore, #tpu.memory_space<semaphore_mem>>)
    %dma_start3A_18 = arith.constant 16 : i32
    %dma_start3A_19 = tpu.memref_slice %arg10[%dma_start3A_18] : memref<512xi32, #tpu.memory_space<vmem>> -> memref<16xi32, #tpu.memory_space<vmem>>
    %dma_start3A_20 = arith.constant 0 : i32
    %dma_start3A_21 = arith.constant 0 : i32
    %dma_start3A_22 = tpu.memref_slice %arg4[%dma_start3A_20, %dma_start3A_21] : memref<7936x128xf32, #tpu.memory_space<hbm>> -> memref<7936x128xf32, #tpu.memory_space<hbm>>
    tpu.enqueue_indirect_dma source(%dma_start3A_22 : memref<7936x128xf32, #tpu.memory_space<hbm>>) target(%arg13 : memref<16x128xf32, #tpu.memory_space<vmem>>) offsets(%dma_start3A_19 : memref<16xi32, #tpu.memory_space<vmem>>) semaphore(%arg19 : memref<!tpu.dma_semaphore, #tpu.memory_space<semaphore_mem>>)
    %dma_start3A_23 = arith.constant 16 : i32
    %dma_start3A_24 = tpu.memref_slice %arg11[%dma_start3A_23] : memref<512xi32, #tpu.memory_space<vmem>> -> memref<16xi32, #tpu.memory_space<vmem>>
    %dma_start3A_25 = arith.constant 0 : i32
    %dma_start3A_26 = arith.constant 0 : i32
    %dma_start3A_27 = tpu.memref_slice %arg5[%dma_start3A_25, %dma_start3A_26] : memref<896x128xf32, #tpu.memory_space<hbm>> -> memref<896x128xf32, #tpu.memory_space<hbm>>
    tpu.enqueue_indirect_dma source(%dma_start3A_27 : memref<896x128xf32, #tpu.memory_space<hbm>>) target(%arg15 : memref<16x128xf32, #tpu.memory_space<vmem>>) offsets(%dma_start3A_24 : memref<16xi32, #tpu.memory_space<vmem>>) semaphore(%arg19 : memref<!tpu.dma_semaphore, #tpu.memory_space<semaphore_mem>>)
    %dma_wait3A = arith.constant 0 : i32
    %dma_wait3A_28 = tpu.memref_slice %arg10[%dma_wait3A] : memref<512xi32, #tpu.memory_space<vmem>> -> memref<16xi32, #tpu.memory_space<vmem>>
    %dma_wait3A_29 = arith.constant 0 : i32
    %dma_wait3A_30 = arith.constant 0 : i32
    %dma_wait3A_31 = tpu.memref_slice %arg4[%dma_wait3A_29, %dma_wait3A_30] : memref<7936x128xf32, #tpu.memory_space<hbm>> -> memref<7936x128xf32, #tpu.memory_space<hbm>>
    tpu.wait_indirect_dma semaphore(%arg18 : memref<!tpu.dma_semaphore, #tpu.memory_space<semaphore_mem>>) src(%dma_wait3A_31 : memref<7936x128xf32, #tpu.memory_space<hbm>>) dst(%arg12 : memref<16x128xf32, #tpu.memory_space<vmem>>)
    %dma_wait3A_32 = arith.constant 0 : i32
    %dma_wait3A_33 = tpu.memref_slice %arg11[%dma_wait3A_32] : memref<512xi32, #tpu.memory_space<vmem>> -> memref<16xi32, #tpu.memory_space<vmem>>
    %dma_wait3A_34 = arith.constant 0 : i32
    %dma_wait3A_35 = arith.constant 0 : i32
    %dma_wait3A_36 = tpu.memref_slice %arg5[%dma_wait3A_34, %dma_wait3A_35] : memref<896x128xf32, #tpu.memory_space<hbm>> -> memref<896x128xf32, #tpu.memory_space<hbm>>
    tpu.wait_indirect_dma semaphore(%arg18 : memref<!tpu.dma_semaphore, #tpu.memory_space<semaphore_mem>>) src(%dma_wait3A_36 : memref<896x128xf32, #tpu.memory_space<hbm>>) dst(%arg14 : memref<16x128xf32, #tpu.memory_space<vmem>>)
    %get3A_37 = arith.constant 0 : index
    %get3A_38 = tpu.vector_load %arg8[%get3A_37] {strides = array<i32>} : memref<512xi32, #tpu.memory_space<vmem>>, vector<16xi32>,
    %get3A_39 = arith.constant 0 : index
    %get3A_40 = tpu.vector_load %arg9[%get3A_39] {strides = array<i32>} : memref<512xi32, #tpu.memory_space<vmem>>, vector<16xi32>,
    %and3A = arith.constant 127 : i32
    %and3A_41 = vector.broadcast %and3A : i32 to vector<16xi32>
    %and3A_42 = arith.andi %get3A_38, %and3A_41 : vector<16xi32>
    %gather3A = tpu.vector_load_idx %arg12[%iota3A, %and3A_42] : memref<16x128xf32, #tpu.memory_space<vmem>>[vector<16xi32>, vector<16xi32>], vector<16xf32>,
    %and3A_43 = arith.constant 127 : i32
    %and3A_44 = vector.broadcast %and3A_43 : i32 to vector<16xi32>
    %and3A_45 = arith.andi %get3A_40, %and3A_44 : vector<16xi32>
    %gather3A_46 = tpu.vector_load_idx %arg14[%iota3A, %and3A_45] : memref<16x128xf32, #tpu.memory_space<vmem>>[vector<16xi32>, vector<16xi32>], vector<16xf32>,
    %add3A_47 = arith.addf %gather3A, %gather3A_46 : vector<16xf32>
    %add3A_48 = arith.addf %add3A_47, %get3A_8 : vector<16xf32>
    %swap3A = arith.constant 0 : index
    %swap3A_49 = tpu.vector_load %arg16[%swap3A] {strides = array<i32>} : memref<512xf32, #tpu.memory_space<vmem>>, vector<16xf32>,
    tpu.vector_store %arg16[%swap3A], %add3A_48 {strides = array<i32>} : memref<512xf32, #tpu.memory_space<vmem>>, vector<16xf32>,
    %dma_start3A_50 = arith.constant 32 : i32
    %dma_start3A_51 = tpu.memref_slice %arg10[%dma_start3A_50] : memref<512xi32, #tpu.memory_space<vmem>> -> memref<16xi32, #tpu.memory_space<vmem>>
    %dma_start3A_52 = arith.constant 0 : i32
    %dma_start3A_53 = arith.constant 0 : i32
    %dma_start3A_54 = tpu.memref_slice %arg4[%dma_start3A_52, %dma_start3A_53] : memref<7936x128xf32, #tpu.memory_space<hbm>> -> memref<7936x128xf32, #tpu.memory_space<hbm>>
    tpu.enqueue_indirect_dma source(%dma_start3A_54 : memref<7936x128xf32, #tpu.memory_space<hbm>>) target(%arg12 : memref<16x128xf32, #tpu.memory_space<vmem>>) offsets(%dma_start3A_51 : memref<16xi32, #tpu.memory_space<vmem>>) semaphore(%arg18 : memref<!tpu.dma_semaphore, #tpu.memory_space<semaphore_mem>>)
    %dma_start3A_55 = arith.constant 32 : i32
    %dma_start3A_56 = tpu.memref_slice %arg11[%dma_start3A_55] : memref<512xi32, #tpu.memory_space<vmem>> -> memref<16xi32, #tpu.memory_space<vmem>>
    %dma_start3A_57 = arith.constant 0 : i32
    %dma_start3A_58 = arith.constant 0 : i32
    %dma_start3A_59 = tpu.memref_slice %arg5[%dma_start3A_57, %dma_start3A_58] : memref<896x128xf32, #tpu.memory_space<hbm>> -> memref<896x128xf32, #tpu.memory_space<hbm>>
    tpu.enqueue_indirect_dma source(%dma_start3A_59 : memref<896x128xf32, #tpu.memory_space<hbm>>) target(%arg14 : memref<16x128xf32, #tpu.memory_space<vmem>>) offsets(%dma_start3A_56 : memref<16xi32, #tpu.memory_space<vmem>>) semaphore(%arg18 : memref<!tpu.dma_semaphore, #tpu.memory_space<semaphore_mem>>)
    %dma_wait3A_60 = arith.constant 16 : i32
    %dma_wait3A_61 = tpu.memref_slice %arg10[%dma_wait3A_60] : memref<512xi32, #tpu.memory_space<vmem>> -> memref<16xi32, #tpu.memory_space<vmem>>
    %dma_wait3A_62 = arith.constant 0 : i32
    %dma_wait3A_63 = arith.constant 0 : i32
    %dma_wait3A_64 = tpu.memref_slice %arg4[%dma_wait3A_62, %dma_wait3A_63] : memref<7936x128xf32, #tpu.memory_space<hbm>> -> memref<7936x128xf32, #tpu.memory_space<hbm>>
    tpu.wait_indirect_dma semaphore(%arg19 : memref<!tpu.dma_semaphore, #tpu.memory_space<semaphore_mem>>) src(%dma_wait3A_64 : memref<7936x128xf32, #tpu.memory_space<hbm>>) dst(%arg13 : memref<16x128xf32, #tpu.memory_space<vmem>>)
    %dma_wait3A_65 = arith.constant 16 : i32
    %dma_wait3A_66 = tpu.memref_slice %arg11[%dma_wait3A_65] : memref<512xi32, #tpu.memory_space<vmem>> -> memref<16xi32, #tpu.memory_space<vmem>>
    %dma_wait3A_67 = arith.constant 0 : i32
    %dma_wait3A_68 = arith.constant 0 : i32
    %dma_wait3A_69 = tpu.memref_slice %arg5[%dma_wait3A_67, %dma_wait3A_68] : memref<896x128xf32, #tpu.memory_space<hbm>> -> memref<896x128xf32, #tpu.memory_space<hbm>>
    tpu.wait_indirect_dma semaphore(%arg19 : memref<!tpu.dma_semaphore, #tpu.memory_space<semaphore_mem>>) src(%dma_wait3A_69 : memref<896x128xf32, #tpu.memory_space<hbm>>) dst(%arg15 : memref<16x128xf32, #tpu.memory_space<vmem>>)
    %get3A_70 = arith.constant 16 : index
    %get3A_71 = tpu.vector_load %arg8[%get3A_70] {strides = array<i32>} : memref<512xi32, #tpu.memory_space<vmem>>, vector<16xi32>,
    %get3A_72 = arith.constant 16 : index
    %get3A_73 = tpu.vector_load %arg9[%get3A_72] {strides = array<i32>} : memref<512xi32, #tpu.memory_space<vmem>>, vector<16xi32>,
    %and3A_74 = arith.constant 127 : i32
    %and3A_75 = vector.broadcast %and3A_74 : i32 to vector<16xi32>
    %and3A_76 = arith.andi %get3A_71, %and3A_75 : vector<16xi32>
    %gather3A_77 = tpu.vector_load_idx %arg13[%iota3A, %and3A_76] : memref<16x128xf32, #tpu.memory_space<vmem>>[vector<16xi32>, vector<16xi32>], vector<16xf32>,
    %and3A_78 = arith.constant 127 : i32
    %and3A_79 = vector.broadcast %and3A_78 : i32 to vector<16xi32>
    %and3A_80 = arith.andi %get3A_73, %and3A_79 : vector<16xi32>
    %gather3A_81 = tpu.vector_load_idx %arg15[%iota3A, %and3A_80] : memref<16x128xf32, #tpu.memory_space<vmem>>[vector<16xi32>, vector<16xi32>], vector<16xf32>,
    %add3A_82 = arith.addf %gather3A_77, %gather3A_81 : vector<16xf32>
    %add3A_83 = arith.addf %add3A_82, %get3A_8 : vector<16xf32>
    %swap3A_84 = arith.constant 16 : index
    %swap3A_85 = tpu.vector_load %arg16[%swap3A_84] {strides = array<i32>} : memref<512xf32, #tpu.memory_space<vmem>>, vector<16xf32>,
    tpu.vector_store %arg16[%swap3A_84], %add3A_83 {strides = array<i32>} : memref<512xf32, #tpu.memory_space<vmem>>, vector<16xf32>,
    %dma_start3A_86 = arith.constant 48 : i32
    %dma_start3A_87 = tpu.memref_slice %arg10[%dma_start3A_86] : memref<512xi32, #tpu.memory_space<vmem>> -> memref<16xi32, #tpu.memory_space<vmem>>
    %dma_start3A_88 = arith.constant 0 : i32
    %dma_start3A_89 = arith.constant 0 : i32
    %dma_start3A_90 = tpu.memref_slice %arg4[%dma_start3A_88, %dma_start3A_89] : memref<7936x128xf32, #tpu.memory_space<hbm>> -> memref<7936x128xf32, #tpu.memory_space<hbm>>
    tpu.enqueue_indirect_dma source(%dma_start3A_90 : memref<7936x128xf32, #tpu.memory_space<hbm>>) target(%arg13 : memref<16x128xf32, #tpu.memory_space<vmem>>) offsets(%dma_start3A_87 : memref<16xi32, #tpu.memory_space<vmem>>) semaphore(%arg19 : memref<!tpu.dma_semaphore, #tpu.memory_space<semaphore_mem>>)
    %dma_start3A_91 = arith.constant 48 : i32
    %dma_start3A_92 = tpu.memref_slice %arg11[%dma_start3A_91] : memref<512xi32, #tpu.memory_space<vmem>> -> memref<16xi32, #tpu.memory_space<vmem>>
    %dma_start3A_93 = arith.constant 0 : i32
    %dma_start3A_94 = arith.constant 0 : i32
    %dma_start3A_95 = tpu.memref_slice %arg5[%dma_start3A_93, %dma_start3A_94] : memref<896x128xf32, #tpu.memory_space<hbm>> -> memref<896x128xf32, #tpu.memory_space<hbm>>
    tpu.enqueue_indirect_dma source(%dma_start3A_95 : memref<896x128xf32, #tpu.memory_space<hbm>>) target(%arg15 : memref<16x128xf32, #tpu.memory_space<vmem>>) offsets(%dma_start3A_92 : memref<16xi32, #tpu.memory_space<vmem>>) semaphore(%arg19 : memref<!tpu.dma_semaphore, #tpu.memory_space<semaphore_mem>>)
    %dma_wait3A_96 = arith.constant 32 : i32
    %dma_wait3A_97 = tpu.memref_slice %arg10[%dma_wait3A_96] : memref<512xi32, #tpu.memory_space<vmem>> -> memref<16xi32, #tpu.memory_space<vmem>>
    %dma_wait3A_98 = arith.constant 0 : i32
    %dma_wait3A_99 = arith.constant 0 : i32
    %dma_wait3A_100 = tpu.memref_slice %arg4[%dma_wait3A_98, %dma_wait3A_99] : memref<7936x128xf32, #tpu.memory_space<hbm>> -> memref<7936x128xf32, #tpu.memory_space<hbm>>
    tpu.wait_indirect_dma semaphore(%arg18 : memref<!tpu.dma_semaphore, #tpu.memory_space<semaphore_mem>>) src(%dma_wait3A_100 : memref<7936x128xf32, #tpu.memory_space<hbm>>) dst(%arg12 : memref<16x128xf32, #tpu.memory_space<vmem>>)
    %dma_wait3A_101 = arith.constant 32 : i32
    %dma_wait3A_102 = tpu.memref_slice %arg11[%dma_wait3A_101] : memref<512xi32, #tpu.memory_space<vmem>> -> memref<16xi32, #tpu.memory_space<vmem>>
    %dma_wait3A_103 = arith.constant 0 : i32
    %dma_wait3A_104 = arith.constant 0 : i32
    %dma_wait3A_105 = tpu.memref_slice %arg5[%dma_wait3A_103, %dma_wait3A_104] : memref<896x128xf32, #tpu.memory_space<hbm>> -> memref<896x128xf32, #tpu.memory_space<hbm>>
    tpu.wait_indirect_dma semaphore(%arg18 : memref<!tpu.dma_semaphore, #tpu.memory_space<semaphore_mem>>) src(%dma_wait3A_105 : memref<896x128xf32, #tpu.memory_space<hbm>>) dst(%arg14 : memref<16x128xf32, #tpu.memory_space<vmem>>)
    %get3A_106 = arith.constant 32 : index
    %get3A_107 = tpu.vector_load %arg8[%get3A_106] {strides = array<i32>} : memref<512xi32, #tpu.memory_space<vmem>>, vector<16xi32>,
    %get3A_108 = arith.constant 32 : index
    %get3A_109 = tpu.vector_load %arg9[%get3A_108] {strides = array<i32>} : memref<512xi32, #tpu.memory_space<vmem>>, vector<16xi32>,
    %and3A_110 = arith.constant 127 : i32
    %and3A_111 = vector.broadcast %and3A_110 : i32 to vector<16xi32>
    %and3A_112 = arith.andi %get3A_107, %and3A_111 : vector<16xi32>
    %gather3A_113 = tpu.vector_load_idx %arg12[%iota3A, %and3A_112] : memref<16x128xf32, #tpu.memory_space<vmem>>[vector<16xi32>, vector<16xi32>], vector<16xf32>,
    %and3A_114 = arith.constant 127 : i32
    %and3A_115 = vector.broadcast %and3A_114 : i32 to vector<16xi32>
    %and3A_116 = arith.andi %get3A_109, %and3A_115 : vector<16xi32>
    %gather3A_117 = tpu.vector_load_idx %arg14[%iota3A, %and3A_116] : memref<16x128xf32, #tpu.memory_space<vmem>>[vector<16xi32>, vector<16xi32>], vector<16xf32>,
    %add3A_118 = arith.addf %gather3A_113, %gather3A_117 : vector<16xf32>
    %add3A_119 = arith.addf %add3A_118, %get3A_8 : vector<16xf32>
    %swap3A_120 = arith.constant 32 : index
    %swap3A_121 = tpu.vector_load %arg16[%swap3A_120] {strides = array<i32>} : memref<512xf32, #tpu.memory_space<vmem>>, vector<16xf32>,
    tpu.vector_store %arg16[%swap3A_120], %add3A_119 {strides = array<i32>} : memref<512xf32, #tpu.memory_space<vmem>>, vector<16xf32>,
    %dma_start3A_122 = arith.constant 64 : i32
    %dma_start3A_123 = tpu.memref_slice %arg10[%dma_start3A_122] : memref<512xi32, #tpu.memory_space<vmem>> -> memref<16xi32, #tpu.memory_space<vmem>>
    %dma_start3A_124 = arith.constant 0 : i32
    %dma_start3A_125 = arith.constant 0 : i32
    %dma_start3A_126 = tpu.memref_slice %arg4[%dma_start3A_124, %dma_start3A_125] : memref<7936x128xf32, #tpu.memory_space<hbm>> -> memref<7936x128xf32, #tpu.memory_space<hbm>>
    tpu.enqueue_indirect_dma source(%dma_start3A_126 : memref<7936x128xf32, #tpu.memory_space<hbm>>) target(%arg12 : memref<16x128xf32, #tpu.memory_space<vmem>>) offsets(%dma_start3A_123 : memref<16xi32, #tpu.memory_space<vmem>>) semaphore(%arg18 : memref<!tpu.dma_semaphore, #tpu.memory_space<semaphore_mem>>)
    %dma_start3A_127 = arith.constant 64 : i32
    %dma_start3A_128 = tpu.memref_slice %arg11[%dma_start3A_127] : memref<512xi32, #tpu.memory_space<vmem>> -> memref<16xi32, #tpu.memory_space<vmem>>
    %dma_start3A_129 = arith.constant 0 : i32
    %dma_start3A_130 = arith.constant 0 : i32
    %dma_start3A_131 = tpu.memref_slice %arg5[%dma_start3A_129, %dma_start3A_130] : memref<896x128xf32, #tpu.memory_space<hbm>> -> memref<896x128xf32, #tpu.memory_space<hbm>>
    tpu.enqueue_indirect_dma source(%dma_start3A_131 : memref<896x128xf32, #tpu.memory_space<hbm>>) target(%arg14 : memref<16x128xf32, #tpu.memory_space<vmem>>) offsets(%dma_start3A_128 : memref<16xi32, #tpu.memory_space<vmem>>) semaphore(%arg18 : memref<!tpu.dma_semaphore, #tpu.memory_space<semaphore_mem>>)
    %dma_wait3A_132 = arith.constant 48 : i32
    %dma_wait3A_133 = tpu.memref_slice %arg10[%dma_wait3A_132] : memref<512xi32, #tpu.memory_space<vmem>> -> memref<16xi32, #tpu.memory_space<vmem>>
    %dma_wait3A_134 = arith.constant 0 : i32
    %dma_wait3A_135 = arith.constant 0 : i32
    %dma_wait3A_136 = tpu.memref_slice %arg4[%dma_wait3A_134, %dma_wait3A_135] : memref<7936x128xf32, #tpu.memory_space<hbm>> -> memref<7936x128xf32, #tpu.memory_space<hbm>>
    tpu.wait_indirect_dma semaphore(%arg19 : memref<!tpu.dma_semaphore, #tpu.memory_space<semaphore_mem>>) src(%dma_wait3A_136 : memref<7936x128xf32, #tpu.memory_space<hbm>>) dst(%arg13 : memref<16x128xf32, #tpu.memory_space<vmem>>)
    %dma_wait3A_137 = arith.constant 48 : i32
    %dma_wait3A_138 = tpu.memref_slice %arg11[%dma_wait3A_137] : memref<512xi32, #tpu.memory_space<vmem>> -> memref<16xi32, #tpu.memory_space<vmem>>
    %dma_wait3A_139 = arith.constant 0 : i32
    %dma_wait3A_140 = arith.constant 0 : i32
    %dma_wait3A_141 = tpu.memref_slice %arg5[%dma_wait3A_139, %dma_wait3A_140] : memref<896x128xf32, #tpu.memory_space<hbm>> -> memref<896x128xf32, #tpu.memory_space<hbm>>
    tpu.wait_indirect_dma semaphore(%arg19 : memref<!tpu.dma_semaphore, #tpu.memory_space<semaphore_mem>>) src(%dma_wait3A_141 : memref<896x128xf32, #tpu.memory_space<hbm>>) dst(%arg15 : memref<16x128xf32, #tpu.memory_space<vmem>>)
    %get3A_142 = arith.constant 48 : index
    %get3A_143 = tpu.vector_load %arg8[%get3A_142] {strides = array<i32>} : memref<512xi32, #tpu.memory_space<vmem>>, vector<16xi32>,
    %get3A_144 = arith.constant 48 : index
    %get3A_145 = tpu.vector_load %arg9[%get3A_144] {strides = array<i32>} : memref<512xi32, #tpu.memory_space<vmem>>, vector<16xi32>,
    %and3A_146 = arith.constant 127 : i32
    %and3A_147 = vector.broadcast %and3A_146 : i32 to vector<16xi32>
    %and3A_148 = arith.andi %get3A_143, %and3A_147 : vector<16xi32>
    %gather3A_149 = tpu.vector_load_idx %arg13[%iota3A, %and3A_148] : memref<16x128xf32, #tpu.memory_space<vmem>>[vector<16xi32>, vector<16xi32>], vector<16xf32>,
    %and3A_150 = arith.constant 127 : i32
    %and3A_151 = vector.broadcast %and3A_150 : i32 to vector<16xi32>
    %and3A_152 = arith.andi %get3A_145, %and3A_151 : vector<16xi32>
    %gather3A_153 = tpu.vector_load_idx %arg15[%iota3A, %and3A_152] : memref<16x128xf32, #tpu.memory_space<vmem>>[vector<16xi32>, vector<16xi32>], vector<16xf32>,
    %add3A_154 = arith.addf %gather3A_149, %gather3A_153 : vector<16xf32>
    %add3A_155 = arith.addf %add3A_154, %get3A_8 : vector<16xf32>
    %swap3A_156 = arith.constant 48 : index
    %swap3A_157 = tpu.vector_load %arg16[%swap3A_156] {strides = array<i32>} : memref<512xf32, #tpu.memory_space<vmem>>, vector<16xf32>,
    tpu.vector_store %arg16[%swap3A_156], %add3A_155 {strides = array<i32>} : memref<512xf32, #tpu.memory_space<vmem>>, vector<16xf32>,
    %dma_start3A_158 = arith.constant 80 : i32
    %dma_start3A_159 = tpu.memref_slice %arg10[%dma_start3A_158] : memref<512xi32, #tpu.memory_space<vmem>> -> memref<16xi32, #tpu.memory_space<vmem>>
    %dma_start3A_160 = arith.constant 0 : i32
    %dma_start3A_161 = arith.constant 0 : i32
    %dma_start3A_162 = tpu.memref_slice %arg4[%dma_start3A_160, %dma_start3A_161] : memref<7936x128xf32, #tpu.memory_space<hbm>> -> memref<7936x128xf32, #tpu.memory_space<hbm>>
    tpu.enqueue_indirect_dma source(%dma_start3A_162 : memref<7936x128xf32, #tpu.memory_space<hbm>>) target(%arg13 : memref<16x128xf32, #tpu.memory_space<vmem>>) offsets(%dma_start3A_159 : memref<16xi32, #tpu.memory_space<vmem>>) semaphore(%arg19 : memref<!tpu.dma_semaphore, #tpu.memory_space<semaphore_mem>>)
    %dma_start3A_163 = arith.constant 80 : i32
    %dma_start3A_164 = tpu.memref_slice %arg11[%dma_start3A_163] : memref<512xi32, #tpu.memory_space<vmem>> -> memref<16xi32, #tpu.memory_space<vmem>>
    %dma_start3A_165 = arith.constant 0 : i32
    %dma_start3A_166 = arith.constant 0 : i32
    %dma_start3A_167 = tpu.memref_slice %arg5[%dma_start3A_165, %dma_start3A_166] : memref<896x128xf32, #tpu.memory_space<hbm>> -> memref<896x128xf32, #tpu.memory_space<hbm>>
    tpu.enqueue_indirect_dma source(%dma_start3A_167 : memref<896x128xf32, #tpu.memory_space<hbm>>) target(%arg15 : memref<16x128xf32, #tpu.memory_space<vmem>>) offsets(%dma_start3A_164 : memref<16xi32, #tpu.memory_space<vmem>>) semaphore(%arg19 : memref<!tpu.dma_semaphore, #tpu.memory_space<semaphore_mem>>)
    %dma_wait3A_168 = arith.constant 64 : i32
    %dma_wait3A_169 = tpu.memref_slice %arg10[%dma_wait3A_168] : memref<512xi32, #tpu.memory_space<vmem>> -> memref<16xi32, #tpu.memory_space<vmem>>
    %dma_wait3A_170 = arith.constant 0 : i32
    %dma_wait3A_171 = arith.constant 0 : i32
    %dma_wait3A_172 = tpu.memref_slice %arg4[%dma_wait3A_170, %dma_wait3A_171] : memref<7936x128xf32, #tpu.memory_space<hbm>> -> memref<7936x128xf32, #tpu.memory_space<hbm>>
    tpu.wait_indirect_dma semaphore(%arg18 : memref<!tpu.dma_semaphore, #tpu.memory_space<semaphore_mem>>) src(%dma_wait3A_172 : memref<7936x128xf32, #tpu.memory_space<hbm>>) dst(%arg12 : memref<16x128xf32, #tpu.memory_space<vmem>>)
    %dma_wait3A_173 = arith.constant 64 : i32
    %dma_wait3A_174 = tpu.memref_slice %arg11[%dma_wait3A_173] : memref<512xi32, #tpu.memory_space<vmem>> -> memref<16xi32, #tpu.memory_space<vmem>>
    %dma_wait3A_175 = arith.constant 0 : i32
    %dma_wait3A_176 = arith.constant 0 : i32
    %dma_wait3A_177 = tpu.memref_slice %arg5[%dma_wait3A_175, %dma_wait3A_176] : memref<896x128xf32, #tpu.memory_space<hbm>> -> memref<896x128xf32, #tpu.memory_space<hbm>>
    tpu.wait_indirect_dma semaphore(%arg18 : memref<!tpu.dma_semaphore, #tpu.memory_space<semaphore_mem>>) src(%dma_wait3A_177 : memref<896x128xf32, #tpu.memory_space<hbm>>) dst(%arg14 : memref<16x128xf32, #tpu.memory_space<vmem>>)
    %get3A_178 = arith.constant 64 : index
    %get3A_179 = tpu.vector_load %arg8[%get3A_178] {strides = array<i32>} : memref<512xi32, #tpu.memory_space<vmem>>, vector<16xi32>,
    %get3A_180 = arith.constant 64 : index
    %get3A_181 = tpu.vector_load %arg9[%get3A_180] {strides = array<i32>} : memref<512xi32, #tpu.memory_space<vmem>>, vector<16xi32>,
    %and3A_182 = arith.constant 127 : i32
    %and3A_183 = vector.broadcast %and3A_182 : i32 to vector<16xi32>
    %and3A_184 = arith.andi %get3A_179, %and3A_183 : vector<16xi32>
    %gather3A_185 = tpu.vector_load_idx %arg12[%iota3A, %and3A_184] : memref<16x128xf32, #tpu.memory_space<vmem>>[vector<16xi32>, vector<16xi32>], vector<16xf32>,
    %and3A_186 = arith.constant 127 : i32
    %and3A_187 = vector.broadcast %and3A_186 : i32 to vector<16xi32>
    %and3A_188 = arith.andi %get3A_181, %and3A_187 : vector<16xi32>
    %gather3A_189 = tpu.vector_load_idx %arg14[%iota3A, %and3A_188] : memref<16x128xf32, #tpu.memory_space<vmem>>[vector<16xi32>, vector<16xi32>], vector<16xf32>,
    %add3A_190 = arith.addf %gather3A_185, %gather3A_189 : vector<16xf32>
    %add3A_191 = arith.addf %add3A_190, %get3A_8 : vector<16xf32>
    %swap3A_192 = arith.constant 64 : index
    %swap3A_193 = tpu.vector_load %arg16[%swap3A_192] {strides = array<i32>} : memref<512xf32, #tpu.memory_space<vmem>>, vector<16xf32>,
    tpu.vector_store %arg16[%swap3A_192], %add3A_191 {strides = array<i32>} : memref<512xf32, #tpu.memory_space<vmem>>, vector<16xf32>,
    %dma_start3A_194 = arith.constant 96 : i32
    %dma_start3A_195 = tpu.memref_slice %arg10[%dma_start3A_194] : memref<512xi32, #tpu.memory_space<vmem>> -> memref<16xi32, #tpu.memory_space<vmem>>
    %dma_start3A_196 = arith.constant 0 : i32
    %dma_start3A_197 = arith.constant 0 : i32
    %dma_start3A_198 = tpu.memref_slice %arg4[%dma_start3A_196, %dma_start3A_197] : memref<7936x128xf32, #tpu.memory_space<hbm>> -> memref<7936x128xf32, #tpu.memory_space<hbm>>
    tpu.enqueue_indirect_dma source(%dma_start3A_198 : memref<7936x128xf32, #tpu.memory_space<hbm>>) target(%arg12 : memref<16x128xf32, #tpu.memory_space<vmem>>) offsets(%dma_start3A_195 : memref<16xi32, #tpu.memory_space<vmem>>) semaphore(%arg18 : memref<!tpu.dma_semaphore, #tpu.memory_space<semaphore_mem>>)
    %dma_start3A_199 = arith.constant 96 : i32
    %dma_start3A_200 = tpu.memref_slice %arg11[%dma_start3A_199] : memref<512xi32, #tpu.memory_space<vmem>> -> memref<16xi32, #tpu.memory_space<vmem>>
    %dma_start3A_201 = arith.constant 0 : i32
    %dma_start3A_202 = arith.constant 0 : i32
    %dma_start3A_203 = tpu.memref_slice %arg5[%dma_start3A_201, %dma_start3A_202] : memref<896x128xf32, #tpu.memory_space<hbm>> -> memref<896x128xf32, #tpu.memory_space<hbm>>
    tpu.enqueue_indirect_dma source(%dma_start3A_203 : memref<896x128xf32, #tpu.memory_space<hbm>>) target(%arg14 : memref<16x128xf32, #tpu.memory_space<vmem>>) offsets(%dma_start3A_200 : memref<16xi32, #tpu.memory_space<vmem>>) semaphore(%arg18 : memref<!tpu.dma_semaphore, #tpu.memory_space<semaphore_mem>>)
    %dma_wait3A_204 = arith.constant 80 : i32
    %dma_wait3A_205 = tpu.memref_slice %arg10[%dma_wait3A_204] : memref<512xi32, #tpu.memory_space<vmem>> -> memref<16xi32, #tpu.memory_space<vmem>>
    %dma_wait3A_206 = arith.constant 0 : i32
    %dma_wait3A_207 = arith.constant 0 : i32
    %dma_wait3A_208 = tpu.memref_slice %arg4[%dma_wait3A_206, %dma_wait3A_207] : memref<7936x128xf32, #tpu.memory_space<hbm>> -> memref<7936x128xf32, #tpu.memory_space<hbm>>
    tpu.wait_indirect_dma semaphore(%arg19 : memref<!tpu.dma_semaphore, #tpu.memory_space<semaphore_mem>>) src(%dma_wait3A_208 : memref<7936x128xf32, #tpu.memory_space<hbm>>) dst(%arg13 : memref<16x128xf32, #tpu.memory_space<vmem>>)
    %dma_wait3A_209 = arith.constant 80 : i32
    %dma_wait3A_210 = tpu.memref_slice %arg11[%dma_wait3A_209] : memref<512xi32, #tpu.memory_space<vmem>> -> memref<16xi32, #tpu.memory_space<vmem>>
    %dma_wait3A_211 = arith.constant 0 : i32
    %dma_wait3A_212 = arith.constant 0 : i32
    %dma_wait3A_213 = tpu.memref_slice %arg5[%dma_wait3A_211, %dma_wait3A_212] : memref<896x128xf32, #tpu.memory_space<hbm>> -> memref<896x128xf32, #tpu.memory_space<hbm>>
    tpu.wait_indirect_dma semaphore(%arg19 : memref<!tpu.dma_semaphore, #tpu.memory_space<semaphore_mem>>) src(%dma_wait3A_213 : memref<896x128xf32, #tpu.memory_space<hbm>>) dst(%arg15 : memref<16x128xf32, #tpu.memory_space<vmem>>)
    %get3A_214 = arith.constant 80 : index
    %get3A_215 = tpu.vector_load %arg8[%get3A_214] {strides = array<i32>} : memref<512xi32, #tpu.memory_space<vmem>>, vector<16xi32>,
    %get3A_216 = arith.constant 80 : index
    %get3A_217 = tpu.vector_load %arg9[%get3A_216] {strides = array<i32>} : memref<512xi32, #tpu.memory_space<vmem>>, vector<16xi32>,
    %and3A_218 = arith.constant 127 : i32
    %and3A_219 = vector.broadcast %and3A_218 : i32 to vector<16xi32>
    %and3A_220 = arith.andi %get3A_215, %and3A_219 : vector<16xi32>
    %gather3A_221 = tpu.vector_load_idx %arg13[%iota3A, %and3A_220] : memref<16x128xf32, #tpu.memory_space<vmem>>[vector<16xi32>, vector<16xi32>], vector<16xf32>,
    %and3A_222 = arith.constant 127 : i32
    %and3A_223 = vector.broadcast %and3A_222 : i32 to vector<16xi32>
    %and3A_224 = arith.andi %get3A_217, %and3A_223 : vector<16xi32>
    %gather3A_225 = tpu.vector_load_idx %arg15[%iota3A, %and3A_224] : memref<16x128xf32, #tpu.memory_space<vmem>>[vector<16xi32>, vector<16xi32>], vector<16xf32>,
    %add3A_226 = arith.addf %gather3A_221, %gather3A_225 : vector<16xf32>
    %add3A_227 = arith.addf %add3A_226, %get3A_8 : vector<16xf32>
    %swap3A_228 = arith.constant 80 : index
    %swap3A_229 = tpu.vector_load %arg16[%swap3A_228] {strides = array<i32>} : memref<512xf32, #tpu.memory_space<vmem>>, vector<16xf32>,
    tpu.vector_store %arg16[%swap3A_228], %add3A_227 {strides = array<i32>} : memref<512xf32, #tpu.memory_space<vmem>>, vector<16xf32>,
    %dma_start3A_230 = arith.constant 112 : i32
    %dma_start3A_231 = tpu.memref_slice %arg10[%dma_start3A_230] : memref<512xi32, #tpu.memory_space<vmem>> -> memref<16xi32, #tpu.memory_space<vmem>>
    %dma_start3A_232 = arith.constant 0 : i32
    %dma_start3A_233 = arith.constant 0 : i32
    %dma_start3A_234 = tpu.memref_slice %arg4[%dma_start3A_232, %dma_start3A_233] : memref<7936x128xf32, #tpu.memory_space<hbm>> -> memref<7936x128xf32, #tpu.memory_space<hbm>>
    tpu.enqueue_indirect_dma source(%dma_start3A_234 : memref<7936x128xf32, #tpu.memory_space<hbm>>) target(%arg13 : memref<16x128xf32, #tpu.memory_space<vmem>>) offsets(%dma_start3A_231 : memref<16xi32, #tpu.memory_space<vmem>>) semaphore(%arg19 : memref<!tpu.dma_semaphore, #tpu.memory_space<semaphore_mem>>)
    %dma_start3A_235 = arith.constant 112 : i32
    %dma_start3A_236 = tpu.memref_slice %arg11[%dma_start3A_235] : memref<512xi32, #tpu.memory_space<vmem>> -> memref<16xi32, #tpu.memory_space<vmem>>
    %dma_start3A_237 = arith.constant 0 : i32
    %dma_start3A_238 = arith.constant 0 : i32
    %dma_start3A_239 = tpu.memref_slice %arg5[%dma_start3A_237, %dma_start3A_238] : memref<896x128xf32, #tpu.memory_space<hbm>> -> memref<896x128xf32, #tpu.memory_space<hbm>>
    tpu.enqueue_indirect_dma source(%dma_start3A_239 : memref<896x128xf32, #tpu.memory_space<hbm>>) target(%arg15 : memref<16x128xf32, #tpu.memory_space<vmem>>) offsets(%dma_start3A_236 : memref<16xi32, #tpu.memory_space<vmem>>) semaphore(%arg19 : memref<!tpu.dma_semaphore, #tpu.memory_space<semaphore_mem>>)
    %dma_wait3A_240 = arith.constant 96 : i32
    %dma_wait3A_241 = tpu.memref_slice %arg10[%dma_wait3A_240] : memref<512xi32, #tpu.memory_space<vmem>> -> memref<16xi32, #tpu.memory_space<vmem>>
    %dma_wait3A_242 = arith.constant 0 : i32
    %dma_wait3A_243 = arith.constant 0 : i32
    %dma_wait3A_244 = tpu.memref_slice %arg4[%dma_wait3A_242, %dma_wait3A_243] : memref<7936x128xf32, #tpu.memory_space<hbm>> -> memref<7936x128xf32, #tpu.memory_space<hbm>>
    tpu.wait_indirect_dma semaphore(%arg18 : memref<!tpu.dma_semaphore, #tpu.memory_space<semaphore_mem>>) src(%dma_wait3A_244 : memref<7936x128xf32, #tpu.memory_space<hbm>>) dst(%arg12 : memref<16x128xf32, #tpu.memory_space<vmem>>)
    %dma_wait3A_245 = arith.constant 96 : i32
    %dma_wait3A_246 = tpu.memref_slice %arg11[%dma_wait3A_245] : memref<512xi32, #tpu.memory_space<vmem>> -> memref<16xi32, #tpu.memory_space<vmem>>
    %dma_wait3A_247 = arith.constant 0 : i32
    %dma_wait3A_248 = arith.constant 0 : i32
    %dma_wait3A_249 = tpu.memref_slice %arg5[%dma_wait3A_247, %dma_wait3A_248] : memref<896x128xf32, #tpu.memory_space<hbm>> -> memref<896x128xf32, #tpu.memory_space<hbm>>
    tpu.wait_indirect_dma semaphore(%arg18 : memref<!tpu.dma_semaphore, #tpu.memory_space<semaphore_mem>>) src(%dma_wait3A_249 : memref<896x128xf32, #tpu.memory_space<hbm>>) dst(%arg14 : memref<16x128xf32, #tpu.memory_space<vmem>>)
    %get3A_250 = arith.constant 96 : index
    %get3A_251 = tpu.vector_load %arg8[%get3A_250] {strides = array<i32>} : memref<512xi32, #tpu.memory_space<vmem>>, vector<16xi32>,
    %get3A_252 = arith.constant 96 : index
    %get3A_253 = tpu.vector_load %arg9[%get3A_252] {strides = array<i32>} : memref<512xi32, #tpu.memory_space<vmem>>, vector<16xi32>,
    %and3A_254 = arith.constant 127 : i32
    %and3A_255 = vector.broadcast %and3A_254 : i32 to vector<16xi32>
    %and3A_256 = arith.andi %get3A_251, %and3A_255 : vector<16xi32>
    %gather3A_257 = tpu.vector_load_idx %arg12[%iota3A, %and3A_256] : memref<16x128xf32, #tpu.memory_space<vmem>>[vector<16xi32>, vector<16xi32>], vector<16xf32>,
    %and3A_258 = arith.constant 127 : i32
    %and3A_259 = vector.broadcast %and3A_258 : i32 to vector<16xi32>
    %and3A_260 = arith.andi %get3A_253, %and3A_259 : vector<16xi32>
    %gather3A_261 = tpu.vector_load_idx %arg14[%iota3A, %and3A_260] : memref<16x128xf32, #tpu.memory_space<vmem>>[vector<16xi32>, vector<16xi32>], vector<16xf32>,
    %add3A_262 = arith.addf %gather3A_257, %gather3A_261 : vector<16xf32>
    %add3A_263 = arith.addf %add3A_262, %get3A_8 : vector<16xf32>
    %swap3A_264 = arith.constant 96 : index
    %swap3A_265 = tpu.vector_load %arg16[%swap3A_264] {strides = array<i32>} : memref<512xf32, #tpu.memory_space<vmem>>, vector<16xf32>,
    tpu.vector_store %arg16[%swap3A_264], %add3A_263 {strides = array<i32>} : memref<512xf32, #tpu.memory_space<vmem>>, vector<16xf32>,
    %dma_start3A_266 = arith.constant 128 : i32
    %dma_start3A_267 = tpu.memref_slice %arg10[%dma_start3A_266] : memref<512xi32, #tpu.memory_space<vmem>> -> memref<16xi32, #tpu.memory_space<vmem>>
    %dma_start3A_268 = arith.constant 0 : i32
    %dma_start3A_269 = arith.constant 0 : i32
    %dma_start3A_270 = tpu.memref_slice %arg4[%dma_start3A_268, %dma_start3A_269] : memref<7936x128xf32, #tpu.memory_space<hbm>> -> memref<7936x128xf32, #tpu.memory_space<hbm>>
    tpu.enqueue_indirect_dma source(%dma_start3A_270 : memref<7936x128xf32, #tpu.memory_space<hbm>>) target(%arg12 : memref<16x128xf32, #tpu.memory_space<vmem>>) offsets(%dma_start3A_267 : memref<16xi32, #tpu.memory_space<vmem>>) semaphore(%arg18 : memref<!tpu.dma_semaphore, #tpu.memory_space<semaphore_mem>>)
    %dma_start3A_271 = arith.constant 128 : i32
    %dma_start3A_272 = tpu.memref_slice %arg11[%dma_start3A_271] : memref<512xi32, #tpu.memory_space<vmem>> -> memref<16xi32, #tpu.memory_space<vmem>>
    %dma_start3A_273 = arith.constant 0 : i32
    %dma_start3A_274 = arith.constant 0 : i32
    %dma_start3A_275 = tpu.memref_slice %arg5[%dma_start3A_273, %dma_start3A_274] : memref<896x128xf32, #tpu.memory_space<hbm>> -> memref<896x128xf32, #tpu.memory_space<hbm>>
    tpu.enqueue_indirect_dma source(%dma_start3A_275 : memref<896x128xf32, #tpu.memory_space<hbm>>) target(%arg14 : memref<16x128xf32, #tpu.memory_space<vmem>>) offsets(%dma_start3A_272 : memref<16xi32, #tpu.memory_space<vmem>>) semaphore(%arg18 : memref<!tpu.dma_semaphore, #tpu.memory_space<semaphore_mem>>)
    %dma_wait3A_276 = arith.constant 112 : i32
    %dma_wait3A_277 = tpu.memref_slice %arg10[%dma_wait3A_276] : memref<512xi32, #tpu.memory_space<vmem>> -> memref<16xi32, #tpu.memory_space<vmem>>
    %dma_wait3A_278 = arith.constant 0 : i32
    %dma_wait3A_279 = arith.constant 0 : i32
    %dma_wait3A_280 = tpu.memref_slice %arg4[%dma_wait3A_278, %dma_wait3A_279] : memref<7936x128xf32, #tpu.memory_space<hbm>> -> memref<7936x128xf32, #tpu.memory_space<hbm>>
    tpu.wait_indirect_dma semaphore(%arg19 : memref<!tpu.dma_semaphore, #tpu.memory_space<semaphore_mem>>) src(%dma_wait3A_280 : memref<7936x128xf32, #tpu.memory_space<hbm>>) dst(%arg13 : memref<16x128xf32, #tpu.memory_space<vmem>>)
    %dma_wait3A_281 = arith.constant 112 : i32
    %dma_wait3A_282 = tpu.memref_slice %arg11[%dma_wait3A_281] : memref<512xi32, #tpu.memory_space<vmem>> -> memref<16xi32, #tpu.memory_space<vmem>>
    %dma_wait3A_283 = arith.constant 0 : i32
    %dma_wait3A_284 = arith.constant 0 : i32
    %dma_wait3A_285 = tpu.memref_slice %arg5[%dma_wait3A_283, %dma_wait3A_284] : memref<896x128xf32, #tpu.memory_space<hbm>> -> memref<896x128xf32, #tpu.memory_space<hbm>>
    tpu.wait_indirect_dma semaphore(%arg19 : memref<!tpu.dma_semaphore, #tpu.memory_space<semaphore_mem>>) src(%dma_wait3A_285 : memref<896x128xf32, #tpu.memory_space<hbm>>) dst(%arg15 : memref<16x128xf32, #tpu.memory_space<vmem>>)
    %get3A_286 = arith.constant 112 : index
    %get3A_287 = tpu.vector_load %arg8[%get3A_286] {strides = array<i32>} : memref<512xi32, #tpu.memory_space<vmem>>, vector<16xi32>,
    %get3A_288 = arith.constant 112 : index
    %get3A_289 = tpu.vector_load %arg9[%get3A_288] {strides = array<i32>} : memref<512xi32, #tpu.memory_space<vmem>>, vector<16xi32>,
    %and3A_290 = arith.constant 127 : i32
    %and3A_291 = vector.broadcast %and3A_290 : i32 to vector<16xi32>
    %and3A_292 = arith.andi %get3A_287, %and3A_291 : vector<16xi32>
    %gather3A_293 = tpu.vector_load_idx %arg13[%iota3A, %and3A_292] : memref<16x128xf32, #tpu.memory_space<vmem>>[vector<16xi32>, vector<16xi32>], vector<16xf32>,
    %and3A_294 = arith.constant 127 : i32
    %and3A_295 = vector.broadcast %and3A_294 : i32 to vector<16xi32>
    %and3A_296 = arith.andi %get3A_289, %and3A_295 : vector<16xi32>
    %gather3A_297 = tpu.vector_load_idx %arg15[%iota3A, %and3A_296] : memref<16x128xf32, #tpu.memory_space<vmem>>[vector<16xi32>, vector<16xi32>], vector<16xf32>,
    %add3A_298 = arith.addf %gather3A_293, %gather3A_297 : vector<16xf32>
    %add3A_299 = arith.addf %add3A_298, %get3A_8 : vector<16xf32>
    %swap3A_300 = arith.constant 112 : index
    %swap3A_301 = tpu.vector_load %arg16[%swap3A_300] {strides = array<i32>} : memref<512xf32, #tpu.memory_space<vmem>>, vector<16xf32>,
    tpu.vector_store %arg16[%swap3A_300], %add3A_299 {strides = array<i32>} : memref<512xf32, #tpu.memory_space<vmem>>, vector<16xf32>,
    %dma_start3A_302 = arith.constant 144 : i32
    %dma_start3A_303 = tpu.memref_slice %arg10[%dma_start3A_302] : memref<512xi32, #tpu.memory_space<vmem>> -> memref<16xi32, #tpu.memory_space<vmem>>
    %dma_start3A_304 = arith.constant 0 : i32
    %dma_start3A_305 = arith.constant 0 : i32
    %dma_start3A_306 = tpu.memref_slice %arg4[%dma_start3A_304, %dma_start3A_305] : memref<7936x128xf32, #tpu.memory_space<hbm>> -> memref<7936x128xf32, #tpu.memory_space<hbm>>
    tpu.enqueue_indirect_dma source(%dma_start3A_306 : memref<7936x128xf32, #tpu.memory_space<hbm>>) target(%arg13 : memref<16x128xf32, #tpu.memory_space<vmem>>) offsets(%dma_start3A_303 : memref<16xi32, #tpu.memory_space<vmem>>) semaphore(%arg19 : memref<!tpu.dma_semaphore, #tpu.memory_space<semaphore_mem>>)
    %dma_start3A_307 = arith.constant 144 : i32
    %dma_start3A_308 = tpu.memref_slice %arg11[%dma_start3A_307] : memref<512xi32, #tpu.memory_space<vmem>> -> memref<16xi32, #tpu.memory_space<vmem>>
    %dma_start3A_309 = arith.constant 0 : i32
    %dma_start3A_310 = arith.constant 0 : i32
    %dma_start3A_311 = tpu.memref_slice %arg5[%dma_start3A_309, %dma_start3A_310] : memref<896x128xf32, #tpu.memory_space<hbm>> -> memref<896x128xf32, #tpu.memory_space<hbm>>
    tpu.enqueue_indirect_dma source(%dma_start3A_311 : memref<896x128xf32, #tpu.memory_space<hbm>>) target(%arg15 : memref<16x128xf32, #tpu.memory_space<vmem>>) offsets(%dma_start3A_308 : memref<16xi32, #tpu.memory_space<vmem>>) semaphore(%arg19 : memref<!tpu.dma_semaphore, #tpu.memory_space<semaphore_mem>>)
    %dma_wait3A_312 = arith.constant 128 : i32
    %dma_wait3A_313 = tpu.memref_slice %arg10[%dma_wait3A_312] : memref<512xi32, #tpu.memory_space<vmem>> -> memref<16xi32, #tpu.memory_space<vmem>>
    %dma_wait3A_314 = arith.constant 0 : i32
    %dma_wait3A_315 = arith.constant 0 : i32
    %dma_wait3A_316 = tpu.memref_slice %arg4[%dma_wait3A_314, %dma_wait3A_315] : memref<7936x128xf32, #tpu.memory_space<hbm>> -> memref<7936x128xf32, #tpu.memory_space<hbm>>
    tpu.wait_indirect_dma semaphore(%arg18 : memref<!tpu.dma_semaphore, #tpu.memory_space<semaphore_mem>>) src(%dma_wait3A_316 : memref<7936x128xf32, #tpu.memory_space<hbm>>) dst(%arg12 : memref<16x128xf32, #tpu.memory_space<vmem>>)
    %dma_wait3A_317 = arith.constant 128 : i32
    %dma_wait3A_318 = tpu.memref_slice %arg11[%dma_wait3A_317] : memref<512xi32, #tpu.memory_space<vmem>> -> memref<16xi32, #tpu.memory_space<vmem>>
    %dma_wait3A_319 = arith.constant 0 : i32
    %dma_wait3A_320 = arith.constant 0 : i32
    %dma_wait3A_321 = tpu.memref_slice %arg5[%dma_wait3A_319, %dma_wait3A_320] : memref<896x128xf32, #tpu.memory_space<hbm>> -> memref<896x128xf32, #tpu.memory_space<hbm>>
    tpu.wait_indirect_dma semaphore(%arg18 : memref<!tpu.dma_semaphore, #tpu.memory_space<semaphore_mem>>) src(%dma_wait3A_321 : memref<896x128xf32, #tpu.memory_space<hbm>>) dst(%arg14 : memref<16x128xf32, #tpu.memory_space<vmem>>)
    %get3A_322 = arith.constant 128 : index
    %get3A_323 = tpu.vector_load %arg8[%get3A_322] {strides = array<i32>} : memref<512xi32, #tpu.memory_space<vmem>>, vector<16xi32>,
    %get3A_324 = arith.constant 128 : index
    %get3A_325 = tpu.vector_load %arg9[%get3A_324] {strides = array<i32>} : memref<512xi32, #tpu.memory_space<vmem>>, vector<16xi32>,
    %and3A_326 = arith.constant 127 : i32
    %and3A_327 = vector.broadcast %and3A_326 : i32 to vector<16xi32>
    %and3A_328 = arith.andi %get3A_323, %and3A_327 : vector<16xi32>
    %gather3A_329 = tpu.vector_load_idx %arg12[%iota3A, %and3A_328] : memref<16x128xf32, #tpu.memory_space<vmem>>[vector<16xi32>, vector<16xi32>], vector<16xf32>,
    %and3A_330 = arith.constant 127 : i32
    %and3A_331 = vector.broadcast %and3A_330 : i32 to vector<16xi32>
    %and3A_332 = arith.andi %get3A_325, %and3A_331 : vector<16xi32>
    %gather3A_333 = tpu.vector_load_idx %arg14[%iota3A, %and3A_332] : memref<16x128xf32, #tpu.memory_space<vmem>>[vector<16xi32>, vector<16xi32>], vector<16xf32>,
    %add3A_334 = arith.addf %gather3A_329, %gather3A_333 : vector<16xf32>
    %add3A_335 = arith.addf %add3A_334, %get3A_8 : vector<16xf32>
    %swap3A_336 = arith.constant 128 : index
    %swap3A_337 = tpu.vector_load %arg16[%swap3A_336] {strides = array<i32>} : memref<512xf32, #tpu.memory_space<vmem>>, vector<16xf32>,
    tpu.vector_store %arg16[%swap3A_336], %add3A_335 {strides = array<i32>} : memref<512xf32, #tpu.memory_space<vmem>>, vector<16xf32>,
    %dma_start3A_338 = arith.constant 160 : i32
    %dma_start3A_339 = tpu.memref_slice %arg10[%dma_start3A_338] : memref<512xi32, #tpu.memory_space<vmem>> -> memref<16xi32, #tpu.memory_space<vmem>>
    %dma_start3A_340 = arith.constant 0 : i32
    %dma_start3A_341 = arith.constant 0 : i32
    %dma_start3A_342 = tpu.memref_slice %arg4[%dma_start3A_340, %dma_start3A_341] : memref<7936x128xf32, #tpu.memory_space<hbm>> -> memref<7936x128xf32, #tpu.memory_space<hbm>>
    tpu.enqueue_indirect_dma source(%dma_start3A_342 : memref<7936x128xf32, #tpu.memory_space<hbm>>) target(%arg12 : memref<16x128xf32, #tpu.memory_space<vmem>>) offsets(%dma_start3A_339 : memref<16xi32, #tpu.memory_space<vmem>>) semaphore(%arg18 : memref<!tpu.dma_semaphore, #tpu.memory_space<semaphore_mem>>)
    %dma_start3A_343 = arith.constant 160 : i32
    %dma_start3A_344 = tpu.memref_slice %arg11[%dma_start3A_343] : memref<512xi32, #tpu.memory_space<vmem>> -> memref<16xi32, #tpu.memory_space<vmem>>
    %dma_start3A_345 = arith.constant 0 : i32
    %dma_start3A_346 = arith.constant 0 : i32
    %dma_start3A_347 = tpu.memref_slice %arg5[%dma_start3A_345, %dma_start3A_346] : memref<896x128xf32, #tpu.memory_space<hbm>> -> memref<896x128xf32, #tpu.memory_space<hbm>>
    tpu.enqueue_indirect_dma source(%dma_start3A_347 : memref<896x128xf32, #tpu.memory_space<hbm>>) target(%arg14 : memref<16x128xf32, #tpu.memory_space<vmem>>) offsets(%dma_start3A_344 : memref<16xi32, #tpu.memory_space<vmem>>) semaphore(%arg18 : memref<!tpu.dma_semaphore, #tpu.memory_space<semaphore_mem>>)
    %dma_wait3A_348 = arith.constant 144 : i32
    %dma_wait3A_349 = tpu.memref_slice %arg10[%dma_wait3A_348] : memref<512xi32, #tpu.memory_space<vmem>> -> memref<16xi32, #tpu.memory_space<vmem>>
    %dma_wait3A_350 = arith.constant 0 : i32
    %dma_wait3A_351 = arith.constant 0 : i32
    %dma_wait3A_352 = tpu.memref_slice %arg4[%dma_wait3A_350, %dma_wait3A_351] : memref<7936x128xf32, #tpu.memory_space<hbm>> -> memref<7936x128xf32, #tpu.memory_space<hbm>>
    tpu.wait_indirect_dma semaphore(%arg19 : memref<!tpu.dma_semaphore, #tpu.memory_space<semaphore_mem>>) src(%dma_wait3A_352 : memref<7936x128xf32, #tpu.memory_space<hbm>>) dst(%arg13 : memref<16x128xf32, #tpu.memory_space<vmem>>)
    %dma_wait3A_353 = arith.constant 144 : i32
    %dma_wait3A_354 = tpu.memref_slice %arg11[%dma_wait3A_353] : memref<512xi32, #tpu.memory_space<vmem>> -> memref<16xi32, #tpu.memory_space<vmem>>
    %dma_wait3A_355 = arith.constant 0 : i32
    %dma_wait3A_356 = arith.constant 0 : i32
    %dma_wait3A_357 = tpu.memref_slice %arg5[%dma_wait3A_355, %dma_wait3A_356] : memref<896x128xf32, #tpu.memory_space<hbm>> -> memref<896x128xf32, #tpu.memory_space<hbm>>
    tpu.wait_indirect_dma semaphore(%arg19 : memref<!tpu.dma_semaphore, #tpu.memory_space<semaphore_mem>>) src(%dma_wait3A_357 : memref<896x128xf32, #tpu.memory_space<hbm>>) dst(%arg15 : memref<16x128xf32, #tpu.memory_space<vmem>>)
    %get3A_358 = arith.constant 144 : index
    %get3A_359 = tpu.vector_load %arg8[%get3A_358] {strides = array<i32>} : memref<512xi32, #tpu.memory_space<vmem>>, vector<16xi32>,
    %get3A_360 = arith.constant 144 : index
    %get3A_361 = tpu.vector_load %arg9[%get3A_360] {strides = array<i32>} : memref<512xi32, #tpu.memory_space<vmem>>, vector<16xi32>,
    %and3A_362 = arith.constant 127 : i32
    %and3A_363 = vector.broadcast %and3A_362 : i32 to vector<16xi32>
    %and3A_364 = arith.andi %get3A_359, %and3A_363 : vector<16xi32>
    %gather3A_365 = tpu.vector_load_idx %arg13[%iota3A, %and3A_364] : memref<16x128xf32, #tpu.memory_space<vmem>>[vector<16xi32>, vector<16xi32>], vector<16xf32>,
    %and3A_366 = arith.constant 127 : i32
    %and3A_367 = vector.broadcast %and3A_366 : i32 to vector<16xi32>
    %and3A_368 = arith.andi %get3A_361, %and3A_367 : vector<16xi32>
    %gather3A_369 = tpu.vector_load_idx %arg15[%iota3A, %and3A_368] : memref<16x128xf32, #tpu.memory_space<vmem>>[vector<16xi32>, vector<16xi32>], vector<16xf32>,
    %add3A_370 = arith.addf %gather3A_365, %gather3A_369 : vector<16xf32>
    %add3A_371 = arith.addf %add3A_370, %get3A_8 : vector<16xf32>
    %swap3A_372 = arith.constant 144 : index
    %swap3A_373 = tpu.vector_load %arg16[%swap3A_372] {strides = array<i32>} : memref<512xf32, #tpu.memory_space<vmem>>, vector<16xf32>,
    tpu.vector_store %arg16[%swap3A_372], %add3A_371 {strides = array<i32>} : memref<512xf32, #tpu.memory_space<vmem>>, vector<16xf32>,
    %dma_start3A_374 = arith.constant 176 : i32
    %dma_start3A_375 = tpu.memref_slice %arg10[%dma_start3A_374] : memref<512xi32, #tpu.memory_space<vmem>> -> memref<16xi32, #tpu.memory_space<vmem>>
    %dma_start3A_376 = arith.constant 0 : i32
    %dma_start3A_377 = arith.constant 0 : i32
    %dma_start3A_378 = tpu.memref_slice %arg4[%dma_start3A_376, %dma_start3A_377] : memref<7936x128xf32, #tpu.memory_space<hbm>> -> memref<7936x128xf32, #tpu.memory_space<hbm>>
    tpu.enqueue_indirect_dma source(%dma_start3A_378 : memref<7936x128xf32, #tpu.memory_space<hbm>>) target(%arg13 : memref<16x128xf32, #tpu.memory_space<vmem>>) offsets(%dma_start3A_375 : memref<16xi32, #tpu.memory_space<vmem>>) semaphore(%arg19 : memref<!tpu.dma_semaphore, #tpu.memory_space<semaphore_mem>>)
    %dma_start3A_379 = arith.constant 176 : i32
    %dma_start3A_380 = tpu.memref_slice %arg11[%dma_start3A_379] : memref<512xi32, #tpu.memory_space<vmem>> -> memref<16xi32, #tpu.memory_space<vmem>>
    %dma_start3A_381 = arith.constant 0 : i32
    %dma_start3A_382 = arith.constant 0 : i32
    %dma_start3A_383 = tpu.memref_slice %arg5[%dma_start3A_381, %dma_start3A_382] : memref<896x128xf32, #tpu.memory_space<hbm>> -> memref<896x128xf32, #tpu.memory_space<hbm>>
    tpu.enqueue_indirect_dma source(%dma_start3A_383 : memref<896x128xf32, #tpu.memory_space<hbm>>) target(%arg15 : memref<16x128xf32, #tpu.memory_space<vmem>>) offsets(%dma_start3A_380 : memref<16xi32, #tpu.memory_space<vmem>>) semaphore(%arg19 : memref<!tpu.dma_semaphore, #tpu.memory_space<semaphore_mem>>)
    %dma_wait3A_384 = arith.constant 160 : i32
    %dma_wait3A_385 = tpu.memref_slice %arg10[%dma_wait3A_384] : memref<512xi32, #tpu.memory_space<vmem>> -> memref<16xi32, #tpu.memory_space<vmem>>
    %dma_wait3A_386 = arith.constant 0 : i32
    %dma_wait3A_387 = arith.constant 0 : i32
    %dma_wait3A_388 = tpu.memref_slice %arg4[%dma_wait3A_386, %dma_wait3A_387] : memref<7936x128xf32, #tpu.memory_space<hbm>> -> memref<7936x128xf32, #tpu.memory_space<hbm>>
    tpu.wait_indirect_dma semaphore(%arg18 : memref<!tpu.dma_semaphore, #tpu.memory_space<semaphore_mem>>) src(%dma_wait3A_388 : memref<7936x128xf32, #tpu.memory_space<hbm>>) dst(%arg12 : memref<16x128xf32, #tpu.memory_space<vmem>>)
    %dma_wait3A_389 = arith.constant 160 : i32
    %dma_wait3A_390 = tpu.memref_slice %arg11[%dma_wait3A_389] : memref<512xi32, #tpu.memory_space<vmem>> -> memref<16xi32, #tpu.memory_space<vmem>>
    %dma_wait3A_391 = arith.constant 0 : i32
    %dma_wait3A_392 = arith.constant 0 : i32
    %dma_wait3A_393 = tpu.memref_slice %arg5[%dma_wait3A_391, %dma_wait3A_392] : memref<896x128xf32, #tpu.memory_space<hbm>> -> memref<896x128xf32, #tpu.memory_space<hbm>>
    tpu.wait_indirect_dma semaphore(%arg18 : memref<!tpu.dma_semaphore, #tpu.memory_space<semaphore_mem>>) src(%dma_wait3A_393 : memref<896x128xf32, #tpu.memory_space<hbm>>) dst(%arg14 : memref<16x128xf32, #tpu.memory_space<vmem>>)
    %get3A_394 = arith.constant 160 : index
    %get3A_395 = tpu.vector_load %arg8[%get3A_394] {strides = array<i32>} : memref<512xi32, #tpu.memory_space<vmem>>, vector<16xi32>,
    %get3A_396 = arith.constant 160 : index
    %get3A_397 = tpu.vector_load %arg9[%get3A_396] {strides = array<i32>} : memref<512xi32, #tpu.memory_space<vmem>>, vector<16xi32>,
    %and3A_398 = arith.constant 127 : i32
    %and3A_399 = vector.broadcast %and3A_398 : i32 to vector<16xi32>
    %and3A_400 = arith.andi %get3A_395, %and3A_399 : vector<16xi32>
    %gather3A_401 = tpu.vector_load_idx %arg12[%iota3A, %and3A_400] : memref<16x128xf32, #tpu.memory_space<vmem>>[vector<16xi32>, vector<16xi32>], vector<16xf32>,
    %and3A_402 = arith.constant 127 : i32
    %and3A_403 = vector.broadcast %and3A_402 : i32 to vector<16xi32>
    %and3A_404 = arith.andi %get3A_397, %and3A_403 : vector<16xi32>
    %gather3A_405 = tpu.vector_load_idx %arg14[%iota3A, %and3A_404] : memref<16x128xf32, #tpu.memory_space<vmem>>[vector<16xi32>, vector<16xi32>], vector<16xf32>,
    %add3A_406 = arith.addf %gather3A_401, %gather3A_405 : vector<16xf32>
    %add3A_407 = arith.addf %add3A_406, %get3A_8 : vector<16xf32>
    %swap3A_408 = arith.constant 160 : index
    %swap3A_409 = tpu.vector_load %arg16[%swap3A_408] {strides = array<i32>} : memref<512xf32, #tpu.memory_space<vmem>>, vector<16xf32>,
    tpu.vector_store %arg16[%swap3A_408], %add3A_407 {strides = array<i32>} : memref<512xf32, #tpu.memory_space<vmem>>, vector<16xf32>,
    %dma_start3A_410 = arith.constant 192 : i32
    %dma_start3A_411 = tpu.memref_slice %arg10[%dma_start3A_410] : memref<512xi32, #tpu.memory_space<vmem>> -> memref<16xi32, #tpu.memory_space<vmem>>
    %dma_start3A_412 = arith.constant 0 : i32
    %dma_start3A_413 = arith.constant 0 : i32
    %dma_start3A_414 = tpu.memref_slice %arg4[%dma_start3A_412, %dma_start3A_413] : memref<7936x128xf32, #tpu.memory_space<hbm>> -> memref<7936x128xf32, #tpu.memory_space<hbm>>
    tpu.enqueue_indirect_dma source(%dma_start3A_414 : memref<7936x128xf32, #tpu.memory_space<hbm>>) target(%arg12 : memref<16x128xf32, #tpu.memory_space<vmem>>) offsets(%dma_start3A_411 : memref<16xi32, #tpu.memory_space<vmem>>) semaphore(%arg18 : memref<!tpu.dma_semaphore, #tpu.memory_space<semaphore_mem>>)
    %dma_start3A_415 = arith.constant 192 : i32
    %dma_start3A_416 = tpu.memref_slice %arg11[%dma_start3A_415] : memref<512xi32, #tpu.memory_space<vmem>> -> memref<16xi32, #tpu.memory_space<vmem>>
    %dma_start3A_417 = arith.constant 0 : i32
    %dma_start3A_418 = arith.constant 0 : i32
    %dma_start3A_419 = tpu.memref_slice %arg5[%dma_start3A_417, %dma_start3A_418] : memref<896x128xf32, #tpu.memory_space<hbm>> -> memref<896x128xf32, #tpu.memory_space<hbm>>
    tpu.enqueue_indirect_dma source(%dma_start3A_419 : memref<896x128xf32, #tpu.memory_space<hbm>>) target(%arg14 : memref<16x128xf32, #tpu.memory_space<vmem>>) offsets(%dma_start3A_416 : memref<16xi32, #tpu.memory_space<vmem>>) semaphore(%arg18 : memref<!tpu.dma_semaphore, #tpu.memory_space<semaphore_mem>>)
    %dma_wait3A_420 = arith.constant 176 : i32
    %dma_wait3A_421 = tpu.memref_slice %arg10[%dma_wait3A_420] : memref<512xi32, #tpu.memory_space<vmem>> -> memref<16xi32, #tpu.memory_space<vmem>>
    %dma_wait3A_422 = arith.constant 0 : i32
    %dma_wait3A_423 = arith.constant 0 : i32
    %dma_wait3A_424 = tpu.memref_slice %arg4[%dma_wait3A_422, %dma_wait3A_423] : memref<7936x128xf32, #tpu.memory_space<hbm>> -> memref<7936x128xf32, #tpu.memory_space<hbm>>
    tpu.wait_indirect_dma semaphore(%arg19 : memref<!tpu.dma_semaphore, #tpu.memory_space<semaphore_mem>>) src(%dma_wait3A_424 : memref<7936x128xf32, #tpu.memory_space<hbm>>) dst(%arg13 : memref<16x128xf32, #tpu.memory_space<vmem>>)
    %dma_wait3A_425 = arith.constant 176 : i32
    %dma_wait3A_426 = tpu.memref_slice %arg11[%dma_wait3A_425] : memref<512xi32, #tpu.memory_space<vmem>> -> memref<16xi32, #tpu.memory_space<vmem>>
    %dma_wait3A_427 = arith.constant 0 : i32
    %dma_wait3A_428 = arith.constant 0 : i32
    %dma_wait3A_429 = tpu.memref_slice %arg5[%dma_wait3A_427, %dma_wait3A_428] : memref<896x128xf32, #tpu.memory_space<hbm>> -> memref<896x128xf32, #tpu.memory_space<hbm>>
    tpu.wait_indirect_dma semaphore(%arg19 : memref<!tpu.dma_semaphore, #tpu.memory_space<semaphore_mem>>) src(%dma_wait3A_429 : memref<896x128xf32, #tpu.memory_space<hbm>>) dst(%arg15 : memref<16x128xf32, #tpu.memory_space<vmem>>)
    %get3A_430 = arith.constant 176 : index
    %get3A_431 = tpu.vector_load %arg8[%get3A_430] {strides = array<i32>} : memref<512xi32, #tpu.memory_space<vmem>>, vector<16xi32>,
    %get3A_432 = arith.constant 176 : index
    %get3A_433 = tpu.vector_load %arg9[%get3A_432] {strides = array<i32>} : memref<512xi32, #tpu.memory_space<vmem>>, vector<16xi32>,
    %and3A_434 = arith.constant 127 : i32
    %and3A_435 = vector.broadcast %and3A_434 : i32 to vector<16xi32>
    %and3A_436 = arith.andi %get3A_431, %and3A_435 : vector<16xi32>
    %gather3A_437 = tpu.vector_load_idx %arg13[%iota3A, %and3A_436] : memref<16x128xf32, #tpu.memory_space<vmem>>[vector<16xi32>, vector<16xi32>], vector<16xf32>,
    %and3A_438 = arith.constant 127 : i32
    %and3A_439 = vector.broadcast %and3A_438 : i32 to vector<16xi32>
    %and3A_440 = arith.andi %get3A_433, %and3A_439 : vector<16xi32>
    %gather3A_441 = tpu.vector_load_idx %arg15[%iota3A, %and3A_440] : memref<16x128xf32, #tpu.memory_space<vmem>>[vector<16xi32>, vector<16xi32>], vector<16xf32>,
    %add3A_442 = arith.addf %gather3A_437, %gather3A_441 : vector<16xf32>
    %add3A_443 = arith.addf %add3A_442, %get3A_8 : vector<16xf32>
    %swap3A_444 = arith.constant 176 : index
    %swap3A_445 = tpu.vector_load %arg16[%swap3A_444] {strides = array<i32>} : memref<512xf32, #tpu.memory_space<vmem>>, vector<16xf32>,
    tpu.vector_store %arg16[%swap3A_444], %add3A_443 {strides = array<i32>} : memref<512xf32, #tpu.memory_space<vmem>>, vector<16xf32>,
    %dma_start3A_446 = arith.constant 208 : i32
    %dma_start3A_447 = tpu.memref_slice %arg10[%dma_start3A_446] : memref<512xi32, #tpu.memory_space<vmem>> -> memref<16xi32, #tpu.memory_space<vmem>>
    %dma_start3A_448 = arith.constant 0 : i32
    %dma_start3A_449 = arith.constant 0 : i32
    %dma_start3A_450 = tpu.memref_slice %arg4[%dma_start3A_448, %dma_start3A_449] : memref<7936x128xf32, #tpu.memory_space<hbm>> -> memref<7936x128xf32, #tpu.memory_space<hbm>>
    tpu.enqueue_indirect_dma source(%dma_start3A_450 : memref<7936x128xf32, #tpu.memory_space<hbm>>) target(%arg13 : memref<16x128xf32, #tpu.memory_space<vmem>>) offsets(%dma_start3A_447 : memref<16xi32, #tpu.memory_space<vmem>>) semaphore(%arg19 : memref<!tpu.dma_semaphore, #tpu.memory_space<semaphore_mem>>)
    %dma_start3A_451 = arith.constant 208 : i32
    %dma_start3A_452 = tpu.memref_slice %arg11[%dma_start3A_451] : memref<512xi32, #tpu.memory_space<vmem>> -> memref<16xi32, #tpu.memory_space<vmem>>
    %dma_start3A_453 = arith.constant 0 : i32
    %dma_start3A_454 = arith.constant 0 : i32
    %dma_start3A_455 = tpu.memref_slice %arg5[%dma_start3A_453, %dma_start3A_454] : memref<896x128xf32, #tpu.memory_space<hbm>> -> memref<896x128xf32, #tpu.memory_space<hbm>>
    tpu.enqueue_indirect_dma source(%dma_start3A_455 : memref<896x128xf32, #tpu.memory_space<hbm>>) target(%arg15 : memref<16x128xf32, #tpu.memory_space<vmem>>) offsets(%dma_start3A_452 : memref<16xi32, #tpu.memory_space<vmem>>) semaphore(%arg19 : memref<!tpu.dma_semaphore, #tpu.memory_space<semaphore_mem>>)
    %dma_wait3A_456 = arith.constant 192 : i32
    %dma_wait3A_457 = tpu.memref_slice %arg10[%dma_wait3A_456] : memref<512xi32, #tpu.memory_space<vmem>> -> memref<16xi32, #tpu.memory_space<vmem>>
    %dma_wait3A_458 = arith.constant 0 : i32
    %dma_wait3A_459 = arith.constant 0 : i32
    %dma_wait3A_460 = tpu.memref_slice %arg4[%dma_wait3A_458, %dma_wait3A_459] : memref<7936x128xf32, #tpu.memory_space<hbm>> -> memref<7936x128xf32, #tpu.memory_space<hbm>>
    tpu.wait_indirect_dma semaphore(%arg18 : memref<!tpu.dma_semaphore, #tpu.memory_space<semaphore_mem>>) src(%dma_wait3A_460 : memref<7936x128xf32, #tpu.memory_space<hbm>>) dst(%arg12 : memref<16x128xf32, #tpu.memory_space<vmem>>)
    %dma_wait3A_461 = arith.constant 192 : i32
    %dma_wait3A_462 = tpu.memref_slice %arg11[%dma_wait3A_461] : memref<512xi32, #tpu.memory_space<vmem>> -> memref<16xi32, #tpu.memory_space<vmem>>
    %dma_wait3A_463 = arith.constant 0 : i32
    %dma_wait3A_464 = arith.constant 0 : i32
    %dma_wait3A_465 = tpu.memref_slice %arg5[%dma_wait3A_463, %dma_wait3A_464] : memref<896x128xf32, #tpu.memory_space<hbm>> -> memref<896x128xf32, #tpu.memory_space<hbm>>
    tpu.wait_indirect_dma semaphore(%arg18 : memref<!tpu.dma_semaphore, #tpu.memory_space<semaphore_mem>>) src(%dma_wait3A_465 : memref<896x128xf32, #tpu.memory_space<hbm>>) dst(%arg14 : memref<16x128xf32, #tpu.memory_space<vmem>>)
    %get3A_466 = arith.constant 192 : index
    %get3A_467 = tpu.vector_load %arg8[%get3A_466] {strides = array<i32>} : memref<512xi32, #tpu.memory_space<vmem>>, vector<16xi32>,
    %get3A_468 = arith.constant 192 : index
    %get3A_469 = tpu.vector_load %arg9[%get3A_468] {strides = array<i32>} : memref<512xi32, #tpu.memory_space<vmem>>, vector<16xi32>,
    %and3A_470 = arith.constant 127 : i32
    %and3A_471 = vector.broadcast %and3A_470 : i32 to vector<16xi32>
    %and3A_472 = arith.andi %get3A_467, %and3A_471 : vector<16xi32>
    %gather3A_473 = tpu.vector_load_idx %arg12[%iota3A, %and3A_472] : memref<16x128xf32, #tpu.memory_space<vmem>>[vector<16xi32>, vector<16xi32>], vector<16xf32>,
    %and3A_474 = arith.constant 127 : i32
    %and3A_475 = vector.broadcast %and3A_474 : i32 to vector<16xi32>
    %and3A_476 = arith.andi %get3A_469, %and3A_475 : vector<16xi32>
    %gather3A_477 = tpu.vector_load_idx %arg14[%iota3A, %and3A_476] : memref<16x128xf32, #tpu.memory_space<vmem>>[vector<16xi32>, vector<16xi32>], vector<16xf32>,
    %add3A_478 = arith.addf %gather3A_473, %gather3A_477 : vector<16xf32>
    %add3A_479 = arith.addf %add3A_478, %get3A_8 : vector<16xf32>
    %swap3A_480 = arith.constant 192 : index
    %swap3A_481 = tpu.vector_load %arg16[%swap3A_480] {strides = array<i32>} : memref<512xf32, #tpu.memory_space<vmem>>, vector<16xf32>,
    tpu.vector_store %arg16[%swap3A_480], %add3A_479 {strides = array<i32>} : memref<512xf32, #tpu.memory_space<vmem>>, vector<16xf32>,
    %dma_start3A_482 = arith.constant 224 : i32
    %dma_start3A_483 = tpu.memref_slice %arg10[%dma_start3A_482] : memref<512xi32, #tpu.memory_space<vmem>> -> memref<16xi32, #tpu.memory_space<vmem>>
    %dma_start3A_484 = arith.constant 0 : i32
    %dma_start3A_485 = arith.constant 0 : i32
    %dma_start3A_486 = tpu.memref_slice %arg4[%dma_start3A_484, %dma_start3A_485] : memref<7936x128xf32, #tpu.memory_space<hbm>> -> memref<7936x128xf32, #tpu.memory_space<hbm>>
    tpu.enqueue_indirect_dma source(%dma_start3A_486 : memref<7936x128xf32, #tpu.memory_space<hbm>>) target(%arg12 : memref<16x128xf32, #tpu.memory_space<vmem>>) offsets(%dma_start3A_483 : memref<16xi32, #tpu.memory_space<vmem>>) semaphore(%arg18 : memref<!tpu.dma_semaphore, #tpu.memory_space<semaphore_mem>>)
    %dma_start3A_487 = arith.constant 224 : i32
    %dma_start3A_488 = tpu.memref_slice %arg11[%dma_start3A_487] : memref<512xi32, #tpu.memory_space<vmem>> -> memref<16xi32, #tpu.memory_space<vmem>>
    %dma_start3A_489 = arith.constant 0 : i32
    %dma_start3A_490 = arith.constant 0 : i32
    %dma_start3A_491 = tpu.memref_slice %arg5[%dma_start3A_489, %dma_start3A_490] : memref<896x128xf32, #tpu.memory_space<hbm>> -> memref<896x128xf32, #tpu.memory_space<hbm>>
    tpu.enqueue_indirect_dma source(%dma_start3A_491 : memref<896x128xf32, #tpu.memory_space<hbm>>) target(%arg14 : memref<16x128xf32, #tpu.memory_space<vmem>>) offsets(%dma_start3A_488 : memref<16xi32, #tpu.memory_space<vmem>>) semaphore(%arg18 : memref<!tpu.dma_semaphore, #tpu.memory_space<semaphore_mem>>)
    %dma_wait3A_492 = arith.constant 208 : i32
    %dma_wait3A_493 = tpu.memref_slice %arg10[%dma_wait3A_492] : memref<512xi32, #tpu.memory_space<vmem>> -> memref<16xi32, #tpu.memory_space<vmem>>
    %dma_wait3A_494 = arith.constant 0 : i32
    %dma_wait3A_495 = arith.constant 0 : i32
    %dma_wait3A_496 = tpu.memref_slice %arg4[%dma_wait3A_494, %dma_wait3A_495] : memref<7936x128xf32, #tpu.memory_space<hbm>> -> memref<7936x128xf32, #tpu.memory_space<hbm>>
    tpu.wait_indirect_dma semaphore(%arg19 : memref<!tpu.dma_semaphore, #tpu.memory_space<semaphore_mem>>) src(%dma_wait3A_496 : memref<7936x128xf32, #tpu.memory_space<hbm>>) dst(%arg13 : memref<16x128xf32, #tpu.memory_space<vmem>>)
    %dma_wait3A_497 = arith.constant 208 : i32
    %dma_wait3A_498 = tpu.memref_slice %arg11[%dma_wait3A_497] : memref<512xi32, #tpu.memory_space<vmem>> -> memref<16xi32, #tpu.memory_space<vmem>>
    %dma_wait3A_499 = arith.constant 0 : i32
    %dma_wait3A_500 = arith.constant 0 : i32
    %dma_wait3A_501 = tpu.memref_slice %arg5[%dma_wait3A_499, %dma_wait3A_500] : memref<896x128xf32, #tpu.memory_space<hbm>> -> memref<896x128xf32, #tpu.memory_space<hbm>>
    tpu.wait_indirect_dma semaphore(%arg19 : memref<!tpu.dma_semaphore, #tpu.memory_space<semaphore_mem>>) src(%dma_wait3A_501 : memref<896x128xf32, #tpu.memory_space<hbm>>) dst(%arg15 : memref<16x128xf32, #tpu.memory_space<vmem>>)
    %get3A_502 = arith.constant 208 : index
    %get3A_503 = tpu.vector_load %arg8[%get3A_502] {strides = array<i32>} : memref<512xi32, #tpu.memory_space<vmem>>, vector<16xi32>,
    %get3A_504 = arith.constant 208 : index
    %get3A_505 = tpu.vector_load %arg9[%get3A_504] {strides = array<i32>} : memref<512xi32, #tpu.memory_space<vmem>>, vector<16xi32>,
    %and3A_506 = arith.constant 127 : i32
    %and3A_507 = vector.broadcast %and3A_506 : i32 to vector<16xi32>
    %and3A_508 = arith.andi %get3A_503, %and3A_507 : vector<16xi32>
    %gather3A_509 = tpu.vector_load_idx %arg13[%iota3A, %and3A_508] : memref<16x128xf32, #tpu.memory_space<vmem>>[vector<16xi32>, vector<16xi32>], vector<16xf32>,
    %and3A_510 = arith.constant 127 : i32
    %and3A_511 = vector.broadcast %and3A_510 : i32 to vector<16xi32>
    %and3A_512 = arith.andi %get3A_505, %and3A_511 : vector<16xi32>
    %gather3A_513 = tpu.vector_load_idx %arg15[%iota3A, %and3A_512] : memref<16x128xf32, #tpu.memory_space<vmem>>[vector<16xi32>, vector<16xi32>], vector<16xf32>,
    %add3A_514 = arith.addf %gather3A_509, %gather3A_513 : vector<16xf32>
    %add3A_515 = arith.addf %add3A_514, %get3A_8 : vector<16xf32>
    %swap3A_516 = arith.constant 208 : index
    %swap3A_517 = tpu.vector_load %arg16[%swap3A_516] {strides = array<i32>} : memref<512xf32, #tpu.memory_space<vmem>>, vector<16xf32>,
    tpu.vector_store %arg16[%swap3A_516], %add3A_515 {strides = array<i32>} : memref<512xf32, #tpu.memory_space<vmem>>, vector<16xf32>,
    %dma_start3A_518 = arith.constant 240 : i32
    %dma_start3A_519 = tpu.memref_slice %arg10[%dma_start3A_518] : memref<512xi32, #tpu.memory_space<vmem>> -> memref<16xi32, #tpu.memory_space<vmem>>
    %dma_start3A_520 = arith.constant 0 : i32
    %dma_start3A_521 = arith.constant 0 : i32
    %dma_start3A_522 = tpu.memref_slice %arg4[%dma_start3A_520, %dma_start3A_521] : memref<7936x128xf32, #tpu.memory_space<hbm>> -> memref<7936x128xf32, #tpu.memory_space<hbm>>
    tpu.enqueue_indirect_dma source(%dma_start3A_522 : memref<7936x128xf32, #tpu.memory_space<hbm>>) target(%arg13 : memref<16x128xf32, #tpu.memory_space<vmem>>) offsets(%dma_start3A_519 : memref<16xi32, #tpu.memory_space<vmem>>) semaphore(%arg19 : memref<!tpu.dma_semaphore, #tpu.memory_space<semaphore_mem>>)
    %dma_start3A_523 = arith.constant 240 : i32
    %dma_start3A_524 = tpu.memref_slice %arg11[%dma_start3A_523] : memref<512xi32, #tpu.memory_space<vmem>> -> memref<16xi32, #tpu.memory_space<vmem>>
    %dma_start3A_525 = arith.constant 0 : i32
    %dma_start3A_526 = arith.constant 0 : i32
    %dma_start3A_527 = tpu.memref_slice %arg5[%dma_start3A_525, %dma_start3A_526] : memref<896x128xf32, #tpu.memory_space<hbm>> -> memref<896x128xf32, #tpu.memory_space<hbm>>
    tpu.enqueue_indirect_dma source(%dma_start3A_527 : memref<896x128xf32, #tpu.memory_space<hbm>>) target(%arg15 : memref<16x128xf32, #tpu.memory_space<vmem>>) offsets(%dma_start3A_524 : memref<16xi32, #tpu.memory_space<vmem>>) semaphore(%arg19 : memref<!tpu.dma_semaphore, #tpu.memory_space<semaphore_mem>>)
    %dma_wait3A_528 = arith.constant 224 : i32
    %dma_wait3A_529 = tpu.memref_slice %arg10[%dma_wait3A_528] : memref<512xi32, #tpu.memory_space<vmem>> -> memref<16xi32, #tpu.memory_space<vmem>>
    %dma_wait3A_530 = arith.constant 0 : i32
    %dma_wait3A_531 = arith.constant 0 : i32
    %dma_wait3A_532 = tpu.memref_slice %arg4[%dma_wait3A_530, %dma_wait3A_531] : memref<7936x128xf32, #tpu.memory_space<hbm>> -> memref<7936x128xf32, #tpu.memory_space<hbm>>
    tpu.wait_indirect_dma semaphore(%arg18 : memref<!tpu.dma_semaphore, #tpu.memory_space<semaphore_mem>>) src(%dma_wait3A_532 : memref<7936x128xf32, #tpu.memory_space<hbm>>) dst(%arg12 : memref<16x128xf32, #tpu.memory_space<vmem>>)
    %dma_wait3A_533 = arith.constant 224 : i32
    %dma_wait3A_534 = tpu.memref_slice %arg11[%dma_wait3A_533] : memref<512xi32, #tpu.memory_space<vmem>> -> memref<16xi32, #tpu.memory_space<vmem>>
    %dma_wait3A_535 = arith.constant 0 : i32
    %dma_wait3A_536 = arith.constant 0 : i32
    %dma_wait3A_537 = tpu.memref_slice %arg5[%dma_wait3A_535, %dma_wait3A_536] : memref<896x128xf32, #tpu.memory_space<hbm>> -> memref<896x128xf32, #tpu.memory_space<hbm>>
    tpu.wait_indirect_dma semaphore(%arg18 : memref<!tpu.dma_semaphore, #tpu.memory_space<semaphore_mem>>) src(%dma_wait3A_537 : memref<896x128xf32, #tpu.memory_space<hbm>>) dst(%arg14 : memref<16x128xf32, #tpu.memory_space<vmem>>)
    %get3A_538 = arith.constant 224 : index
    %get3A_539 = tpu.vector_load %arg8[%get3A_538] {strides = array<i32>} : memref<512xi32, #tpu.memory_space<vmem>>, vector<16xi32>,
    %get3A_540 = arith.constant 224 : index
    %get3A_541 = tpu.vector_load %arg9[%get3A_540] {strides = array<i32>} : memref<512xi32, #tpu.memory_space<vmem>>, vector<16xi32>,
    %and3A_542 = arith.constant 127 : i32
    %and3A_543 = vector.broadcast %and3A_542 : i32 to vector<16xi32>
    %and3A_544 = arith.andi %get3A_539, %and3A_543 : vector<16xi32>
    %gather3A_545 = tpu.vector_load_idx %arg12[%iota3A, %and3A_544] : memref<16x128xf32, #tpu.memory_space<vmem>>[vector<16xi32>, vector<16xi32>], vector<16xf32>,
    %and3A_546 = arith.constant 127 : i32
    %and3A_547 = vector.broadcast %and3A_546 : i32 to vector<16xi32>
    %and3A_548 = arith.andi %get3A_541, %and3A_547 : vector<16xi32>
    %gather3A_549 = tpu.vector_load_idx %arg14[%iota3A, %and3A_548] : memref<16x128xf32, #tpu.memory_space<vmem>>[vector<16xi32>, vector<16xi32>], vector<16xf32>,
    %add3A_550 = arith.addf %gather3A_545, %gather3A_549 : vector<16xf32>
    %add3A_551 = arith.addf %add3A_550, %get3A_8 : vector<16xf32>
    %swap3A_552 = arith.constant 224 : index
    %swap3A_553 = tpu.vector_load %arg16[%swap3A_552] {strides = array<i32>} : memref<512xf32, #tpu.memory_space<vmem>>, vector<16xf32>,
    tpu.vector_store %arg16[%swap3A_552], %add3A_551 {strides = array<i32>} : memref<512xf32, #tpu.memory_space<vmem>>, vector<16xf32>,
    %dma_start3A_554 = arith.constant 256 : i32
    %dma_start3A_555 = tpu.memref_slice %arg10[%dma_start3A_554] : memref<512xi32, #tpu.memory_space<vmem>> -> memref<16xi32, #tpu.memory_space<vmem>>
    %dma_start3A_556 = arith.constant 0 : i32
    %dma_start3A_557 = arith.constant 0 : i32
    %dma_start3A_558 = tpu.memref_slice %arg4[%dma_start3A_556, %dma_start3A_557] : memref<7936x128xf32, #tpu.memory_space<hbm>> -> memref<7936x128xf32, #tpu.memory_space<hbm>>
    tpu.enqueue_indirect_dma source(%dma_start3A_558 : memref<7936x128xf32, #tpu.memory_space<hbm>>) target(%arg12 : memref<16x128xf32, #tpu.memory_space<vmem>>) offsets(%dma_start3A_555 : memref<16xi32, #tpu.memory_space<vmem>>) semaphore(%arg18 : memref<!tpu.dma_semaphore, #tpu.memory_space<semaphore_mem>>)
    %dma_start3A_559 = arith.constant 256 : i32
    %dma_start3A_560 = tpu.memref_slice %arg11[%dma_start3A_559] : memref<512xi32, #tpu.memory_space<vmem>> -> memref<16xi32, #tpu.memory_space<vmem>>
    %dma_start3A_561 = arith.constant 0 : i32
    %dma_start3A_562 = arith.constant 0 : i32
    %dma_start3A_563 = tpu.memref_slice %arg5[%dma_start3A_561, %dma_start3A_562] : memref<896x128xf32, #tpu.memory_space<hbm>> -> memref<896x128xf32, #tpu.memory_space<hbm>>
    tpu.enqueue_indirect_dma source(%dma_start3A_563 : memref<896x128xf32, #tpu.memory_space<hbm>>) target(%arg14 : memref<16x128xf32, #tpu.memory_space<vmem>>) offsets(%dma_start3A_560 : memref<16xi32, #tpu.memory_space<vmem>>) semaphore(%arg18 : memref<!tpu.dma_semaphore, #tpu.memory_space<semaphore_mem>>)
    %dma_wait3A_564 = arith.constant 240 : i32
    %dma_wait3A_565 = tpu.memref_slice %arg10[%dma_wait3A_564] : memref<512xi32, #tpu.memory_space<vmem>> -> memref<16xi32, #tpu.memory_space<vmem>>
    %dma_wait3A_566 = arith.constant 0 : i32
    %dma_wait3A_567 = arith.constant 0 : i32
    %dma_wait3A_568 = tpu.memref_slice %arg4[%dma_wait3A_566, %dma_wait3A_567] : memref<7936x128xf32, #tpu.memory_space<hbm>> -> memref<7936x128xf32, #tpu.memory_space<hbm>>
    tpu.wait_indirect_dma semaphore(%arg19 : memref<!tpu.dma_semaphore, #tpu.memory_space<semaphore_mem>>) src(%dma_wait3A_568 : memref<7936x128xf32, #tpu.memory_space<hbm>>) dst(%arg13 : memref<16x128xf32, #tpu.memory_space<vmem>>)
    %dma_wait3A_569 = arith.constant 240 : i32
    %dma_wait3A_570 = tpu.memref_slice %arg11[%dma_wait3A_569] : memref<512xi32, #tpu.memory_space<vmem>> -> memref<16xi32, #tpu.memory_space<vmem>>
    %dma_wait3A_571 = arith.constant 0 : i32
    %dma_wait3A_572 = arith.constant 0 : i32
    %dma_wait3A_573 = tpu.memref_slice %arg5[%dma_wait3A_571, %dma_wait3A_572] : memref<896x128xf32, #tpu.memory_space<hbm>> -> memref<896x128xf32, #tpu.memory_space<hbm>>
    tpu.wait_indirect_dma semaphore(%arg19 : memref<!tpu.dma_semaphore, #tpu.memory_space<semaphore_mem>>) src(%dma_wait3A_573 : memref<896x128xf32, #tpu.memory_space<hbm>>) dst(%arg15 : memref<16x128xf32, #tpu.memory_space<vmem>>)
    %get3A_574 = arith.constant 240 : index
    %get3A_575 = tpu.vector_load %arg8[%get3A_574] {strides = array<i32>} : memref<512xi32, #tpu.memory_space<vmem>>, vector<16xi32>,
    %get3A_576 = arith.constant 240 : index
    %get3A_577 = tpu.vector_load %arg9[%get3A_576] {strides = array<i32>} : memref<512xi32, #tpu.memory_space<vmem>>, vector<16xi32>,
    %and3A_578 = arith.constant 127 : i32
    %and3A_579 = vector.broadcast %and3A_578 : i32 to vector<16xi32>
    %and3A_580 = arith.andi %get3A_575, %and3A_579 : vector<16xi32>
    %gather3A_581 = tpu.vector_load_idx %arg13[%iota3A, %and3A_580] : memref<16x128xf32, #tpu.memory_space<vmem>>[vector<16xi32>, vector<16xi32>], vector<16xf32>,
    %and3A_582 = arith.constant 127 : i32
    %and3A_583 = vector.broadcast %and3A_582 : i32 to vector<16xi32>
    %and3A_584 = arith.andi %get3A_577, %and3A_583 : vector<16xi32>
    %gather3A_585 = tpu.vector_load_idx %arg15[%iota3A, %and3A_584] : memref<16x128xf32, #tpu.memory_space<vmem>>[vector<16xi32>, vector<16xi32>], vector<16xf32>,
    %add3A_586 = arith.addf %gather3A_581, %gather3A_585 : vector<16xf32>
    %add3A_587 = arith.addf %add3A_586, %get3A_8 : vector<16xf32>
    %swap3A_588 = arith.constant 240 : index
    %swap3A_589 = tpu.vector_load %arg16[%swap3A_588] {strides = array<i32>} : memref<512xf32, #tpu.memory_space<vmem>>, vector<16xf32>,
    tpu.vector_store %arg16[%swap3A_588], %add3A_587 {strides = array<i32>} : memref<512xf32, #tpu.memory_space<vmem>>, vector<16xf32>,
    %dma_start3A_590 = arith.constant 272 : i32
    %dma_start3A_591 = tpu.memref_slice %arg10[%dma_start3A_590] : memref<512xi32, #tpu.memory_space<vmem>> -> memref<16xi32, #tpu.memory_space<vmem>>
    %dma_start3A_592 = arith.constant 0 : i32
    %dma_start3A_593 = arith.constant 0 : i32
    %dma_start3A_594 = tpu.memref_slice %arg4[%dma_start3A_592, %dma_start3A_593] : memref<7936x128xf32, #tpu.memory_space<hbm>> -> memref<7936x128xf32, #tpu.memory_space<hbm>>
    tpu.enqueue_indirect_dma source(%dma_start3A_594 : memref<7936x128xf32, #tpu.memory_space<hbm>>) target(%arg13 : memref<16x128xf32, #tpu.memory_space<vmem>>) offsets(%dma_start3A_591 : memref<16xi32, #tpu.memory_space<vmem>>) semaphore(%arg19 : memref<!tpu.dma_semaphore, #tpu.memory_space<semaphore_mem>>)
    %dma_start3A_595 = arith.constant 272 : i32
    %dma_start3A_596 = tpu.memref_slice %arg11[%dma_start3A_595] : memref<512xi32, #tpu.memory_space<vmem>> -> memref<16xi32, #tpu.memory_space<vmem>>
    %dma_start3A_597 = arith.constant 0 : i32
    %dma_start3A_598 = arith.constant 0 : i32
    %dma_start3A_599 = tpu.memref_slice %arg5[%dma_start3A_597, %dma_start3A_598] : memref<896x128xf32, #tpu.memory_space<hbm>> -> memref<896x128xf32, #tpu.memory_space<hbm>>
    tpu.enqueue_indirect_dma source(%dma_start3A_599 : memref<896x128xf32, #tpu.memory_space<hbm>>) target(%arg15 : memref<16x128xf32, #tpu.memory_space<vmem>>) offsets(%dma_start3A_596 : memref<16xi32, #tpu.memory_space<vmem>>) semaphore(%arg19 : memref<!tpu.dma_semaphore, #tpu.memory_space<semaphore_mem>>)
    %dma_wait3A_600 = arith.constant 256 : i32
    %dma_wait3A_601 = tpu.memref_slice %arg10[%dma_wait3A_600] : memref<512xi32, #tpu.memory_space<vmem>> -> memref<16xi32, #tpu.memory_space<vmem>>
    %dma_wait3A_602 = arith.constant 0 : i32
    %dma_wait3A_603 = arith.constant 0 : i32
    %dma_wait3A_604 = tpu.memref_slice %arg4[%dma_wait3A_602, %dma_wait3A_603] : memref<7936x128xf32, #tpu.memory_space<hbm>> -> memref<7936x128xf32, #tpu.memory_space<hbm>>
    tpu.wait_indirect_dma semaphore(%arg18 : memref<!tpu.dma_semaphore, #tpu.memory_space<semaphore_mem>>) src(%dma_wait3A_604 : memref<7936x128xf32, #tpu.memory_space<hbm>>) dst(%arg12 : memref<16x128xf32, #tpu.memory_space<vmem>>)
    %dma_wait3A_605 = arith.constant 256 : i32
    %dma_wait3A_606 = tpu.memref_slice %arg11[%dma_wait3A_605] : memref<512xi32, #tpu.memory_space<vmem>> -> memref<16xi32, #tpu.memory_space<vmem>>
    %dma_wait3A_607 = arith.constant 0 : i32
    %dma_wait3A_608 = arith.constant 0 : i32
    %dma_wait3A_609 = tpu.memref_slice %arg5[%dma_wait3A_607, %dma_wait3A_608] : memref<896x128xf32, #tpu.memory_space<hbm>> -> memref<896x128xf32, #tpu.memory_space<hbm>>
    tpu.wait_indirect_dma semaphore(%arg18 : memref<!tpu.dma_semaphore, #tpu.memory_space<semaphore_mem>>) src(%dma_wait3A_609 : memref<896x128xf32, #tpu.memory_space<hbm>>) dst(%arg14 : memref<16x128xf32, #tpu.memory_space<vmem>>)
    %get3A_610 = arith.constant 256 : index
    %get3A_611 = tpu.vector_load %arg8[%get3A_610] {strides = array<i32>} : memref<512xi32, #tpu.memory_space<vmem>>, vector<16xi32>,
    %get3A_612 = arith.constant 256 : index
    %get3A_613 = tpu.vector_load %arg9[%get3A_612] {strides = array<i32>} : memref<512xi32, #tpu.memory_space<vmem>>, vector<16xi32>,
    %and3A_614 = arith.constant 127 : i32
    %and3A_615 = vector.broadcast %and3A_614 : i32 to vector<16xi32>
    %and3A_616 = arith.andi %get3A_611, %and3A_615 : vector<16xi32>
    %gather3A_617 = tpu.vector_load_idx %arg12[%iota3A, %and3A_616] : memref<16x128xf32, #tpu.memory_space<vmem>>[vector<16xi32>, vector<16xi32>], vector<16xf32>,
    %and3A_618 = arith.constant 127 : i32
    %and3A_619 = vector.broadcast %and3A_618 : i32 to vector<16xi32>
    %and3A_620 = arith.andi %get3A_613, %and3A_619 : vector<16xi32>
    %gather3A_621 = tpu.vector_load_idx %arg14[%iota3A, %and3A_620] : memref<16x128xf32, #tpu.memory_space<vmem>>[vector<16xi32>, vector<16xi32>], vector<16xf32>,
    %add3A_622 = arith.addf %gather3A_617, %gather3A_621 : vector<16xf32>
    %add3A_623 = arith.addf %add3A_622, %get3A_8 : vector<16xf32>
    %swap3A_624 = arith.constant 256 : index
    %swap3A_625 = tpu.vector_load %arg16[%swap3A_624] {strides = array<i32>} : memref<512xf32, #tpu.memory_space<vmem>>, vector<16xf32>,
    tpu.vector_store %arg16[%swap3A_624], %add3A_623 {strides = array<i32>} : memref<512xf32, #tpu.memory_space<vmem>>, vector<16xf32>,
    %dma_start3A_626 = arith.constant 288 : i32
    %dma_start3A_627 = tpu.memref_slice %arg10[%dma_start3A_626] : memref<512xi32, #tpu.memory_space<vmem>> -> memref<16xi32, #tpu.memory_space<vmem>>
    %dma_start3A_628 = arith.constant 0 : i32
    %dma_start3A_629 = arith.constant 0 : i32
    %dma_start3A_630 = tpu.memref_slice %arg4[%dma_start3A_628, %dma_start3A_629] : memref<7936x128xf32, #tpu.memory_space<hbm>> -> memref<7936x128xf32, #tpu.memory_space<hbm>>
    tpu.enqueue_indirect_dma source(%dma_start3A_630 : memref<7936x128xf32, #tpu.memory_space<hbm>>) target(%arg12 : memref<16x128xf32, #tpu.memory_space<vmem>>) offsets(%dma_start3A_627 : memref<16xi32, #tpu.memory_space<vmem>>) semaphore(%arg18 : memref<!tpu.dma_semaphore, #tpu.memory_space<semaphore_mem>>)
    %dma_start3A_631 = arith.constant 288 : i32
    %dma_start3A_632 = tpu.memref_slice %arg11[%dma_start3A_631] : memref<512xi32, #tpu.memory_space<vmem>> -> memref<16xi32, #tpu.memory_space<vmem>>
    %dma_start3A_633 = arith.constant 0 : i32
    %dma_start3A_634 = arith.constant 0 : i32
    %dma_start3A_635 = tpu.memref_slice %arg5[%dma_start3A_633, %dma_start3A_634] : memref<896x128xf32, #tpu.memory_space<hbm>> -> memref<896x128xf32, #tpu.memory_space<hbm>>
    tpu.enqueue_indirect_dma source(%dma_start3A_635 : memref<896x128xf32, #tpu.memory_space<hbm>>) target(%arg14 : memref<16x128xf32, #tpu.memory_space<vmem>>) offsets(%dma_start3A_632 : memref<16xi32, #tpu.memory_space<vmem>>) semaphore(%arg18 : memref<!tpu.dma_semaphore, #tpu.memory_space<semaphore_mem>>)
    %dma_wait3A_636 = arith.constant 272 : i32
    %dma_wait3A_637 = tpu.memref_slice %arg10[%dma_wait3A_636] : memref<512xi32, #tpu.memory_space<vmem>> -> memref<16xi32, #tpu.memory_space<vmem>>
    %dma_wait3A_638 = arith.constant 0 : i32
    %dma_wait3A_639 = arith.constant 0 : i32
    %dma_wait3A_640 = tpu.memref_slice %arg4[%dma_wait3A_638, %dma_wait3A_639] : memref<7936x128xf32, #tpu.memory_space<hbm>> -> memref<7936x128xf32, #tpu.memory_space<hbm>>
    tpu.wait_indirect_dma semaphore(%arg19 : memref<!tpu.dma_semaphore, #tpu.memory_space<semaphore_mem>>) src(%dma_wait3A_640 : memref<7936x128xf32, #tpu.memory_space<hbm>>) dst(%arg13 : memref<16x128xf32, #tpu.memory_space<vmem>>)
    %dma_wait3A_641 = arith.constant 272 : i32
    %dma_wait3A_642 = tpu.memref_slice %arg11[%dma_wait3A_641] : memref<512xi32, #tpu.memory_space<vmem>> -> memref<16xi32, #tpu.memory_space<vmem>>
    %dma_wait3A_643 = arith.constant 0 : i32
    %dma_wait3A_644 = arith.constant 0 : i32
    %dma_wait3A_645 = tpu.memref_slice %arg5[%dma_wait3A_643, %dma_wait3A_644] : memref<896x128xf32, #tpu.memory_space<hbm>> -> memref<896x128xf32, #tpu.memory_space<hbm>>
    tpu.wait_indirect_dma semaphore(%arg19 : memref<!tpu.dma_semaphore, #tpu.memory_space<semaphore_mem>>) src(%dma_wait3A_645 : memref<896x128xf32, #tpu.memory_space<hbm>>) dst(%arg15 : memref<16x128xf32, #tpu.memory_space<vmem>>)
    %get3A_646 = arith.constant 272 : index
    %get3A_647 = tpu.vector_load %arg8[%get3A_646] {strides = array<i32>} : memref<512xi32, #tpu.memory_space<vmem>>, vector<16xi32>,
    %get3A_648 = arith.constant 272 : index
    %get3A_649 = tpu.vector_load %arg9[%get3A_648] {strides = array<i32>} : memref<512xi32, #tpu.memory_space<vmem>>, vector<16xi32>,
    %and3A_650 = arith.constant 127 : i32
    %and3A_651 = vector.broadcast %and3A_650 : i32 to vector<16xi32>
    %and3A_652 = arith.andi %get3A_647, %and3A_651 : vector<16xi32>
    %gather3A_653 = tpu.vector_load_idx %arg13[%iota3A, %and3A_652] : memref<16x128xf32, #tpu.memory_space<vmem>>[vector<16xi32>, vector<16xi32>], vector<16xf32>,
    %and3A_654 = arith.constant 127 : i32
    %and3A_655 = vector.broadcast %and3A_654 : i32 to vector<16xi32>
    %and3A_656 = arith.andi %get3A_649, %and3A_655 : vector<16xi32>
    %gather3A_657 = tpu.vector_load_idx %arg15[%iota3A, %and3A_656] : memref<16x128xf32, #tpu.memory_space<vmem>>[vector<16xi32>, vector<16xi32>], vector<16xf32>,
    %add3A_658 = arith.addf %gather3A_653, %gather3A_657 : vector<16xf32>
    %add3A_659 = arith.addf %add3A_658, %get3A_8 : vector<16xf32>
    %swap3A_660 = arith.constant 272 : index
    %swap3A_661 = tpu.vector_load %arg16[%swap3A_660] {strides = array<i32>} : memref<512xf32, #tpu.memory_space<vmem>>, vector<16xf32>,
    tpu.vector_store %arg16[%swap3A_660], %add3A_659 {strides = array<i32>} : memref<512xf32, #tpu.memory_space<vmem>>, vector<16xf32>,
    %dma_start3A_662 = arith.constant 304 : i32
    %dma_start3A_663 = tpu.memref_slice %arg10[%dma_start3A_662] : memref<512xi32, #tpu.memory_space<vmem>> -> memref<16xi32, #tpu.memory_space<vmem>>
    %dma_start3A_664 = arith.constant 0 : i32
    %dma_start3A_665 = arith.constant 0 : i32
    %dma_start3A_666 = tpu.memref_slice %arg4[%dma_start3A_664, %dma_start3A_665] : memref<7936x128xf32, #tpu.memory_space<hbm>> -> memref<7936x128xf32, #tpu.memory_space<hbm>>
    tpu.enqueue_indirect_dma source(%dma_start3A_666 : memref<7936x128xf32, #tpu.memory_space<hbm>>) target(%arg13 : memref<16x128xf32, #tpu.memory_space<vmem>>) offsets(%dma_start3A_663 : memref<16xi32, #tpu.memory_space<vmem>>) semaphore(%arg19 : memref<!tpu.dma_semaphore, #tpu.memory_space<semaphore_mem>>)
    %dma_start3A_667 = arith.constant 304 : i32
    %dma_start3A_668 = tpu.memref_slice %arg11[%dma_start3A_667] : memref<512xi32, #tpu.memory_space<vmem>> -> memref<16xi32, #tpu.memory_space<vmem>>
    %dma_start3A_669 = arith.constant 0 : i32
    %dma_start3A_670 = arith.constant 0 : i32
    %dma_start3A_671 = tpu.memref_slice %arg5[%dma_start3A_669, %dma_start3A_670] : memref<896x128xf32, #tpu.memory_space<hbm>> -> memref<896x128xf32, #tpu.memory_space<hbm>>
    tpu.enqueue_indirect_dma source(%dma_start3A_671 : memref<896x128xf32, #tpu.memory_space<hbm>>) target(%arg15 : memref<16x128xf32, #tpu.memory_space<vmem>>) offsets(%dma_start3A_668 : memref<16xi32, #tpu.memory_space<vmem>>) semaphore(%arg19 : memref<!tpu.dma_semaphore, #tpu.memory_space<semaphore_mem>>)
    %dma_wait3A_672 = arith.constant 288 : i32
    %dma_wait3A_673 = tpu.memref_slice %arg10[%dma_wait3A_672] : memref<512xi32, #tpu.memory_space<vmem>> -> memref<16xi32, #tpu.memory_space<vmem>>
    %dma_wait3A_674 = arith.constant 0 : i32
    %dma_wait3A_675 = arith.constant 0 : i32
    %dma_wait3A_676 = tpu.memref_slice %arg4[%dma_wait3A_674, %dma_wait3A_675] : memref<7936x128xf32, #tpu.memory_space<hbm>> -> memref<7936x128xf32, #tpu.memory_space<hbm>>
    tpu.wait_indirect_dma semaphore(%arg18 : memref<!tpu.dma_semaphore, #tpu.memory_space<semaphore_mem>>) src(%dma_wait3A_676 : memref<7936x128xf32, #tpu.memory_space<hbm>>) dst(%arg12 : memref<16x128xf32, #tpu.memory_space<vmem>>)
    %dma_wait3A_677 = arith.constant 288 : i32
    %dma_wait3A_678 = tpu.memref_slice %arg11[%dma_wait3A_677] : memref<512xi32, #tpu.memory_space<vmem>> -> memref<16xi32, #tpu.memory_space<vmem>>
    %dma_wait3A_679 = arith.constant 0 : i32
    %dma_wait3A_680 = arith.constant 0 : i32
    %dma_wait3A_681 = tpu.memref_slice %arg5[%dma_wait3A_679, %dma_wait3A_680] : memref<896x128xf32, #tpu.memory_space<hbm>> -> memref<896x128xf32, #tpu.memory_space<hbm>>
    tpu.wait_indirect_dma semaphore(%arg18 : memref<!tpu.dma_semaphore, #tpu.memory_space<semaphore_mem>>) src(%dma_wait3A_681 : memref<896x128xf32, #tpu.memory_space<hbm>>) dst(%arg14 : memref<16x128xf32, #tpu.memory_space<vmem>>)
    %get3A_682 = arith.constant 288 : index
    %get3A_683 = tpu.vector_load %arg8[%get3A_682] {strides = array<i32>} : memref<512xi32, #tpu.memory_space<vmem>>, vector<16xi32>,
    %get3A_684 = arith.constant 288 : index
    %get3A_685 = tpu.vector_load %arg9[%get3A_684] {strides = array<i32>} : memref<512xi32, #tpu.memory_space<vmem>>, vector<16xi32>,
    %and3A_686 = arith.constant 127 : i32
    %and3A_687 = vector.broadcast %and3A_686 : i32 to vector<16xi32>
    %and3A_688 = arith.andi %get3A_683, %and3A_687 : vector<16xi32>
    %gather3A_689 = tpu.vector_load_idx %arg12[%iota3A, %and3A_688] : memref<16x128xf32, #tpu.memory_space<vmem>>[vector<16xi32>, vector<16xi32>], vector<16xf32>,
    %and3A_690 = arith.constant 127 : i32
    %and3A_691 = vector.broadcast %and3A_690 : i32 to vector<16xi32>
    %and3A_692 = arith.andi %get3A_685, %and3A_691 : vector<16xi32>
    %gather3A_693 = tpu.vector_load_idx %arg14[%iota3A, %and3A_692] : memref<16x128xf32, #tpu.memory_space<vmem>>[vector<16xi32>, vector<16xi32>], vector<16xf32>,
    %add3A_694 = arith.addf %gather3A_689, %gather3A_693 : vector<16xf32>
    %add3A_695 = arith.addf %add3A_694, %get3A_8 : vector<16xf32>
    %swap3A_696 = arith.constant 288 : index
    %swap3A_697 = tpu.vector_load %arg16[%swap3A_696] {strides = array<i32>} : memref<512xf32, #tpu.memory_space<vmem>>, vector<16xf32>,
    tpu.vector_store %arg16[%swap3A_696], %add3A_695 {strides = array<i32>} : memref<512xf32, #tpu.memory_space<vmem>>, vector<16xf32>,
    %dma_start3A_698 = arith.constant 320 : i32
    %dma_start3A_699 = tpu.memref_slice %arg10[%dma_start3A_698] : memref<512xi32, #tpu.memory_space<vmem>> -> memref<16xi32, #tpu.memory_space<vmem>>
    %dma_start3A_700 = arith.constant 0 : i32
    %dma_start3A_701 = arith.constant 0 : i32
    %dma_start3A_702 = tpu.memref_slice %arg4[%dma_start3A_700, %dma_start3A_701] : memref<7936x128xf32, #tpu.memory_space<hbm>> -> memref<7936x128xf32, #tpu.memory_space<hbm>>
    tpu.enqueue_indirect_dma source(%dma_start3A_702 : memref<7936x128xf32, #tpu.memory_space<hbm>>) target(%arg12 : memref<16x128xf32, #tpu.memory_space<vmem>>) offsets(%dma_start3A_699 : memref<16xi32, #tpu.memory_space<vmem>>) semaphore(%arg18 : memref<!tpu.dma_semaphore, #tpu.memory_space<semaphore_mem>>)
    %dma_start3A_703 = arith.constant 320 : i32
    %dma_start3A_704 = tpu.memref_slice %arg11[%dma_start3A_703] : memref<512xi32, #tpu.memory_space<vmem>> -> memref<16xi32, #tpu.memory_space<vmem>>
    %dma_start3A_705 = arith.constant 0 : i32
    %dma_start3A_706 = arith.constant 0 : i32
    %dma_start3A_707 = tpu.memref_slice %arg5[%dma_start3A_705, %dma_start3A_706] : memref<896x128xf32, #tpu.memory_space<hbm>> -> memref<896x128xf32, #tpu.memory_space<hbm>>
    tpu.enqueue_indirect_dma source(%dma_start3A_707 : memref<896x128xf32, #tpu.memory_space<hbm>>) target(%arg14 : memref<16x128xf32, #tpu.memory_space<vmem>>) offsets(%dma_start3A_704 : memref<16xi32, #tpu.memory_space<vmem>>) semaphore(%arg18 : memref<!tpu.dma_semaphore, #tpu.memory_space<semaphore_mem>>)
    %dma_wait3A_708 = arith.constant 304 : i32
    %dma_wait3A_709 = tpu.memref_slice %arg10[%dma_wait3A_708] : memref<512xi32, #tpu.memory_space<vmem>> -> memref<16xi32, #tpu.memory_space<vmem>>
    %dma_wait3A_710 = arith.constant 0 : i32
    %dma_wait3A_711 = arith.constant 0 : i32
    %dma_wait3A_712 = tpu.memref_slice %arg4[%dma_wait3A_710, %dma_wait3A_711] : memref<7936x128xf32, #tpu.memory_space<hbm>> -> memref<7936x128xf32, #tpu.memory_space<hbm>>
    tpu.wait_indirect_dma semaphore(%arg19 : memref<!tpu.dma_semaphore, #tpu.memory_space<semaphore_mem>>) src(%dma_wait3A_712 : memref<7936x128xf32, #tpu.memory_space<hbm>>) dst(%arg13 : memref<16x128xf32, #tpu.memory_space<vmem>>)
    %dma_wait3A_713 = arith.constant 304 : i32
    %dma_wait3A_714 = tpu.memref_slice %arg11[%dma_wait3A_713] : memref<512xi32, #tpu.memory_space<vmem>> -> memref<16xi32, #tpu.memory_space<vmem>>
    %dma_wait3A_715 = arith.constant 0 : i32
    %dma_wait3A_716 = arith.constant 0 : i32
    %dma_wait3A_717 = tpu.memref_slice %arg5[%dma_wait3A_715, %dma_wait3A_716] : memref<896x128xf32, #tpu.memory_space<hbm>> -> memref<896x128xf32, #tpu.memory_space<hbm>>
    tpu.wait_indirect_dma semaphore(%arg19 : memref<!tpu.dma_semaphore, #tpu.memory_space<semaphore_mem>>) src(%dma_wait3A_717 : memref<896x128xf32, #tpu.memory_space<hbm>>) dst(%arg15 : memref<16x128xf32, #tpu.memory_space<vmem>>)
    %get3A_718 = arith.constant 304 : index
    %get3A_719 = tpu.vector_load %arg8[%get3A_718] {strides = array<i32>} : memref<512xi32, #tpu.memory_space<vmem>>, vector<16xi32>,
    %get3A_720 = arith.constant 304 : index
    %get3A_721 = tpu.vector_load %arg9[%get3A_720] {strides = array<i32>} : memref<512xi32, #tpu.memory_space<vmem>>, vector<16xi32>,
    %and3A_722 = arith.constant 127 : i32
    %and3A_723 = vector.broadcast %and3A_722 : i32 to vector<16xi32>
    %and3A_724 = arith.andi %get3A_719, %and3A_723 : vector<16xi32>
    %gather3A_725 = tpu.vector_load_idx %arg13[%iota3A, %and3A_724] : memref<16x128xf32, #tpu.memory_space<vmem>>[vector<16xi32>, vector<16xi32>], vector<16xf32>,
    %and3A_726 = arith.constant 127 : i32
    %and3A_727 = vector.broadcast %and3A_726 : i32 to vector<16xi32>
    %and3A_728 = arith.andi %get3A_721, %and3A_727 : vector<16xi32>
    %gather3A_729 = tpu.vector_load_idx %arg15[%iota3A, %and3A_728] : memref<16x128xf32, #tpu.memory_space<vmem>>[vector<16xi32>, vector<16xi32>], vector<16xf32>,
    %add3A_730 = arith.addf %gather3A_725, %gather3A_729 : vector<16xf32>
    %add3A_731 = arith.addf %add3A_730, %get3A_8 : vector<16xf32>
    %swap3A_732 = arith.constant 304 : index
    %swap3A_733 = tpu.vector_load %arg16[%swap3A_732] {strides = array<i32>} : memref<512xf32, #tpu.memory_space<vmem>>, vector<16xf32>,
    tpu.vector_store %arg16[%swap3A_732], %add3A_731 {strides = array<i32>} : memref<512xf32, #tpu.memory_space<vmem>>, vector<16xf32>,
    %dma_start3A_734 = arith.constant 336 : i32
    %dma_start3A_735 = tpu.memref_slice %arg10[%dma_start3A_734] : memref<512xi32, #tpu.memory_space<vmem>> -> memref<16xi32, #tpu.memory_space<vmem>>
    %dma_start3A_736 = arith.constant 0 : i32
    %dma_start3A_737 = arith.constant 0 : i32
    %dma_start3A_738 = tpu.memref_slice %arg4[%dma_start3A_736, %dma_start3A_737] : memref<7936x128xf32, #tpu.memory_space<hbm>> -> memref<7936x128xf32, #tpu.memory_space<hbm>>
    tpu.enqueue_indirect_dma source(%dma_start3A_738 : memref<7936x128xf32, #tpu.memory_space<hbm>>) target(%arg13 : memref<16x128xf32, #tpu.memory_space<vmem>>) offsets(%dma_start3A_735 : memref<16xi32, #tpu.memory_space<vmem>>) semaphore(%arg19 : memref<!tpu.dma_semaphore, #tpu.memory_space<semaphore_mem>>)
    %dma_start3A_739 = arith.constant 336 : i32
    %dma_start3A_740 = tpu.memref_slice %arg11[%dma_start3A_739] : memref<512xi32, #tpu.memory_space<vmem>> -> memref<16xi32, #tpu.memory_space<vmem>>
    %dma_start3A_741 = arith.constant 0 : i32
    %dma_start3A_742 = arith.constant 0 : i32
    %dma_start3A_743 = tpu.memref_slice %arg5[%dma_start3A_741, %dma_start3A_742] : memref<896x128xf32, #tpu.memory_space<hbm>> -> memref<896x128xf32, #tpu.memory_space<hbm>>
    tpu.enqueue_indirect_dma source(%dma_start3A_743 : memref<896x128xf32, #tpu.memory_space<hbm>>) target(%arg15 : memref<16x128xf32, #tpu.memory_space<vmem>>) offsets(%dma_start3A_740 : memref<16xi32, #tpu.memory_space<vmem>>) semaphore(%arg19 : memref<!tpu.dma_semaphore, #tpu.memory_space<semaphore_mem>>)
    %dma_wait3A_744 = arith.constant 320 : i32
    %dma_wait3A_745 = tpu.memref_slice %arg10[%dma_wait3A_744] : memref<512xi32, #tpu.memory_space<vmem>> -> memref<16xi32, #tpu.memory_space<vmem>>
    %dma_wait3A_746 = arith.constant 0 : i32
    %dma_wait3A_747 = arith.constant 0 : i32
    %dma_wait3A_748 = tpu.memref_slice %arg4[%dma_wait3A_746, %dma_wait3A_747] : memref<7936x128xf32, #tpu.memory_space<hbm>> -> memref<7936x128xf32, #tpu.memory_space<hbm>>
    tpu.wait_indirect_dma semaphore(%arg18 : memref<!tpu.dma_semaphore, #tpu.memory_space<semaphore_mem>>) src(%dma_wait3A_748 : memref<7936x128xf32, #tpu.memory_space<hbm>>) dst(%arg12 : memref<16x128xf32, #tpu.memory_space<vmem>>)
    %dma_wait3A_749 = arith.constant 320 : i32
    %dma_wait3A_750 = tpu.memref_slice %arg11[%dma_wait3A_749] : memref<512xi32, #tpu.memory_space<vmem>> -> memref<16xi32, #tpu.memory_space<vmem>>
    %dma_wait3A_751 = arith.constant 0 : i32
    %dma_wait3A_752 = arith.constant 0 : i32
    %dma_wait3A_753 = tpu.memref_slice %arg5[%dma_wait3A_751, %dma_wait3A_752] : memref<896x128xf32, #tpu.memory_space<hbm>> -> memref<896x128xf32, #tpu.memory_space<hbm>>
    tpu.wait_indirect_dma semaphore(%arg18 : memref<!tpu.dma_semaphore, #tpu.memory_space<semaphore_mem>>) src(%dma_wait3A_753 : memref<896x128xf32, #tpu.memory_space<hbm>>) dst(%arg14 : memref<16x128xf32, #tpu.memory_space<vmem>>)
    %get3A_754 = arith.constant 320 : index
    %get3A_755 = tpu.vector_load %arg8[%get3A_754] {strides = array<i32>} : memref<512xi32, #tpu.memory_space<vmem>>, vector<16xi32>,
    %get3A_756 = arith.constant 320 : index
    %get3A_757 = tpu.vector_load %arg9[%get3A_756] {strides = array<i32>} : memref<512xi32, #tpu.memory_space<vmem>>, vector<16xi32>,
    %and3A_758 = arith.constant 127 : i32
    %and3A_759 = vector.broadcast %and3A_758 : i32 to vector<16xi32>
    %and3A_760 = arith.andi %get3A_755, %and3A_759 : vector<16xi32>
    %gather3A_761 = tpu.vector_load_idx %arg12[%iota3A, %and3A_760] : memref<16x128xf32, #tpu.memory_space<vmem>>[vector<16xi32>, vector<16xi32>], vector<16xf32>,
    %and3A_762 = arith.constant 127 : i32
    %and3A_763 = vector.broadcast %and3A_762 : i32 to vector<16xi32>
    %and3A_764 = arith.andi %get3A_757, %and3A_763 : vector<16xi32>
    %gather3A_765 = tpu.vector_load_idx %arg14[%iota3A, %and3A_764] : memref<16x128xf32, #tpu.memory_space<vmem>>[vector<16xi32>, vector<16xi32>], vector<16xf32>,
    %add3A_766 = arith.addf %gather3A_761, %gather3A_765 : vector<16xf32>
    %add3A_767 = arith.addf %add3A_766, %get3A_8 : vector<16xf32>
    %swap3A_768 = arith.constant 320 : index
    %swap3A_769 = tpu.vector_load %arg16[%swap3A_768] {strides = array<i32>} : memref<512xf32, #tpu.memory_space<vmem>>, vector<16xf32>,
    tpu.vector_store %arg16[%swap3A_768], %add3A_767 {strides = array<i32>} : memref<512xf32, #tpu.memory_space<vmem>>, vector<16xf32>,
    %dma_start3A_770 = arith.constant 352 : i32
    %dma_start3A_771 = tpu.memref_slice %arg10[%dma_start3A_770] : memref<512xi32, #tpu.memory_space<vmem>> -> memref<16xi32, #tpu.memory_space<vmem>>
    %dma_start3A_772 = arith.constant 0 : i32
    %dma_start3A_773 = arith.constant 0 : i32
    %dma_start3A_774 = tpu.memref_slice %arg4[%dma_start3A_772, %dma_start3A_773] : memref<7936x128xf32, #tpu.memory_space<hbm>> -> memref<7936x128xf32, #tpu.memory_space<hbm>>
    tpu.enqueue_indirect_dma source(%dma_start3A_774 : memref<7936x128xf32, #tpu.memory_space<hbm>>) target(%arg12 : memref<16x128xf32, #tpu.memory_space<vmem>>) offsets(%dma_start3A_771 : memref<16xi32, #tpu.memory_space<vmem>>) semaphore(%arg18 : memref<!tpu.dma_semaphore, #tpu.memory_space<semaphore_mem>>)
    %dma_start3A_775 = arith.constant 352 : i32
    %dma_start3A_776 = tpu.memref_slice %arg11[%dma_start3A_775] : memref<512xi32, #tpu.memory_space<vmem>> -> memref<16xi32, #tpu.memory_space<vmem>>
    %dma_start3A_777 = arith.constant 0 : i32
    %dma_start3A_778 = arith.constant 0 : i32
    %dma_start3A_779 = tpu.memref_slice %arg5[%dma_start3A_777, %dma_start3A_778] : memref<896x128xf32, #tpu.memory_space<hbm>> -> memref<896x128xf32, #tpu.memory_space<hbm>>
    tpu.enqueue_indirect_dma source(%dma_start3A_779 : memref<896x128xf32, #tpu.memory_space<hbm>>) target(%arg14 : memref<16x128xf32, #tpu.memory_space<vmem>>) offsets(%dma_start3A_776 : memref<16xi32, #tpu.memory_space<vmem>>) semaphore(%arg18 : memref<!tpu.dma_semaphore, #tpu.memory_space<semaphore_mem>>)
    %dma_wait3A_780 = arith.constant 336 : i32
    %dma_wait3A_781 = tpu.memref_slice %arg10[%dma_wait3A_780] : memref<512xi32, #tpu.memory_space<vmem>> -> memref<16xi32, #tpu.memory_space<vmem>>
    %dma_wait3A_782 = arith.constant 0 : i32
    %dma_wait3A_783 = arith.constant 0 : i32
    %dma_wait3A_784 = tpu.memref_slice %arg4[%dma_wait3A_782, %dma_wait3A_783] : memref<7936x128xf32, #tpu.memory_space<hbm>> -> memref<7936x128xf32, #tpu.memory_space<hbm>>
    tpu.wait_indirect_dma semaphore(%arg19 : memref<!tpu.dma_semaphore, #tpu.memory_space<semaphore_mem>>) src(%dma_wait3A_784 : memref<7936x128xf32, #tpu.memory_space<hbm>>) dst(%arg13 : memref<16x128xf32, #tpu.memory_space<vmem>>)
    %dma_wait3A_785 = arith.constant 336 : i32
    %dma_wait3A_786 = tpu.memref_slice %arg11[%dma_wait3A_785] : memref<512xi32, #tpu.memory_space<vmem>> -> memref<16xi32, #tpu.memory_space<vmem>>
    %dma_wait3A_787 = arith.constant 0 : i32
    %dma_wait3A_788 = arith.constant 0 : i32
    %dma_wait3A_789 = tpu.memref_slice %arg5[%dma_wait3A_787, %dma_wait3A_788] : memref<896x128xf32, #tpu.memory_space<hbm>> -> memref<896x128xf32, #tpu.memory_space<hbm>>
    tpu.wait_indirect_dma semaphore(%arg19 : memref<!tpu.dma_semaphore, #tpu.memory_space<semaphore_mem>>) src(%dma_wait3A_789 : memref<896x128xf32, #tpu.memory_space<hbm>>) dst(%arg15 : memref<16x128xf32, #tpu.memory_space<vmem>>)
    %get3A_790 = arith.constant 336 : index
    %get3A_791 = tpu.vector_load %arg8[%get3A_790] {strides = array<i32>} : memref<512xi32, #tpu.memory_space<vmem>>, vector<16xi32>,
    %get3A_792 = arith.constant 336 : index
    %get3A_793 = tpu.vector_load %arg9[%get3A_792] {strides = array<i32>} : memref<512xi32, #tpu.memory_space<vmem>>, vector<16xi32>,
    %and3A_794 = arith.constant 127 : i32
    %and3A_795 = vector.broadcast %and3A_794 : i32 to vector<16xi32>
    %and3A_796 = arith.andi %get3A_791, %and3A_795 : vector<16xi32>
    %gather3A_797 = tpu.vector_load_idx %arg13[%iota3A, %and3A_796] : memref<16x128xf32, #tpu.memory_space<vmem>>[vector<16xi32>, vector<16xi32>], vector<16xf32>,
    %and3A_798 = arith.constant 127 : i32
    %and3A_799 = vector.broadcast %and3A_798 : i32 to vector<16xi32>
    %and3A_800 = arith.andi %get3A_793, %and3A_799 : vector<16xi32>
    %gather3A_801 = tpu.vector_load_idx %arg15[%iota3A, %and3A_800] : memref<16x128xf32, #tpu.memory_space<vmem>>[vector<16xi32>, vector<16xi32>], vector<16xf32>,
    %add3A_802 = arith.addf %gather3A_797, %gather3A_801 : vector<16xf32>
    %add3A_803 = arith.addf %add3A_802, %get3A_8 : vector<16xf32>
    %swap3A_804 = arith.constant 336 : index
    %swap3A_805 = tpu.vector_load %arg16[%swap3A_804] {strides = array<i32>} : memref<512xf32, #tpu.memory_space<vmem>>, vector<16xf32>,
    tpu.vector_store %arg16[%swap3A_804], %add3A_803 {strides = array<i32>} : memref<512xf32, #tpu.memory_space<vmem>>, vector<16xf32>,
    %dma_start3A_806 = arith.constant 368 : i32
    %dma_start3A_807 = tpu.memref_slice %arg10[%dma_start3A_806] : memref<512xi32, #tpu.memory_space<vmem>> -> memref<16xi32, #tpu.memory_space<vmem>>
    %dma_start3A_808 = arith.constant 0 : i32
    %dma_start3A_809 = arith.constant 0 : i32
    %dma_start3A_810 = tpu.memref_slice %arg4[%dma_start3A_808, %dma_start3A_809] : memref<7936x128xf32, #tpu.memory_space<hbm>> -> memref<7936x128xf32, #tpu.memory_space<hbm>>
    tpu.enqueue_indirect_dma source(%dma_start3A_810 : memref<7936x128xf32, #tpu.memory_space<hbm>>) target(%arg13 : memref<16x128xf32, #tpu.memory_space<vmem>>) offsets(%dma_start3A_807 : memref<16xi32, #tpu.memory_space<vmem>>) semaphore(%arg19 : memref<!tpu.dma_semaphore, #tpu.memory_space<semaphore_mem>>)
    %dma_start3A_811 = arith.constant 368 : i32
    %dma_start3A_812 = tpu.memref_slice %arg11[%dma_start3A_811] : memref<512xi32, #tpu.memory_space<vmem>> -> memref<16xi32, #tpu.memory_space<vmem>>
    %dma_start3A_813 = arith.constant 0 : i32
    %dma_start3A_814 = arith.constant 0 : i32
    %dma_start3A_815 = tpu.memref_slice %arg5[%dma_start3A_813, %dma_start3A_814] : memref<896x128xf32, #tpu.memory_space<hbm>> -> memref<896x128xf32, #tpu.memory_space<hbm>>
    tpu.enqueue_indirect_dma source(%dma_start3A_815 : memref<896x128xf32, #tpu.memory_space<hbm>>) target(%arg15 : memref<16x128xf32, #tpu.memory_space<vmem>>) offsets(%dma_start3A_812 : memref<16xi32, #tpu.memory_space<vmem>>) semaphore(%arg19 : memref<!tpu.dma_semaphore, #tpu.memory_space<semaphore_mem>>)
    %dma_wait3A_816 = arith.constant 352 : i32
    %dma_wait3A_817 = tpu.memref_slice %arg10[%dma_wait3A_816] : memref<512xi32, #tpu.memory_space<vmem>> -> memref<16xi32, #tpu.memory_space<vmem>>
    %dma_wait3A_818 = arith.constant 0 : i32
    %dma_wait3A_819 = arith.constant 0 : i32
    %dma_wait3A_820 = tpu.memref_slice %arg4[%dma_wait3A_818, %dma_wait3A_819] : memref<7936x128xf32, #tpu.memory_space<hbm>> -> memref<7936x128xf32, #tpu.memory_space<hbm>>
    tpu.wait_indirect_dma semaphore(%arg18 : memref<!tpu.dma_semaphore, #tpu.memory_space<semaphore_mem>>) src(%dma_wait3A_820 : memref<7936x128xf32, #tpu.memory_space<hbm>>) dst(%arg12 : memref<16x128xf32, #tpu.memory_space<vmem>>)
    %dma_wait3A_821 = arith.constant 352 : i32
    %dma_wait3A_822 = tpu.memref_slice %arg11[%dma_wait3A_821] : memref<512xi32, #tpu.memory_space<vmem>> -> memref<16xi32, #tpu.memory_space<vmem>>
    %dma_wait3A_823 = arith.constant 0 : i32
    %dma_wait3A_824 = arith.constant 0 : i32
    %dma_wait3A_825 = tpu.memref_slice %arg5[%dma_wait3A_823, %dma_wait3A_824] : memref<896x128xf32, #tpu.memory_space<hbm>> -> memref<896x128xf32, #tpu.memory_space<hbm>>
    tpu.wait_indirect_dma semaphore(%arg18 : memref<!tpu.dma_semaphore, #tpu.memory_space<semaphore_mem>>) src(%dma_wait3A_825 : memref<896x128xf32, #tpu.memory_space<hbm>>) dst(%arg14 : memref<16x128xf32, #tpu.memory_space<vmem>>)
    %get3A_826 = arith.constant 352 : index
    %get3A_827 = tpu.vector_load %arg8[%get3A_826] {strides = array<i32>} : memref<512xi32, #tpu.memory_space<vmem>>, vector<16xi32>,
    %get3A_828 = arith.constant 352 : index
    %get3A_829 = tpu.vector_load %arg9[%get3A_828] {strides = array<i32>} : memref<512xi32, #tpu.memory_space<vmem>>, vector<16xi32>,
    %and3A_830 = arith.constant 127 : i32
    %and3A_831 = vector.broadcast %and3A_830 : i32 to vector<16xi32>
    %and3A_832 = arith.andi %get3A_827, %and3A_831 : vector<16xi32>
    %gather3A_833 = tpu.vector_load_idx %arg12[%iota3A, %and3A_832] : memref<16x128xf32, #tpu.memory_space<vmem>>[vector<16xi32>, vector<16xi32>], vector<16xf32>,
    %and3A_834 = arith.constant 127 : i32
    %and3A_835 = vector.broadcast %and3A_834 : i32 to vector<16xi32>
    %and3A_836 = arith.andi %get3A_829, %and3A_835 : vector<16xi32>
    %gather3A_837 = tpu.vector_load_idx %arg14[%iota3A, %and3A_836] : memref<16x128xf32, #tpu.memory_space<vmem>>[vector<16xi32>, vector<16xi32>], vector<16xf32>,
    %add3A_838 = arith.addf %gather3A_833, %gather3A_837 : vector<16xf32>
    %add3A_839 = arith.addf %add3A_838, %get3A_8 : vector<16xf32>
    %swap3A_840 = arith.constant 352 : index
    %swap3A_841 = tpu.vector_load %arg16[%swap3A_840] {strides = array<i32>} : memref<512xf32, #tpu.memory_space<vmem>>, vector<16xf32>,
    tpu.vector_store %arg16[%swap3A_840], %add3A_839 {strides = array<i32>} : memref<512xf32, #tpu.memory_space<vmem>>, vector<16xf32>,
    %dma_start3A_842 = arith.constant 384 : i32
    %dma_start3A_843 = tpu.memref_slice %arg10[%dma_start3A_842] : memref<512xi32, #tpu.memory_space<vmem>> -> memref<16xi32, #tpu.memory_space<vmem>>
    %dma_start3A_844 = arith.constant 0 : i32
    %dma_start3A_845 = arith.constant 0 : i32
    %dma_start3A_846 = tpu.memref_slice %arg4[%dma_start3A_844, %dma_start3A_845] : memref<7936x128xf32, #tpu.memory_space<hbm>> -> memref<7936x128xf32, #tpu.memory_space<hbm>>
    tpu.enqueue_indirect_dma source(%dma_start3A_846 : memref<7936x128xf32, #tpu.memory_space<hbm>>) target(%arg12 : memref<16x128xf32, #tpu.memory_space<vmem>>) offsets(%dma_start3A_843 : memref<16xi32, #tpu.memory_space<vmem>>) semaphore(%arg18 : memref<!tpu.dma_semaphore, #tpu.memory_space<semaphore_mem>>)
    %dma_start3A_847 = arith.constant 384 : i32
    %dma_start3A_848 = tpu.memref_slice %arg11[%dma_start3A_847] : memref<512xi32, #tpu.memory_space<vmem>> -> memref<16xi32, #tpu.memory_space<vmem>>
    %dma_start3A_849 = arith.constant 0 : i32
    %dma_start3A_850 = arith.constant 0 : i32
    %dma_start3A_851 = tpu.memref_slice %arg5[%dma_start3A_849, %dma_start3A_850] : memref<896x128xf32, #tpu.memory_space<hbm>> -> memref<896x128xf32, #tpu.memory_space<hbm>>
    tpu.enqueue_indirect_dma source(%dma_start3A_851 : memref<896x128xf32, #tpu.memory_space<hbm>>) target(%arg14 : memref<16x128xf32, #tpu.memory_space<vmem>>) offsets(%dma_start3A_848 : memref<16xi32, #tpu.memory_space<vmem>>) semaphore(%arg18 : memref<!tpu.dma_semaphore, #tpu.memory_space<semaphore_mem>>)
    %dma_wait3A_852 = arith.constant 368 : i32
    %dma_wait3A_853 = tpu.memref_slice %arg10[%dma_wait3A_852] : memref<512xi32, #tpu.memory_space<vmem>> -> memref<16xi32, #tpu.memory_space<vmem>>
    %dma_wait3A_854 = arith.constant 0 : i32
    %dma_wait3A_855 = arith.constant 0 : i32
    %dma_wait3A_856 = tpu.memref_slice %arg4[%dma_wait3A_854, %dma_wait3A_855] : memref<7936x128xf32, #tpu.memory_space<hbm>> -> memref<7936x128xf32, #tpu.memory_space<hbm>>
    tpu.wait_indirect_dma semaphore(%arg19 : memref<!tpu.dma_semaphore, #tpu.memory_space<semaphore_mem>>) src(%dma_wait3A_856 : memref<7936x128xf32, #tpu.memory_space<hbm>>) dst(%arg13 : memref<16x128xf32, #tpu.memory_space<vmem>>)
    %dma_wait3A_857 = arith.constant 368 : i32
    %dma_wait3A_858 = tpu.memref_slice %arg11[%dma_wait3A_857] : memref<512xi32, #tpu.memory_space<vmem>> -> memref<16xi32, #tpu.memory_space<vmem>>
    %dma_wait3A_859 = arith.constant 0 : i32
    %dma_wait3A_860 = arith.constant 0 : i32
    %dma_wait3A_861 = tpu.memref_slice %arg5[%dma_wait3A_859, %dma_wait3A_860] : memref<896x128xf32, #tpu.memory_space<hbm>> -> memref<896x128xf32, #tpu.memory_space<hbm>>
    tpu.wait_indirect_dma semaphore(%arg19 : memref<!tpu.dma_semaphore, #tpu.memory_space<semaphore_mem>>) src(%dma_wait3A_861 : memref<896x128xf32, #tpu.memory_space<hbm>>) dst(%arg15 : memref<16x128xf32, #tpu.memory_space<vmem>>)
    %get3A_862 = arith.constant 368 : index
    %get3A_863 = tpu.vector_load %arg8[%get3A_862] {strides = array<i32>} : memref<512xi32, #tpu.memory_space<vmem>>, vector<16xi32>,
    %get3A_864 = arith.constant 368 : index
    %get3A_865 = tpu.vector_load %arg9[%get3A_864] {strides = array<i32>} : memref<512xi32, #tpu.memory_space<vmem>>, vector<16xi32>,
    %and3A_866 = arith.constant 127 : i32
    %and3A_867 = vector.broadcast %and3A_866 : i32 to vector<16xi32>
    %and3A_868 = arith.andi %get3A_863, %and3A_867 : vector<16xi32>
    %gather3A_869 = tpu.vector_load_idx %arg13[%iota3A, %and3A_868] : memref<16x128xf32, #tpu.memory_space<vmem>>[vector<16xi32>, vector<16xi32>], vector<16xf32>,
    %and3A_870 = arith.constant 127 : i32
    %and3A_871 = vector.broadcast %and3A_870 : i32 to vector<16xi32>
    %and3A_872 = arith.andi %get3A_865, %and3A_871 : vector<16xi32>
    %gather3A_873 = tpu.vector_load_idx %arg15[%iota3A, %and3A_872] : memref<16x128xf32, #tpu.memory_space<vmem>>[vector<16xi32>, vector<16xi32>], vector<16xf32>,
    %add3A_874 = arith.addf %gather3A_869, %gather3A_873 : vector<16xf32>
    %add3A_875 = arith.addf %add3A_874, %get3A_8 : vector<16xf32>
    %swap3A_876 = arith.constant 368 : index
    %swap3A_877 = tpu.vector_load %arg16[%swap3A_876] {strides = array<i32>} : memref<512xf32, #tpu.memory_space<vmem>>, vector<16xf32>,
    tpu.vector_store %arg16[%swap3A_876], %add3A_875 {strides = array<i32>} : memref<512xf32, #tpu.memory_space<vmem>>, vector<16xf32>,
    %dma_start3A_878 = arith.constant 400 : i32
    %dma_start3A_879 = tpu.memref_slice %arg10[%dma_start3A_878] : memref<512xi32, #tpu.memory_space<vmem>> -> memref<16xi32, #tpu.memory_space<vmem>>
    %dma_start3A_880 = arith.constant 0 : i32
    %dma_start3A_881 = arith.constant 0 : i32
    %dma_start3A_882 = tpu.memref_slice %arg4[%dma_start3A_880, %dma_start3A_881] : memref<7936x128xf32, #tpu.memory_space<hbm>> -> memref<7936x128xf32, #tpu.memory_space<hbm>>
    tpu.enqueue_indirect_dma source(%dma_start3A_882 : memref<7936x128xf32, #tpu.memory_space<hbm>>) target(%arg13 : memref<16x128xf32, #tpu.memory_space<vmem>>) offsets(%dma_start3A_879 : memref<16xi32, #tpu.memory_space<vmem>>) semaphore(%arg19 : memref<!tpu.dma_semaphore, #tpu.memory_space<semaphore_mem>>)
    %dma_start3A_883 = arith.constant 400 : i32
    %dma_start3A_884 = tpu.memref_slice %arg11[%dma_start3A_883] : memref<512xi32, #tpu.memory_space<vmem>> -> memref<16xi32, #tpu.memory_space<vmem>>
    %dma_start3A_885 = arith.constant 0 : i32
    %dma_start3A_886 = arith.constant 0 : i32
    %dma_start3A_887 = tpu.memref_slice %arg5[%dma_start3A_885, %dma_start3A_886] : memref<896x128xf32, #tpu.memory_space<hbm>> -> memref<896x128xf32, #tpu.memory_space<hbm>>
    tpu.enqueue_indirect_dma source(%dma_start3A_887 : memref<896x128xf32, #tpu.memory_space<hbm>>) target(%arg15 : memref<16x128xf32, #tpu.memory_space<vmem>>) offsets(%dma_start3A_884 : memref<16xi32, #tpu.memory_space<vmem>>) semaphore(%arg19 : memref<!tpu.dma_semaphore, #tpu.memory_space<semaphore_mem>>)
    %dma_wait3A_888 = arith.constant 384 : i32
    %dma_wait3A_889 = tpu.memref_slice %arg10[%dma_wait3A_888] : memref<512xi32, #tpu.memory_space<vmem>> -> memref<16xi32, #tpu.memory_space<vmem>>
    %dma_wait3A_890 = arith.constant 0 : i32
    %dma_wait3A_891 = arith.constant 0 : i32
    %dma_wait3A_892 = tpu.memref_slice %arg4[%dma_wait3A_890, %dma_wait3A_891] : memref<7936x128xf32, #tpu.memory_space<hbm>> -> memref<7936x128xf32, #tpu.memory_space<hbm>>
    tpu.wait_indirect_dma semaphore(%arg18 : memref<!tpu.dma_semaphore, #tpu.memory_space<semaphore_mem>>) src(%dma_wait3A_892 : memref<7936x128xf32, #tpu.memory_space<hbm>>) dst(%arg12 : memref<16x128xf32, #tpu.memory_space<vmem>>)
    %dma_wait3A_893 = arith.constant 384 : i32
    %dma_wait3A_894 = tpu.memref_slice %arg11[%dma_wait3A_893] : memref<512xi32, #tpu.memory_space<vmem>> -> memref<16xi32, #tpu.memory_space<vmem>>
    %dma_wait3A_895 = arith.constant 0 : i32
    %dma_wait3A_896 = arith.constant 0 : i32
    %dma_wait3A_897 = tpu.memref_slice %arg5[%dma_wait3A_895, %dma_wait3A_896] : memref<896x128xf32, #tpu.memory_space<hbm>> -> memref<896x128xf32, #tpu.memory_space<hbm>>
    tpu.wait_indirect_dma semaphore(%arg18 : memref<!tpu.dma_semaphore, #tpu.memory_space<semaphore_mem>>) src(%dma_wait3A_897 : memref<896x128xf32, #tpu.memory_space<hbm>>) dst(%arg14 : memref<16x128xf32, #tpu.memory_space<vmem>>)
    %get3A_898 = arith.constant 384 : index
    %get3A_899 = tpu.vector_load %arg8[%get3A_898] {strides = array<i32>} : memref<512xi32, #tpu.memory_space<vmem>>, vector<16xi32>,
    %get3A_900 = arith.constant 384 : index
    %get3A_901 = tpu.vector_load %arg9[%get3A_900] {strides = array<i32>} : memref<512xi32, #tpu.memory_space<vmem>>, vector<16xi32>,
    %and3A_902 = arith.constant 127 : i32
    %and3A_903 = vector.broadcast %and3A_902 : i32 to vector<16xi32>
    %and3A_904 = arith.andi %get3A_899, %and3A_903 : vector<16xi32>
    %gather3A_905 = tpu.vector_load_idx %arg12[%iota3A, %and3A_904] : memref<16x128xf32, #tpu.memory_space<vmem>>[vector<16xi32>, vector<16xi32>], vector<16xf32>,
    %and3A_906 = arith.constant 127 : i32
    %and3A_907 = vector.broadcast %and3A_906 : i32 to vector<16xi32>
    %and3A_908 = arith.andi %get3A_901, %and3A_907 : vector<16xi32>
    %gather3A_909 = tpu.vector_load_idx %arg14[%iota3A, %and3A_908] : memref<16x128xf32, #tpu.memory_space<vmem>>[vector<16xi32>, vector<16xi32>], vector<16xf32>,
    %add3A_910 = arith.addf %gather3A_905, %gather3A_909 : vector<16xf32>
    %add3A_911 = arith.addf %add3A_910, %get3A_8 : vector<16xf32>
    %swap3A_912 = arith.constant 384 : index
    %swap3A_913 = tpu.vector_load %arg16[%swap3A_912] {strides = array<i32>} : memref<512xf32, #tpu.memory_space<vmem>>, vector<16xf32>,
    tpu.vector_store %arg16[%swap3A_912], %add3A_911 {strides = array<i32>} : memref<512xf32, #tpu.memory_space<vmem>>, vector<16xf32>,
    %dma_start3A_914 = arith.constant 416 : i32
    %dma_start3A_915 = tpu.memref_slice %arg10[%dma_start3A_914] : memref<512xi32, #tpu.memory_space<vmem>> -> memref<16xi32, #tpu.memory_space<vmem>>
    %dma_start3A_916 = arith.constant 0 : i32
    %dma_start3A_917 = arith.constant 0 : i32
    %dma_start3A_918 = tpu.memref_slice %arg4[%dma_start3A_916, %dma_start3A_917] : memref<7936x128xf32, #tpu.memory_space<hbm>> -> memref<7936x128xf32, #tpu.memory_space<hbm>>
    tpu.enqueue_indirect_dma source(%dma_start3A_918 : memref<7936x128xf32, #tpu.memory_space<hbm>>) target(%arg12 : memref<16x128xf32, #tpu.memory_space<vmem>>) offsets(%dma_start3A_915 : memref<16xi32, #tpu.memory_space<vmem>>) semaphore(%arg18 : memref<!tpu.dma_semaphore, #tpu.memory_space<semaphore_mem>>)
    %dma_start3A_919 = arith.constant 416 : i32
    %dma_start3A_920 = tpu.memref_slice %arg11[%dma_start3A_919] : memref<512xi32, #tpu.memory_space<vmem>> -> memref<16xi32, #tpu.memory_space<vmem>>
    %dma_start3A_921 = arith.constant 0 : i32
    %dma_start3A_922 = arith.constant 0 : i32
    %dma_start3A_923 = tpu.memref_slice %arg5[%dma_start3A_921, %dma_start3A_922] : memref<896x128xf32, #tpu.memory_space<hbm>> -> memref<896x128xf32, #tpu.memory_space<hbm>>
    tpu.enqueue_indirect_dma source(%dma_start3A_923 : memref<896x128xf32, #tpu.memory_space<hbm>>) target(%arg14 : memref<16x128xf32, #tpu.memory_space<vmem>>) offsets(%dma_start3A_920 : memref<16xi32, #tpu.memory_space<vmem>>) semaphore(%arg18 : memref<!tpu.dma_semaphore, #tpu.memory_space<semaphore_mem>>)
    %dma_wait3A_924 = arith.constant 400 : i32
    %dma_wait3A_925 = tpu.memref_slice %arg10[%dma_wait3A_924] : memref<512xi32, #tpu.memory_space<vmem>> -> memref<16xi32, #tpu.memory_space<vmem>>
    %dma_wait3A_926 = arith.constant 0 : i32
    %dma_wait3A_927 = arith.constant 0 : i32
    %dma_wait3A_928 = tpu.memref_slice %arg4[%dma_wait3A_926, %dma_wait3A_927] : memref<7936x128xf32, #tpu.memory_space<hbm>> -> memref<7936x128xf32, #tpu.memory_space<hbm>>
    tpu.wait_indirect_dma semaphore(%arg19 : memref<!tpu.dma_semaphore, #tpu.memory_space<semaphore_mem>>) src(%dma_wait3A_928 : memref<7936x128xf32, #tpu.memory_space<hbm>>) dst(%arg13 : memref<16x128xf32, #tpu.memory_space<vmem>>)
    %dma_wait3A_929 = arith.constant 400 : i32
    %dma_wait3A_930 = tpu.memref_slice %arg11[%dma_wait3A_929] : memref<512xi32, #tpu.memory_space<vmem>> -> memref<16xi32, #tpu.memory_space<vmem>>
    %dma_wait3A_931 = arith.constant 0 : i32
    %dma_wait3A_932 = arith.constant 0 : i32
    %dma_wait3A_933 = tpu.memref_slice %arg5[%dma_wait3A_931, %dma_wait3A_932] : memref<896x128xf32, #tpu.memory_space<hbm>> -> memref<896x128xf32, #tpu.memory_space<hbm>>
    tpu.wait_indirect_dma semaphore(%arg19 : memref<!tpu.dma_semaphore, #tpu.memory_space<semaphore_mem>>) src(%dma_wait3A_933 : memref<896x128xf32, #tpu.memory_space<hbm>>) dst(%arg15 : memref<16x128xf32, #tpu.memory_space<vmem>>)
    %get3A_934 = arith.constant 400 : index
    %get3A_935 = tpu.vector_load %arg8[%get3A_934] {strides = array<i32>} : memref<512xi32, #tpu.memory_space<vmem>>, vector<16xi32>,
    %get3A_936 = arith.constant 400 : index
    %get3A_937 = tpu.vector_load %arg9[%get3A_936] {strides = array<i32>} : memref<512xi32, #tpu.memory_space<vmem>>, vector<16xi32>,
    %and3A_938 = arith.constant 127 : i32
    %and3A_939 = vector.broadcast %and3A_938 : i32 to vector<16xi32>
    %and3A_940 = arith.andi %get3A_935, %and3A_939 : vector<16xi32>
    %gather3A_941 = tpu.vector_load_idx %arg13[%iota3A, %and3A_940] : memref<16x128xf32, #tpu.memory_space<vmem>>[vector<16xi32>, vector<16xi32>], vector<16xf32>,
    %and3A_942 = arith.constant 127 : i32
    %and3A_943 = vector.broadcast %and3A_942 : i32 to vector<16xi32>
    %and3A_944 = arith.andi %get3A_937, %and3A_943 : vector<16xi32>
    %gather3A_945 = tpu.vector_load_idx %arg15[%iota3A, %and3A_944] : memref<16x128xf32, #tpu.memory_space<vmem>>[vector<16xi32>, vector<16xi32>], vector<16xf32>,
    %add3A_946 = arith.addf %gather3A_941, %gather3A_945 : vector<16xf32>
    %add3A_947 = arith.addf %add3A_946, %get3A_8 : vector<16xf32>
    %swap3A_948 = arith.constant 400 : index
    %swap3A_949 = tpu.vector_load %arg16[%swap3A_948] {strides = array<i32>} : memref<512xf32, #tpu.memory_space<vmem>>, vector<16xf32>,
    tpu.vector_store %arg16[%swap3A_948], %add3A_947 {strides = array<i32>} : memref<512xf32, #tpu.memory_space<vmem>>, vector<16xf32>,
    %dma_start3A_950 = arith.constant 432 : i32
    %dma_start3A_951 = tpu.memref_slice %arg10[%dma_start3A_950] : memref<512xi32, #tpu.memory_space<vmem>> -> memref<16xi32, #tpu.memory_space<vmem>>
    %dma_start3A_952 = arith.constant 0 : i32
    %dma_start3A_953 = arith.constant 0 : i32
    %dma_start3A_954 = tpu.memref_slice %arg4[%dma_start3A_952, %dma_start3A_953] : memref<7936x128xf32, #tpu.memory_space<hbm>> -> memref<7936x128xf32, #tpu.memory_space<hbm>>
    tpu.enqueue_indirect_dma source(%dma_start3A_954 : memref<7936x128xf32, #tpu.memory_space<hbm>>) target(%arg13 : memref<16x128xf32, #tpu.memory_space<vmem>>) offsets(%dma_start3A_951 : memref<16xi32, #tpu.memory_space<vmem>>) semaphore(%arg19 : memref<!tpu.dma_semaphore, #tpu.memory_space<semaphore_mem>>)
    %dma_start3A_955 = arith.constant 432 : i32
    %dma_start3A_956 = tpu.memref_slice %arg11[%dma_start3A_955] : memref<512xi32, #tpu.memory_space<vmem>> -> memref<16xi32, #tpu.memory_space<vmem>>
    %dma_start3A_957 = arith.constant 0 : i32
    %dma_start3A_958 = arith.constant 0 : i32
    %dma_start3A_959 = tpu.memref_slice %arg5[%dma_start3A_957, %dma_start3A_958] : memref<896x128xf32, #tpu.memory_space<hbm>> -> memref<896x128xf32, #tpu.memory_space<hbm>>
    tpu.enqueue_indirect_dma source(%dma_start3A_959 : memref<896x128xf32, #tpu.memory_space<hbm>>) target(%arg15 : memref<16x128xf32, #tpu.memory_space<vmem>>) offsets(%dma_start3A_956 : memref<16xi32, #tpu.memory_space<vmem>>) semaphore(%arg19 : memref<!tpu.dma_semaphore, #tpu.memory_space<semaphore_mem>>)
    %dma_wait3A_960 = arith.constant 416 : i32
    %dma_wait3A_961 = tpu.memref_slice %arg10[%dma_wait3A_960] : memref<512xi32, #tpu.memory_space<vmem>> -> memref<16xi32, #tpu.memory_space<vmem>>
    %dma_wait3A_962 = arith.constant 0 : i32
    %dma_wait3A_963 = arith.constant 0 : i32
    %dma_wait3A_964 = tpu.memref_slice %arg4[%dma_wait3A_962, %dma_wait3A_963] : memref<7936x128xf32, #tpu.memory_space<hbm>> -> memref<7936x128xf32, #tpu.memory_space<hbm>>
    tpu.wait_indirect_dma semaphore(%arg18 : memref<!tpu.dma_semaphore, #tpu.memory_space<semaphore_mem>>) src(%dma_wait3A_964 : memref<7936x128xf32, #tpu.memory_space<hbm>>) dst(%arg12 : memref<16x128xf32, #tpu.memory_space<vmem>>)
    %dma_wait3A_965 = arith.constant 416 : i32
    %dma_wait3A_966 = tpu.memref_slice %arg11[%dma_wait3A_965] : memref<512xi32, #tpu.memory_space<vmem>> -> memref<16xi32, #tpu.memory_space<vmem>>
    %dma_wait3A_967 = arith.constant 0 : i32
    %dma_wait3A_968 = arith.constant 0 : i32
    %dma_wait3A_969 = tpu.memref_slice %arg5[%dma_wait3A_967, %dma_wait3A_968] : memref<896x128xf32, #tpu.memory_space<hbm>> -> memref<896x128xf32, #tpu.memory_space<hbm>>
    tpu.wait_indirect_dma semaphore(%arg18 : memref<!tpu.dma_semaphore, #tpu.memory_space<semaphore_mem>>) src(%dma_wait3A_969 : memref<896x128xf32, #tpu.memory_space<hbm>>) dst(%arg14 : memref<16x128xf32, #tpu.memory_space<vmem>>)
    %get3A_970 = arith.constant 416 : index
    %get3A_971 = tpu.vector_load %arg8[%get3A_970] {strides = array<i32>} : memref<512xi32, #tpu.memory_space<vmem>>, vector<16xi32>,
    %get3A_972 = arith.constant 416 : index
    %get3A_973 = tpu.vector_load %arg9[%get3A_972] {strides = array<i32>} : memref<512xi32, #tpu.memory_space<vmem>>, vector<16xi32>,
    %and3A_974 = arith.constant 127 : i32
    %and3A_975 = vector.broadcast %and3A_974 : i32 to vector<16xi32>
    %and3A_976 = arith.andi %get3A_971, %and3A_975 : vector<16xi32>
    %gather3A_977 = tpu.vector_load_idx %arg12[%iota3A, %and3A_976] : memref<16x128xf32, #tpu.memory_space<vmem>>[vector<16xi32>, vector<16xi32>], vector<16xf32>,
    %and3A_978 = arith.constant 127 : i32
    %and3A_979 = vector.broadcast %and3A_978 : i32 to vector<16xi32>
    %and3A_980 = arith.andi %get3A_973, %and3A_979 : vector<16xi32>
    %gather3A_981 = tpu.vector_load_idx %arg14[%iota3A, %and3A_980] : memref<16x128xf32, #tpu.memory_space<vmem>>[vector<16xi32>, vector<16xi32>], vector<16xf32>,
    %add3A_982 = arith.addf %gather3A_977, %gather3A_981 : vector<16xf32>
    %add3A_983 = arith.addf %add3A_982, %get3A_8 : vector<16xf32>
    %swap3A_984 = arith.constant 416 : index
    %swap3A_985 = tpu.vector_load %arg16[%swap3A_984] {strides = array<i32>} : memref<512xf32, #tpu.memory_space<vmem>>, vector<16xf32>,
    tpu.vector_store %arg16[%swap3A_984], %add3A_983 {strides = array<i32>} : memref<512xf32, #tpu.memory_space<vmem>>, vector<16xf32>,
    %dma_start3A_986 = arith.constant 448 : i32
    %dma_start3A_987 = tpu.memref_slice %arg10[%dma_start3A_986] : memref<512xi32, #tpu.memory_space<vmem>> -> memref<16xi32, #tpu.memory_space<vmem>>
    %dma_start3A_988 = arith.constant 0 : i32
    %dma_start3A_989 = arith.constant 0 : i32
    %dma_start3A_990 = tpu.memref_slice %arg4[%dma_start3A_988, %dma_start3A_989] : memref<7936x128xf32, #tpu.memory_space<hbm>> -> memref<7936x128xf32, #tpu.memory_space<hbm>>
    tpu.enqueue_indirect_dma source(%dma_start3A_990 : memref<7936x128xf32, #tpu.memory_space<hbm>>) target(%arg12 : memref<16x128xf32, #tpu.memory_space<vmem>>) offsets(%dma_start3A_987 : memref<16xi32, #tpu.memory_space<vmem>>) semaphore(%arg18 : memref<!tpu.dma_semaphore, #tpu.memory_space<semaphore_mem>>)
    %dma_start3A_991 = arith.constant 448 : i32
    %dma_start3A_992 = tpu.memref_slice %arg11[%dma_start3A_991] : memref<512xi32, #tpu.memory_space<vmem>> -> memref<16xi32, #tpu.memory_space<vmem>>
    %dma_start3A_993 = arith.constant 0 : i32
    %dma_start3A_994 = arith.constant 0 : i32
    %dma_start3A_995 = tpu.memref_slice %arg5[%dma_start3A_993, %dma_start3A_994] : memref<896x128xf32, #tpu.memory_space<hbm>> -> memref<896x128xf32, #tpu.memory_space<hbm>>
    tpu.enqueue_indirect_dma source(%dma_start3A_995 : memref<896x128xf32, #tpu.memory_space<hbm>>) target(%arg14 : memref<16x128xf32, #tpu.memory_space<vmem>>) offsets(%dma_start3A_992 : memref<16xi32, #tpu.memory_space<vmem>>) semaphore(%arg18 : memref<!tpu.dma_semaphore, #tpu.memory_space<semaphore_mem>>)
    %dma_wait3A_996 = arith.constant 432 : i32
    %dma_wait3A_997 = tpu.memref_slice %arg10[%dma_wait3A_996] : memref<512xi32, #tpu.memory_space<vmem>> -> memref<16xi32, #tpu.memory_space<vmem>>
    %dma_wait3A_998 = arith.constant 0 : i32
    %dma_wait3A_999 = arith.constant 0 : i32
    %dma_wait3A_1000 = tpu.memref_slice %arg4[%dma_wait3A_998, %dma_wait3A_999] : memref<7936x128xf32, #tpu.memory_space<hbm>> -> memref<7936x128xf32, #tpu.memory_space<hbm>>
    tpu.wait_indirect_dma semaphore(%arg19 : memref<!tpu.dma_semaphore, #tpu.memory_space<semaphore_mem>>) src(%dma_wait3A_1000 : memref<7936x128xf32, #tpu.memory_space<hbm>>) dst(%arg13 : memref<16x128xf32, #tpu.memory_space<vmem>>)
    %dma_wait3A_1001 = arith.constant 432 : i32
    %dma_wait3A_1002 = tpu.memref_slice %arg11[%dma_wait3A_1001] : memref<512xi32, #tpu.memory_space<vmem>> -> memref<16xi32, #tpu.memory_space<vmem>>
    %dma_wait3A_1003 = arith.constant 0 : i32
    %dma_wait3A_1004 = arith.constant 0 : i32
    %dma_wait3A_1005 = tpu.memref_slice %arg5[%dma_wait3A_1003, %dma_wait3A_1004] : memref<896x128xf32, #tpu.memory_space<hbm>> -> memref<896x128xf32, #tpu.memory_space<hbm>>
    tpu.wait_indirect_dma semaphore(%arg19 : memref<!tpu.dma_semaphore, #tpu.memory_space<semaphore_mem>>) src(%dma_wait3A_1005 : memref<896x128xf32, #tpu.memory_space<hbm>>) dst(%arg15 : memref<16x128xf32, #tpu.memory_space<vmem>>)
    %get3A_1006 = arith.constant 432 : index
    %get3A_1007 = tpu.vector_load %arg8[%get3A_1006] {strides = array<i32>} : memref<512xi32, #tpu.memory_space<vmem>>, vector<16xi32>,
    %get3A_1008 = arith.constant 432 : index
    %get3A_1009 = tpu.vector_load %arg9[%get3A_1008] {strides = array<i32>} : memref<512xi32, #tpu.memory_space<vmem>>, vector<16xi32>,
    %and3A_1010 = arith.constant 127 : i32
    %and3A_1011 = vector.broadcast %and3A_1010 : i32 to vector<16xi32>
    %and3A_1012 = arith.andi %get3A_1007, %and3A_1011 : vector<16xi32>
    %gather3A_1013 = tpu.vector_load_idx %arg13[%iota3A, %and3A_1012] : memref<16x128xf32, #tpu.memory_space<vmem>>[vector<16xi32>, vector<16xi32>], vector<16xf32>,
    %and3A_1014 = arith.constant 127 : i32
    %and3A_1015 = vector.broadcast %and3A_1014 : i32 to vector<16xi32>
    %and3A_1016 = arith.andi %get3A_1009, %and3A_1015 : vector<16xi32>
    %gather3A_1017 = tpu.vector_load_idx %arg15[%iota3A, %and3A_1016] : memref<16x128xf32, #tpu.memory_space<vmem>>[vector<16xi32>, vector<16xi32>], vector<16xf32>,
    %add3A_1018 = arith.addf %gather3A_1013, %gather3A_1017 : vector<16xf32>
    %add3A_1019 = arith.addf %add3A_1018, %get3A_8 : vector<16xf32>
    %swap3A_1020 = arith.constant 432 : index
    %swap3A_1021 = tpu.vector_load %arg16[%swap3A_1020] {strides = array<i32>} : memref<512xf32, #tpu.memory_space<vmem>>, vector<16xf32>,
    tpu.vector_store %arg16[%swap3A_1020], %add3A_1019 {strides = array<i32>} : memref<512xf32, #tpu.memory_space<vmem>>, vector<16xf32>,
    %dma_start3A_1022 = arith.constant 464 : i32
    %dma_start3A_1023 = tpu.memref_slice %arg10[%dma_start3A_1022] : memref<512xi32, #tpu.memory_space<vmem>> -> memref<16xi32, #tpu.memory_space<vmem>>
    %dma_start3A_1024 = arith.constant 0 : i32
    %dma_start3A_1025 = arith.constant 0 : i32
    %dma_start3A_1026 = tpu.memref_slice %arg4[%dma_start3A_1024, %dma_start3A_1025] : memref<7936x128xf32, #tpu.memory_space<hbm>> -> memref<7936x128xf32, #tpu.memory_space<hbm>>
    tpu.enqueue_indirect_dma source(%dma_start3A_1026 : memref<7936x128xf32, #tpu.memory_space<hbm>>) target(%arg13 : memref<16x128xf32, #tpu.memory_space<vmem>>) offsets(%dma_start3A_1023 : memref<16xi32, #tpu.memory_space<vmem>>) semaphore(%arg19 : memref<!tpu.dma_semaphore, #tpu.memory_space<semaphore_mem>>)
    %dma_start3A_1027 = arith.constant 464 : i32
    %dma_start3A_1028 = tpu.memref_slice %arg11[%dma_start3A_1027] : memref<512xi32, #tpu.memory_space<vmem>> -> memref<16xi32, #tpu.memory_space<vmem>>
    %dma_start3A_1029 = arith.constant 0 : i32
    %dma_start3A_1030 = arith.constant 0 : i32
    %dma_start3A_1031 = tpu.memref_slice %arg5[%dma_start3A_1029, %dma_start3A_1030] : memref<896x128xf32, #tpu.memory_space<hbm>> -> memref<896x128xf32, #tpu.memory_space<hbm>>
    tpu.enqueue_indirect_dma source(%dma_start3A_1031 : memref<896x128xf32, #tpu.memory_space<hbm>>) target(%arg15 : memref<16x128xf32, #tpu.memory_space<vmem>>) offsets(%dma_start3A_1028 : memref<16xi32, #tpu.memory_space<vmem>>) semaphore(%arg19 : memref<!tpu.dma_semaphore, #tpu.memory_space<semaphore_mem>>)
    %dma_wait3A_1032 = arith.constant 448 : i32
    %dma_wait3A_1033 = tpu.memref_slice %arg10[%dma_wait3A_1032] : memref<512xi32, #tpu.memory_space<vmem>> -> memref<16xi32, #tpu.memory_space<vmem>>
    %dma_wait3A_1034 = arith.constant 0 : i32
    %dma_wait3A_1035 = arith.constant 0 : i32
    %dma_wait3A_1036 = tpu.memref_slice %arg4[%dma_wait3A_1034, %dma_wait3A_1035] : memref<7936x128xf32, #tpu.memory_space<hbm>> -> memref<7936x128xf32, #tpu.memory_space<hbm>>
    tpu.wait_indirect_dma semaphore(%arg18 : memref<!tpu.dma_semaphore, #tpu.memory_space<semaphore_mem>>) src(%dma_wait3A_1036 : memref<7936x128xf32, #tpu.memory_space<hbm>>) dst(%arg12 : memref<16x128xf32, #tpu.memory_space<vmem>>)
    %dma_wait3A_1037 = arith.constant 448 : i32
    %dma_wait3A_1038 = tpu.memref_slice %arg11[%dma_wait3A_1037] : memref<512xi32, #tpu.memory_space<vmem>> -> memref<16xi32, #tpu.memory_space<vmem>>
    %dma_wait3A_1039 = arith.constant 0 : i32
    %dma_wait3A_1040 = arith.constant 0 : i32
    %dma_wait3A_1041 = tpu.memref_slice %arg5[%dma_wait3A_1039, %dma_wait3A_1040] : memref<896x128xf32, #tpu.memory_space<hbm>> -> memref<896x128xf32, #tpu.memory_space<hbm>>
    tpu.wait_indirect_dma semaphore(%arg18 : memref<!tpu.dma_semaphore, #tpu.memory_space<semaphore_mem>>) src(%dma_wait3A_1041 : memref<896x128xf32, #tpu.memory_space<hbm>>) dst(%arg14 : memref<16x128xf32, #tpu.memory_space<vmem>>)
    %get3A_1042 = arith.constant 448 : index
    %get3A_1043 = tpu.vector_load %arg8[%get3A_1042] {strides = array<i32>} : memref<512xi32, #tpu.memory_space<vmem>>, vector<16xi32>,
    %get3A_1044 = arith.constant 448 : index
    %get3A_1045 = tpu.vector_load %arg9[%get3A_1044] {strides = array<i32>} : memref<512xi32, #tpu.memory_space<vmem>>, vector<16xi32>,
    %and3A_1046 = arith.constant 127 : i32
    %and3A_1047 = vector.broadcast %and3A_1046 : i32 to vector<16xi32>
    %and3A_1048 = arith.andi %get3A_1043, %and3A_1047 : vector<16xi32>
    %gather3A_1049 = tpu.vector_load_idx %arg12[%iota3A, %and3A_1048] : memref<16x128xf32, #tpu.memory_space<vmem>>[vector<16xi32>, vector<16xi32>], vector<16xf32>,
    %and3A_1050 = arith.constant 127 : i32
    %and3A_1051 = vector.broadcast %and3A_1050 : i32 to vector<16xi32>
    %and3A_1052 = arith.andi %get3A_1045, %and3A_1051 : vector<16xi32>
    %gather3A_1053 = tpu.vector_load_idx %arg14[%iota3A, %and3A_1052] : memref<16x128xf32, #tpu.memory_space<vmem>>[vector<16xi32>, vector<16xi32>], vector<16xf32>,
    %add3A_1054 = arith.addf %gather3A_1049, %gather3A_1053 : vector<16xf32>
    %add3A_1055 = arith.addf %add3A_1054, %get3A_8 : vector<16xf32>
    %swap3A_1056 = arith.constant 448 : index
    %swap3A_1057 = tpu.vector_load %arg16[%swap3A_1056] {strides = array<i32>} : memref<512xf32, #tpu.memory_space<vmem>>, vector<16xf32>,
    tpu.vector_store %arg16[%swap3A_1056], %add3A_1055 {strides = array<i32>} : memref<512xf32, #tpu.memory_space<vmem>>, vector<16xf32>,
    %dma_start3A_1058 = arith.constant 480 : i32
    %dma_start3A_1059 = tpu.memref_slice %arg10[%dma_start3A_1058] : memref<512xi32, #tpu.memory_space<vmem>> -> memref<16xi32, #tpu.memory_space<vmem>>
    %dma_start3A_1060 = arith.constant 0 : i32
    %dma_start3A_1061 = arith.constant 0 : i32
    %dma_start3A_1062 = tpu.memref_slice %arg4[%dma_start3A_1060, %dma_start3A_1061] : memref<7936x128xf32, #tpu.memory_space<hbm>> -> memref<7936x128xf32, #tpu.memory_space<hbm>>
    tpu.enqueue_indirect_dma source(%dma_start3A_1062 : memref<7936x128xf32, #tpu.memory_space<hbm>>) target(%arg12 : memref<16x128xf32, #tpu.memory_space<vmem>>) offsets(%dma_start3A_1059 : memref<16xi32, #tpu.memory_space<vmem>>) semaphore(%arg18 : memref<!tpu.dma_semaphore, #tpu.memory_space<semaphore_mem>>)
    %dma_start3A_1063 = arith.constant 480 : i32
    %dma_start3A_1064 = tpu.memref_slice %arg11[%dma_start3A_1063] : memref<512xi32, #tpu.memory_space<vmem>> -> memref<16xi32, #tpu.memory_space<vmem>>
    %dma_start3A_1065 = arith.constant 0 : i32
    %dma_start3A_1066 = arith.constant 0 : i32
    %dma_start3A_1067 = tpu.memref_slice %arg5[%dma_start3A_1065, %dma_start3A_1066] : memref<896x128xf32, #tpu.memory_space<hbm>> -> memref<896x128xf32, #tpu.memory_space<hbm>>
    tpu.enqueue_indirect_dma source(%dma_start3A_1067 : memref<896x128xf32, #tpu.memory_space<hbm>>) target(%arg14 : memref<16x128xf32, #tpu.memory_space<vmem>>) offsets(%dma_start3A_1064 : memref<16xi32, #tpu.memory_space<vmem>>) semaphore(%arg18 : memref<!tpu.dma_semaphore, #tpu.memory_space<semaphore_mem>>)
    %dma_wait3A_1068 = arith.constant 464 : i32
    %dma_wait3A_1069 = tpu.memref_slice %arg10[%dma_wait3A_1068] : memref<512xi32, #tpu.memory_space<vmem>> -> memref<16xi32, #tpu.memory_space<vmem>>
    %dma_wait3A_1070 = arith.constant 0 : i32
    %dma_wait3A_1071 = arith.constant 0 : i32
    %dma_wait3A_1072 = tpu.memref_slice %arg4[%dma_wait3A_1070, %dma_wait3A_1071] : memref<7936x128xf32, #tpu.memory_space<hbm>> -> memref<7936x128xf32, #tpu.memory_space<hbm>>
    tpu.wait_indirect_dma semaphore(%arg19 : memref<!tpu.dma_semaphore, #tpu.memory_space<semaphore_mem>>) src(%dma_wait3A_1072 : memref<7936x128xf32, #tpu.memory_space<hbm>>) dst(%arg13 : memref<16x128xf32, #tpu.memory_space<vmem>>)
    %dma_wait3A_1073 = arith.constant 464 : i32
    %dma_wait3A_1074 = tpu.memref_slice %arg11[%dma_wait3A_1073] : memref<512xi32, #tpu.memory_space<vmem>> -> memref<16xi32, #tpu.memory_space<vmem>>
    %dma_wait3A_1075 = arith.constant 0 : i32
    %dma_wait3A_1076 = arith.constant 0 : i32
    %dma_wait3A_1077 = tpu.memref_slice %arg5[%dma_wait3A_1075, %dma_wait3A_1076] : memref<896x128xf32, #tpu.memory_space<hbm>> -> memref<896x128xf32, #tpu.memory_space<hbm>>
    tpu.wait_indirect_dma semaphore(%arg19 : memref<!tpu.dma_semaphore, #tpu.memory_space<semaphore_mem>>) src(%dma_wait3A_1077 : memref<896x128xf32, #tpu.memory_space<hbm>>) dst(%arg15 : memref<16x128xf32, #tpu.memory_space<vmem>>)
    %get3A_1078 = arith.constant 464 : index
    %get3A_1079 = tpu.vector_load %arg8[%get3A_1078] {strides = array<i32>} : memref<512xi32, #tpu.memory_space<vmem>>, vector<16xi32>,
    %get3A_1080 = arith.constant 464 : index
    %get3A_1081 = tpu.vector_load %arg9[%get3A_1080] {strides = array<i32>} : memref<512xi32, #tpu.memory_space<vmem>>, vector<16xi32>,
    %and3A_1082 = arith.constant 127 : i32
    %and3A_1083 = vector.broadcast %and3A_1082 : i32 to vector<16xi32>
    %and3A_1084 = arith.andi %get3A_1079, %and3A_1083 : vector<16xi32>
    %gather3A_1085 = tpu.vector_load_idx %arg13[%iota3A, %and3A_1084] : memref<16x128xf32, #tpu.memory_space<vmem>>[vector<16xi32>, vector<16xi32>], vector<16xf32>,
    %and3A_1086 = arith.constant 127 : i32
    %and3A_1087 = vector.broadcast %and3A_1086 : i32 to vector<16xi32>
    %and3A_1088 = arith.andi %get3A_1081, %and3A_1087 : vector<16xi32>
    %gather3A_1089 = tpu.vector_load_idx %arg15[%iota3A, %and3A_1088] : memref<16x128xf32, #tpu.memory_space<vmem>>[vector<16xi32>, vector<16xi32>], vector<16xf32>,
    %add3A_1090 = arith.addf %gather3A_1085, %gather3A_1089 : vector<16xf32>
    %add3A_1091 = arith.addf %add3A_1090, %get3A_8 : vector<16xf32>
    %swap3A_1092 = arith.constant 464 : index
    %swap3A_1093 = tpu.vector_load %arg16[%swap3A_1092] {strides = array<i32>} : memref<512xf32, #tpu.memory_space<vmem>>, vector<16xf32>,
    tpu.vector_store %arg16[%swap3A_1092], %add3A_1091 {strides = array<i32>} : memref<512xf32, #tpu.memory_space<vmem>>, vector<16xf32>,
    %dma_start3A_1094 = arith.constant 496 : i32
    %dma_start3A_1095 = tpu.memref_slice %arg10[%dma_start3A_1094] : memref<512xi32, #tpu.memory_space<vmem>> -> memref<16xi32, #tpu.memory_space<vmem>>
    %dma_start3A_1096 = arith.constant 0 : i32
    %dma_start3A_1097 = arith.constant 0 : i32
    %dma_start3A_1098 = tpu.memref_slice %arg4[%dma_start3A_1096, %dma_start3A_1097] : memref<7936x128xf32, #tpu.memory_space<hbm>> -> memref<7936x128xf32, #tpu.memory_space<hbm>>
    tpu.enqueue_indirect_dma source(%dma_start3A_1098 : memref<7936x128xf32, #tpu.memory_space<hbm>>) target(%arg13 : memref<16x128xf32, #tpu.memory_space<vmem>>) offsets(%dma_start3A_1095 : memref<16xi32, #tpu.memory_space<vmem>>) semaphore(%arg19 : memref<!tpu.dma_semaphore, #tpu.memory_space<semaphore_mem>>)
    %dma_start3A_1099 = arith.constant 496 : i32
    %dma_start3A_1100 = tpu.memref_slice %arg11[%dma_start3A_1099] : memref<512xi32, #tpu.memory_space<vmem>> -> memref<16xi32, #tpu.memory_space<vmem>>
    %dma_start3A_1101 = arith.constant 0 : i32
    %dma_start3A_1102 = arith.constant 0 : i32
    %dma_start3A_1103 = tpu.memref_slice %arg5[%dma_start3A_1101, %dma_start3A_1102] : memref<896x128xf32, #tpu.memory_space<hbm>> -> memref<896x128xf32, #tpu.memory_space<hbm>>
    tpu.enqueue_indirect_dma source(%dma_start3A_1103 : memref<896x128xf32, #tpu.memory_space<hbm>>) target(%arg15 : memref<16x128xf32, #tpu.memory_space<vmem>>) offsets(%dma_start3A_1100 : memref<16xi32, #tpu.memory_space<vmem>>) semaphore(%arg19 : memref<!tpu.dma_semaphore, #tpu.memory_space<semaphore_mem>>)
    %dma_wait3A_1104 = arith.constant 480 : i32
    %dma_wait3A_1105 = tpu.memref_slice %arg10[%dma_wait3A_1104] : memref<512xi32, #tpu.memory_space<vmem>> -> memref<16xi32, #tpu.memory_space<vmem>>
    %dma_wait3A_1106 = arith.constant 0 : i32
    %dma_wait3A_1107 = arith.constant 0 : i32
    %dma_wait3A_1108 = tpu.memref_slice %arg4[%dma_wait3A_1106, %dma_wait3A_1107] : memref<7936x128xf32, #tpu.memory_space<hbm>> -> memref<7936x128xf32, #tpu.memory_space<hbm>>
    tpu.wait_indirect_dma semaphore(%arg18 : memref<!tpu.dma_semaphore, #tpu.memory_space<semaphore_mem>>) src(%dma_wait3A_1108 : memref<7936x128xf32, #tpu.memory_space<hbm>>) dst(%arg12 : memref<16x128xf32, #tpu.memory_space<vmem>>)
    %dma_wait3A_1109 = arith.constant 480 : i32
    %dma_wait3A_1110 = tpu.memref_slice %arg11[%dma_wait3A_1109] : memref<512xi32, #tpu.memory_space<vmem>> -> memref<16xi32, #tpu.memory_space<vmem>>
    %dma_wait3A_1111 = arith.constant 0 : i32
    %dma_wait3A_1112 = arith.constant 0 : i32
    %dma_wait3A_1113 = tpu.memref_slice %arg5[%dma_wait3A_1111, %dma_wait3A_1112] : memref<896x128xf32, #tpu.memory_space<hbm>> -> memref<896x128xf32, #tpu.memory_space<hbm>>
    tpu.wait_indirect_dma semaphore(%arg18 : memref<!tpu.dma_semaphore, #tpu.memory_space<semaphore_mem>>) src(%dma_wait3A_1113 : memref<896x128xf32, #tpu.memory_space<hbm>>) dst(%arg14 : memref<16x128xf32, #tpu.memory_space<vmem>>)
    %get3A_1114 = arith.constant 480 : index
    %get3A_1115 = tpu.vector_load %arg8[%get3A_1114] {strides = array<i32>} : memref<512xi32, #tpu.memory_space<vmem>>, vector<16xi32>,
    %get3A_1116 = arith.constant 480 : index
    %get3A_1117 = tpu.vector_load %arg9[%get3A_1116] {strides = array<i32>} : memref<512xi32, #tpu.memory_space<vmem>>, vector<16xi32>,
    %and3A_1118 = arith.constant 127 : i32
    %and3A_1119 = vector.broadcast %and3A_1118 : i32 to vector<16xi32>
    %and3A_1120 = arith.andi %get3A_1115, %and3A_1119 : vector<16xi32>
    %gather3A_1121 = tpu.vector_load_idx %arg12[%iota3A, %and3A_1120] : memref<16x128xf32, #tpu.memory_space<vmem>>[vector<16xi32>, vector<16xi32>], vector<16xf32>,
    %and3A_1122 = arith.constant 127 : i32
    %and3A_1123 = vector.broadcast %and3A_1122 : i32 to vector<16xi32>
    %and3A_1124 = arith.andi %get3A_1117, %and3A_1123 : vector<16xi32>
    %gather3A_1125 = tpu.vector_load_idx %arg14[%iota3A, %and3A_1124] : memref<16x128xf32, #tpu.memory_space<vmem>>[vector<16xi32>, vector<16xi32>], vector<16xf32>,
    %add3A_1126 = arith.addf %gather3A_1121, %gather3A_1125 : vector<16xf32>
    %add3A_1127 = arith.addf %add3A_1126, %get3A_8 : vector<16xf32>
    %swap3A_1128 = arith.constant 480 : index
    %swap3A_1129 = tpu.vector_load %arg16[%swap3A_1128] {strides = array<i32>} : memref<512xf32, #tpu.memory_space<vmem>>, vector<16xf32>,
    tpu.vector_store %arg16[%swap3A_1128], %add3A_1127 {strides = array<i32>} : memref<512xf32, #tpu.memory_space<vmem>>, vector<16xf32>,
    %dma_wait3A_1130 = arith.constant 496 : i32
    %dma_wait3A_1131 = tpu.memref_slice %arg10[%dma_wait3A_1130] : memref<512xi32, #tpu.memory_space<vmem>> -> memref<16xi32, #tpu.memory_space<vmem>>
    %dma_wait3A_1132 = arith.constant 0 : i32
    %dma_wait3A_1133 = arith.constant 0 : i32
    %dma_wait3A_1134 = tpu.memref_slice %arg4[%dma_wait3A_1132, %dma_wait3A_1133] : memref<7936x128xf32, #tpu.memory_space<hbm>> -> memref<7936x128xf32, #tpu.memory_space<hbm>>
    tpu.wait_indirect_dma semaphore(%arg19 : memref<!tpu.dma_semaphore, #tpu.memory_space<semaphore_mem>>) src(%dma_wait3A_1134 : memref<7936x128xf32, #tpu.memory_space<hbm>>) dst(%arg13 : memref<16x128xf32, #tpu.memory_space<vmem>>)
    %dma_wait3A_1135 = arith.constant 496 : i32
    %dma_wait3A_1136 = tpu.memref_slice %arg11[%dma_wait3A_1135] : memref<512xi32, #tpu.memory_space<vmem>> -> memref<16xi32, #tpu.memory_space<vmem>>
    %dma_wait3A_1137 = arith.constant 0 : i32
    %dma_wait3A_1138 = arith.constant 0 : i32
    %dma_wait3A_1139 = tpu.memref_slice %arg5[%dma_wait3A_1137, %dma_wait3A_1138] : memref<896x128xf32, #tpu.memory_space<hbm>> -> memref<896x128xf32, #tpu.memory_space<hbm>>
    tpu.wait_indirect_dma semaphore(%arg19 : memref<!tpu.dma_semaphore, #tpu.memory_space<semaphore_mem>>) src(%dma_wait3A_1139 : memref<896x128xf32, #tpu.memory_space<hbm>>) dst(%arg15 : memref<16x128xf32, #tpu.memory_space<vmem>>)
    %get3A_1140 = arith.constant 496 : index
    %get3A_1141 = tpu.vector_load %arg8[%get3A_1140] {strides = array<i32>} : memref<512xi32, #tpu.memory_space<vmem>>, vector<16xi32>,
    %get3A_1142 = arith.constant 496 : index
    %get3A_1143 = tpu.vector_load %arg9[%get3A_1142] {strides = array<i32>} : memref<512xi32, #tpu.memory_space<vmem>>, vector<16xi32>,
    %and3A_1144 = arith.constant 127 : i32
    %and3A_1145 = vector.broadcast %and3A_1144 : i32 to vector<16xi32>
    %and3A_1146 = arith.andi %get3A_1141, %and3A_1145 : vector<16xi32>
    %gather3A_1147 = tpu.vector_load_idx %arg13[%iota3A, %and3A_1146] : memref<16x128xf32, #tpu.memory_space<vmem>>[vector<16xi32>, vector<16xi32>], vector<16xf32>,
    %and3A_1148 = arith.constant 127 : i32
    %and3A_1149 = vector.broadcast %and3A_1148 : i32 to vector<16xi32>
    %and3A_1150 = arith.andi %get3A_1143, %and3A_1149 : vector<16xi32>
    %gather3A_1151 = tpu.vector_load_idx %arg15[%iota3A, %and3A_1150] : memref<16x128xf32, #tpu.memory_space<vmem>>[vector<16xi32>, vector<16xi32>], vector<16xf32>,
    %add3A_1152 = arith.addf %gather3A_1147, %gather3A_1151 : vector<16xf32>
    %add3A_1153 = arith.addf %add3A_1152, %get3A_8 : vector<16xf32>
    %swap3A_1154 = arith.constant 496 : index
    %swap3A_1155 = tpu.vector_load %arg16[%swap3A_1154] {strides = array<i32>} : memref<512xf32, #tpu.memory_space<vmem>>, vector<16xf32>,
    tpu.vector_store %arg16[%swap3A_1154], %add3A_1153 {strides = array<i32>} : memref<512xf32, #tpu.memory_space<vmem>>, vector<16xf32>,
    "tpu.region"() ({
      %run_scoped3A = tpu.sem_alloc : memref<!tpu.dma_semaphore, #tpu.memory_space<semaphore_mem>>
      %dma_start3A_1156 = tpu.memref_slice %arg7[%mul3A_2] : memref<16384xf32, #tpu.memory_space<hbm>> -> memref<512xf32, #tpu.memory_space<hbm>>
      %dma_start3A_1157 = tpu.memref_slice %arg7[%mul3A_2] : memref<16384xf32, #tpu.memory_space<hbm>> -> memref<512xf32, #tpu.memory_space<hbm>>
      tpu.enqueue_dma source(%arg16 : memref<512xf32, #tpu.memory_space<vmem>>) target(%dma_start3A_1157 : memref<512xf32, #tpu.memory_space<hbm>>) target_semaphore(%run_scoped3A : memref<!tpu.dma_semaphore, #tpu.memory_space<semaphore_mem>>)
      %dma_wait3A_1158 = tpu.memref_slice %arg7[%mul3A_2] : memref<16384xf32, #tpu.memory_space<hbm>> -> memref<512xf32, #tpu.memory_space<hbm>>
      %dma_wait3A_1159 = tpu.memref_slice %arg7[%mul3A_2] : memref<16384xf32, #tpu.memory_space<hbm>> -> memref<512xf32, #tpu.memory_space<hbm>>
      tpu.wait_dma2 semaphore(%run_scoped3A : memref<!tpu.dma_semaphore, #tpu.memory_space<semaphore_mem>>) src(%arg16 : memref<512xf32, #tpu.memory_space<vmem>>) dst(%dma_wait3A_1159 : memref<512xf32, #tpu.memory_space<hbm>>)
      tpu.yield
    }) : () -> ()
    return
  }
}

module attributes {stable_mosaic.version = 14 : i64} {
  func.func @_proj_body(%arg0: memref<100000x64xf32, #tpu.memory_space<any>>, %arg1: memref<1x64xf32, #tpu.memory_space<vmem>>, %arg2: memref<896x128xf32, #tpu.memory_space<vmem>>, %arg3: memref<16384x64xf32, #tpu.memory_space<vmem>>, %arg4: memref<16384x64xf32, #tpu.memory_space<vmem>>, %arg5: memref<16384x64xf32, #tpu.memory_space<vmem>>, %arg6: memref<16384x64xf32, #tpu.memory_space<vmem>>, %arg7: memref<!tpu.dma_semaphore, #tpu.memory_space<semaphore_mem>>, %arg8: memref<!tpu.dma_semaphore, #tpu.memory_space<semaphore_mem>>, %arg9: memref<!tpu.dma_semaphore, #tpu.memory_space<semaphore_mem>>, %arg10: memref<!tpu.dma_semaphore, #tpu.memory_space<semaphore_mem>>) attributes {dimension_semantics = [], scalar_prefetch = 0 : i64, scratch_operands = 8 : i64, tpu.core_type = #tpu.core_type<tc>} {
    %get3A = arith.constant 0 : index
    %get3A_0 = arith.constant 0 : index
    %get3A_1 = vector.load %arg1[%get3A, %get3A_0] : memref<1x64xf32, #tpu.memory_space<vmem>>, vector<1x64xf32>
    %reshape3A = vector.shape_cast %get3A_1 : vector<1x64xf32> to vector<1x1x64xf32>
    %dma_start3A = arith.constant 0 : i32
    %dma_start3A_2 = arith.constant 0 : i32
    %dma_start3A_3 = tpu.memref_slice %arg3[%dma_start3A, %dma_start3A_2] : memref<16384x64xf32, #tpu.memory_space<vmem>> -> memref<16384x64xf32, #tpu.memory_space<vmem>>
    %dma_start3A_4 = arith.constant 0 : i32
    %dma_start3A_5 = arith.constant 0 : i32
    %dma_start3A_6 = tpu.memref_slice %arg0[%dma_start3A_4, %dma_start3A_5] : memref<100000x64xf32, #tpu.memory_space<any>> -> memref<16384x64xf32, #tpu.memory_space<any>>
    tpu.enqueue_dma source(%dma_start3A_6 : memref<16384x64xf32, #tpu.memory_space<any>>) target(%dma_start3A_3 : memref<16384x64xf32, #tpu.memory_space<vmem>>) target_semaphore(%arg7 : memref<!tpu.dma_semaphore, #tpu.memory_space<semaphore_mem>>)
    %dma_start3A_7 = arith.constant 0 : i32
    %dma_start3A_8 = arith.constant 0 : i32
    %dma_start3A_9 = tpu.memref_slice %arg4[%dma_start3A_7, %dma_start3A_8] : memref<16384x64xf32, #tpu.memory_space<vmem>> -> memref<16384x64xf32, #tpu.memory_space<vmem>>
    %dma_start3A_10 = arith.constant 16384 : i32
    %dma_start3A_11 = arith.constant 0 : i32
    %dma_start3A_12 = tpu.memref_slice %arg0[%dma_start3A_10, %dma_start3A_11] : memref<100000x64xf32, #tpu.memory_space<any>> -> memref<16384x64xf32, #tpu.memory_space<any>>
    tpu.enqueue_dma source(%dma_start3A_12 : memref<16384x64xf32, #tpu.memory_space<any>>) target(%dma_start3A_9 : memref<16384x64xf32, #tpu.memory_space<vmem>>) target_semaphore(%arg8 : memref<!tpu.dma_semaphore, #tpu.memory_space<semaphore_mem>>)
    %dma_start3A_13 = arith.constant 0 : i32
    %dma_start3A_14 = arith.constant 0 : i32
    %dma_start3A_15 = tpu.memref_slice %arg5[%dma_start3A_13, %dma_start3A_14] : memref<16384x64xf32, #tpu.memory_space<vmem>> -> memref<16384x64xf32, #tpu.memory_space<vmem>>
    %dma_start3A_16 = arith.constant 32768 : i32
    %dma_start3A_17 = arith.constant 0 : i32
    %dma_start3A_18 = tpu.memref_slice %arg0[%dma_start3A_16, %dma_start3A_17] : memref<100000x64xf32, #tpu.memory_space<any>> -> memref<16384x64xf32, #tpu.memory_space<any>>
    tpu.enqueue_dma source(%dma_start3A_18 : memref<16384x64xf32, #tpu.memory_space<any>>) target(%dma_start3A_15 : memref<16384x64xf32, #tpu.memory_space<vmem>>) target_semaphore(%arg9 : memref<!tpu.dma_semaphore, #tpu.memory_space<semaphore_mem>>)
    %dma_start3A_19 = arith.constant 0 : i32
    %dma_start3A_20 = arith.constant 0 : i32
    %dma_start3A_21 = tpu.memref_slice %arg6[%dma_start3A_19, %dma_start3A_20] : memref<16384x64xf32, #tpu.memory_space<vmem>> -> memref<16384x64xf32, #tpu.memory_space<vmem>>
    %dma_start3A_22 = arith.constant 49152 : i32
    %dma_start3A_23 = arith.constant 0 : i32
    %dma_start3A_24 = tpu.memref_slice %arg0[%dma_start3A_22, %dma_start3A_23] : memref<100000x64xf32, #tpu.memory_space<any>> -> memref<16384x64xf32, #tpu.memory_space<any>>
    tpu.enqueue_dma source(%dma_start3A_24 : memref<16384x64xf32, #tpu.memory_space<any>>) target(%dma_start3A_21 : memref<16384x64xf32, #tpu.memory_space<vmem>>) target_semaphore(%arg10 : memref<!tpu.dma_semaphore, #tpu.memory_space<semaphore_mem>>)
    %dma_wait3A = arith.constant 0 : i32
    %dma_wait3A_25 = arith.constant 0 : i32
    %dma_wait3A_26 = tpu.memref_slice %arg3[%dma_wait3A, %dma_wait3A_25] : memref<16384x64xf32, #tpu.memory_space<vmem>> -> memref<16384x64xf32, #tpu.memory_space<vmem>>
    %dma_wait3A_27 = arith.constant 0 : i32
    %dma_wait3A_28 = arith.constant 0 : i32
    %dma_wait3A_29 = tpu.memref_slice %arg0[%dma_wait3A_27, %dma_wait3A_28] : memref<100000x64xf32, #tpu.memory_space<any>> -> memref<16384x64xf32, #tpu.memory_space<any>>
    tpu.wait_dma2 semaphore(%arg7 : memref<!tpu.dma_semaphore, #tpu.memory_space<semaphore_mem>>) src(%dma_wait3A_29 : memref<16384x64xf32, #tpu.memory_space<any>>) dst(%dma_wait3A_26 : memref<16384x64xf32, #tpu.memory_space<vmem>>)
    %get3A_30 = arith.constant 0 : index
    %get3A_31 = arith.constant 0 : index
    %get3A_32 = vector.load %arg3[%get3A_30, %get3A_31] : memref<16384x64xf32, #tpu.memory_space<vmem>>, vector<16384x64xf32>
    %reshape3A_33 = vector.shape_cast %get3A_32 : vector<16384x64xf32> to vector<128x128x64xf32>
    %mul3A = vector.broadcast %reshape3A : vector<1x1x64xf32> to vector<128x128x64xf32>
    %mul3A_34 = arith.mulf %reshape3A_33, %mul3A : vector<128x128x64xf32>
    %reduce_sum3A = arith.constant dense<0.000000e+00> : vector<128x128xf32>
    %reduce_sum3A_35 = vector.multi_reduction <add>, %mul3A_34, %reduce_sum3A [2] : vector<128x128x64xf32> to vector<128x128xf32>
    %swap3A = arith.constant 0 : index
    %swap3A_36 = arith.constant 0 : index
    %swap3A_37 = vector.load %arg2[%swap3A, %swap3A_36] : memref<896x128xf32, #tpu.memory_space<vmem>>, vector<128x128xf32>
    tpu.vector_store %arg2[%swap3A, %swap3A_36], %reduce_sum3A_35 {strides = array<i32>} : memref<896x128xf32, #tpu.memory_space<vmem>>, vector<128x128xf32>,
    %dma_start3A_38 = arith.constant 0 : i32
    %dma_start3A_39 = arith.constant 0 : i32
    %dma_start3A_40 = tpu.memref_slice %arg3[%dma_start3A_38, %dma_start3A_39] : memref<16384x64xf32, #tpu.memory_space<vmem>> -> memref<16384x64xf32, #tpu.memory_space<vmem>>
    %dma_start3A_41 = arith.constant 65536 : i32
    %dma_start3A_42 = arith.constant 0 : i32
    %dma_start3A_43 = tpu.memref_slice %arg0[%dma_start3A_41, %dma_start3A_42] : memref<100000x64xf32, #tpu.memory_space<any>> -> memref<16384x64xf32, #tpu.memory_space<any>>
    tpu.enqueue_dma source(%dma_start3A_43 : memref<16384x64xf32, #tpu.memory_space<any>>) target(%dma_start3A_40 : memref<16384x64xf32, #tpu.memory_space<vmem>>) target_semaphore(%arg7 : memref<!tpu.dma_semaphore, #tpu.memory_space<semaphore_mem>>)
    %dma_wait3A_44 = arith.constant 0 : i32
    %dma_wait3A_45 = arith.constant 0 : i32
    %dma_wait3A_46 = tpu.memref_slice %arg4[%dma_wait3A_44, %dma_wait3A_45] : memref<16384x64xf32, #tpu.memory_space<vmem>> -> memref<16384x64xf32, #tpu.memory_space<vmem>>
    %dma_wait3A_47 = arith.constant 16384 : i32
    %dma_wait3A_48 = arith.constant 0 : i32
    %dma_wait3A_49 = tpu.memref_slice %arg0[%dma_wait3A_47, %dma_wait3A_48] : memref<100000x64xf32, #tpu.memory_space<any>> -> memref<16384x64xf32, #tpu.memory_space<any>>
    tpu.wait_dma2 semaphore(%arg8 : memref<!tpu.dma_semaphore, #tpu.memory_space<semaphore_mem>>) src(%dma_wait3A_49 : memref<16384x64xf32, #tpu.memory_space<any>>) dst(%dma_wait3A_46 : memref<16384x64xf32, #tpu.memory_space<vmem>>)
    %get3A_50 = arith.constant 0 : index
    %get3A_51 = arith.constant 0 : index
    %get3A_52 = vector.load %arg4[%get3A_50, %get3A_51] : memref<16384x64xf32, #tpu.memory_space<vmem>>, vector<16384x64xf32>
    %reshape3A_53 = vector.shape_cast %get3A_52 : vector<16384x64xf32> to vector<128x128x64xf32>
    %mul3A_54 = vector.broadcast %reshape3A : vector<1x1x64xf32> to vector<128x128x64xf32>
    %mul3A_55 = arith.mulf %reshape3A_53, %mul3A_54 : vector<128x128x64xf32>
    %reduce_sum3A_56 = arith.constant dense<0.000000e+00> : vector<128x128xf32>
    %reduce_sum3A_57 = vector.multi_reduction <add>, %mul3A_55, %reduce_sum3A_56 [2] : vector<128x128x64xf32> to vector<128x128xf32>
    %swap3A_58 = arith.constant 128 : index
    %swap3A_59 = arith.constant 0 : index
    %swap3A_60 = vector.load %arg2[%swap3A_58, %swap3A_59] : memref<896x128xf32, #tpu.memory_space<vmem>>, vector<128x128xf32>
    tpu.vector_store %arg2[%swap3A_58, %swap3A_59], %reduce_sum3A_57 {strides = array<i32>} : memref<896x128xf32, #tpu.memory_space<vmem>>, vector<128x128xf32>,
    %dma_start3A_61 = arith.constant 0 : i32
    %dma_start3A_62 = arith.constant 0 : i32
    %dma_start3A_63 = tpu.memref_slice %arg4[%dma_start3A_61, %dma_start3A_62] : memref<16384x64xf32, #tpu.memory_space<vmem>> -> memref<16384x64xf32, #tpu.memory_space<vmem>>
    %dma_start3A_64 = arith.constant 81920 : i32
    %dma_start3A_65 = arith.constant 0 : i32
    %dma_start3A_66 = tpu.memref_slice %arg0[%dma_start3A_64, %dma_start3A_65] : memref<100000x64xf32, #tpu.memory_space<any>> -> memref<16384x64xf32, #tpu.memory_space<any>>
    tpu.enqueue_dma source(%dma_start3A_66 : memref<16384x64xf32, #tpu.memory_space<any>>) target(%dma_start3A_63 : memref<16384x64xf32, #tpu.memory_space<vmem>>) target_semaphore(%arg8 : memref<!tpu.dma_semaphore, #tpu.memory_space<semaphore_mem>>)
    %dma_wait3A_67 = arith.constant 0 : i32
    %dma_wait3A_68 = arith.constant 0 : i32
    %dma_wait3A_69 = tpu.memref_slice %arg5[%dma_wait3A_67, %dma_wait3A_68] : memref<16384x64xf32, #tpu.memory_space<vmem>> -> memref<16384x64xf32, #tpu.memory_space<vmem>>
    %dma_wait3A_70 = arith.constant 32768 : i32
    %dma_wait3A_71 = arith.constant 0 : i32
    %dma_wait3A_72 = tpu.memref_slice %arg0[%dma_wait3A_70, %dma_wait3A_71] : memref<100000x64xf32, #tpu.memory_space<any>> -> memref<16384x64xf32, #tpu.memory_space<any>>
    tpu.wait_dma2 semaphore(%arg9 : memref<!tpu.dma_semaphore, #tpu.memory_space<semaphore_mem>>) src(%dma_wait3A_72 : memref<16384x64xf32, #tpu.memory_space<any>>) dst(%dma_wait3A_69 : memref<16384x64xf32, #tpu.memory_space<vmem>>)
    %get3A_73 = arith.constant 0 : index
    %get3A_74 = arith.constant 0 : index
    %get3A_75 = vector.load %arg5[%get3A_73, %get3A_74] : memref<16384x64xf32, #tpu.memory_space<vmem>>, vector<16384x64xf32>
    %reshape3A_76 = vector.shape_cast %get3A_75 : vector<16384x64xf32> to vector<128x128x64xf32>
    %mul3A_77 = vector.broadcast %reshape3A : vector<1x1x64xf32> to vector<128x128x64xf32>
    %mul3A_78 = arith.mulf %reshape3A_76, %mul3A_77 : vector<128x128x64xf32>
    %reduce_sum3A_79 = arith.constant dense<0.000000e+00> : vector<128x128xf32>
    %reduce_sum3A_80 = vector.multi_reduction <add>, %mul3A_78, %reduce_sum3A_79 [2] : vector<128x128x64xf32> to vector<128x128xf32>
    %swap3A_81 = arith.constant 256 : index
    %swap3A_82 = arith.constant 0 : index
    %swap3A_83 = vector.load %arg2[%swap3A_81, %swap3A_82] : memref<896x128xf32, #tpu.memory_space<vmem>>, vector<128x128xf32>
    tpu.vector_store %arg2[%swap3A_81, %swap3A_82], %reduce_sum3A_80 {strides = array<i32>} : memref<896x128xf32, #tpu.memory_space<vmem>>, vector<128x128xf32>,
    %dma_start3A_84 = arith.constant 0 : i32
    %dma_start3A_85 = arith.constant 0 : i32
    %dma_start3A_86 = tpu.memref_slice %arg5[%dma_start3A_84, %dma_start3A_85] : memref<16384x64xf32, #tpu.memory_space<vmem>> -> memref<1696x64xf32, #tpu.memory_space<vmem>>
    %dma_start3A_87 = arith.constant 98304 : i32
    %dma_start3A_88 = arith.constant 0 : i32
    %dma_start3A_89 = tpu.memref_slice %arg0[%dma_start3A_87, %dma_start3A_88] : memref<100000x64xf32, #tpu.memory_space<any>> -> memref<1696x64xf32, #tpu.memory_space<any>>
    tpu.enqueue_dma source(%dma_start3A_89 : memref<1696x64xf32, #tpu.memory_space<any>>) target(%dma_start3A_86 : memref<1696x64xf32, #tpu.memory_space<vmem>>) target_semaphore(%arg9 : memref<!tpu.dma_semaphore, #tpu.memory_space<semaphore_mem>>)
    %dma_wait3A_90 = arith.constant 0 : i32
    %dma_wait3A_91 = arith.constant 0 : i32
    %dma_wait3A_92 = tpu.memref_slice %arg6[%dma_wait3A_90, %dma_wait3A_91] : memref<16384x64xf32, #tpu.memory_space<vmem>> -> memref<16384x64xf32, #tpu.memory_space<vmem>>
    %dma_wait3A_93 = arith.constant 49152 : i32
    %dma_wait3A_94 = arith.constant 0 : i32
    %dma_wait3A_95 = tpu.memref_slice %arg0[%dma_wait3A_93, %dma_wait3A_94] : memref<100000x64xf32, #tpu.memory_space<any>> -> memref<16384x64xf32, #tpu.memory_space<any>>
    tpu.wait_dma2 semaphore(%arg10 : memref<!tpu.dma_semaphore, #tpu.memory_space<semaphore_mem>>) src(%dma_wait3A_95 : memref<16384x64xf32, #tpu.memory_space<any>>) dst(%dma_wait3A_92 : memref<16384x64xf32, #tpu.memory_space<vmem>>)
    %get3A_96 = arith.constant 0 : index
    %get3A_97 = arith.constant 0 : index
    %get3A_98 = vector.load %arg6[%get3A_96, %get3A_97] : memref<16384x64xf32, #tpu.memory_space<vmem>>, vector<16384x64xf32>
    %reshape3A_99 = vector.shape_cast %get3A_98 : vector<16384x64xf32> to vector<128x128x64xf32>
    %mul3A_100 = vector.broadcast %reshape3A : vector<1x1x64xf32> to vector<128x128x64xf32>
    %mul3A_101 = arith.mulf %reshape3A_99, %mul3A_100 : vector<128x128x64xf32>
    %reduce_sum3A_102 = arith.constant dense<0.000000e+00> : vector<128x128xf32>
    %reduce_sum3A_103 = vector.multi_reduction <add>, %mul3A_101, %reduce_sum3A_102 [2] : vector<128x128x64xf32> to vector<128x128xf32>
    %swap3A_104 = arith.constant 384 : index
    %swap3A_105 = arith.constant 0 : index
    %swap3A_106 = vector.load %arg2[%swap3A_104, %swap3A_105] : memref<896x128xf32, #tpu.memory_space<vmem>>, vector<128x128xf32>
    tpu.vector_store %arg2[%swap3A_104, %swap3A_105], %reduce_sum3A_103 {strides = array<i32>} : memref<896x128xf32, #tpu.memory_space<vmem>>, vector<128x128xf32>,
    %dma_wait3A_107 = arith.constant 0 : i32
    %dma_wait3A_108 = arith.constant 0 : i32
    %dma_wait3A_109 = tpu.memref_slice %arg3[%dma_wait3A_107, %dma_wait3A_108] : memref<16384x64xf32, #tpu.memory_space<vmem>> -> memref<16384x64xf32, #tpu.memory_space<vmem>>
    %dma_wait3A_110 = arith.constant 65536 : i32
    %dma_wait3A_111 = arith.constant 0 : i32
    %dma_wait3A_112 = tpu.memref_slice %arg0[%dma_wait3A_110, %dma_wait3A_111] : memref<100000x64xf32, #tpu.memory_space<any>> -> memref<16384x64xf32, #tpu.memory_space<any>>
    tpu.wait_dma2 semaphore(%arg7 : memref<!tpu.dma_semaphore, #tpu.memory_space<semaphore_mem>>) src(%dma_wait3A_112 : memref<16384x64xf32, #tpu.memory_space<any>>) dst(%dma_wait3A_109 : memref<16384x64xf32, #tpu.memory_space<vmem>>)
    %get3A_113 = arith.constant 0 : index
    %get3A_114 = arith.constant 0 : index
    %get3A_115 = vector.load %arg3[%get3A_113, %get3A_114] : memref<16384x64xf32, #tpu.memory_space<vmem>>, vector<16384x64xf32>
    %reshape3A_116 = vector.shape_cast %get3A_115 : vector<16384x64xf32> to vector<128x128x64xf32>
    %mul3A_117 = vector.broadcast %reshape3A : vector<1x1x64xf32> to vector<128x128x64xf32>
    %mul3A_118 = arith.mulf %reshape3A_116, %mul3A_117 : vector<128x128x64xf32>
    %reduce_sum3A_119 = arith.constant dense<0.000000e+00> : vector<128x128xf32>
    %reduce_sum3A_120 = vector.multi_reduction <add>, %mul3A_118, %reduce_sum3A_119 [2] : vector<128x128x64xf32> to vector<128x128xf32>
    %swap3A_121 = arith.constant 512 : index
    %swap3A_122 = arith.constant 0 : index
    %swap3A_123 = vector.load %arg2[%swap3A_121, %swap3A_122] : memref<896x128xf32, #tpu.memory_space<vmem>>, vector<128x128xf32>
    tpu.vector_store %arg2[%swap3A_121, %swap3A_122], %reduce_sum3A_120 {strides = array<i32>} : memref<896x128xf32, #tpu.memory_space<vmem>>, vector<128x128xf32>,
    %dma_wait3A_124 = arith.constant 0 : i32
    %dma_wait3A_125 = arith.constant 0 : i32
    %dma_wait3A_126 = tpu.memref_slice %arg4[%dma_wait3A_124, %dma_wait3A_125] : memref<16384x64xf32, #tpu.memory_space<vmem>> -> memref<16384x64xf32, #tpu.memory_space<vmem>>
    %dma_wait3A_127 = arith.constant 81920 : i32
    %dma_wait3A_128 = arith.constant 0 : i32
    %dma_wait3A_129 = tpu.memref_slice %arg0[%dma_wait3A_127, %dma_wait3A_128] : memref<100000x64xf32, #tpu.memory_space<any>> -> memref<16384x64xf32, #tpu.memory_space<any>>
    tpu.wait_dma2 semaphore(%arg8 : memref<!tpu.dma_semaphore, #tpu.memory_space<semaphore_mem>>) src(%dma_wait3A_129 : memref<16384x64xf32, #tpu.memory_space<any>>) dst(%dma_wait3A_126 : memref<16384x64xf32, #tpu.memory_space<vmem>>)
    %get3A_130 = arith.constant 0 : index
    %get3A_131 = arith.constant 0 : index
    %get3A_132 = vector.load %arg4[%get3A_130, %get3A_131] : memref<16384x64xf32, #tpu.memory_space<vmem>>, vector<16384x64xf32>
    %reshape3A_133 = vector.shape_cast %get3A_132 : vector<16384x64xf32> to vector<128x128x64xf32>
    %mul3A_134 = vector.broadcast %reshape3A : vector<1x1x64xf32> to vector<128x128x64xf32>
    %mul3A_135 = arith.mulf %reshape3A_133, %mul3A_134 : vector<128x128x64xf32>
    %reduce_sum3A_136 = arith.constant dense<0.000000e+00> : vector<128x128xf32>
    %reduce_sum3A_137 = vector.multi_reduction <add>, %mul3A_135, %reduce_sum3A_136 [2] : vector<128x128x64xf32> to vector<128x128xf32>
    %swap3A_138 = arith.constant 640 : index
    %swap3A_139 = arith.constant 0 : index
    %swap3A_140 = vector.load %arg2[%swap3A_138, %swap3A_139] : memref<896x128xf32, #tpu.memory_space<vmem>>, vector<128x128xf32>
    tpu.vector_store %arg2[%swap3A_138, %swap3A_139], %reduce_sum3A_137 {strides = array<i32>} : memref<896x128xf32, #tpu.memory_space<vmem>>, vector<128x128xf32>,
    %dma_wait3A_141 = arith.constant 0 : i32
    %dma_wait3A_142 = arith.constant 0 : i32
    %dma_wait3A_143 = tpu.memref_slice %arg5[%dma_wait3A_141, %dma_wait3A_142] : memref<16384x64xf32, #tpu.memory_space<vmem>> -> memref<1696x64xf32, #tpu.memory_space<vmem>>
    %dma_wait3A_144 = arith.constant 98304 : i32
    %dma_wait3A_145 = arith.constant 0 : i32
    %dma_wait3A_146 = tpu.memref_slice %arg0[%dma_wait3A_144, %dma_wait3A_145] : memref<100000x64xf32, #tpu.memory_space<any>> -> memref<1696x64xf32, #tpu.memory_space<any>>
    tpu.wait_dma2 semaphore(%arg9 : memref<!tpu.dma_semaphore, #tpu.memory_space<semaphore_mem>>) src(%dma_wait3A_146 : memref<1696x64xf32, #tpu.memory_space<any>>) dst(%dma_wait3A_143 : memref<1696x64xf32, #tpu.memory_space<vmem>>)
    %get3A_147 = arith.constant 0 : index
    %get3A_148 = arith.constant 0 : index
    %get3A_149 = vector.load %arg5[%get3A_147, %get3A_148] : memref<16384x64xf32, #tpu.memory_space<vmem>>, vector<16384x64xf32>
    %reshape3A_150 = vector.shape_cast %get3A_149 : vector<16384x64xf32> to vector<128x128x64xf32>
    %mul3A_151 = vector.broadcast %reshape3A : vector<1x1x64xf32> to vector<128x128x64xf32>
    %mul3A_152 = arith.mulf %reshape3A_150, %mul3A_151 : vector<128x128x64xf32>
    %reduce_sum3A_153 = arith.constant dense<0.000000e+00> : vector<128x128xf32>
    %reduce_sum3A_154 = vector.multi_reduction <add>, %mul3A_152, %reduce_sum3A_153 [2] : vector<128x128x64xf32> to vector<128x128xf32>
    %swap3A_155 = arith.constant 768 : index
    %swap3A_156 = arith.constant 0 : index
    %swap3A_157 = vector.load %arg2[%swap3A_155, %swap3A_156] : memref<896x128xf32, #tpu.memory_space<vmem>>, vector<128x128xf32>
    tpu.vector_store %arg2[%swap3A_155, %swap3A_156], %reduce_sum3A_154 {strides = array<i32>} : memref<896x128xf32, #tpu.memory_space<vmem>>, vector<128x128xf32>,
    return
  }
}

module attributes {stable_mosaic.version = 14 : i64} {
  func.func @_proj_body(%arg0: memref<1000000x64xf32, #tpu.memory_space<any>>, %arg1: memref<1x64xf32, #tpu.memory_space<vmem>>, %arg2: memref<7936x128xf32, #tpu.memory_space<vmem>>, %arg3: memref<16384x64xf32, #tpu.memory_space<vmem>>, %arg4: memref<16384x64xf32, #tpu.memory_space<vmem>>, %arg5: memref<16384x64xf32, #tpu.memory_space<vmem>>, %arg6: memref<16384x64xf32, #tpu.memory_space<vmem>>, %arg7: memref<!tpu.dma_semaphore, #tpu.memory_space<semaphore_mem>>, %arg8: memref<!tpu.dma_semaphore, #tpu.memory_space<semaphore_mem>>, %arg9: memref<!tpu.dma_semaphore, #tpu.memory_space<semaphore_mem>>, %arg10: memref<!tpu.dma_semaphore, #tpu.memory_space<semaphore_mem>>) attributes {dimension_semantics = [], scalar_prefetch = 0 : i64, scratch_operands = 8 : i64, tpu.core_type = #tpu.core_type<tc>} {
    %get3A = arith.constant 0 : index
    %get3A_0 = arith.constant 0 : index
    %get3A_1 = vector.load %arg1[%get3A, %get3A_0] : memref<1x64xf32, #tpu.memory_space<vmem>>, vector<1x64xf32>
    %reshape3A = vector.shape_cast %get3A_1 : vector<1x64xf32> to vector<1x1x64xf32>
    %dma_start3A = arith.constant 0 : i32
    %dma_start3A_2 = arith.constant 0 : i32
    %dma_start3A_3 = tpu.memref_slice %arg3[%dma_start3A, %dma_start3A_2] : memref<16384x64xf32, #tpu.memory_space<vmem>> -> memref<16384x64xf32, #tpu.memory_space<vmem>>
    %dma_start3A_4 = arith.constant 0 : i32
    %dma_start3A_5 = arith.constant 0 : i32
    %dma_start3A_6 = tpu.memref_slice %arg0[%dma_start3A_4, %dma_start3A_5] : memref<1000000x64xf32, #tpu.memory_space<any>> -> memref<16384x64xf32, #tpu.memory_space<any>>
    tpu.enqueue_dma source(%dma_start3A_6 : memref<16384x64xf32, #tpu.memory_space<any>>) target(%dma_start3A_3 : memref<16384x64xf32, #tpu.memory_space<vmem>>) target_semaphore(%arg7 : memref<!tpu.dma_semaphore, #tpu.memory_space<semaphore_mem>>)
    %dma_start3A_7 = arith.constant 0 : i32
    %dma_start3A_8 = arith.constant 0 : i32
    %dma_start3A_9 = tpu.memref_slice %arg4[%dma_start3A_7, %dma_start3A_8] : memref<16384x64xf32, #tpu.memory_space<vmem>> -> memref<16384x64xf32, #tpu.memory_space<vmem>>
    %dma_start3A_10 = arith.constant 16384 : i32
    %dma_start3A_11 = arith.constant 0 : i32
    %dma_start3A_12 = tpu.memref_slice %arg0[%dma_start3A_10, %dma_start3A_11] : memref<1000000x64xf32, #tpu.memory_space<any>> -> memref<16384x64xf32, #tpu.memory_space<any>>
    tpu.enqueue_dma source(%dma_start3A_12 : memref<16384x64xf32, #tpu.memory_space<any>>) target(%dma_start3A_9 : memref<16384x64xf32, #tpu.memory_space<vmem>>) target_semaphore(%arg8 : memref<!tpu.dma_semaphore, #tpu.memory_space<semaphore_mem>>)
    %dma_start3A_13 = arith.constant 0 : i32
    %dma_start3A_14 = arith.constant 0 : i32
    %dma_start3A_15 = tpu.memref_slice %arg5[%dma_start3A_13, %dma_start3A_14] : memref<16384x64xf32, #tpu.memory_space<vmem>> -> memref<16384x64xf32, #tpu.memory_space<vmem>>
    %dma_start3A_16 = arith.constant 32768 : i32
    %dma_start3A_17 = arith.constant 0 : i32
    %dma_start3A_18 = tpu.memref_slice %arg0[%dma_start3A_16, %dma_start3A_17] : memref<1000000x64xf32, #tpu.memory_space<any>> -> memref<16384x64xf32, #tpu.memory_space<any>>
    tpu.enqueue_dma source(%dma_start3A_18 : memref<16384x64xf32, #tpu.memory_space<any>>) target(%dma_start3A_15 : memref<16384x64xf32, #tpu.memory_space<vmem>>) target_semaphore(%arg9 : memref<!tpu.dma_semaphore, #tpu.memory_space<semaphore_mem>>)
    %dma_start3A_19 = arith.constant 0 : i32
    %dma_start3A_20 = arith.constant 0 : i32
    %dma_start3A_21 = tpu.memref_slice %arg6[%dma_start3A_19, %dma_start3A_20] : memref<16384x64xf32, #tpu.memory_space<vmem>> -> memref<16384x64xf32, #tpu.memory_space<vmem>>
    %dma_start3A_22 = arith.constant 49152 : i32
    %dma_start3A_23 = arith.constant 0 : i32
    %dma_start3A_24 = tpu.memref_slice %arg0[%dma_start3A_22, %dma_start3A_23] : memref<1000000x64xf32, #tpu.memory_space<any>> -> memref<16384x64xf32, #tpu.memory_space<any>>
    tpu.enqueue_dma source(%dma_start3A_24 : memref<16384x64xf32, #tpu.memory_space<any>>) target(%dma_start3A_21 : memref<16384x64xf32, #tpu.memory_space<vmem>>) target_semaphore(%arg10 : memref<!tpu.dma_semaphore, #tpu.memory_space<semaphore_mem>>)
    %dma_wait3A = arith.constant 0 : i32
    %dma_wait3A_25 = arith.constant 0 : i32
    %dma_wait3A_26 = tpu.memref_slice %arg3[%dma_wait3A, %dma_wait3A_25] : memref<16384x64xf32, #tpu.memory_space<vmem>> -> memref<16384x64xf32, #tpu.memory_space<vmem>>
    %dma_wait3A_27 = arith.constant 0 : i32
    %dma_wait3A_28 = arith.constant 0 : i32
    %dma_wait3A_29 = tpu.memref_slice %arg0[%dma_wait3A_27, %dma_wait3A_28] : memref<1000000x64xf32, #tpu.memory_space<any>> -> memref<16384x64xf32, #tpu.memory_space<any>>
    tpu.wait_dma2 semaphore(%arg7 : memref<!tpu.dma_semaphore, #tpu.memory_space<semaphore_mem>>) src(%dma_wait3A_29 : memref<16384x64xf32, #tpu.memory_space<any>>) dst(%dma_wait3A_26 : memref<16384x64xf32, #tpu.memory_space<vmem>>)
    %get3A_30 = arith.constant 0 : index
    %get3A_31 = arith.constant 0 : index
    %get3A_32 = vector.load %arg3[%get3A_30, %get3A_31] : memref<16384x64xf32, #tpu.memory_space<vmem>>, vector<16384x64xf32>
    %reshape3A_33 = vector.shape_cast %get3A_32 : vector<16384x64xf32> to vector<128x128x64xf32>
    %mul3A = vector.broadcast %reshape3A : vector<1x1x64xf32> to vector<128x128x64xf32>
    %mul3A_34 = arith.mulf %reshape3A_33, %mul3A : vector<128x128x64xf32>
    %reduce_sum3A = arith.constant dense<0.000000e+00> : vector<128x128xf32>
    %reduce_sum3A_35 = vector.multi_reduction <add>, %mul3A_34, %reduce_sum3A [2] : vector<128x128x64xf32> to vector<128x128xf32>
    %swap3A = arith.constant 0 : index
    %swap3A_36 = arith.constant 0 : index
    %swap3A_37 = vector.load %arg2[%swap3A, %swap3A_36] : memref<7936x128xf32, #tpu.memory_space<vmem>>, vector<128x128xf32>
    tpu.vector_store %arg2[%swap3A, %swap3A_36], %reduce_sum3A_35 {strides = array<i32>} : memref<7936x128xf32, #tpu.memory_space<vmem>>, vector<128x128xf32>,
    %dma_start3A_38 = arith.constant 0 : i32
    %dma_start3A_39 = arith.constant 0 : i32
    %dma_start3A_40 = tpu.memref_slice %arg3[%dma_start3A_38, %dma_start3A_39] : memref<16384x64xf32, #tpu.memory_space<vmem>> -> memref<16384x64xf32, #tpu.memory_space<vmem>>
    %dma_start3A_41 = arith.constant 65536 : i32
    %dma_start3A_42 = arith.constant 0 : i32
    %dma_start3A_43 = tpu.memref_slice %arg0[%dma_start3A_41, %dma_start3A_42] : memref<1000000x64xf32, #tpu.memory_space<any>> -> memref<16384x64xf32, #tpu.memory_space<any>>
    tpu.enqueue_dma source(%dma_start3A_43 : memref<16384x64xf32, #tpu.memory_space<any>>) target(%dma_start3A_40 : memref<16384x64xf32, #tpu.memory_space<vmem>>) target_semaphore(%arg7 : memref<!tpu.dma_semaphore, #tpu.memory_space<semaphore_mem>>)
    %dma_wait3A_44 = arith.constant 0 : i32
    %dma_wait3A_45 = arith.constant 0 : i32
    %dma_wait3A_46 = tpu.memref_slice %arg4[%dma_wait3A_44, %dma_wait3A_45] : memref<16384x64xf32, #tpu.memory_space<vmem>> -> memref<16384x64xf32, #tpu.memory_space<vmem>>
    %dma_wait3A_47 = arith.constant 16384 : i32
    %dma_wait3A_48 = arith.constant 0 : i32
    %dma_wait3A_49 = tpu.memref_slice %arg0[%dma_wait3A_47, %dma_wait3A_48] : memref<1000000x64xf32, #tpu.memory_space<any>> -> memref<16384x64xf32, #tpu.memory_space<any>>
    tpu.wait_dma2 semaphore(%arg8 : memref<!tpu.dma_semaphore, #tpu.memory_space<semaphore_mem>>) src(%dma_wait3A_49 : memref<16384x64xf32, #tpu.memory_space<any>>) dst(%dma_wait3A_46 : memref<16384x64xf32, #tpu.memory_space<vmem>>)
    %get3A_50 = arith.constant 0 : index
    %get3A_51 = arith.constant 0 : index
    %get3A_52 = vector.load %arg4[%get3A_50, %get3A_51] : memref<16384x64xf32, #tpu.memory_space<vmem>>, vector<16384x64xf32>
    %reshape3A_53 = vector.shape_cast %get3A_52 : vector<16384x64xf32> to vector<128x128x64xf32>
    %mul3A_54 = vector.broadcast %reshape3A : vector<1x1x64xf32> to vector<128x128x64xf32>
    %mul3A_55 = arith.mulf %reshape3A_53, %mul3A_54 : vector<128x128x64xf32>
    %reduce_sum3A_56 = arith.constant dense<0.000000e+00> : vector<128x128xf32>
    %reduce_sum3A_57 = vector.multi_reduction <add>, %mul3A_55, %reduce_sum3A_56 [2] : vector<128x128x64xf32> to vector<128x128xf32>
    %swap3A_58 = arith.constant 128 : index
    %swap3A_59 = arith.constant 0 : index
    %swap3A_60 = vector.load %arg2[%swap3A_58, %swap3A_59] : memref<7936x128xf32, #tpu.memory_space<vmem>>, vector<128x128xf32>
    tpu.vector_store %arg2[%swap3A_58, %swap3A_59], %reduce_sum3A_57 {strides = array<i32>} : memref<7936x128xf32, #tpu.memory_space<vmem>>, vector<128x128xf32>,
    %dma_start3A_61 = arith.constant 0 : i32
    %dma_start3A_62 = arith.constant 0 : i32
    %dma_start3A_63 = tpu.memref_slice %arg4[%dma_start3A_61, %dma_start3A_62] : memref<16384x64xf32, #tpu.memory_space<vmem>> -> memref<16384x64xf32, #tpu.memory_space<vmem>>
    %dma_start3A_64 = arith.constant 81920 : i32
    %dma_start3A_65 = arith.constant 0 : i32
    %dma_start3A_66 = tpu.memref_slice %arg0[%dma_start3A_64, %dma_start3A_65] : memref<1000000x64xf32, #tpu.memory_space<any>> -> memref<16384x64xf32, #tpu.memory_space<any>>
    tpu.enqueue_dma source(%dma_start3A_66 : memref<16384x64xf32, #tpu.memory_space<any>>) target(%dma_start3A_63 : memref<16384x64xf32, #tpu.memory_space<vmem>>) target_semaphore(%arg8 : memref<!tpu.dma_semaphore, #tpu.memory_space<semaphore_mem>>)
    %dma_wait3A_67 = arith.constant 0 : i32
    %dma_wait3A_68 = arith.constant 0 : i32
    %dma_wait3A_69 = tpu.memref_slice %arg5[%dma_wait3A_67, %dma_wait3A_68] : memref<16384x64xf32, #tpu.memory_space<vmem>> -> memref<16384x64xf32, #tpu.memory_space<vmem>>
    %dma_wait3A_70 = arith.constant 32768 : i32
    %dma_wait3A_71 = arith.constant 0 : i32
    %dma_wait3A_72 = tpu.memref_slice %arg0[%dma_wait3A_70, %dma_wait3A_71] : memref<1000000x64xf32, #tpu.memory_space<any>> -> memref<16384x64xf32, #tpu.memory_space<any>>
    tpu.wait_dma2 semaphore(%arg9 : memref<!tpu.dma_semaphore, #tpu.memory_space<semaphore_mem>>) src(%dma_wait3A_72 : memref<16384x64xf32, #tpu.memory_space<any>>) dst(%dma_wait3A_69 : memref<16384x64xf32, #tpu.memory_space<vmem>>)
    %get3A_73 = arith.constant 0 : index
    %get3A_74 = arith.constant 0 : index
    %get3A_75 = vector.load %arg5[%get3A_73, %get3A_74] : memref<16384x64xf32, #tpu.memory_space<vmem>>, vector<16384x64xf32>
    %reshape3A_76 = vector.shape_cast %get3A_75 : vector<16384x64xf32> to vector<128x128x64xf32>
    %mul3A_77 = vector.broadcast %reshape3A : vector<1x1x64xf32> to vector<128x128x64xf32>
    %mul3A_78 = arith.mulf %reshape3A_76, %mul3A_77 : vector<128x128x64xf32>
    %reduce_sum3A_79 = arith.constant dense<0.000000e+00> : vector<128x128xf32>
    %reduce_sum3A_80 = vector.multi_reduction <add>, %mul3A_78, %reduce_sum3A_79 [2] : vector<128x128x64xf32> to vector<128x128xf32>
    %swap3A_81 = arith.constant 256 : index
    %swap3A_82 = arith.constant 0 : index
    %swap3A_83 = vector.load %arg2[%swap3A_81, %swap3A_82] : memref<7936x128xf32, #tpu.memory_space<vmem>>, vector<128x128xf32>
    tpu.vector_store %arg2[%swap3A_81, %swap3A_82], %reduce_sum3A_80 {strides = array<i32>} : memref<7936x128xf32, #tpu.memory_space<vmem>>, vector<128x128xf32>,
    %dma_start3A_84 = arith.constant 0 : i32
    %dma_start3A_85 = arith.constant 0 : i32
    %dma_start3A_86 = tpu.memref_slice %arg5[%dma_start3A_84, %dma_start3A_85] : memref<16384x64xf32, #tpu.memory_space<vmem>> -> memref<16384x64xf32, #tpu.memory_space<vmem>>
    %dma_start3A_87 = arith.constant 98304 : i32
    %dma_start3A_88 = arith.constant 0 : i32
    %dma_start3A_89 = tpu.memref_slice %arg0[%dma_start3A_87, %dma_start3A_88] : memref<1000000x64xf32, #tpu.memory_space<any>> -> memref<16384x64xf32, #tpu.memory_space<any>>
    tpu.enqueue_dma source(%dma_start3A_89 : memref<16384x64xf32, #tpu.memory_space<any>>) target(%dma_start3A_86 : memref<16384x64xf32, #tpu.memory_space<vmem>>) target_semaphore(%arg9 : memref<!tpu.dma_semaphore, #tpu.memory_space<semaphore_mem>>)
    %dma_wait3A_90 = arith.constant 0 : i32
    %dma_wait3A_91 = arith.constant 0 : i32
    %dma_wait3A_92 = tpu.memref_slice %arg6[%dma_wait3A_90, %dma_wait3A_91] : memref<16384x64xf32, #tpu.memory_space<vmem>> -> memref<16384x64xf32, #tpu.memory_space<vmem>>
    %dma_wait3A_93 = arith.constant 49152 : i32
    %dma_wait3A_94 = arith.constant 0 : i32
    %dma_wait3A_95 = tpu.memref_slice %arg0[%dma_wait3A_93, %dma_wait3A_94] : memref<1000000x64xf32, #tpu.memory_space<any>> -> memref<16384x64xf32, #tpu.memory_space<any>>
    tpu.wait_dma2 semaphore(%arg10 : memref<!tpu.dma_semaphore, #tpu.memory_space<semaphore_mem>>) src(%dma_wait3A_95 : memref<16384x64xf32, #tpu.memory_space<any>>) dst(%dma_wait3A_92 : memref<16384x64xf32, #tpu.memory_space<vmem>>)
    %get3A_96 = arith.constant 0 : index
    %get3A_97 = arith.constant 0 : index
    %get3A_98 = vector.load %arg6[%get3A_96, %get3A_97] : memref<16384x64xf32, #tpu.memory_space<vmem>>, vector<16384x64xf32>
    %reshape3A_99 = vector.shape_cast %get3A_98 : vector<16384x64xf32> to vector<128x128x64xf32>
    %mul3A_100 = vector.broadcast %reshape3A : vector<1x1x64xf32> to vector<128x128x64xf32>
    %mul3A_101 = arith.mulf %reshape3A_99, %mul3A_100 : vector<128x128x64xf32>
    %reduce_sum3A_102 = arith.constant dense<0.000000e+00> : vector<128x128xf32>
    %reduce_sum3A_103 = vector.multi_reduction <add>, %mul3A_101, %reduce_sum3A_102 [2] : vector<128x128x64xf32> to vector<128x128xf32>
    %swap3A_104 = arith.constant 384 : index
    %swap3A_105 = arith.constant 0 : index
    %swap3A_106 = vector.load %arg2[%swap3A_104, %swap3A_105] : memref<7936x128xf32, #tpu.memory_space<vmem>>, vector<128x128xf32>
    tpu.vector_store %arg2[%swap3A_104, %swap3A_105], %reduce_sum3A_103 {strides = array<i32>} : memref<7936x128xf32, #tpu.memory_space<vmem>>, vector<128x128xf32>,
    %dma_start3A_107 = arith.constant 0 : i32
    %dma_start3A_108 = arith.constant 0 : i32
    %dma_start3A_109 = tpu.memref_slice %arg6[%dma_start3A_107, %dma_start3A_108] : memref<16384x64xf32, #tpu.memory_space<vmem>> -> memref<16384x64xf32, #tpu.memory_space<vmem>>
    %dma_start3A_110 = arith.constant 114688 : i32
    %dma_start3A_111 = arith.constant 0 : i32
    %dma_start3A_112 = tpu.memref_slice %arg0[%dma_start3A_110, %dma_start3A_111] : memref<1000000x64xf32, #tpu.memory_space<any>> -> memref<16384x64xf32, #tpu.memory_space<any>>
    tpu.enqueue_dma source(%dma_start3A_112 : memref<16384x64xf32, #tpu.memory_space<any>>) target(%dma_start3A_109 : memref<16384x64xf32, #tpu.memory_space<vmem>>) target_semaphore(%arg10 : memref<!tpu.dma_semaphore, #tpu.memory_space<semaphore_mem>>)
    %dma_wait3A_113 = arith.constant 0 : i32
    %dma_wait3A_114 = arith.constant 0 : i32
    %dma_wait3A_115 = tpu.memref_slice %arg3[%dma_wait3A_113, %dma_wait3A_114] : memref<16384x64xf32, #tpu.memory_space<vmem>> -> memref<16384x64xf32, #tpu.memory_space<vmem>>
    %dma_wait3A_116 = arith.constant 65536 : i32
    %dma_wait3A_117 = arith.constant 0 : i32
    %dma_wait3A_118 = tpu.memref_slice %arg0[%dma_wait3A_116, %dma_wait3A_117] : memref<1000000x64xf32, #tpu.memory_space<any>> -> memref<16384x64xf32, #tpu.memory_space<any>>
    tpu.wait_dma2 semaphore(%arg7 : memref<!tpu.dma_semaphore, #tpu.memory_space<semaphore_mem>>) src(%dma_wait3A_118 : memref<16384x64xf32, #tpu.memory_space<any>>) dst(%dma_wait3A_115 : memref<16384x64xf32, #tpu.memory_space<vmem>>)
    %get3A_119 = arith.constant 0 : index
    %get3A_120 = arith.constant 0 : index
    %get3A_121 = vector.load %arg3[%get3A_119, %get3A_120] : memref<16384x64xf32, #tpu.memory_space<vmem>>, vector<16384x64xf32>
    %reshape3A_122 = vector.shape_cast %get3A_121 : vector<16384x64xf32> to vector<128x128x64xf32>
    %mul3A_123 = vector.broadcast %reshape3A : vector<1x1x64xf32> to vector<128x128x64xf32>
    %mul3A_124 = arith.mulf %reshape3A_122, %mul3A_123 : vector<128x128x64xf32>
    %reduce_sum3A_125 = arith.constant dense<0.000000e+00> : vector<128x128xf32>
    %reduce_sum3A_126 = vector.multi_reduction <add>, %mul3A_124, %reduce_sum3A_125 [2] : vector<128x128x64xf32> to vector<128x128xf32>
    %swap3A_127 = arith.constant 512 : index
    %swap3A_128 = arith.constant 0 : index
    %swap3A_129 = vector.load %arg2[%swap3A_127, %swap3A_128] : memref<7936x128xf32, #tpu.memory_space<vmem>>, vector<128x128xf32>
    tpu.vector_store %arg2[%swap3A_127, %swap3A_128], %reduce_sum3A_126 {strides = array<i32>} : memref<7936x128xf32, #tpu.memory_space<vmem>>, vector<128x128xf32>,
    %dma_start3A_130 = arith.constant 0 : i32
    %dma_start3A_131 = arith.constant 0 : i32
    %dma_start3A_132 = tpu.memref_slice %arg3[%dma_start3A_130, %dma_start3A_131] : memref<16384x64xf32, #tpu.memory_space<vmem>> -> memref<16384x64xf32, #tpu.memory_space<vmem>>
    %dma_start3A_133 = arith.constant 131072 : i32
    %dma_start3A_134 = arith.constant 0 : i32
    %dma_start3A_135 = tpu.memref_slice %arg0[%dma_start3A_133, %dma_start3A_134] : memref<1000000x64xf32, #tpu.memory_space<any>> -> memref<16384x64xf32, #tpu.memory_space<any>>
    tpu.enqueue_dma source(%dma_start3A_135 : memref<16384x64xf32, #tpu.memory_space<any>>) target(%dma_start3A_132 : memref<16384x64xf32, #tpu.memory_space<vmem>>) target_semaphore(%arg7 : memref<!tpu.dma_semaphore, #tpu.memory_space<semaphore_mem>>)
    %dma_wait3A_136 = arith.constant 0 : i32
    %dma_wait3A_137 = arith.constant 0 : i32
    %dma_wait3A_138 = tpu.memref_slice %arg4[%dma_wait3A_136, %dma_wait3A_137] : memref<16384x64xf32, #tpu.memory_space<vmem>> -> memref<16384x64xf32, #tpu.memory_space<vmem>>
    %dma_wait3A_139 = arith.constant 81920 : i32
    %dma_wait3A_140 = arith.constant 0 : i32
    %dma_wait3A_141 = tpu.memref_slice %arg0[%dma_wait3A_139, %dma_wait3A_140] : memref<1000000x64xf32, #tpu.memory_space<any>> -> memref<16384x64xf32, #tpu.memory_space<any>>
    tpu.wait_dma2 semaphore(%arg8 : memref<!tpu.dma_semaphore, #tpu.memory_space<semaphore_mem>>) src(%dma_wait3A_141 : memref<16384x64xf32, #tpu.memory_space<any>>) dst(%dma_wait3A_138 : memref<16384x64xf32, #tpu.memory_space<vmem>>)
    %get3A_142 = arith.constant 0 : index
    %get3A_143 = arith.constant 0 : index
    %get3A_144 = vector.load %arg4[%get3A_142, %get3A_143] : memref<16384x64xf32, #tpu.memory_space<vmem>>, vector<16384x64xf32>
    %reshape3A_145 = vector.shape_cast %get3A_144 : vector<16384x64xf32> to vector<128x128x64xf32>
    %mul3A_146 = vector.broadcast %reshape3A : vector<1x1x64xf32> to vector<128x128x64xf32>
    %mul3A_147 = arith.mulf %reshape3A_145, %mul3A_146 : vector<128x128x64xf32>
    %reduce_sum3A_148 = arith.constant dense<0.000000e+00> : vector<128x128xf32>
    %reduce_sum3A_149 = vector.multi_reduction <add>, %mul3A_147, %reduce_sum3A_148 [2] : vector<128x128x64xf32> to vector<128x128xf32>
    %swap3A_150 = arith.constant 640 : index
    %swap3A_151 = arith.constant 0 : index
    %swap3A_152 = vector.load %arg2[%swap3A_150, %swap3A_151] : memref<7936x128xf32, #tpu.memory_space<vmem>>, vector<128x128xf32>
    tpu.vector_store %arg2[%swap3A_150, %swap3A_151], %reduce_sum3A_149 {strides = array<i32>} : memref<7936x128xf32, #tpu.memory_space<vmem>>, vector<128x128xf32>,
    %dma_start3A_153 = arith.constant 0 : i32
    %dma_start3A_154 = arith.constant 0 : i32
    %dma_start3A_155 = tpu.memref_slice %arg4[%dma_start3A_153, %dma_start3A_154] : memref<16384x64xf32, #tpu.memory_space<vmem>> -> memref<16384x64xf32, #tpu.memory_space<vmem>>
    %dma_start3A_156 = arith.constant 147456 : i32
    %dma_start3A_157 = arith.constant 0 : i32
    %dma_start3A_158 = tpu.memref_slice %arg0[%dma_start3A_156, %dma_start3A_157] : memref<1000000x64xf32, #tpu.memory_space<any>> -> memref<16384x64xf32, #tpu.memory_space<any>>
    tpu.enqueue_dma source(%dma_start3A_158 : memref<16384x64xf32, #tpu.memory_space<any>>) target(%dma_start3A_155 : memref<16384x64xf32, #tpu.memory_space<vmem>>) target_semaphore(%arg8 : memref<!tpu.dma_semaphore, #tpu.memory_space<semaphore_mem>>)
    %dma_wait3A_159 = arith.constant 0 : i32
    %dma_wait3A_160 = arith.constant 0 : i32
    %dma_wait3A_161 = tpu.memref_slice %arg5[%dma_wait3A_159, %dma_wait3A_160] : memref<16384x64xf32, #tpu.memory_space<vmem>> -> memref<16384x64xf32, #tpu.memory_space<vmem>>
    %dma_wait3A_162 = arith.constant 98304 : i32
    %dma_wait3A_163 = arith.constant 0 : i32
    %dma_wait3A_164 = tpu.memref_slice %arg0[%dma_wait3A_162, %dma_wait3A_163] : memref<1000000x64xf32, #tpu.memory_space<any>> -> memref<16384x64xf32, #tpu.memory_space<any>>
    tpu.wait_dma2 semaphore(%arg9 : memref<!tpu.dma_semaphore, #tpu.memory_space<semaphore_mem>>) src(%dma_wait3A_164 : memref<16384x64xf32, #tpu.memory_space<any>>) dst(%dma_wait3A_161 : memref<16384x64xf32, #tpu.memory_space<vmem>>)
    %get3A_165 = arith.constant 0 : index
    %get3A_166 = arith.constant 0 : index
    %get3A_167 = vector.load %arg5[%get3A_165, %get3A_166] : memref<16384x64xf32, #tpu.memory_space<vmem>>, vector<16384x64xf32>
    %reshape3A_168 = vector.shape_cast %get3A_167 : vector<16384x64xf32> to vector<128x128x64xf32>
    %mul3A_169 = vector.broadcast %reshape3A : vector<1x1x64xf32> to vector<128x128x64xf32>
    %mul3A_170 = arith.mulf %reshape3A_168, %mul3A_169 : vector<128x128x64xf32>
    %reduce_sum3A_171 = arith.constant dense<0.000000e+00> : vector<128x128xf32>
    %reduce_sum3A_172 = vector.multi_reduction <add>, %mul3A_170, %reduce_sum3A_171 [2] : vector<128x128x64xf32> to vector<128x128xf32>
    %swap3A_173 = arith.constant 768 : index
    %swap3A_174 = arith.constant 0 : index
    %swap3A_175 = vector.load %arg2[%swap3A_173, %swap3A_174] : memref<7936x128xf32, #tpu.memory_space<vmem>>, vector<128x128xf32>
    tpu.vector_store %arg2[%swap3A_173, %swap3A_174], %reduce_sum3A_172 {strides = array<i32>} : memref<7936x128xf32, #tpu.memory_space<vmem>>, vector<128x128xf32>,
    %dma_start3A_176 = arith.constant 0 : i32
    %dma_start3A_177 = arith.constant 0 : i32
    %dma_start3A_178 = tpu.memref_slice %arg5[%dma_start3A_176, %dma_start3A_177] : memref<16384x64xf32, #tpu.memory_space<vmem>> -> memref<16384x64xf32, #tpu.memory_space<vmem>>
    %dma_start3A_179 = arith.constant 163840 : i32
    %dma_start3A_180 = arith.constant 0 : i32
    %dma_start3A_181 = tpu.memref_slice %arg0[%dma_start3A_179, %dma_start3A_180] : memref<1000000x64xf32, #tpu.memory_space<any>> -> memref<16384x64xf32, #tpu.memory_space<any>>
    tpu.enqueue_dma source(%dma_start3A_181 : memref<16384x64xf32, #tpu.memory_space<any>>) target(%dma_start3A_178 : memref<16384x64xf32, #tpu.memory_space<vmem>>) target_semaphore(%arg9 : memref<!tpu.dma_semaphore, #tpu.memory_space<semaphore_mem>>)
    %dma_wait3A_182 = arith.constant 0 : i32
    %dma_wait3A_183 = arith.constant 0 : i32
    %dma_wait3A_184 = tpu.memref_slice %arg6[%dma_wait3A_182, %dma_wait3A_183] : memref<16384x64xf32, #tpu.memory_space<vmem>> -> memref<16384x64xf32, #tpu.memory_space<vmem>>
    %dma_wait3A_185 = arith.constant 114688 : i32
    %dma_wait3A_186 = arith.constant 0 : i32
    %dma_wait3A_187 = tpu.memref_slice %arg0[%dma_wait3A_185, %dma_wait3A_186] : memref<1000000x64xf32, #tpu.memory_space<any>> -> memref<16384x64xf32, #tpu.memory_space<any>>
    tpu.wait_dma2 semaphore(%arg10 : memref<!tpu.dma_semaphore, #tpu.memory_space<semaphore_mem>>) src(%dma_wait3A_187 : memref<16384x64xf32, #tpu.memory_space<any>>) dst(%dma_wait3A_184 : memref<16384x64xf32, #tpu.memory_space<vmem>>)
    %get3A_188 = arith.constant 0 : index
    %get3A_189 = arith.constant 0 : index
    %get3A_190 = vector.load %arg6[%get3A_188, %get3A_189] : memref<16384x64xf32, #tpu.memory_space<vmem>>, vector<16384x64xf32>
    %reshape3A_191 = vector.shape_cast %get3A_190 : vector<16384x64xf32> to vector<128x128x64xf32>
    %mul3A_192 = vector.broadcast %reshape3A : vector<1x1x64xf32> to vector<128x128x64xf32>
    %mul3A_193 = arith.mulf %reshape3A_191, %mul3A_192 : vector<128x128x64xf32>
    %reduce_sum3A_194 = arith.constant dense<0.000000e+00> : vector<128x128xf32>
    %reduce_sum3A_195 = vector.multi_reduction <add>, %mul3A_193, %reduce_sum3A_194 [2] : vector<128x128x64xf32> to vector<128x128xf32>
    %swap3A_196 = arith.constant 896 : index
    %swap3A_197 = arith.constant 0 : index
    %swap3A_198 = vector.load %arg2[%swap3A_196, %swap3A_197] : memref<7936x128xf32, #tpu.memory_space<vmem>>, vector<128x128xf32>
    tpu.vector_store %arg2[%swap3A_196, %swap3A_197], %reduce_sum3A_195 {strides = array<i32>} : memref<7936x128xf32, #tpu.memory_space<vmem>>, vector<128x128xf32>,
    %dma_start3A_199 = arith.constant 0 : i32
    %dma_start3A_200 = arith.constant 0 : i32
    %dma_start3A_201 = tpu.memref_slice %arg6[%dma_start3A_199, %dma_start3A_200] : memref<16384x64xf32, #tpu.memory_space<vmem>> -> memref<16384x64xf32, #tpu.memory_space<vmem>>
    %dma_start3A_202 = arith.constant 180224 : i32
    %dma_start3A_203 = arith.constant 0 : i32
    %dma_start3A_204 = tpu.memref_slice %arg0[%dma_start3A_202, %dma_start3A_203] : memref<1000000x64xf32, #tpu.memory_space<any>> -> memref<16384x64xf32, #tpu.memory_space<any>>
    tpu.enqueue_dma source(%dma_start3A_204 : memref<16384x64xf32, #tpu.memory_space<any>>) target(%dma_start3A_201 : memref<16384x64xf32, #tpu.memory_space<vmem>>) target_semaphore(%arg10 : memref<!tpu.dma_semaphore, #tpu.memory_space<semaphore_mem>>)
    %dma_wait3A_205 = arith.constant 0 : i32
    %dma_wait3A_206 = arith.constant 0 : i32
    %dma_wait3A_207 = tpu.memref_slice %arg3[%dma_wait3A_205, %dma_wait3A_206] : memref<16384x64xf32, #tpu.memory_space<vmem>> -> memref<16384x64xf32, #tpu.memory_space<vmem>>
    %dma_wait3A_208 = arith.constant 131072 : i32
    %dma_wait3A_209 = arith.constant 0 : i32
    %dma_wait3A_210 = tpu.memref_slice %arg0[%dma_wait3A_208, %dma_wait3A_209] : memref<1000000x64xf32, #tpu.memory_space<any>> -> memref<16384x64xf32, #tpu.memory_space<any>>
    tpu.wait_dma2 semaphore(%arg7 : memref<!tpu.dma_semaphore, #tpu.memory_space<semaphore_mem>>) src(%dma_wait3A_210 : memref<16384x64xf32, #tpu.memory_space<any>>) dst(%dma_wait3A_207 : memref<16384x64xf32, #tpu.memory_space<vmem>>)
    %get3A_211 = arith.constant 0 : index
    %get3A_212 = arith.constant 0 : index
    %get3A_213 = vector.load %arg3[%get3A_211, %get3A_212] : memref<16384x64xf32, #tpu.memory_space<vmem>>, vector<16384x64xf32>
    %reshape3A_214 = vector.shape_cast %get3A_213 : vector<16384x64xf32> to vector<128x128x64xf32>
    %mul3A_215 = vector.broadcast %reshape3A : vector<1x1x64xf32> to vector<128x128x64xf32>
    %mul3A_216 = arith.mulf %reshape3A_214, %mul3A_215 : vector<128x128x64xf32>
    %reduce_sum3A_217 = arith.constant dense<0.000000e+00> : vector<128x128xf32>
    %reduce_sum3A_218 = vector.multi_reduction <add>, %mul3A_216, %reduce_sum3A_217 [2] : vector<128x128x64xf32> to vector<128x128xf32>
    %swap3A_219 = arith.constant 1024 : index
    %swap3A_220 = arith.constant 0 : index
    %swap3A_221 = vector.load %arg2[%swap3A_219, %swap3A_220] : memref<7936x128xf32, #tpu.memory_space<vmem>>, vector<128x128xf32>
    tpu.vector_store %arg2[%swap3A_219, %swap3A_220], %reduce_sum3A_218 {strides = array<i32>} : memref<7936x128xf32, #tpu.memory_space<vmem>>, vector<128x128xf32>,
    %dma_start3A_222 = arith.constant 0 : i32
    %dma_start3A_223 = arith.constant 0 : i32
    %dma_start3A_224 = tpu.memref_slice %arg3[%dma_start3A_222, %dma_start3A_223] : memref<16384x64xf32, #tpu.memory_space<vmem>> -> memref<16384x64xf32, #tpu.memory_space<vmem>>
    %dma_start3A_225 = arith.constant 196608 : i32
    %dma_start3A_226 = arith.constant 0 : i32
    %dma_start3A_227 = tpu.memref_slice %arg0[%dma_start3A_225, %dma_start3A_226] : memref<1000000x64xf32, #tpu.memory_space<any>> -> memref<16384x64xf32, #tpu.memory_space<any>>
    tpu.enqueue_dma source(%dma_start3A_227 : memref<16384x64xf32, #tpu.memory_space<any>>) target(%dma_start3A_224 : memref<16384x64xf32, #tpu.memory_space<vmem>>) target_semaphore(%arg7 : memref<!tpu.dma_semaphore, #tpu.memory_space<semaphore_mem>>)
    %dma_wait3A_228 = arith.constant 0 : i32
    %dma_wait3A_229 = arith.constant 0 : i32
    %dma_wait3A_230 = tpu.memref_slice %arg4[%dma_wait3A_228, %dma_wait3A_229] : memref<16384x64xf32, #tpu.memory_space<vmem>> -> memref<16384x64xf32, #tpu.memory_space<vmem>>
    %dma_wait3A_231 = arith.constant 147456 : i32
    %dma_wait3A_232 = arith.constant 0 : i32
    %dma_wait3A_233 = tpu.memref_slice %arg0[%dma_wait3A_231, %dma_wait3A_232] : memref<1000000x64xf32, #tpu.memory_space<any>> -> memref<16384x64xf32, #tpu.memory_space<any>>
    tpu.wait_dma2 semaphore(%arg8 : memref<!tpu.dma_semaphore, #tpu.memory_space<semaphore_mem>>) src(%dma_wait3A_233 : memref<16384x64xf32, #tpu.memory_space<any>>) dst(%dma_wait3A_230 : memref<16384x64xf32, #tpu.memory_space<vmem>>)
    %get3A_234 = arith.constant 0 : index
    %get3A_235 = arith.constant 0 : index
    %get3A_236 = vector.load %arg4[%get3A_234, %get3A_235] : memref<16384x64xf32, #tpu.memory_space<vmem>>, vector<16384x64xf32>
    %reshape3A_237 = vector.shape_cast %get3A_236 : vector<16384x64xf32> to vector<128x128x64xf32>
    %mul3A_238 = vector.broadcast %reshape3A : vector<1x1x64xf32> to vector<128x128x64xf32>
    %mul3A_239 = arith.mulf %reshape3A_237, %mul3A_238 : vector<128x128x64xf32>
    %reduce_sum3A_240 = arith.constant dense<0.000000e+00> : vector<128x128xf32>
    %reduce_sum3A_241 = vector.multi_reduction <add>, %mul3A_239, %reduce_sum3A_240 [2] : vector<128x128x64xf32> to vector<128x128xf32>
    %swap3A_242 = arith.constant 1152 : index
    %swap3A_243 = arith.constant 0 : index
    %swap3A_244 = vector.load %arg2[%swap3A_242, %swap3A_243] : memref<7936x128xf32, #tpu.memory_space<vmem>>, vector<128x128xf32>
    tpu.vector_store %arg2[%swap3A_242, %swap3A_243], %reduce_sum3A_241 {strides = array<i32>} : memref<7936x128xf32, #tpu.memory_space<vmem>>, vector<128x128xf32>,
    %dma_start3A_245 = arith.constant 0 : i32
    %dma_start3A_246 = arith.constant 0 : i32
    %dma_start3A_247 = tpu.memref_slice %arg4[%dma_start3A_245, %dma_start3A_246] : memref<16384x64xf32, #tpu.memory_space<vmem>> -> memref<16384x64xf32, #tpu.memory_space<vmem>>
    %dma_start3A_248 = arith.constant 212992 : i32
    %dma_start3A_249 = arith.constant 0 : i32
    %dma_start3A_250 = tpu.memref_slice %arg0[%dma_start3A_248, %dma_start3A_249] : memref<1000000x64xf32, #tpu.memory_space<any>> -> memref<16384x64xf32, #tpu.memory_space<any>>
    tpu.enqueue_dma source(%dma_start3A_250 : memref<16384x64xf32, #tpu.memory_space<any>>) target(%dma_start3A_247 : memref<16384x64xf32, #tpu.memory_space<vmem>>) target_semaphore(%arg8 : memref<!tpu.dma_semaphore, #tpu.memory_space<semaphore_mem>>)
    %dma_wait3A_251 = arith.constant 0 : i32
    %dma_wait3A_252 = arith.constant 0 : i32
    %dma_wait3A_253 = tpu.memref_slice %arg5[%dma_wait3A_251, %dma_wait3A_252] : memref<16384x64xf32, #tpu.memory_space<vmem>> -> memref<16384x64xf32, #tpu.memory_space<vmem>>
    %dma_wait3A_254 = arith.constant 163840 : i32
    %dma_wait3A_255 = arith.constant 0 : i32
    %dma_wait3A_256 = tpu.memref_slice %arg0[%dma_wait3A_254, %dma_wait3A_255] : memref<1000000x64xf32, #tpu.memory_space<any>> -> memref<16384x64xf32, #tpu.memory_space<any>>
    tpu.wait_dma2 semaphore(%arg9 : memref<!tpu.dma_semaphore, #tpu.memory_space<semaphore_mem>>) src(%dma_wait3A_256 : memref<16384x64xf32, #tpu.memory_space<any>>) dst(%dma_wait3A_253 : memref<16384x64xf32, #tpu.memory_space<vmem>>)
    %get3A_257 = arith.constant 0 : index
    %get3A_258 = arith.constant 0 : index
    %get3A_259 = vector.load %arg5[%get3A_257, %get3A_258] : memref<16384x64xf32, #tpu.memory_space<vmem>>, vector<16384x64xf32>
    %reshape3A_260 = vector.shape_cast %get3A_259 : vector<16384x64xf32> to vector<128x128x64xf32>
    %mul3A_261 = vector.broadcast %reshape3A : vector<1x1x64xf32> to vector<128x128x64xf32>
    %mul3A_262 = arith.mulf %reshape3A_260, %mul3A_261 : vector<128x128x64xf32>
    %reduce_sum3A_263 = arith.constant dense<0.000000e+00> : vector<128x128xf32>
    %reduce_sum3A_264 = vector.multi_reduction <add>, %mul3A_262, %reduce_sum3A_263 [2] : vector<128x128x64xf32> to vector<128x128xf32>
    %swap3A_265 = arith.constant 1280 : index
    %swap3A_266 = arith.constant 0 : index
    %swap3A_267 = vector.load %arg2[%swap3A_265, %swap3A_266] : memref<7936x128xf32, #tpu.memory_space<vmem>>, vector<128x128xf32>
    tpu.vector_store %arg2[%swap3A_265, %swap3A_266], %reduce_sum3A_264 {strides = array<i32>} : memref<7936x128xf32, #tpu.memory_space<vmem>>, vector<128x128xf32>,
    %dma_start3A_268 = arith.constant 0 : i32
    %dma_start3A_269 = arith.constant 0 : i32
    %dma_start3A_270 = tpu.memref_slice %arg5[%dma_start3A_268, %dma_start3A_269] : memref<16384x64xf32, #tpu.memory_space<vmem>> -> memref<16384x64xf32, #tpu.memory_space<vmem>>
    %dma_start3A_271 = arith.constant 229376 : i32
    %dma_start3A_272 = arith.constant 0 : i32
    %dma_start3A_273 = tpu.memref_slice %arg0[%dma_start3A_271, %dma_start3A_272] : memref<1000000x64xf32, #tpu.memory_space<any>> -> memref<16384x64xf32, #tpu.memory_space<any>>
    tpu.enqueue_dma source(%dma_start3A_273 : memref<16384x64xf32, #tpu.memory_space<any>>) target(%dma_start3A_270 : memref<16384x64xf32, #tpu.memory_space<vmem>>) target_semaphore(%arg9 : memref<!tpu.dma_semaphore, #tpu.memory_space<semaphore_mem>>)
    %dma_wait3A_274 = arith.constant 0 : i32
    %dma_wait3A_275 = arith.constant 0 : i32
    %dma_wait3A_276 = tpu.memref_slice %arg6[%dma_wait3A_274, %dma_wait3A_275] : memref<16384x64xf32, #tpu.memory_space<vmem>> -> memref<16384x64xf32, #tpu.memory_space<vmem>>
    %dma_wait3A_277 = arith.constant 180224 : i32
    %dma_wait3A_278 = arith.constant 0 : i32
    %dma_wait3A_279 = tpu.memref_slice %arg0[%dma_wait3A_277, %dma_wait3A_278] : memref<1000000x64xf32, #tpu.memory_space<any>> -> memref<16384x64xf32, #tpu.memory_space<any>>
    tpu.wait_dma2 semaphore(%arg10 : memref<!tpu.dma_semaphore, #tpu.memory_space<semaphore_mem>>) src(%dma_wait3A_279 : memref<16384x64xf32, #tpu.memory_space<any>>) dst(%dma_wait3A_276 : memref<16384x64xf32, #tpu.memory_space<vmem>>)
    %get3A_280 = arith.constant 0 : index
    %get3A_281 = arith.constant 0 : index
    %get3A_282 = vector.load %arg6[%get3A_280, %get3A_281] : memref<16384x64xf32, #tpu.memory_space<vmem>>, vector<16384x64xf32>
    %reshape3A_283 = vector.shape_cast %get3A_282 : vector<16384x64xf32> to vector<128x128x64xf32>
    %mul3A_284 = vector.broadcast %reshape3A : vector<1x1x64xf32> to vector<128x128x64xf32>
    %mul3A_285 = arith.mulf %reshape3A_283, %mul3A_284 : vector<128x128x64xf32>
    %reduce_sum3A_286 = arith.constant dense<0.000000e+00> : vector<128x128xf32>
    %reduce_sum3A_287 = vector.multi_reduction <add>, %mul3A_285, %reduce_sum3A_286 [2] : vector<128x128x64xf32> to vector<128x128xf32>
    %swap3A_288 = arith.constant 1408 : index
    %swap3A_289 = arith.constant 0 : index
    %swap3A_290 = vector.load %arg2[%swap3A_288, %swap3A_289] : memref<7936x128xf32, #tpu.memory_space<vmem>>, vector<128x128xf32>
    tpu.vector_store %arg2[%swap3A_288, %swap3A_289], %reduce_sum3A_287 {strides = array<i32>} : memref<7936x128xf32, #tpu.memory_space<vmem>>, vector<128x128xf32>,
    %dma_start3A_291 = arith.constant 0 : i32
    %dma_start3A_292 = arith.constant 0 : i32
    %dma_start3A_293 = tpu.memref_slice %arg6[%dma_start3A_291, %dma_start3A_292] : memref<16384x64xf32, #tpu.memory_space<vmem>> -> memref<16384x64xf32, #tpu.memory_space<vmem>>
    %dma_start3A_294 = arith.constant 245760 : i32
    %dma_start3A_295 = arith.constant 0 : i32
    %dma_start3A_296 = tpu.memref_slice %arg0[%dma_start3A_294, %dma_start3A_295] : memref<1000000x64xf32, #tpu.memory_space<any>> -> memref<16384x64xf32, #tpu.memory_space<any>>
    tpu.enqueue_dma source(%dma_start3A_296 : memref<16384x64xf32, #tpu.memory_space<any>>) target(%dma_start3A_293 : memref<16384x64xf32, #tpu.memory_space<vmem>>) target_semaphore(%arg10 : memref<!tpu.dma_semaphore, #tpu.memory_space<semaphore_mem>>)
    %dma_wait3A_297 = arith.constant 0 : i32
    %dma_wait3A_298 = arith.constant 0 : i32
    %dma_wait3A_299 = tpu.memref_slice %arg3[%dma_wait3A_297, %dma_wait3A_298] : memref<16384x64xf32, #tpu.memory_space<vmem>> -> memref<16384x64xf32, #tpu.memory_space<vmem>>
    %dma_wait3A_300 = arith.constant 196608 : i32
    %dma_wait3A_301 = arith.constant 0 : i32
    %dma_wait3A_302 = tpu.memref_slice %arg0[%dma_wait3A_300, %dma_wait3A_301] : memref<1000000x64xf32, #tpu.memory_space<any>> -> memref<16384x64xf32, #tpu.memory_space<any>>
    tpu.wait_dma2 semaphore(%arg7 : memref<!tpu.dma_semaphore, #tpu.memory_space<semaphore_mem>>) src(%dma_wait3A_302 : memref<16384x64xf32, #tpu.memory_space<any>>) dst(%dma_wait3A_299 : memref<16384x64xf32, #tpu.memory_space<vmem>>)
    %get3A_303 = arith.constant 0 : index
    %get3A_304 = arith.constant 0 : index
    %get3A_305 = vector.load %arg3[%get3A_303, %get3A_304] : memref<16384x64xf32, #tpu.memory_space<vmem>>, vector<16384x64xf32>
    %reshape3A_306 = vector.shape_cast %get3A_305 : vector<16384x64xf32> to vector<128x128x64xf32>
    %mul3A_307 = vector.broadcast %reshape3A : vector<1x1x64xf32> to vector<128x128x64xf32>
    %mul3A_308 = arith.mulf %reshape3A_306, %mul3A_307 : vector<128x128x64xf32>
    %reduce_sum3A_309 = arith.constant dense<0.000000e+00> : vector<128x128xf32>
    %reduce_sum3A_310 = vector.multi_reduction <add>, %mul3A_308, %reduce_sum3A_309 [2] : vector<128x128x64xf32> to vector<128x128xf32>
    %swap3A_311 = arith.constant 1536 : index
    %swap3A_312 = arith.constant 0 : index
    %swap3A_313 = vector.load %arg2[%swap3A_311, %swap3A_312] : memref<7936x128xf32, #tpu.memory_space<vmem>>, vector<128x128xf32>
    tpu.vector_store %arg2[%swap3A_311, %swap3A_312], %reduce_sum3A_310 {strides = array<i32>} : memref<7936x128xf32, #tpu.memory_space<vmem>>, vector<128x128xf32>,
    %dma_start3A_314 = arith.constant 0 : i32
    %dma_start3A_315 = arith.constant 0 : i32
    %dma_start3A_316 = tpu.memref_slice %arg3[%dma_start3A_314, %dma_start3A_315] : memref<16384x64xf32, #tpu.memory_space<vmem>> -> memref<16384x64xf32, #tpu.memory_space<vmem>>
    %dma_start3A_317 = arith.constant 262144 : i32
    %dma_start3A_318 = arith.constant 0 : i32
    %dma_start3A_319 = tpu.memref_slice %arg0[%dma_start3A_317, %dma_start3A_318] : memref<1000000x64xf32, #tpu.memory_space<any>> -> memref<16384x64xf32, #tpu.memory_space<any>>
    tpu.enqueue_dma source(%dma_start3A_319 : memref<16384x64xf32, #tpu.memory_space<any>>) target(%dma_start3A_316 : memref<16384x64xf32, #tpu.memory_space<vmem>>) target_semaphore(%arg7 : memref<!tpu.dma_semaphore, #tpu.memory_space<semaphore_mem>>)
    %dma_wait3A_320 = arith.constant 0 : i32
    %dma_wait3A_321 = arith.constant 0 : i32
    %dma_wait3A_322 = tpu.memref_slice %arg4[%dma_wait3A_320, %dma_wait3A_321] : memref<16384x64xf32, #tpu.memory_space<vmem>> -> memref<16384x64xf32, #tpu.memory_space<vmem>>
    %dma_wait3A_323 = arith.constant 212992 : i32
    %dma_wait3A_324 = arith.constant 0 : i32
    %dma_wait3A_325 = tpu.memref_slice %arg0[%dma_wait3A_323, %dma_wait3A_324] : memref<1000000x64xf32, #tpu.memory_space<any>> -> memref<16384x64xf32, #tpu.memory_space<any>>
    tpu.wait_dma2 semaphore(%arg8 : memref<!tpu.dma_semaphore, #tpu.memory_space<semaphore_mem>>) src(%dma_wait3A_325 : memref<16384x64xf32, #tpu.memory_space<any>>) dst(%dma_wait3A_322 : memref<16384x64xf32, #tpu.memory_space<vmem>>)
    %get3A_326 = arith.constant 0 : index
    %get3A_327 = arith.constant 0 : index
    %get3A_328 = vector.load %arg4[%get3A_326, %get3A_327] : memref<16384x64xf32, #tpu.memory_space<vmem>>, vector<16384x64xf32>
    %reshape3A_329 = vector.shape_cast %get3A_328 : vector<16384x64xf32> to vector<128x128x64xf32>
    %mul3A_330 = vector.broadcast %reshape3A : vector<1x1x64xf32> to vector<128x128x64xf32>
    %mul3A_331 = arith.mulf %reshape3A_329, %mul3A_330 : vector<128x128x64xf32>
    %reduce_sum3A_332 = arith.constant dense<0.000000e+00> : vector<128x128xf32>
    %reduce_sum3A_333 = vector.multi_reduction <add>, %mul3A_331, %reduce_sum3A_332 [2] : vector<128x128x64xf32> to vector<128x128xf32>
    %swap3A_334 = arith.constant 1664 : index
    %swap3A_335 = arith.constant 0 : index
    %swap3A_336 = vector.load %arg2[%swap3A_334, %swap3A_335] : memref<7936x128xf32, #tpu.memory_space<vmem>>, vector<128x128xf32>
    tpu.vector_store %arg2[%swap3A_334, %swap3A_335], %reduce_sum3A_333 {strides = array<i32>} : memref<7936x128xf32, #tpu.memory_space<vmem>>, vector<128x128xf32>,
    %dma_start3A_337 = arith.constant 0 : i32
    %dma_start3A_338 = arith.constant 0 : i32
    %dma_start3A_339 = tpu.memref_slice %arg4[%dma_start3A_337, %dma_start3A_338] : memref<16384x64xf32, #tpu.memory_space<vmem>> -> memref<16384x64xf32, #tpu.memory_space<vmem>>
    %dma_start3A_340 = arith.constant 278528 : i32
    %dma_start3A_341 = arith.constant 0 : i32
    %dma_start3A_342 = tpu.memref_slice %arg0[%dma_start3A_340, %dma_start3A_341] : memref<1000000x64xf32, #tpu.memory_space<any>> -> memref<16384x64xf32, #tpu.memory_space<any>>
    tpu.enqueue_dma source(%dma_start3A_342 : memref<16384x64xf32, #tpu.memory_space<any>>) target(%dma_start3A_339 : memref<16384x64xf32, #tpu.memory_space<vmem>>) target_semaphore(%arg8 : memref<!tpu.dma_semaphore, #tpu.memory_space<semaphore_mem>>)
    %dma_wait3A_343 = arith.constant 0 : i32
    %dma_wait3A_344 = arith.constant 0 : i32
    %dma_wait3A_345 = tpu.memref_slice %arg5[%dma_wait3A_343, %dma_wait3A_344] : memref<16384x64xf32, #tpu.memory_space<vmem>> -> memref<16384x64xf32, #tpu.memory_space<vmem>>
    %dma_wait3A_346 = arith.constant 229376 : i32
    %dma_wait3A_347 = arith.constant 0 : i32
    %dma_wait3A_348 = tpu.memref_slice %arg0[%dma_wait3A_346, %dma_wait3A_347] : memref<1000000x64xf32, #tpu.memory_space<any>> -> memref<16384x64xf32, #tpu.memory_space<any>>
    tpu.wait_dma2 semaphore(%arg9 : memref<!tpu.dma_semaphore, #tpu.memory_space<semaphore_mem>>) src(%dma_wait3A_348 : memref<16384x64xf32, #tpu.memory_space<any>>) dst(%dma_wait3A_345 : memref<16384x64xf32, #tpu.memory_space<vmem>>)
    %get3A_349 = arith.constant 0 : index
    %get3A_350 = arith.constant 0 : index
    %get3A_351 = vector.load %arg5[%get3A_349, %get3A_350] : memref<16384x64xf32, #tpu.memory_space<vmem>>, vector<16384x64xf32>
    %reshape3A_352 = vector.shape_cast %get3A_351 : vector<16384x64xf32> to vector<128x128x64xf32>
    %mul3A_353 = vector.broadcast %reshape3A : vector<1x1x64xf32> to vector<128x128x64xf32>
    %mul3A_354 = arith.mulf %reshape3A_352, %mul3A_353 : vector<128x128x64xf32>
    %reduce_sum3A_355 = arith.constant dense<0.000000e+00> : vector<128x128xf32>
    %reduce_sum3A_356 = vector.multi_reduction <add>, %mul3A_354, %reduce_sum3A_355 [2] : vector<128x128x64xf32> to vector<128x128xf32>
    %swap3A_357 = arith.constant 1792 : index
    %swap3A_358 = arith.constant 0 : index
    %swap3A_359 = vector.load %arg2[%swap3A_357, %swap3A_358] : memref<7936x128xf32, #tpu.memory_space<vmem>>, vector<128x128xf32>
    tpu.vector_store %arg2[%swap3A_357, %swap3A_358], %reduce_sum3A_356 {strides = array<i32>} : memref<7936x128xf32, #tpu.memory_space<vmem>>, vector<128x128xf32>,
    %dma_start3A_360 = arith.constant 0 : i32
    %dma_start3A_361 = arith.constant 0 : i32
    %dma_start3A_362 = tpu.memref_slice %arg5[%dma_start3A_360, %dma_start3A_361] : memref<16384x64xf32, #tpu.memory_space<vmem>> -> memref<16384x64xf32, #tpu.memory_space<vmem>>
    %dma_start3A_363 = arith.constant 294912 : i32
    %dma_start3A_364 = arith.constant 0 : i32
    %dma_start3A_365 = tpu.memref_slice %arg0[%dma_start3A_363, %dma_start3A_364] : memref<1000000x64xf32, #tpu.memory_space<any>> -> memref<16384x64xf32, #tpu.memory_space<any>>
    tpu.enqueue_dma source(%dma_start3A_365 : memref<16384x64xf32, #tpu.memory_space<any>>) target(%dma_start3A_362 : memref<16384x64xf32, #tpu.memory_space<vmem>>) target_semaphore(%arg9 : memref<!tpu.dma_semaphore, #tpu.memory_space<semaphore_mem>>)
    %dma_wait3A_366 = arith.constant 0 : i32
    %dma_wait3A_367 = arith.constant 0 : i32
    %dma_wait3A_368 = tpu.memref_slice %arg6[%dma_wait3A_366, %dma_wait3A_367] : memref<16384x64xf32, #tpu.memory_space<vmem>> -> memref<16384x64xf32, #tpu.memory_space<vmem>>
    %dma_wait3A_369 = arith.constant 245760 : i32
    %dma_wait3A_370 = arith.constant 0 : i32
    %dma_wait3A_371 = tpu.memref_slice %arg0[%dma_wait3A_369, %dma_wait3A_370] : memref<1000000x64xf32, #tpu.memory_space<any>> -> memref<16384x64xf32, #tpu.memory_space<any>>
    tpu.wait_dma2 semaphore(%arg10 : memref<!tpu.dma_semaphore, #tpu.memory_space<semaphore_mem>>) src(%dma_wait3A_371 : memref<16384x64xf32, #tpu.memory_space<any>>) dst(%dma_wait3A_368 : memref<16384x64xf32, #tpu.memory_space<vmem>>)
    %get3A_372 = arith.constant 0 : index
    %get3A_373 = arith.constant 0 : index
    %get3A_374 = vector.load %arg6[%get3A_372, %get3A_373] : memref<16384x64xf32, #tpu.memory_space<vmem>>, vector<16384x64xf32>
    %reshape3A_375 = vector.shape_cast %get3A_374 : vector<16384x64xf32> to vector<128x128x64xf32>
    %mul3A_376 = vector.broadcast %reshape3A : vector<1x1x64xf32> to vector<128x128x64xf32>
    %mul3A_377 = arith.mulf %reshape3A_375, %mul3A_376 : vector<128x128x64xf32>
    %reduce_sum3A_378 = arith.constant dense<0.000000e+00> : vector<128x128xf32>
    %reduce_sum3A_379 = vector.multi_reduction <add>, %mul3A_377, %reduce_sum3A_378 [2] : vector<128x128x64xf32> to vector<128x128xf32>
    %swap3A_380 = arith.constant 1920 : index
    %swap3A_381 = arith.constant 0 : index
    %swap3A_382 = vector.load %arg2[%swap3A_380, %swap3A_381] : memref<7936x128xf32, #tpu.memory_space<vmem>>, vector<128x128xf32>
    tpu.vector_store %arg2[%swap3A_380, %swap3A_381], %reduce_sum3A_379 {strides = array<i32>} : memref<7936x128xf32, #tpu.memory_space<vmem>>, vector<128x128xf32>,
    %dma_start3A_383 = arith.constant 0 : i32
    %dma_start3A_384 = arith.constant 0 : i32
    %dma_start3A_385 = tpu.memref_slice %arg6[%dma_start3A_383, %dma_start3A_384] : memref<16384x64xf32, #tpu.memory_space<vmem>> -> memref<16384x64xf32, #tpu.memory_space<vmem>>
    %dma_start3A_386 = arith.constant 311296 : i32
    %dma_start3A_387 = arith.constant 0 : i32
    %dma_start3A_388 = tpu.memref_slice %arg0[%dma_start3A_386, %dma_start3A_387] : memref<1000000x64xf32, #tpu.memory_space<any>> -> memref<16384x64xf32, #tpu.memory_space<any>>
    tpu.enqueue_dma source(%dma_start3A_388 : memref<16384x64xf32, #tpu.memory_space<any>>) target(%dma_start3A_385 : memref<16384x64xf32, #tpu.memory_space<vmem>>) target_semaphore(%arg10 : memref<!tpu.dma_semaphore, #tpu.memory_space<semaphore_mem>>)
    %dma_wait3A_389 = arith.constant 0 : i32
    %dma_wait3A_390 = arith.constant 0 : i32
    %dma_wait3A_391 = tpu.memref_slice %arg3[%dma_wait3A_389, %dma_wait3A_390] : memref<16384x64xf32, #tpu.memory_space<vmem>> -> memref<16384x64xf32, #tpu.memory_space<vmem>>
    %dma_wait3A_392 = arith.constant 262144 : i32
    %dma_wait3A_393 = arith.constant 0 : i32
    %dma_wait3A_394 = tpu.memref_slice %arg0[%dma_wait3A_392, %dma_wait3A_393] : memref<1000000x64xf32, #tpu.memory_space<any>> -> memref<16384x64xf32, #tpu.memory_space<any>>
    tpu.wait_dma2 semaphore(%arg7 : memref<!tpu.dma_semaphore, #tpu.memory_space<semaphore_mem>>) src(%dma_wait3A_394 : memref<16384x64xf32, #tpu.memory_space<any>>) dst(%dma_wait3A_391 : memref<16384x64xf32, #tpu.memory_space<vmem>>)
    %get3A_395 = arith.constant 0 : index
    %get3A_396 = arith.constant 0 : index
    %get3A_397 = vector.load %arg3[%get3A_395, %get3A_396] : memref<16384x64xf32, #tpu.memory_space<vmem>>, vector<16384x64xf32>
    %reshape3A_398 = vector.shape_cast %get3A_397 : vector<16384x64xf32> to vector<128x128x64xf32>
    %mul3A_399 = vector.broadcast %reshape3A : vector<1x1x64xf32> to vector<128x128x64xf32>
    %mul3A_400 = arith.mulf %reshape3A_398, %mul3A_399 : vector<128x128x64xf32>
    %reduce_sum3A_401 = arith.constant dense<0.000000e+00> : vector<128x128xf32>
    %reduce_sum3A_402 = vector.multi_reduction <add>, %mul3A_400, %reduce_sum3A_401 [2] : vector<128x128x64xf32> to vector<128x128xf32>
    %swap3A_403 = arith.constant 2048 : index
    %swap3A_404 = arith.constant 0 : index
    %swap3A_405 = vector.load %arg2[%swap3A_403, %swap3A_404] : memref<7936x128xf32, #tpu.memory_space<vmem>>, vector<128x128xf32>
    tpu.vector_store %arg2[%swap3A_403, %swap3A_404], %reduce_sum3A_402 {strides = array<i32>} : memref<7936x128xf32, #tpu.memory_space<vmem>>, vector<128x128xf32>,
    %dma_start3A_406 = arith.constant 0 : i32
    %dma_start3A_407 = arith.constant 0 : i32
    %dma_start3A_408 = tpu.memref_slice %arg3[%dma_start3A_406, %dma_start3A_407] : memref<16384x64xf32, #tpu.memory_space<vmem>> -> memref<16384x64xf32, #tpu.memory_space<vmem>>
    %dma_start3A_409 = arith.constant 327680 : i32
    %dma_start3A_410 = arith.constant 0 : i32
    %dma_start3A_411 = tpu.memref_slice %arg0[%dma_start3A_409, %dma_start3A_410] : memref<1000000x64xf32, #tpu.memory_space<any>> -> memref<16384x64xf32, #tpu.memory_space<any>>
    tpu.enqueue_dma source(%dma_start3A_411 : memref<16384x64xf32, #tpu.memory_space<any>>) target(%dma_start3A_408 : memref<16384x64xf32, #tpu.memory_space<vmem>>) target_semaphore(%arg7 : memref<!tpu.dma_semaphore, #tpu.memory_space<semaphore_mem>>)
    %dma_wait3A_412 = arith.constant 0 : i32
    %dma_wait3A_413 = arith.constant 0 : i32
    %dma_wait3A_414 = tpu.memref_slice %arg4[%dma_wait3A_412, %dma_wait3A_413] : memref<16384x64xf32, #tpu.memory_space<vmem>> -> memref<16384x64xf32, #tpu.memory_space<vmem>>
    %dma_wait3A_415 = arith.constant 278528 : i32
    %dma_wait3A_416 = arith.constant 0 : i32
    %dma_wait3A_417 = tpu.memref_slice %arg0[%dma_wait3A_415, %dma_wait3A_416] : memref<1000000x64xf32, #tpu.memory_space<any>> -> memref<16384x64xf32, #tpu.memory_space<any>>
    tpu.wait_dma2 semaphore(%arg8 : memref<!tpu.dma_semaphore, #tpu.memory_space<semaphore_mem>>) src(%dma_wait3A_417 : memref<16384x64xf32, #tpu.memory_space<any>>) dst(%dma_wait3A_414 : memref<16384x64xf32, #tpu.memory_space<vmem>>)
    %get3A_418 = arith.constant 0 : index
    %get3A_419 = arith.constant 0 : index
    %get3A_420 = vector.load %arg4[%get3A_418, %get3A_419] : memref<16384x64xf32, #tpu.memory_space<vmem>>, vector<16384x64xf32>
    %reshape3A_421 = vector.shape_cast %get3A_420 : vector<16384x64xf32> to vector<128x128x64xf32>
    %mul3A_422 = vector.broadcast %reshape3A : vector<1x1x64xf32> to vector<128x128x64xf32>
    %mul3A_423 = arith.mulf %reshape3A_421, %mul3A_422 : vector<128x128x64xf32>
    %reduce_sum3A_424 = arith.constant dense<0.000000e+00> : vector<128x128xf32>
    %reduce_sum3A_425 = vector.multi_reduction <add>, %mul3A_423, %reduce_sum3A_424 [2] : vector<128x128x64xf32> to vector<128x128xf32>
    %swap3A_426 = arith.constant 2176 : index
    %swap3A_427 = arith.constant 0 : index
    %swap3A_428 = vector.load %arg2[%swap3A_426, %swap3A_427] : memref<7936x128xf32, #tpu.memory_space<vmem>>, vector<128x128xf32>
    tpu.vector_store %arg2[%swap3A_426, %swap3A_427], %reduce_sum3A_425 {strides = array<i32>} : memref<7936x128xf32, #tpu.memory_space<vmem>>, vector<128x128xf32>,
    %dma_start3A_429 = arith.constant 0 : i32
    %dma_start3A_430 = arith.constant 0 : i32
    %dma_start3A_431 = tpu.memref_slice %arg4[%dma_start3A_429, %dma_start3A_430] : memref<16384x64xf32, #tpu.memory_space<vmem>> -> memref<16384x64xf32, #tpu.memory_space<vmem>>
    %dma_start3A_432 = arith.constant 344064 : i32
    %dma_start3A_433 = arith.constant 0 : i32
    %dma_start3A_434 = tpu.memref_slice %arg0[%dma_start3A_432, %dma_start3A_433] : memref<1000000x64xf32, #tpu.memory_space<any>> -> memref<16384x64xf32, #tpu.memory_space<any>>
    tpu.enqueue_dma source(%dma_start3A_434 : memref<16384x64xf32, #tpu.memory_space<any>>) target(%dma_start3A_431 : memref<16384x64xf32, #tpu.memory_space<vmem>>) target_semaphore(%arg8 : memref<!tpu.dma_semaphore, #tpu.memory_space<semaphore_mem>>)
    %dma_wait3A_435 = arith.constant 0 : i32
    %dma_wait3A_436 = arith.constant 0 : i32
    %dma_wait3A_437 = tpu.memref_slice %arg5[%dma_wait3A_435, %dma_wait3A_436] : memref<16384x64xf32, #tpu.memory_space<vmem>> -> memref<16384x64xf32, #tpu.memory_space<vmem>>
    %dma_wait3A_438 = arith.constant 294912 : i32
    %dma_wait3A_439 = arith.constant 0 : i32
    %dma_wait3A_440 = tpu.memref_slice %arg0[%dma_wait3A_438, %dma_wait3A_439] : memref<1000000x64xf32, #tpu.memory_space<any>> -> memref<16384x64xf32, #tpu.memory_space<any>>
    tpu.wait_dma2 semaphore(%arg9 : memref<!tpu.dma_semaphore, #tpu.memory_space<semaphore_mem>>) src(%dma_wait3A_440 : memref<16384x64xf32, #tpu.memory_space<any>>) dst(%dma_wait3A_437 : memref<16384x64xf32, #tpu.memory_space<vmem>>)
    %get3A_441 = arith.constant 0 : index
    %get3A_442 = arith.constant 0 : index
    %get3A_443 = vector.load %arg5[%get3A_441, %get3A_442] : memref<16384x64xf32, #tpu.memory_space<vmem>>, vector<16384x64xf32>
    %reshape3A_444 = vector.shape_cast %get3A_443 : vector<16384x64xf32> to vector<128x128x64xf32>
    %mul3A_445 = vector.broadcast %reshape3A : vector<1x1x64xf32> to vector<128x128x64xf32>
    %mul3A_446 = arith.mulf %reshape3A_444, %mul3A_445 : vector<128x128x64xf32>
    %reduce_sum3A_447 = arith.constant dense<0.000000e+00> : vector<128x128xf32>
    %reduce_sum3A_448 = vector.multi_reduction <add>, %mul3A_446, %reduce_sum3A_447 [2] : vector<128x128x64xf32> to vector<128x128xf32>
    %swap3A_449 = arith.constant 2304 : index
    %swap3A_450 = arith.constant 0 : index
    %swap3A_451 = vector.load %arg2[%swap3A_449, %swap3A_450] : memref<7936x128xf32, #tpu.memory_space<vmem>>, vector<128x128xf32>
    tpu.vector_store %arg2[%swap3A_449, %swap3A_450], %reduce_sum3A_448 {strides = array<i32>} : memref<7936x128xf32, #tpu.memory_space<vmem>>, vector<128x128xf32>,
    %dma_start3A_452 = arith.constant 0 : i32
    %dma_start3A_453 = arith.constant 0 : i32
    %dma_start3A_454 = tpu.memref_slice %arg5[%dma_start3A_452, %dma_start3A_453] : memref<16384x64xf32, #tpu.memory_space<vmem>> -> memref<16384x64xf32, #tpu.memory_space<vmem>>
    %dma_start3A_455 = arith.constant 360448 : i32
    %dma_start3A_456 = arith.constant 0 : i32
    %dma_start3A_457 = tpu.memref_slice %arg0[%dma_start3A_455, %dma_start3A_456] : memref<1000000x64xf32, #tpu.memory_space<any>> -> memref<16384x64xf32, #tpu.memory_space<any>>
    tpu.enqueue_dma source(%dma_start3A_457 : memref<16384x64xf32, #tpu.memory_space<any>>) target(%dma_start3A_454 : memref<16384x64xf32, #tpu.memory_space<vmem>>) target_semaphore(%arg9 : memref<!tpu.dma_semaphore, #tpu.memory_space<semaphore_mem>>)
    %dma_wait3A_458 = arith.constant 0 : i32
    %dma_wait3A_459 = arith.constant 0 : i32
    %dma_wait3A_460 = tpu.memref_slice %arg6[%dma_wait3A_458, %dma_wait3A_459] : memref<16384x64xf32, #tpu.memory_space<vmem>> -> memref<16384x64xf32, #tpu.memory_space<vmem>>
    %dma_wait3A_461 = arith.constant 311296 : i32
    %dma_wait3A_462 = arith.constant 0 : i32
    %dma_wait3A_463 = tpu.memref_slice %arg0[%dma_wait3A_461, %dma_wait3A_462] : memref<1000000x64xf32, #tpu.memory_space<any>> -> memref<16384x64xf32, #tpu.memory_space<any>>
    tpu.wait_dma2 semaphore(%arg10 : memref<!tpu.dma_semaphore, #tpu.memory_space<semaphore_mem>>) src(%dma_wait3A_463 : memref<16384x64xf32, #tpu.memory_space<any>>) dst(%dma_wait3A_460 : memref<16384x64xf32, #tpu.memory_space<vmem>>)
    %get3A_464 = arith.constant 0 : index
    %get3A_465 = arith.constant 0 : index
    %get3A_466 = vector.load %arg6[%get3A_464, %get3A_465] : memref<16384x64xf32, #tpu.memory_space<vmem>>, vector<16384x64xf32>
    %reshape3A_467 = vector.shape_cast %get3A_466 : vector<16384x64xf32> to vector<128x128x64xf32>
    %mul3A_468 = vector.broadcast %reshape3A : vector<1x1x64xf32> to vector<128x128x64xf32>
    %mul3A_469 = arith.mulf %reshape3A_467, %mul3A_468 : vector<128x128x64xf32>
    %reduce_sum3A_470 = arith.constant dense<0.000000e+00> : vector<128x128xf32>
    %reduce_sum3A_471 = vector.multi_reduction <add>, %mul3A_469, %reduce_sum3A_470 [2] : vector<128x128x64xf32> to vector<128x128xf32>
    %swap3A_472 = arith.constant 2432 : index
    %swap3A_473 = arith.constant 0 : index
    %swap3A_474 = vector.load %arg2[%swap3A_472, %swap3A_473] : memref<7936x128xf32, #tpu.memory_space<vmem>>, vector<128x128xf32>
    tpu.vector_store %arg2[%swap3A_472, %swap3A_473], %reduce_sum3A_471 {strides = array<i32>} : memref<7936x128xf32, #tpu.memory_space<vmem>>, vector<128x128xf32>,
    %dma_start3A_475 = arith.constant 0 : i32
    %dma_start3A_476 = arith.constant 0 : i32
    %dma_start3A_477 = tpu.memref_slice %arg6[%dma_start3A_475, %dma_start3A_476] : memref<16384x64xf32, #tpu.memory_space<vmem>> -> memref<16384x64xf32, #tpu.memory_space<vmem>>
    %dma_start3A_478 = arith.constant 376832 : i32
    %dma_start3A_479 = arith.constant 0 : i32
    %dma_start3A_480 = tpu.memref_slice %arg0[%dma_start3A_478, %dma_start3A_479] : memref<1000000x64xf32, #tpu.memory_space<any>> -> memref<16384x64xf32, #tpu.memory_space<any>>
    tpu.enqueue_dma source(%dma_start3A_480 : memref<16384x64xf32, #tpu.memory_space<any>>) target(%dma_start3A_477 : memref<16384x64xf32, #tpu.memory_space<vmem>>) target_semaphore(%arg10 : memref<!tpu.dma_semaphore, #tpu.memory_space<semaphore_mem>>)
    %dma_wait3A_481 = arith.constant 0 : i32
    %dma_wait3A_482 = arith.constant 0 : i32
    %dma_wait3A_483 = tpu.memref_slice %arg3[%dma_wait3A_481, %dma_wait3A_482] : memref<16384x64xf32, #tpu.memory_space<vmem>> -> memref<16384x64xf32, #tpu.memory_space<vmem>>
    %dma_wait3A_484 = arith.constant 327680 : i32
    %dma_wait3A_485 = arith.constant 0 : i32
    %dma_wait3A_486 = tpu.memref_slice %arg0[%dma_wait3A_484, %dma_wait3A_485] : memref<1000000x64xf32, #tpu.memory_space<any>> -> memref<16384x64xf32, #tpu.memory_space<any>>
    tpu.wait_dma2 semaphore(%arg7 : memref<!tpu.dma_semaphore, #tpu.memory_space<semaphore_mem>>) src(%dma_wait3A_486 : memref<16384x64xf32, #tpu.memory_space<any>>) dst(%dma_wait3A_483 : memref<16384x64xf32, #tpu.memory_space<vmem>>)
    %get3A_487 = arith.constant 0 : index
    %get3A_488 = arith.constant 0 : index
    %get3A_489 = vector.load %arg3[%get3A_487, %get3A_488] : memref<16384x64xf32, #tpu.memory_space<vmem>>, vector<16384x64xf32>
    %reshape3A_490 = vector.shape_cast %get3A_489 : vector<16384x64xf32> to vector<128x128x64xf32>
    %mul3A_491 = vector.broadcast %reshape3A : vector<1x1x64xf32> to vector<128x128x64xf32>
    %mul3A_492 = arith.mulf %reshape3A_490, %mul3A_491 : vector<128x128x64xf32>
    %reduce_sum3A_493 = arith.constant dense<0.000000e+00> : vector<128x128xf32>
    %reduce_sum3A_494 = vector.multi_reduction <add>, %mul3A_492, %reduce_sum3A_493 [2] : vector<128x128x64xf32> to vector<128x128xf32>
    %swap3A_495 = arith.constant 2560 : index
    %swap3A_496 = arith.constant 0 : index
    %swap3A_497 = vector.load %arg2[%swap3A_495, %swap3A_496] : memref<7936x128xf32, #tpu.memory_space<vmem>>, vector<128x128xf32>
    tpu.vector_store %arg2[%swap3A_495, %swap3A_496], %reduce_sum3A_494 {strides = array<i32>} : memref<7936x128xf32, #tpu.memory_space<vmem>>, vector<128x128xf32>,
    %dma_start3A_498 = arith.constant 0 : i32
    %dma_start3A_499 = arith.constant 0 : i32
    %dma_start3A_500 = tpu.memref_slice %arg3[%dma_start3A_498, %dma_start3A_499] : memref<16384x64xf32, #tpu.memory_space<vmem>> -> memref<16384x64xf32, #tpu.memory_space<vmem>>
    %dma_start3A_501 = arith.constant 393216 : i32
    %dma_start3A_502 = arith.constant 0 : i32
    %dma_start3A_503 = tpu.memref_slice %arg0[%dma_start3A_501, %dma_start3A_502] : memref<1000000x64xf32, #tpu.memory_space<any>> -> memref<16384x64xf32, #tpu.memory_space<any>>
    tpu.enqueue_dma source(%dma_start3A_503 : memref<16384x64xf32, #tpu.memory_space<any>>) target(%dma_start3A_500 : memref<16384x64xf32, #tpu.memory_space<vmem>>) target_semaphore(%arg7 : memref<!tpu.dma_semaphore, #tpu.memory_space<semaphore_mem>>)
    %dma_wait3A_504 = arith.constant 0 : i32
    %dma_wait3A_505 = arith.constant 0 : i32
    %dma_wait3A_506 = tpu.memref_slice %arg4[%dma_wait3A_504, %dma_wait3A_505] : memref<16384x64xf32, #tpu.memory_space<vmem>> -> memref<16384x64xf32, #tpu.memory_space<vmem>>
    %dma_wait3A_507 = arith.constant 344064 : i32
    %dma_wait3A_508 = arith.constant 0 : i32
    %dma_wait3A_509 = tpu.memref_slice %arg0[%dma_wait3A_507, %dma_wait3A_508] : memref<1000000x64xf32, #tpu.memory_space<any>> -> memref<16384x64xf32, #tpu.memory_space<any>>
    tpu.wait_dma2 semaphore(%arg8 : memref<!tpu.dma_semaphore, #tpu.memory_space<semaphore_mem>>) src(%dma_wait3A_509 : memref<16384x64xf32, #tpu.memory_space<any>>) dst(%dma_wait3A_506 : memref<16384x64xf32, #tpu.memory_space<vmem>>)
    %get3A_510 = arith.constant 0 : index
    %get3A_511 = arith.constant 0 : index
    %get3A_512 = vector.load %arg4[%get3A_510, %get3A_511] : memref<16384x64xf32, #tpu.memory_space<vmem>>, vector<16384x64xf32>
    %reshape3A_513 = vector.shape_cast %get3A_512 : vector<16384x64xf32> to vector<128x128x64xf32>
    %mul3A_514 = vector.broadcast %reshape3A : vector<1x1x64xf32> to vector<128x128x64xf32>
    %mul3A_515 = arith.mulf %reshape3A_513, %mul3A_514 : vector<128x128x64xf32>
    %reduce_sum3A_516 = arith.constant dense<0.000000e+00> : vector<128x128xf32>
    %reduce_sum3A_517 = vector.multi_reduction <add>, %mul3A_515, %reduce_sum3A_516 [2] : vector<128x128x64xf32> to vector<128x128xf32>
    %swap3A_518 = arith.constant 2688 : index
    %swap3A_519 = arith.constant 0 : index
    %swap3A_520 = vector.load %arg2[%swap3A_518, %swap3A_519] : memref<7936x128xf32, #tpu.memory_space<vmem>>, vector<128x128xf32>
    tpu.vector_store %arg2[%swap3A_518, %swap3A_519], %reduce_sum3A_517 {strides = array<i32>} : memref<7936x128xf32, #tpu.memory_space<vmem>>, vector<128x128xf32>,
    %dma_start3A_521 = arith.constant 0 : i32
    %dma_start3A_522 = arith.constant 0 : i32
    %dma_start3A_523 = tpu.memref_slice %arg4[%dma_start3A_521, %dma_start3A_522] : memref<16384x64xf32, #tpu.memory_space<vmem>> -> memref<16384x64xf32, #tpu.memory_space<vmem>>
    %dma_start3A_524 = arith.constant 409600 : i32
    %dma_start3A_525 = arith.constant 0 : i32
    %dma_start3A_526 = tpu.memref_slice %arg0[%dma_start3A_524, %dma_start3A_525] : memref<1000000x64xf32, #tpu.memory_space<any>> -> memref<16384x64xf32, #tpu.memory_space<any>>
    tpu.enqueue_dma source(%dma_start3A_526 : memref<16384x64xf32, #tpu.memory_space<any>>) target(%dma_start3A_523 : memref<16384x64xf32, #tpu.memory_space<vmem>>) target_semaphore(%arg8 : memref<!tpu.dma_semaphore, #tpu.memory_space<semaphore_mem>>)
    %dma_wait3A_527 = arith.constant 0 : i32
    %dma_wait3A_528 = arith.constant 0 : i32
    %dma_wait3A_529 = tpu.memref_slice %arg5[%dma_wait3A_527, %dma_wait3A_528] : memref<16384x64xf32, #tpu.memory_space<vmem>> -> memref<16384x64xf32, #tpu.memory_space<vmem>>
    %dma_wait3A_530 = arith.constant 360448 : i32
    %dma_wait3A_531 = arith.constant 0 : i32
    %dma_wait3A_532 = tpu.memref_slice %arg0[%dma_wait3A_530, %dma_wait3A_531] : memref<1000000x64xf32, #tpu.memory_space<any>> -> memref<16384x64xf32, #tpu.memory_space<any>>
    tpu.wait_dma2 semaphore(%arg9 : memref<!tpu.dma_semaphore, #tpu.memory_space<semaphore_mem>>) src(%dma_wait3A_532 : memref<16384x64xf32, #tpu.memory_space<any>>) dst(%dma_wait3A_529 : memref<16384x64xf32, #tpu.memory_space<vmem>>)
    %get3A_533 = arith.constant 0 : index
    %get3A_534 = arith.constant 0 : index
    %get3A_535 = vector.load %arg5[%get3A_533, %get3A_534] : memref<16384x64xf32, #tpu.memory_space<vmem>>, vector<16384x64xf32>
    %reshape3A_536 = vector.shape_cast %get3A_535 : vector<16384x64xf32> to vector<128x128x64xf32>
    %mul3A_537 = vector.broadcast %reshape3A : vector<1x1x64xf32> to vector<128x128x64xf32>
    %mul3A_538 = arith.mulf %reshape3A_536, %mul3A_537 : vector<128x128x64xf32>
    %reduce_sum3A_539 = arith.constant dense<0.000000e+00> : vector<128x128xf32>
    %reduce_sum3A_540 = vector.multi_reduction <add>, %mul3A_538, %reduce_sum3A_539 [2] : vector<128x128x64xf32> to vector<128x128xf32>
    %swap3A_541 = arith.constant 2816 : index
    %swap3A_542 = arith.constant 0 : index
    %swap3A_543 = vector.load %arg2[%swap3A_541, %swap3A_542] : memref<7936x128xf32, #tpu.memory_space<vmem>>, vector<128x128xf32>
    tpu.vector_store %arg2[%swap3A_541, %swap3A_542], %reduce_sum3A_540 {strides = array<i32>} : memref<7936x128xf32, #tpu.memory_space<vmem>>, vector<128x128xf32>,
    %dma_start3A_544 = arith.constant 0 : i32
    %dma_start3A_545 = arith.constant 0 : i32
    %dma_start3A_546 = tpu.memref_slice %arg5[%dma_start3A_544, %dma_start3A_545] : memref<16384x64xf32, #tpu.memory_space<vmem>> -> memref<16384x64xf32, #tpu.memory_space<vmem>>
    %dma_start3A_547 = arith.constant 425984 : i32
    %dma_start3A_548 = arith.constant 0 : i32
    %dma_start3A_549 = tpu.memref_slice %arg0[%dma_start3A_547, %dma_start3A_548] : memref<1000000x64xf32, #tpu.memory_space<any>> -> memref<16384x64xf32, #tpu.memory_space<any>>
    tpu.enqueue_dma source(%dma_start3A_549 : memref<16384x64xf32, #tpu.memory_space<any>>) target(%dma_start3A_546 : memref<16384x64xf32, #tpu.memory_space<vmem>>) target_semaphore(%arg9 : memref<!tpu.dma_semaphore, #tpu.memory_space<semaphore_mem>>)
    %dma_wait3A_550 = arith.constant 0 : i32
    %dma_wait3A_551 = arith.constant 0 : i32
    %dma_wait3A_552 = tpu.memref_slice %arg6[%dma_wait3A_550, %dma_wait3A_551] : memref<16384x64xf32, #tpu.memory_space<vmem>> -> memref<16384x64xf32, #tpu.memory_space<vmem>>
    %dma_wait3A_553 = arith.constant 376832 : i32
    %dma_wait3A_554 = arith.constant 0 : i32
    %dma_wait3A_555 = tpu.memref_slice %arg0[%dma_wait3A_553, %dma_wait3A_554] : memref<1000000x64xf32, #tpu.memory_space<any>> -> memref<16384x64xf32, #tpu.memory_space<any>>
    tpu.wait_dma2 semaphore(%arg10 : memref<!tpu.dma_semaphore, #tpu.memory_space<semaphore_mem>>) src(%dma_wait3A_555 : memref<16384x64xf32, #tpu.memory_space<any>>) dst(%dma_wait3A_552 : memref<16384x64xf32, #tpu.memory_space<vmem>>)
    %get3A_556 = arith.constant 0 : index
    %get3A_557 = arith.constant 0 : index
    %get3A_558 = vector.load %arg6[%get3A_556, %get3A_557] : memref<16384x64xf32, #tpu.memory_space<vmem>>, vector<16384x64xf32>
    %reshape3A_559 = vector.shape_cast %get3A_558 : vector<16384x64xf32> to vector<128x128x64xf32>
    %mul3A_560 = vector.broadcast %reshape3A : vector<1x1x64xf32> to vector<128x128x64xf32>
    %mul3A_561 = arith.mulf %reshape3A_559, %mul3A_560 : vector<128x128x64xf32>
    %reduce_sum3A_562 = arith.constant dense<0.000000e+00> : vector<128x128xf32>
    %reduce_sum3A_563 = vector.multi_reduction <add>, %mul3A_561, %reduce_sum3A_562 [2] : vector<128x128x64xf32> to vector<128x128xf32>
    %swap3A_564 = arith.constant 2944 : index
    %swap3A_565 = arith.constant 0 : index
    %swap3A_566 = vector.load %arg2[%swap3A_564, %swap3A_565] : memref<7936x128xf32, #tpu.memory_space<vmem>>, vector<128x128xf32>
    tpu.vector_store %arg2[%swap3A_564, %swap3A_565], %reduce_sum3A_563 {strides = array<i32>} : memref<7936x128xf32, #tpu.memory_space<vmem>>, vector<128x128xf32>,
    %dma_start3A_567 = arith.constant 0 : i32
    %dma_start3A_568 = arith.constant 0 : i32
    %dma_start3A_569 = tpu.memref_slice %arg6[%dma_start3A_567, %dma_start3A_568] : memref<16384x64xf32, #tpu.memory_space<vmem>> -> memref<16384x64xf32, #tpu.memory_space<vmem>>
    %dma_start3A_570 = arith.constant 442368 : i32
    %dma_start3A_571 = arith.constant 0 : i32
    %dma_start3A_572 = tpu.memref_slice %arg0[%dma_start3A_570, %dma_start3A_571] : memref<1000000x64xf32, #tpu.memory_space<any>> -> memref<16384x64xf32, #tpu.memory_space<any>>
    tpu.enqueue_dma source(%dma_start3A_572 : memref<16384x64xf32, #tpu.memory_space<any>>) target(%dma_start3A_569 : memref<16384x64xf32, #tpu.memory_space<vmem>>) target_semaphore(%arg10 : memref<!tpu.dma_semaphore, #tpu.memory_space<semaphore_mem>>)
    %dma_wait3A_573 = arith.constant 0 : i32
    %dma_wait3A_574 = arith.constant 0 : i32
    %dma_wait3A_575 = tpu.memref_slice %arg3[%dma_wait3A_573, %dma_wait3A_574] : memref<16384x64xf32, #tpu.memory_space<vmem>> -> memref<16384x64xf32, #tpu.memory_space<vmem>>
    %dma_wait3A_576 = arith.constant 393216 : i32
    %dma_wait3A_577 = arith.constant 0 : i32
    %dma_wait3A_578 = tpu.memref_slice %arg0[%dma_wait3A_576, %dma_wait3A_577] : memref<1000000x64xf32, #tpu.memory_space<any>> -> memref<16384x64xf32, #tpu.memory_space<any>>
    tpu.wait_dma2 semaphore(%arg7 : memref<!tpu.dma_semaphore, #tpu.memory_space<semaphore_mem>>) src(%dma_wait3A_578 : memref<16384x64xf32, #tpu.memory_space<any>>) dst(%dma_wait3A_575 : memref<16384x64xf32, #tpu.memory_space<vmem>>)
    %get3A_579 = arith.constant 0 : index
    %get3A_580 = arith.constant 0 : index
    %get3A_581 = vector.load %arg3[%get3A_579, %get3A_580] : memref<16384x64xf32, #tpu.memory_space<vmem>>, vector<16384x64xf32>
    %reshape3A_582 = vector.shape_cast %get3A_581 : vector<16384x64xf32> to vector<128x128x64xf32>
    %mul3A_583 = vector.broadcast %reshape3A : vector<1x1x64xf32> to vector<128x128x64xf32>
    %mul3A_584 = arith.mulf %reshape3A_582, %mul3A_583 : vector<128x128x64xf32>
    %reduce_sum3A_585 = arith.constant dense<0.000000e+00> : vector<128x128xf32>
    %reduce_sum3A_586 = vector.multi_reduction <add>, %mul3A_584, %reduce_sum3A_585 [2] : vector<128x128x64xf32> to vector<128x128xf32>
    %swap3A_587 = arith.constant 3072 : index
    %swap3A_588 = arith.constant 0 : index
    %swap3A_589 = vector.load %arg2[%swap3A_587, %swap3A_588] : memref<7936x128xf32, #tpu.memory_space<vmem>>, vector<128x128xf32>
    tpu.vector_store %arg2[%swap3A_587, %swap3A_588], %reduce_sum3A_586 {strides = array<i32>} : memref<7936x128xf32, #tpu.memory_space<vmem>>, vector<128x128xf32>,
    %dma_start3A_590 = arith.constant 0 : i32
    %dma_start3A_591 = arith.constant 0 : i32
    %dma_start3A_592 = tpu.memref_slice %arg3[%dma_start3A_590, %dma_start3A_591] : memref<16384x64xf32, #tpu.memory_space<vmem>> -> memref<16384x64xf32, #tpu.memory_space<vmem>>
    %dma_start3A_593 = arith.constant 458752 : i32
    %dma_start3A_594 = arith.constant 0 : i32
    %dma_start3A_595 = tpu.memref_slice %arg0[%dma_start3A_593, %dma_start3A_594] : memref<1000000x64xf32, #tpu.memory_space<any>> -> memref<16384x64xf32, #tpu.memory_space<any>>
    tpu.enqueue_dma source(%dma_start3A_595 : memref<16384x64xf32, #tpu.memory_space<any>>) target(%dma_start3A_592 : memref<16384x64xf32, #tpu.memory_space<vmem>>) target_semaphore(%arg7 : memref<!tpu.dma_semaphore, #tpu.memory_space<semaphore_mem>>)
    %dma_wait3A_596 = arith.constant 0 : i32
    %dma_wait3A_597 = arith.constant 0 : i32
    %dma_wait3A_598 = tpu.memref_slice %arg4[%dma_wait3A_596, %dma_wait3A_597] : memref<16384x64xf32, #tpu.memory_space<vmem>> -> memref<16384x64xf32, #tpu.memory_space<vmem>>
    %dma_wait3A_599 = arith.constant 409600 : i32
    %dma_wait3A_600 = arith.constant 0 : i32
    %dma_wait3A_601 = tpu.memref_slice %arg0[%dma_wait3A_599, %dma_wait3A_600] : memref<1000000x64xf32, #tpu.memory_space<any>> -> memref<16384x64xf32, #tpu.memory_space<any>>
    tpu.wait_dma2 semaphore(%arg8 : memref<!tpu.dma_semaphore, #tpu.memory_space<semaphore_mem>>) src(%dma_wait3A_601 : memref<16384x64xf32, #tpu.memory_space<any>>) dst(%dma_wait3A_598 : memref<16384x64xf32, #tpu.memory_space<vmem>>)
    %get3A_602 = arith.constant 0 : index
    %get3A_603 = arith.constant 0 : index
    %get3A_604 = vector.load %arg4[%get3A_602, %get3A_603] : memref<16384x64xf32, #tpu.memory_space<vmem>>, vector<16384x64xf32>
    %reshape3A_605 = vector.shape_cast %get3A_604 : vector<16384x64xf32> to vector<128x128x64xf32>
    %mul3A_606 = vector.broadcast %reshape3A : vector<1x1x64xf32> to vector<128x128x64xf32>
    %mul3A_607 = arith.mulf %reshape3A_605, %mul3A_606 : vector<128x128x64xf32>
    %reduce_sum3A_608 = arith.constant dense<0.000000e+00> : vector<128x128xf32>
    %reduce_sum3A_609 = vector.multi_reduction <add>, %mul3A_607, %reduce_sum3A_608 [2] : vector<128x128x64xf32> to vector<128x128xf32>
    %swap3A_610 = arith.constant 3200 : index
    %swap3A_611 = arith.constant 0 : index
    %swap3A_612 = vector.load %arg2[%swap3A_610, %swap3A_611] : memref<7936x128xf32, #tpu.memory_space<vmem>>, vector<128x128xf32>
    tpu.vector_store %arg2[%swap3A_610, %swap3A_611], %reduce_sum3A_609 {strides = array<i32>} : memref<7936x128xf32, #tpu.memory_space<vmem>>, vector<128x128xf32>,
    %dma_start3A_613 = arith.constant 0 : i32
    %dma_start3A_614 = arith.constant 0 : i32
    %dma_start3A_615 = tpu.memref_slice %arg4[%dma_start3A_613, %dma_start3A_614] : memref<16384x64xf32, #tpu.memory_space<vmem>> -> memref<16384x64xf32, #tpu.memory_space<vmem>>
    %dma_start3A_616 = arith.constant 475136 : i32
    %dma_start3A_617 = arith.constant 0 : i32
    %dma_start3A_618 = tpu.memref_slice %arg0[%dma_start3A_616, %dma_start3A_617] : memref<1000000x64xf32, #tpu.memory_space<any>> -> memref<16384x64xf32, #tpu.memory_space<any>>
    tpu.enqueue_dma source(%dma_start3A_618 : memref<16384x64xf32, #tpu.memory_space<any>>) target(%dma_start3A_615 : memref<16384x64xf32, #tpu.memory_space<vmem>>) target_semaphore(%arg8 : memref<!tpu.dma_semaphore, #tpu.memory_space<semaphore_mem>>)
    %dma_wait3A_619 = arith.constant 0 : i32
    %dma_wait3A_620 = arith.constant 0 : i32
    %dma_wait3A_621 = tpu.memref_slice %arg5[%dma_wait3A_619, %dma_wait3A_620] : memref<16384x64xf32, #tpu.memory_space<vmem>> -> memref<16384x64xf32, #tpu.memory_space<vmem>>
    %dma_wait3A_622 = arith.constant 425984 : i32
    %dma_wait3A_623 = arith.constant 0 : i32
    %dma_wait3A_624 = tpu.memref_slice %arg0[%dma_wait3A_622, %dma_wait3A_623] : memref<1000000x64xf32, #tpu.memory_space<any>> -> memref<16384x64xf32, #tpu.memory_space<any>>
    tpu.wait_dma2 semaphore(%arg9 : memref<!tpu.dma_semaphore, #tpu.memory_space<semaphore_mem>>) src(%dma_wait3A_624 : memref<16384x64xf32, #tpu.memory_space<any>>) dst(%dma_wait3A_621 : memref<16384x64xf32, #tpu.memory_space<vmem>>)
    %get3A_625 = arith.constant 0 : index
    %get3A_626 = arith.constant 0 : index
    %get3A_627 = vector.load %arg5[%get3A_625, %get3A_626] : memref<16384x64xf32, #tpu.memory_space<vmem>>, vector<16384x64xf32>
    %reshape3A_628 = vector.shape_cast %get3A_627 : vector<16384x64xf32> to vector<128x128x64xf32>
    %mul3A_629 = vector.broadcast %reshape3A : vector<1x1x64xf32> to vector<128x128x64xf32>
    %mul3A_630 = arith.mulf %reshape3A_628, %mul3A_629 : vector<128x128x64xf32>
    %reduce_sum3A_631 = arith.constant dense<0.000000e+00> : vector<128x128xf32>
    %reduce_sum3A_632 = vector.multi_reduction <add>, %mul3A_630, %reduce_sum3A_631 [2] : vector<128x128x64xf32> to vector<128x128xf32>
    %swap3A_633 = arith.constant 3328 : index
    %swap3A_634 = arith.constant 0 : index
    %swap3A_635 = vector.load %arg2[%swap3A_633, %swap3A_634] : memref<7936x128xf32, #tpu.memory_space<vmem>>, vector<128x128xf32>
    tpu.vector_store %arg2[%swap3A_633, %swap3A_634], %reduce_sum3A_632 {strides = array<i32>} : memref<7936x128xf32, #tpu.memory_space<vmem>>, vector<128x128xf32>,
    %dma_start3A_636 = arith.constant 0 : i32
    %dma_start3A_637 = arith.constant 0 : i32
    %dma_start3A_638 = tpu.memref_slice %arg5[%dma_start3A_636, %dma_start3A_637] : memref<16384x64xf32, #tpu.memory_space<vmem>> -> memref<16384x64xf32, #tpu.memory_space<vmem>>
    %dma_start3A_639 = arith.constant 491520 : i32
    %dma_start3A_640 = arith.constant 0 : i32
    %dma_start3A_641 = tpu.memref_slice %arg0[%dma_start3A_639, %dma_start3A_640] : memref<1000000x64xf32, #tpu.memory_space<any>> -> memref<16384x64xf32, #tpu.memory_space<any>>
    tpu.enqueue_dma source(%dma_start3A_641 : memref<16384x64xf32, #tpu.memory_space<any>>) target(%dma_start3A_638 : memref<16384x64xf32, #tpu.memory_space<vmem>>) target_semaphore(%arg9 : memref<!tpu.dma_semaphore, #tpu.memory_space<semaphore_mem>>)
    %dma_wait3A_642 = arith.constant 0 : i32
    %dma_wait3A_643 = arith.constant 0 : i32
    %dma_wait3A_644 = tpu.memref_slice %arg6[%dma_wait3A_642, %dma_wait3A_643] : memref<16384x64xf32, #tpu.memory_space<vmem>> -> memref<16384x64xf32, #tpu.memory_space<vmem>>
    %dma_wait3A_645 = arith.constant 442368 : i32
    %dma_wait3A_646 = arith.constant 0 : i32
    %dma_wait3A_647 = tpu.memref_slice %arg0[%dma_wait3A_645, %dma_wait3A_646] : memref<1000000x64xf32, #tpu.memory_space<any>> -> memref<16384x64xf32, #tpu.memory_space<any>>
    tpu.wait_dma2 semaphore(%arg10 : memref<!tpu.dma_semaphore, #tpu.memory_space<semaphore_mem>>) src(%dma_wait3A_647 : memref<16384x64xf32, #tpu.memory_space<any>>) dst(%dma_wait3A_644 : memref<16384x64xf32, #tpu.memory_space<vmem>>)
    %get3A_648 = arith.constant 0 : index
    %get3A_649 = arith.constant 0 : index
    %get3A_650 = vector.load %arg6[%get3A_648, %get3A_649] : memref<16384x64xf32, #tpu.memory_space<vmem>>, vector<16384x64xf32>
    %reshape3A_651 = vector.shape_cast %get3A_650 : vector<16384x64xf32> to vector<128x128x64xf32>
    %mul3A_652 = vector.broadcast %reshape3A : vector<1x1x64xf32> to vector<128x128x64xf32>
    %mul3A_653 = arith.mulf %reshape3A_651, %mul3A_652 : vector<128x128x64xf32>
    %reduce_sum3A_654 = arith.constant dense<0.000000e+00> : vector<128x128xf32>
    %reduce_sum3A_655 = vector.multi_reduction <add>, %mul3A_653, %reduce_sum3A_654 [2] : vector<128x128x64xf32> to vector<128x128xf32>
    %swap3A_656 = arith.constant 3456 : index
    %swap3A_657 = arith.constant 0 : index
    %swap3A_658 = vector.load %arg2[%swap3A_656, %swap3A_657] : memref<7936x128xf32, #tpu.memory_space<vmem>>, vector<128x128xf32>
    tpu.vector_store %arg2[%swap3A_656, %swap3A_657], %reduce_sum3A_655 {strides = array<i32>} : memref<7936x128xf32, #tpu.memory_space<vmem>>, vector<128x128xf32>,
    %dma_start3A_659 = arith.constant 0 : i32
    %dma_start3A_660 = arith.constant 0 : i32
    %dma_start3A_661 = tpu.memref_slice %arg6[%dma_start3A_659, %dma_start3A_660] : memref<16384x64xf32, #tpu.memory_space<vmem>> -> memref<16384x64xf32, #tpu.memory_space<vmem>>
    %dma_start3A_662 = arith.constant 507904 : i32
    %dma_start3A_663 = arith.constant 0 : i32
    %dma_start3A_664 = tpu.memref_slice %arg0[%dma_start3A_662, %dma_start3A_663] : memref<1000000x64xf32, #tpu.memory_space<any>> -> memref<16384x64xf32, #tpu.memory_space<any>>
    tpu.enqueue_dma source(%dma_start3A_664 : memref<16384x64xf32, #tpu.memory_space<any>>) target(%dma_start3A_661 : memref<16384x64xf32, #tpu.memory_space<vmem>>) target_semaphore(%arg10 : memref<!tpu.dma_semaphore, #tpu.memory_space<semaphore_mem>>)
    %dma_wait3A_665 = arith.constant 0 : i32
    %dma_wait3A_666 = arith.constant 0 : i32
    %dma_wait3A_667 = tpu.memref_slice %arg3[%dma_wait3A_665, %dma_wait3A_666] : memref<16384x64xf32, #tpu.memory_space<vmem>> -> memref<16384x64xf32, #tpu.memory_space<vmem>>
    %dma_wait3A_668 = arith.constant 458752 : i32
    %dma_wait3A_669 = arith.constant 0 : i32
    %dma_wait3A_670 = tpu.memref_slice %arg0[%dma_wait3A_668, %dma_wait3A_669] : memref<1000000x64xf32, #tpu.memory_space<any>> -> memref<16384x64xf32, #tpu.memory_space<any>>
    tpu.wait_dma2 semaphore(%arg7 : memref<!tpu.dma_semaphore, #tpu.memory_space<semaphore_mem>>) src(%dma_wait3A_670 : memref<16384x64xf32, #tpu.memory_space<any>>) dst(%dma_wait3A_667 : memref<16384x64xf32, #tpu.memory_space<vmem>>)
    %get3A_671 = arith.constant 0 : index
    %get3A_672 = arith.constant 0 : index
    %get3A_673 = vector.load %arg3[%get3A_671, %get3A_672] : memref<16384x64xf32, #tpu.memory_space<vmem>>, vector<16384x64xf32>
    %reshape3A_674 = vector.shape_cast %get3A_673 : vector<16384x64xf32> to vector<128x128x64xf32>
    %mul3A_675 = vector.broadcast %reshape3A : vector<1x1x64xf32> to vector<128x128x64xf32>
    %mul3A_676 = arith.mulf %reshape3A_674, %mul3A_675 : vector<128x128x64xf32>
    %reduce_sum3A_677 = arith.constant dense<0.000000e+00> : vector<128x128xf32>
    %reduce_sum3A_678 = vector.multi_reduction <add>, %mul3A_676, %reduce_sum3A_677 [2] : vector<128x128x64xf32> to vector<128x128xf32>
    %swap3A_679 = arith.constant 3584 : index
    %swap3A_680 = arith.constant 0 : index
    %swap3A_681 = vector.load %arg2[%swap3A_679, %swap3A_680] : memref<7936x128xf32, #tpu.memory_space<vmem>>, vector<128x128xf32>
    tpu.vector_store %arg2[%swap3A_679, %swap3A_680], %reduce_sum3A_678 {strides = array<i32>} : memref<7936x128xf32, #tpu.memory_space<vmem>>, vector<128x128xf32>,
    %dma_start3A_682 = arith.constant 0 : i32
    %dma_start3A_683 = arith.constant 0 : i32
    %dma_start3A_684 = tpu.memref_slice %arg3[%dma_start3A_682, %dma_start3A_683] : memref<16384x64xf32, #tpu.memory_space<vmem>> -> memref<16384x64xf32, #tpu.memory_space<vmem>>
    %dma_start3A_685 = arith.constant 524288 : i32
    %dma_start3A_686 = arith.constant 0 : i32
    %dma_start3A_687 = tpu.memref_slice %arg0[%dma_start3A_685, %dma_start3A_686] : memref<1000000x64xf32, #tpu.memory_space<any>> -> memref<16384x64xf32, #tpu.memory_space<any>>
    tpu.enqueue_dma source(%dma_start3A_687 : memref<16384x64xf32, #tpu.memory_space<any>>) target(%dma_start3A_684 : memref<16384x64xf32, #tpu.memory_space<vmem>>) target_semaphore(%arg7 : memref<!tpu.dma_semaphore, #tpu.memory_space<semaphore_mem>>)
    %dma_wait3A_688 = arith.constant 0 : i32
    %dma_wait3A_689 = arith.constant 0 : i32
    %dma_wait3A_690 = tpu.memref_slice %arg4[%dma_wait3A_688, %dma_wait3A_689] : memref<16384x64xf32, #tpu.memory_space<vmem>> -> memref<16384x64xf32, #tpu.memory_space<vmem>>
    %dma_wait3A_691 = arith.constant 475136 : i32
    %dma_wait3A_692 = arith.constant 0 : i32
    %dma_wait3A_693 = tpu.memref_slice %arg0[%dma_wait3A_691, %dma_wait3A_692] : memref<1000000x64xf32, #tpu.memory_space<any>> -> memref<16384x64xf32, #tpu.memory_space<any>>
    tpu.wait_dma2 semaphore(%arg8 : memref<!tpu.dma_semaphore, #tpu.memory_space<semaphore_mem>>) src(%dma_wait3A_693 : memref<16384x64xf32, #tpu.memory_space<any>>) dst(%dma_wait3A_690 : memref<16384x64xf32, #tpu.memory_space<vmem>>)
    %get3A_694 = arith.constant 0 : index
    %get3A_695 = arith.constant 0 : index
    %get3A_696 = vector.load %arg4[%get3A_694, %get3A_695] : memref<16384x64xf32, #tpu.memory_space<vmem>>, vector<16384x64xf32>
    %reshape3A_697 = vector.shape_cast %get3A_696 : vector<16384x64xf32> to vector<128x128x64xf32>
    %mul3A_698 = vector.broadcast %reshape3A : vector<1x1x64xf32> to vector<128x128x64xf32>
    %mul3A_699 = arith.mulf %reshape3A_697, %mul3A_698 : vector<128x128x64xf32>
    %reduce_sum3A_700 = arith.constant dense<0.000000e+00> : vector<128x128xf32>
    %reduce_sum3A_701 = vector.multi_reduction <add>, %mul3A_699, %reduce_sum3A_700 [2] : vector<128x128x64xf32> to vector<128x128xf32>
    %swap3A_702 = arith.constant 3712 : index
    %swap3A_703 = arith.constant 0 : index
    %swap3A_704 = vector.load %arg2[%swap3A_702, %swap3A_703] : memref<7936x128xf32, #tpu.memory_space<vmem>>, vector<128x128xf32>
    tpu.vector_store %arg2[%swap3A_702, %swap3A_703], %reduce_sum3A_701 {strides = array<i32>} : memref<7936x128xf32, #tpu.memory_space<vmem>>, vector<128x128xf32>,
    %dma_start3A_705 = arith.constant 0 : i32
    %dma_start3A_706 = arith.constant 0 : i32
    %dma_start3A_707 = tpu.memref_slice %arg4[%dma_start3A_705, %dma_start3A_706] : memref<16384x64xf32, #tpu.memory_space<vmem>> -> memref<16384x64xf32, #tpu.memory_space<vmem>>
    %dma_start3A_708 = arith.constant 540672 : i32
    %dma_start3A_709 = arith.constant 0 : i32
    %dma_start3A_710 = tpu.memref_slice %arg0[%dma_start3A_708, %dma_start3A_709] : memref<1000000x64xf32, #tpu.memory_space<any>> -> memref<16384x64xf32, #tpu.memory_space<any>>
    tpu.enqueue_dma source(%dma_start3A_710 : memref<16384x64xf32, #tpu.memory_space<any>>) target(%dma_start3A_707 : memref<16384x64xf32, #tpu.memory_space<vmem>>) target_semaphore(%arg8 : memref<!tpu.dma_semaphore, #tpu.memory_space<semaphore_mem>>)
    %dma_wait3A_711 = arith.constant 0 : i32
    %dma_wait3A_712 = arith.constant 0 : i32
    %dma_wait3A_713 = tpu.memref_slice %arg5[%dma_wait3A_711, %dma_wait3A_712] : memref<16384x64xf32, #tpu.memory_space<vmem>> -> memref<16384x64xf32, #tpu.memory_space<vmem>>
    %dma_wait3A_714 = arith.constant 491520 : i32
    %dma_wait3A_715 = arith.constant 0 : i32
    %dma_wait3A_716 = tpu.memref_slice %arg0[%dma_wait3A_714, %dma_wait3A_715] : memref<1000000x64xf32, #tpu.memory_space<any>> -> memref<16384x64xf32, #tpu.memory_space<any>>
    tpu.wait_dma2 semaphore(%arg9 : memref<!tpu.dma_semaphore, #tpu.memory_space<semaphore_mem>>) src(%dma_wait3A_716 : memref<16384x64xf32, #tpu.memory_space<any>>) dst(%dma_wait3A_713 : memref<16384x64xf32, #tpu.memory_space<vmem>>)
    %get3A_717 = arith.constant 0 : index
    %get3A_718 = arith.constant 0 : index
    %get3A_719 = vector.load %arg5[%get3A_717, %get3A_718] : memref<16384x64xf32, #tpu.memory_space<vmem>>, vector<16384x64xf32>
    %reshape3A_720 = vector.shape_cast %get3A_719 : vector<16384x64xf32> to vector<128x128x64xf32>
    %mul3A_721 = vector.broadcast %reshape3A : vector<1x1x64xf32> to vector<128x128x64xf32>
    %mul3A_722 = arith.mulf %reshape3A_720, %mul3A_721 : vector<128x128x64xf32>
    %reduce_sum3A_723 = arith.constant dense<0.000000e+00> : vector<128x128xf32>
    %reduce_sum3A_724 = vector.multi_reduction <add>, %mul3A_722, %reduce_sum3A_723 [2] : vector<128x128x64xf32> to vector<128x128xf32>
    %swap3A_725 = arith.constant 3840 : index
    %swap3A_726 = arith.constant 0 : index
    %swap3A_727 = vector.load %arg2[%swap3A_725, %swap3A_726] : memref<7936x128xf32, #tpu.memory_space<vmem>>, vector<128x128xf32>
    tpu.vector_store %arg2[%swap3A_725, %swap3A_726], %reduce_sum3A_724 {strides = array<i32>} : memref<7936x128xf32, #tpu.memory_space<vmem>>, vector<128x128xf32>,
    %dma_start3A_728 = arith.constant 0 : i32
    %dma_start3A_729 = arith.constant 0 : i32
    %dma_start3A_730 = tpu.memref_slice %arg5[%dma_start3A_728, %dma_start3A_729] : memref<16384x64xf32, #tpu.memory_space<vmem>> -> memref<16384x64xf32, #tpu.memory_space<vmem>>
    %dma_start3A_731 = arith.constant 557056 : i32
    %dma_start3A_732 = arith.constant 0 : i32
    %dma_start3A_733 = tpu.memref_slice %arg0[%dma_start3A_731, %dma_start3A_732] : memref<1000000x64xf32, #tpu.memory_space<any>> -> memref<16384x64xf32, #tpu.memory_space<any>>
    tpu.enqueue_dma source(%dma_start3A_733 : memref<16384x64xf32, #tpu.memory_space<any>>) target(%dma_start3A_730 : memref<16384x64xf32, #tpu.memory_space<vmem>>) target_semaphore(%arg9 : memref<!tpu.dma_semaphore, #tpu.memory_space<semaphore_mem>>)
    %dma_wait3A_734 = arith.constant 0 : i32
    %dma_wait3A_735 = arith.constant 0 : i32
    %dma_wait3A_736 = tpu.memref_slice %arg6[%dma_wait3A_734, %dma_wait3A_735] : memref<16384x64xf32, #tpu.memory_space<vmem>> -> memref<16384x64xf32, #tpu.memory_space<vmem>>
    %dma_wait3A_737 = arith.constant 507904 : i32
    %dma_wait3A_738 = arith.constant 0 : i32
    %dma_wait3A_739 = tpu.memref_slice %arg0[%dma_wait3A_737, %dma_wait3A_738] : memref<1000000x64xf32, #tpu.memory_space<any>> -> memref<16384x64xf32, #tpu.memory_space<any>>
    tpu.wait_dma2 semaphore(%arg10 : memref<!tpu.dma_semaphore, #tpu.memory_space<semaphore_mem>>) src(%dma_wait3A_739 : memref<16384x64xf32, #tpu.memory_space<any>>) dst(%dma_wait3A_736 : memref<16384x64xf32, #tpu.memory_space<vmem>>)
    %get3A_740 = arith.constant 0 : index
    %get3A_741 = arith.constant 0 : index
    %get3A_742 = vector.load %arg6[%get3A_740, %get3A_741] : memref<16384x64xf32, #tpu.memory_space<vmem>>, vector<16384x64xf32>
    %reshape3A_743 = vector.shape_cast %get3A_742 : vector<16384x64xf32> to vector<128x128x64xf32>
    %mul3A_744 = vector.broadcast %reshape3A : vector<1x1x64xf32> to vector<128x128x64xf32>
    %mul3A_745 = arith.mulf %reshape3A_743, %mul3A_744 : vector<128x128x64xf32>
    %reduce_sum3A_746 = arith.constant dense<0.000000e+00> : vector<128x128xf32>
    %reduce_sum3A_747 = vector.multi_reduction <add>, %mul3A_745, %reduce_sum3A_746 [2] : vector<128x128x64xf32> to vector<128x128xf32>
    %swap3A_748 = arith.constant 3968 : index
    %swap3A_749 = arith.constant 0 : index
    %swap3A_750 = vector.load %arg2[%swap3A_748, %swap3A_749] : memref<7936x128xf32, #tpu.memory_space<vmem>>, vector<128x128xf32>
    tpu.vector_store %arg2[%swap3A_748, %swap3A_749], %reduce_sum3A_747 {strides = array<i32>} : memref<7936x128xf32, #tpu.memory_space<vmem>>, vector<128x128xf32>,
    %dma_start3A_751 = arith.constant 0 : i32
    %dma_start3A_752 = arith.constant 0 : i32
    %dma_start3A_753 = tpu.memref_slice %arg6[%dma_start3A_751, %dma_start3A_752] : memref<16384x64xf32, #tpu.memory_space<vmem>> -> memref<16384x64xf32, #tpu.memory_space<vmem>>
    %dma_start3A_754 = arith.constant 573440 : i32
    %dma_start3A_755 = arith.constant 0 : i32
    %dma_start3A_756 = tpu.memref_slice %arg0[%dma_start3A_754, %dma_start3A_755] : memref<1000000x64xf32, #tpu.memory_space<any>> -> memref<16384x64xf32, #tpu.memory_space<any>>
    tpu.enqueue_dma source(%dma_start3A_756 : memref<16384x64xf32, #tpu.memory_space<any>>) target(%dma_start3A_753 : memref<16384x64xf32, #tpu.memory_space<vmem>>) target_semaphore(%arg10 : memref<!tpu.dma_semaphore, #tpu.memory_space<semaphore_mem>>)
    %dma_wait3A_757 = arith.constant 0 : i32
    %dma_wait3A_758 = arith.constant 0 : i32
    %dma_wait3A_759 = tpu.memref_slice %arg3[%dma_wait3A_757, %dma_wait3A_758] : memref<16384x64xf32, #tpu.memory_space<vmem>> -> memref<16384x64xf32, #tpu.memory_space<vmem>>
    %dma_wait3A_760 = arith.constant 524288 : i32
    %dma_wait3A_761 = arith.constant 0 : i32
    %dma_wait3A_762 = tpu.memref_slice %arg0[%dma_wait3A_760, %dma_wait3A_761] : memref<1000000x64xf32, #tpu.memory_space<any>> -> memref<16384x64xf32, #tpu.memory_space<any>>
    tpu.wait_dma2 semaphore(%arg7 : memref<!tpu.dma_semaphore, #tpu.memory_space<semaphore_mem>>) src(%dma_wait3A_762 : memref<16384x64xf32, #tpu.memory_space<any>>) dst(%dma_wait3A_759 : memref<16384x64xf32, #tpu.memory_space<vmem>>)
    %get3A_763 = arith.constant 0 : index
    %get3A_764 = arith.constant 0 : index
    %get3A_765 = vector.load %arg3[%get3A_763, %get3A_764] : memref<16384x64xf32, #tpu.memory_space<vmem>>, vector<16384x64xf32>
    %reshape3A_766 = vector.shape_cast %get3A_765 : vector<16384x64xf32> to vector<128x128x64xf32>
    %mul3A_767 = vector.broadcast %reshape3A : vector<1x1x64xf32> to vector<128x128x64xf32>
    %mul3A_768 = arith.mulf %reshape3A_766, %mul3A_767 : vector<128x128x64xf32>
    %reduce_sum3A_769 = arith.constant dense<0.000000e+00> : vector<128x128xf32>
    %reduce_sum3A_770 = vector.multi_reduction <add>, %mul3A_768, %reduce_sum3A_769 [2] : vector<128x128x64xf32> to vector<128x128xf32>
    %swap3A_771 = arith.constant 4096 : index
    %swap3A_772 = arith.constant 0 : index
    %swap3A_773 = vector.load %arg2[%swap3A_771, %swap3A_772] : memref<7936x128xf32, #tpu.memory_space<vmem>>, vector<128x128xf32>
    tpu.vector_store %arg2[%swap3A_771, %swap3A_772], %reduce_sum3A_770 {strides = array<i32>} : memref<7936x128xf32, #tpu.memory_space<vmem>>, vector<128x128xf32>,
    %dma_start3A_774 = arith.constant 0 : i32
    %dma_start3A_775 = arith.constant 0 : i32
    %dma_start3A_776 = tpu.memref_slice %arg3[%dma_start3A_774, %dma_start3A_775] : memref<16384x64xf32, #tpu.memory_space<vmem>> -> memref<16384x64xf32, #tpu.memory_space<vmem>>
    %dma_start3A_777 = arith.constant 589824 : i32
    %dma_start3A_778 = arith.constant 0 : i32
    %dma_start3A_779 = tpu.memref_slice %arg0[%dma_start3A_777, %dma_start3A_778] : memref<1000000x64xf32, #tpu.memory_space<any>> -> memref<16384x64xf32, #tpu.memory_space<any>>
    tpu.enqueue_dma source(%dma_start3A_779 : memref<16384x64xf32, #tpu.memory_space<any>>) target(%dma_start3A_776 : memref<16384x64xf32, #tpu.memory_space<vmem>>) target_semaphore(%arg7 : memref<!tpu.dma_semaphore, #tpu.memory_space<semaphore_mem>>)
    %dma_wait3A_780 = arith.constant 0 : i32
    %dma_wait3A_781 = arith.constant 0 : i32
    %dma_wait3A_782 = tpu.memref_slice %arg4[%dma_wait3A_780, %dma_wait3A_781] : memref<16384x64xf32, #tpu.memory_space<vmem>> -> memref<16384x64xf32, #tpu.memory_space<vmem>>
    %dma_wait3A_783 = arith.constant 540672 : i32
    %dma_wait3A_784 = arith.constant 0 : i32
    %dma_wait3A_785 = tpu.memref_slice %arg0[%dma_wait3A_783, %dma_wait3A_784] : memref<1000000x64xf32, #tpu.memory_space<any>> -> memref<16384x64xf32, #tpu.memory_space<any>>
    tpu.wait_dma2 semaphore(%arg8 : memref<!tpu.dma_semaphore, #tpu.memory_space<semaphore_mem>>) src(%dma_wait3A_785 : memref<16384x64xf32, #tpu.memory_space<any>>) dst(%dma_wait3A_782 : memref<16384x64xf32, #tpu.memory_space<vmem>>)
    %get3A_786 = arith.constant 0 : index
    %get3A_787 = arith.constant 0 : index
    %get3A_788 = vector.load %arg4[%get3A_786, %get3A_787] : memref<16384x64xf32, #tpu.memory_space<vmem>>, vector<16384x64xf32>
    %reshape3A_789 = vector.shape_cast %get3A_788 : vector<16384x64xf32> to vector<128x128x64xf32>
    %mul3A_790 = vector.broadcast %reshape3A : vector<1x1x64xf32> to vector<128x128x64xf32>
    %mul3A_791 = arith.mulf %reshape3A_789, %mul3A_790 : vector<128x128x64xf32>
    %reduce_sum3A_792 = arith.constant dense<0.000000e+00> : vector<128x128xf32>
    %reduce_sum3A_793 = vector.multi_reduction <add>, %mul3A_791, %reduce_sum3A_792 [2] : vector<128x128x64xf32> to vector<128x128xf32>
    %swap3A_794 = arith.constant 4224 : index
    %swap3A_795 = arith.constant 0 : index
    %swap3A_796 = vector.load %arg2[%swap3A_794, %swap3A_795] : memref<7936x128xf32, #tpu.memory_space<vmem>>, vector<128x128xf32>
    tpu.vector_store %arg2[%swap3A_794, %swap3A_795], %reduce_sum3A_793 {strides = array<i32>} : memref<7936x128xf32, #tpu.memory_space<vmem>>, vector<128x128xf32>,
    %dma_start3A_797 = arith.constant 0 : i32
    %dma_start3A_798 = arith.constant 0 : i32
    %dma_start3A_799 = tpu.memref_slice %arg4[%dma_start3A_797, %dma_start3A_798] : memref<16384x64xf32, #tpu.memory_space<vmem>> -> memref<16384x64xf32, #tpu.memory_space<vmem>>
    %dma_start3A_800 = arith.constant 606208 : i32
    %dma_start3A_801 = arith.constant 0 : i32
    %dma_start3A_802 = tpu.memref_slice %arg0[%dma_start3A_800, %dma_start3A_801] : memref<1000000x64xf32, #tpu.memory_space<any>> -> memref<16384x64xf32, #tpu.memory_space<any>>
    tpu.enqueue_dma source(%dma_start3A_802 : memref<16384x64xf32, #tpu.memory_space<any>>) target(%dma_start3A_799 : memref<16384x64xf32, #tpu.memory_space<vmem>>) target_semaphore(%arg8 : memref<!tpu.dma_semaphore, #tpu.memory_space<semaphore_mem>>)
    %dma_wait3A_803 = arith.constant 0 : i32
    %dma_wait3A_804 = arith.constant 0 : i32
    %dma_wait3A_805 = tpu.memref_slice %arg5[%dma_wait3A_803, %dma_wait3A_804] : memref<16384x64xf32, #tpu.memory_space<vmem>> -> memref<16384x64xf32, #tpu.memory_space<vmem>>
    %dma_wait3A_806 = arith.constant 557056 : i32
    %dma_wait3A_807 = arith.constant 0 : i32
    %dma_wait3A_808 = tpu.memref_slice %arg0[%dma_wait3A_806, %dma_wait3A_807] : memref<1000000x64xf32, #tpu.memory_space<any>> -> memref<16384x64xf32, #tpu.memory_space<any>>
    tpu.wait_dma2 semaphore(%arg9 : memref<!tpu.dma_semaphore, #tpu.memory_space<semaphore_mem>>) src(%dma_wait3A_808 : memref<16384x64xf32, #tpu.memory_space<any>>) dst(%dma_wait3A_805 : memref<16384x64xf32, #tpu.memory_space<vmem>>)
    %get3A_809 = arith.constant 0 : index
    %get3A_810 = arith.constant 0 : index
    %get3A_811 = vector.load %arg5[%get3A_809, %get3A_810] : memref<16384x64xf32, #tpu.memory_space<vmem>>, vector<16384x64xf32>
    %reshape3A_812 = vector.shape_cast %get3A_811 : vector<16384x64xf32> to vector<128x128x64xf32>
    %mul3A_813 = vector.broadcast %reshape3A : vector<1x1x64xf32> to vector<128x128x64xf32>
    %mul3A_814 = arith.mulf %reshape3A_812, %mul3A_813 : vector<128x128x64xf32>
    %reduce_sum3A_815 = arith.constant dense<0.000000e+00> : vector<128x128xf32>
    %reduce_sum3A_816 = vector.multi_reduction <add>, %mul3A_814, %reduce_sum3A_815 [2] : vector<128x128x64xf32> to vector<128x128xf32>
    %swap3A_817 = arith.constant 4352 : index
    %swap3A_818 = arith.constant 0 : index
    %swap3A_819 = vector.load %arg2[%swap3A_817, %swap3A_818] : memref<7936x128xf32, #tpu.memory_space<vmem>>, vector<128x128xf32>
    tpu.vector_store %arg2[%swap3A_817, %swap3A_818], %reduce_sum3A_816 {strides = array<i32>} : memref<7936x128xf32, #tpu.memory_space<vmem>>, vector<128x128xf32>,
    %dma_start3A_820 = arith.constant 0 : i32
    %dma_start3A_821 = arith.constant 0 : i32
    %dma_start3A_822 = tpu.memref_slice %arg5[%dma_start3A_820, %dma_start3A_821] : memref<16384x64xf32, #tpu.memory_space<vmem>> -> memref<16384x64xf32, #tpu.memory_space<vmem>>
    %dma_start3A_823 = arith.constant 622592 : i32
    %dma_start3A_824 = arith.constant 0 : i32
    %dma_start3A_825 = tpu.memref_slice %arg0[%dma_start3A_823, %dma_start3A_824] : memref<1000000x64xf32, #tpu.memory_space<any>> -> memref<16384x64xf32, #tpu.memory_space<any>>
    tpu.enqueue_dma source(%dma_start3A_825 : memref<16384x64xf32, #tpu.memory_space<any>>) target(%dma_start3A_822 : memref<16384x64xf32, #tpu.memory_space<vmem>>) target_semaphore(%arg9 : memref<!tpu.dma_semaphore, #tpu.memory_space<semaphore_mem>>)
    %dma_wait3A_826 = arith.constant 0 : i32
    %dma_wait3A_827 = arith.constant 0 : i32
    %dma_wait3A_828 = tpu.memref_slice %arg6[%dma_wait3A_826, %dma_wait3A_827] : memref<16384x64xf32, #tpu.memory_space<vmem>> -> memref<16384x64xf32, #tpu.memory_space<vmem>>
    %dma_wait3A_829 = arith.constant 573440 : i32
    %dma_wait3A_830 = arith.constant 0 : i32
    %dma_wait3A_831 = tpu.memref_slice %arg0[%dma_wait3A_829, %dma_wait3A_830] : memref<1000000x64xf32, #tpu.memory_space<any>> -> memref<16384x64xf32, #tpu.memory_space<any>>
    tpu.wait_dma2 semaphore(%arg10 : memref<!tpu.dma_semaphore, #tpu.memory_space<semaphore_mem>>) src(%dma_wait3A_831 : memref<16384x64xf32, #tpu.memory_space<any>>) dst(%dma_wait3A_828 : memref<16384x64xf32, #tpu.memory_space<vmem>>)
    %get3A_832 = arith.constant 0 : index
    %get3A_833 = arith.constant 0 : index
    %get3A_834 = vector.load %arg6[%get3A_832, %get3A_833] : memref<16384x64xf32, #tpu.memory_space<vmem>>, vector<16384x64xf32>
    %reshape3A_835 = vector.shape_cast %get3A_834 : vector<16384x64xf32> to vector<128x128x64xf32>
    %mul3A_836 = vector.broadcast %reshape3A : vector<1x1x64xf32> to vector<128x128x64xf32>
    %mul3A_837 = arith.mulf %reshape3A_835, %mul3A_836 : vector<128x128x64xf32>
    %reduce_sum3A_838 = arith.constant dense<0.000000e+00> : vector<128x128xf32>
    %reduce_sum3A_839 = vector.multi_reduction <add>, %mul3A_837, %reduce_sum3A_838 [2] : vector<128x128x64xf32> to vector<128x128xf32>
    %swap3A_840 = arith.constant 4480 : index
    %swap3A_841 = arith.constant 0 : index
    %swap3A_842 = vector.load %arg2[%swap3A_840, %swap3A_841] : memref<7936x128xf32, #tpu.memory_space<vmem>>, vector<128x128xf32>
    tpu.vector_store %arg2[%swap3A_840, %swap3A_841], %reduce_sum3A_839 {strides = array<i32>} : memref<7936x128xf32, #tpu.memory_space<vmem>>, vector<128x128xf32>,
    %dma_start3A_843 = arith.constant 0 : i32
    %dma_start3A_844 = arith.constant 0 : i32
    %dma_start3A_845 = tpu.memref_slice %arg6[%dma_start3A_843, %dma_start3A_844] : memref<16384x64xf32, #tpu.memory_space<vmem>> -> memref<16384x64xf32, #tpu.memory_space<vmem>>
    %dma_start3A_846 = arith.constant 638976 : i32
    %dma_start3A_847 = arith.constant 0 : i32
    %dma_start3A_848 = tpu.memref_slice %arg0[%dma_start3A_846, %dma_start3A_847] : memref<1000000x64xf32, #tpu.memory_space<any>> -> memref<16384x64xf32, #tpu.memory_space<any>>
    tpu.enqueue_dma source(%dma_start3A_848 : memref<16384x64xf32, #tpu.memory_space<any>>) target(%dma_start3A_845 : memref<16384x64xf32, #tpu.memory_space<vmem>>) target_semaphore(%arg10 : memref<!tpu.dma_semaphore, #tpu.memory_space<semaphore_mem>>)
    %dma_wait3A_849 = arith.constant 0 : i32
    %dma_wait3A_850 = arith.constant 0 : i32
    %dma_wait3A_851 = tpu.memref_slice %arg3[%dma_wait3A_849, %dma_wait3A_850] : memref<16384x64xf32, #tpu.memory_space<vmem>> -> memref<16384x64xf32, #tpu.memory_space<vmem>>
    %dma_wait3A_852 = arith.constant 589824 : i32
    %dma_wait3A_853 = arith.constant 0 : i32
    %dma_wait3A_854 = tpu.memref_slice %arg0[%dma_wait3A_852, %dma_wait3A_853] : memref<1000000x64xf32, #tpu.memory_space<any>> -> memref<16384x64xf32, #tpu.memory_space<any>>
    tpu.wait_dma2 semaphore(%arg7 : memref<!tpu.dma_semaphore, #tpu.memory_space<semaphore_mem>>) src(%dma_wait3A_854 : memref<16384x64xf32, #tpu.memory_space<any>>) dst(%dma_wait3A_851 : memref<16384x64xf32, #tpu.memory_space<vmem>>)
    %get3A_855 = arith.constant 0 : index
    %get3A_856 = arith.constant 0 : index
    %get3A_857 = vector.load %arg3[%get3A_855, %get3A_856] : memref<16384x64xf32, #tpu.memory_space<vmem>>, vector<16384x64xf32>
    %reshape3A_858 = vector.shape_cast %get3A_857 : vector<16384x64xf32> to vector<128x128x64xf32>
    %mul3A_859 = vector.broadcast %reshape3A : vector<1x1x64xf32> to vector<128x128x64xf32>
    %mul3A_860 = arith.mulf %reshape3A_858, %mul3A_859 : vector<128x128x64xf32>
    %reduce_sum3A_861 = arith.constant dense<0.000000e+00> : vector<128x128xf32>
    %reduce_sum3A_862 = vector.multi_reduction <add>, %mul3A_860, %reduce_sum3A_861 [2] : vector<128x128x64xf32> to vector<128x128xf32>
    %swap3A_863 = arith.constant 4608 : index
    %swap3A_864 = arith.constant 0 : index
    %swap3A_865 = vector.load %arg2[%swap3A_863, %swap3A_864] : memref<7936x128xf32, #tpu.memory_space<vmem>>, vector<128x128xf32>
    tpu.vector_store %arg2[%swap3A_863, %swap3A_864], %reduce_sum3A_862 {strides = array<i32>} : memref<7936x128xf32, #tpu.memory_space<vmem>>, vector<128x128xf32>,
    %dma_start3A_866 = arith.constant 0 : i32
    %dma_start3A_867 = arith.constant 0 : i32
    %dma_start3A_868 = tpu.memref_slice %arg3[%dma_start3A_866, %dma_start3A_867] : memref<16384x64xf32, #tpu.memory_space<vmem>> -> memref<16384x64xf32, #tpu.memory_space<vmem>>
    %dma_start3A_869 = arith.constant 655360 : i32
    %dma_start3A_870 = arith.constant 0 : i32
    %dma_start3A_871 = tpu.memref_slice %arg0[%dma_start3A_869, %dma_start3A_870] : memref<1000000x64xf32, #tpu.memory_space<any>> -> memref<16384x64xf32, #tpu.memory_space<any>>
    tpu.enqueue_dma source(%dma_start3A_871 : memref<16384x64xf32, #tpu.memory_space<any>>) target(%dma_start3A_868 : memref<16384x64xf32, #tpu.memory_space<vmem>>) target_semaphore(%arg7 : memref<!tpu.dma_semaphore, #tpu.memory_space<semaphore_mem>>)
    %dma_wait3A_872 = arith.constant 0 : i32
    %dma_wait3A_873 = arith.constant 0 : i32
    %dma_wait3A_874 = tpu.memref_slice %arg4[%dma_wait3A_872, %dma_wait3A_873] : memref<16384x64xf32, #tpu.memory_space<vmem>> -> memref<16384x64xf32, #tpu.memory_space<vmem>>
    %dma_wait3A_875 = arith.constant 606208 : i32
    %dma_wait3A_876 = arith.constant 0 : i32
    %dma_wait3A_877 = tpu.memref_slice %arg0[%dma_wait3A_875, %dma_wait3A_876] : memref<1000000x64xf32, #tpu.memory_space<any>> -> memref<16384x64xf32, #tpu.memory_space<any>>
    tpu.wait_dma2 semaphore(%arg8 : memref<!tpu.dma_semaphore, #tpu.memory_space<semaphore_mem>>) src(%dma_wait3A_877 : memref<16384x64xf32, #tpu.memory_space<any>>) dst(%dma_wait3A_874 : memref<16384x64xf32, #tpu.memory_space<vmem>>)
    %get3A_878 = arith.constant 0 : index
    %get3A_879 = arith.constant 0 : index
    %get3A_880 = vector.load %arg4[%get3A_878, %get3A_879] : memref<16384x64xf32, #tpu.memory_space<vmem>>, vector<16384x64xf32>
    %reshape3A_881 = vector.shape_cast %get3A_880 : vector<16384x64xf32> to vector<128x128x64xf32>
    %mul3A_882 = vector.broadcast %reshape3A : vector<1x1x64xf32> to vector<128x128x64xf32>
    %mul3A_883 = arith.mulf %reshape3A_881, %mul3A_882 : vector<128x128x64xf32>
    %reduce_sum3A_884 = arith.constant dense<0.000000e+00> : vector<128x128xf32>
    %reduce_sum3A_885 = vector.multi_reduction <add>, %mul3A_883, %reduce_sum3A_884 [2] : vector<128x128x64xf32> to vector<128x128xf32>
    %swap3A_886 = arith.constant 4736 : index
    %swap3A_887 = arith.constant 0 : index
    %swap3A_888 = vector.load %arg2[%swap3A_886, %swap3A_887] : memref<7936x128xf32, #tpu.memory_space<vmem>>, vector<128x128xf32>
    tpu.vector_store %arg2[%swap3A_886, %swap3A_887], %reduce_sum3A_885 {strides = array<i32>} : memref<7936x128xf32, #tpu.memory_space<vmem>>, vector<128x128xf32>,
    %dma_start3A_889 = arith.constant 0 : i32
    %dma_start3A_890 = arith.constant 0 : i32
    %dma_start3A_891 = tpu.memref_slice %arg4[%dma_start3A_889, %dma_start3A_890] : memref<16384x64xf32, #tpu.memory_space<vmem>> -> memref<16384x64xf32, #tpu.memory_space<vmem>>
    %dma_start3A_892 = arith.constant 671744 : i32
    %dma_start3A_893 = arith.constant 0 : i32
    %dma_start3A_894 = tpu.memref_slice %arg0[%dma_start3A_892, %dma_start3A_893] : memref<1000000x64xf32, #tpu.memory_space<any>> -> memref<16384x64xf32, #tpu.memory_space<any>>
    tpu.enqueue_dma source(%dma_start3A_894 : memref<16384x64xf32, #tpu.memory_space<any>>) target(%dma_start3A_891 : memref<16384x64xf32, #tpu.memory_space<vmem>>) target_semaphore(%arg8 : memref<!tpu.dma_semaphore, #tpu.memory_space<semaphore_mem>>)
    %dma_wait3A_895 = arith.constant 0 : i32
    %dma_wait3A_896 = arith.constant 0 : i32
    %dma_wait3A_897 = tpu.memref_slice %arg5[%dma_wait3A_895, %dma_wait3A_896] : memref<16384x64xf32, #tpu.memory_space<vmem>> -> memref<16384x64xf32, #tpu.memory_space<vmem>>
    %dma_wait3A_898 = arith.constant 622592 : i32
    %dma_wait3A_899 = arith.constant 0 : i32
    %dma_wait3A_900 = tpu.memref_slice %arg0[%dma_wait3A_898, %dma_wait3A_899] : memref<1000000x64xf32, #tpu.memory_space<any>> -> memref<16384x64xf32, #tpu.memory_space<any>>
    tpu.wait_dma2 semaphore(%arg9 : memref<!tpu.dma_semaphore, #tpu.memory_space<semaphore_mem>>) src(%dma_wait3A_900 : memref<16384x64xf32, #tpu.memory_space<any>>) dst(%dma_wait3A_897 : memref<16384x64xf32, #tpu.memory_space<vmem>>)
    %get3A_901 = arith.constant 0 : index
    %get3A_902 = arith.constant 0 : index
    %get3A_903 = vector.load %arg5[%get3A_901, %get3A_902] : memref<16384x64xf32, #tpu.memory_space<vmem>>, vector<16384x64xf32>
    %reshape3A_904 = vector.shape_cast %get3A_903 : vector<16384x64xf32> to vector<128x128x64xf32>
    %mul3A_905 = vector.broadcast %reshape3A : vector<1x1x64xf32> to vector<128x128x64xf32>
    %mul3A_906 = arith.mulf %reshape3A_904, %mul3A_905 : vector<128x128x64xf32>
    %reduce_sum3A_907 = arith.constant dense<0.000000e+00> : vector<128x128xf32>
    %reduce_sum3A_908 = vector.multi_reduction <add>, %mul3A_906, %reduce_sum3A_907 [2] : vector<128x128x64xf32> to vector<128x128xf32>
    %swap3A_909 = arith.constant 4864 : index
    %swap3A_910 = arith.constant 0 : index
    %swap3A_911 = vector.load %arg2[%swap3A_909, %swap3A_910] : memref<7936x128xf32, #tpu.memory_space<vmem>>, vector<128x128xf32>
    tpu.vector_store %arg2[%swap3A_909, %swap3A_910], %reduce_sum3A_908 {strides = array<i32>} : memref<7936x128xf32, #tpu.memory_space<vmem>>, vector<128x128xf32>,
    %dma_start3A_912 = arith.constant 0 : i32
    %dma_start3A_913 = arith.constant 0 : i32
    %dma_start3A_914 = tpu.memref_slice %arg5[%dma_start3A_912, %dma_start3A_913] : memref<16384x64xf32, #tpu.memory_space<vmem>> -> memref<16384x64xf32, #tpu.memory_space<vmem>>
    %dma_start3A_915 = arith.constant 688128 : i32
    %dma_start3A_916 = arith.constant 0 : i32
    %dma_start3A_917 = tpu.memref_slice %arg0[%dma_start3A_915, %dma_start3A_916] : memref<1000000x64xf32, #tpu.memory_space<any>> -> memref<16384x64xf32, #tpu.memory_space<any>>
    tpu.enqueue_dma source(%dma_start3A_917 : memref<16384x64xf32, #tpu.memory_space<any>>) target(%dma_start3A_914 : memref<16384x64xf32, #tpu.memory_space<vmem>>) target_semaphore(%arg9 : memref<!tpu.dma_semaphore, #tpu.memory_space<semaphore_mem>>)
    %dma_wait3A_918 = arith.constant 0 : i32
    %dma_wait3A_919 = arith.constant 0 : i32
    %dma_wait3A_920 = tpu.memref_slice %arg6[%dma_wait3A_918, %dma_wait3A_919] : memref<16384x64xf32, #tpu.memory_space<vmem>> -> memref<16384x64xf32, #tpu.memory_space<vmem>>
    %dma_wait3A_921 = arith.constant 638976 : i32
    %dma_wait3A_922 = arith.constant 0 : i32
    %dma_wait3A_923 = tpu.memref_slice %arg0[%dma_wait3A_921, %dma_wait3A_922] : memref<1000000x64xf32, #tpu.memory_space<any>> -> memref<16384x64xf32, #tpu.memory_space<any>>
    tpu.wait_dma2 semaphore(%arg10 : memref<!tpu.dma_semaphore, #tpu.memory_space<semaphore_mem>>) src(%dma_wait3A_923 : memref<16384x64xf32, #tpu.memory_space<any>>) dst(%dma_wait3A_920 : memref<16384x64xf32, #tpu.memory_space<vmem>>)
    %get3A_924 = arith.constant 0 : index
    %get3A_925 = arith.constant 0 : index
    %get3A_926 = vector.load %arg6[%get3A_924, %get3A_925] : memref<16384x64xf32, #tpu.memory_space<vmem>>, vector<16384x64xf32>
    %reshape3A_927 = vector.shape_cast %get3A_926 : vector<16384x64xf32> to vector<128x128x64xf32>
    %mul3A_928 = vector.broadcast %reshape3A : vector<1x1x64xf32> to vector<128x128x64xf32>
    %mul3A_929 = arith.mulf %reshape3A_927, %mul3A_928 : vector<128x128x64xf32>
    %reduce_sum3A_930 = arith.constant dense<0.000000e+00> : vector<128x128xf32>
    %reduce_sum3A_931 = vector.multi_reduction <add>, %mul3A_929, %reduce_sum3A_930 [2] : vector<128x128x64xf32> to vector<128x128xf32>
    %swap3A_932 = arith.constant 4992 : index
    %swap3A_933 = arith.constant 0 : index
    %swap3A_934 = vector.load %arg2[%swap3A_932, %swap3A_933] : memref<7936x128xf32, #tpu.memory_space<vmem>>, vector<128x128xf32>
    tpu.vector_store %arg2[%swap3A_932, %swap3A_933], %reduce_sum3A_931 {strides = array<i32>} : memref<7936x128xf32, #tpu.memory_space<vmem>>, vector<128x128xf32>,
    %dma_start3A_935 = arith.constant 0 : i32
    %dma_start3A_936 = arith.constant 0 : i32
    %dma_start3A_937 = tpu.memref_slice %arg6[%dma_start3A_935, %dma_start3A_936] : memref<16384x64xf32, #tpu.memory_space<vmem>> -> memref<16384x64xf32, #tpu.memory_space<vmem>>
    %dma_start3A_938 = arith.constant 704512 : i32
    %dma_start3A_939 = arith.constant 0 : i32
    %dma_start3A_940 = tpu.memref_slice %arg0[%dma_start3A_938, %dma_start3A_939] : memref<1000000x64xf32, #tpu.memory_space<any>> -> memref<16384x64xf32, #tpu.memory_space<any>>
    tpu.enqueue_dma source(%dma_start3A_940 : memref<16384x64xf32, #tpu.memory_space<any>>) target(%dma_start3A_937 : memref<16384x64xf32, #tpu.memory_space<vmem>>) target_semaphore(%arg10 : memref<!tpu.dma_semaphore, #tpu.memory_space<semaphore_mem>>)
    %dma_wait3A_941 = arith.constant 0 : i32
    %dma_wait3A_942 = arith.constant 0 : i32
    %dma_wait3A_943 = tpu.memref_slice %arg3[%dma_wait3A_941, %dma_wait3A_942] : memref<16384x64xf32, #tpu.memory_space<vmem>> -> memref<16384x64xf32, #tpu.memory_space<vmem>>
    %dma_wait3A_944 = arith.constant 655360 : i32
    %dma_wait3A_945 = arith.constant 0 : i32
    %dma_wait3A_946 = tpu.memref_slice %arg0[%dma_wait3A_944, %dma_wait3A_945] : memref<1000000x64xf32, #tpu.memory_space<any>> -> memref<16384x64xf32, #tpu.memory_space<any>>
    tpu.wait_dma2 semaphore(%arg7 : memref<!tpu.dma_semaphore, #tpu.memory_space<semaphore_mem>>) src(%dma_wait3A_946 : memref<16384x64xf32, #tpu.memory_space<any>>) dst(%dma_wait3A_943 : memref<16384x64xf32, #tpu.memory_space<vmem>>)
    %get3A_947 = arith.constant 0 : index
    %get3A_948 = arith.constant 0 : index
    %get3A_949 = vector.load %arg3[%get3A_947, %get3A_948] : memref<16384x64xf32, #tpu.memory_space<vmem>>, vector<16384x64xf32>
    %reshape3A_950 = vector.shape_cast %get3A_949 : vector<16384x64xf32> to vector<128x128x64xf32>
    %mul3A_951 = vector.broadcast %reshape3A : vector<1x1x64xf32> to vector<128x128x64xf32>
    %mul3A_952 = arith.mulf %reshape3A_950, %mul3A_951 : vector<128x128x64xf32>
    %reduce_sum3A_953 = arith.constant dense<0.000000e+00> : vector<128x128xf32>
    %reduce_sum3A_954 = vector.multi_reduction <add>, %mul3A_952, %reduce_sum3A_953 [2] : vector<128x128x64xf32> to vector<128x128xf32>
    %swap3A_955 = arith.constant 5120 : index
    %swap3A_956 = arith.constant 0 : index
    %swap3A_957 = vector.load %arg2[%swap3A_955, %swap3A_956] : memref<7936x128xf32, #tpu.memory_space<vmem>>, vector<128x128xf32>
    tpu.vector_store %arg2[%swap3A_955, %swap3A_956], %reduce_sum3A_954 {strides = array<i32>} : memref<7936x128xf32, #tpu.memory_space<vmem>>, vector<128x128xf32>,
    %dma_start3A_958 = arith.constant 0 : i32
    %dma_start3A_959 = arith.constant 0 : i32
    %dma_start3A_960 = tpu.memref_slice %arg3[%dma_start3A_958, %dma_start3A_959] : memref<16384x64xf32, #tpu.memory_space<vmem>> -> memref<16384x64xf32, #tpu.memory_space<vmem>>
    %dma_start3A_961 = arith.constant 720896 : i32
    %dma_start3A_962 = arith.constant 0 : i32
    %dma_start3A_963 = tpu.memref_slice %arg0[%dma_start3A_961, %dma_start3A_962] : memref<1000000x64xf32, #tpu.memory_space<any>> -> memref<16384x64xf32, #tpu.memory_space<any>>
    tpu.enqueue_dma source(%dma_start3A_963 : memref<16384x64xf32, #tpu.memory_space<any>>) target(%dma_start3A_960 : memref<16384x64xf32, #tpu.memory_space<vmem>>) target_semaphore(%arg7 : memref<!tpu.dma_semaphore, #tpu.memory_space<semaphore_mem>>)
    %dma_wait3A_964 = arith.constant 0 : i32
    %dma_wait3A_965 = arith.constant 0 : i32
    %dma_wait3A_966 = tpu.memref_slice %arg4[%dma_wait3A_964, %dma_wait3A_965] : memref<16384x64xf32, #tpu.memory_space<vmem>> -> memref<16384x64xf32, #tpu.memory_space<vmem>>
    %dma_wait3A_967 = arith.constant 671744 : i32
    %dma_wait3A_968 = arith.constant 0 : i32
    %dma_wait3A_969 = tpu.memref_slice %arg0[%dma_wait3A_967, %dma_wait3A_968] : memref<1000000x64xf32, #tpu.memory_space<any>> -> memref<16384x64xf32, #tpu.memory_space<any>>
    tpu.wait_dma2 semaphore(%arg8 : memref<!tpu.dma_semaphore, #tpu.memory_space<semaphore_mem>>) src(%dma_wait3A_969 : memref<16384x64xf32, #tpu.memory_space<any>>) dst(%dma_wait3A_966 : memref<16384x64xf32, #tpu.memory_space<vmem>>)
    %get3A_970 = arith.constant 0 : index
    %get3A_971 = arith.constant 0 : index
    %get3A_972 = vector.load %arg4[%get3A_970, %get3A_971] : memref<16384x64xf32, #tpu.memory_space<vmem>>, vector<16384x64xf32>
    %reshape3A_973 = vector.shape_cast %get3A_972 : vector<16384x64xf32> to vector<128x128x64xf32>
    %mul3A_974 = vector.broadcast %reshape3A : vector<1x1x64xf32> to vector<128x128x64xf32>
    %mul3A_975 = arith.mulf %reshape3A_973, %mul3A_974 : vector<128x128x64xf32>
    %reduce_sum3A_976 = arith.constant dense<0.000000e+00> : vector<128x128xf32>
    %reduce_sum3A_977 = vector.multi_reduction <add>, %mul3A_975, %reduce_sum3A_976 [2] : vector<128x128x64xf32> to vector<128x128xf32>
    %swap3A_978 = arith.constant 5248 : index
    %swap3A_979 = arith.constant 0 : index
    %swap3A_980 = vector.load %arg2[%swap3A_978, %swap3A_979] : memref<7936x128xf32, #tpu.memory_space<vmem>>, vector<128x128xf32>
    tpu.vector_store %arg2[%swap3A_978, %swap3A_979], %reduce_sum3A_977 {strides = array<i32>} : memref<7936x128xf32, #tpu.memory_space<vmem>>, vector<128x128xf32>,
    %dma_start3A_981 = arith.constant 0 : i32
    %dma_start3A_982 = arith.constant 0 : i32
    %dma_start3A_983 = tpu.memref_slice %arg4[%dma_start3A_981, %dma_start3A_982] : memref<16384x64xf32, #tpu.memory_space<vmem>> -> memref<16384x64xf32, #tpu.memory_space<vmem>>
    %dma_start3A_984 = arith.constant 737280 : i32
    %dma_start3A_985 = arith.constant 0 : i32
    %dma_start3A_986 = tpu.memref_slice %arg0[%dma_start3A_984, %dma_start3A_985] : memref<1000000x64xf32, #tpu.memory_space<any>> -> memref<16384x64xf32, #tpu.memory_space<any>>
    tpu.enqueue_dma source(%dma_start3A_986 : memref<16384x64xf32, #tpu.memory_space<any>>) target(%dma_start3A_983 : memref<16384x64xf32, #tpu.memory_space<vmem>>) target_semaphore(%arg8 : memref<!tpu.dma_semaphore, #tpu.memory_space<semaphore_mem>>)
    %dma_wait3A_987 = arith.constant 0 : i32
    %dma_wait3A_988 = arith.constant 0 : i32
    %dma_wait3A_989 = tpu.memref_slice %arg5[%dma_wait3A_987, %dma_wait3A_988] : memref<16384x64xf32, #tpu.memory_space<vmem>> -> memref<16384x64xf32, #tpu.memory_space<vmem>>
    %dma_wait3A_990 = arith.constant 688128 : i32
    %dma_wait3A_991 = arith.constant 0 : i32
    %dma_wait3A_992 = tpu.memref_slice %arg0[%dma_wait3A_990, %dma_wait3A_991] : memref<1000000x64xf32, #tpu.memory_space<any>> -> memref<16384x64xf32, #tpu.memory_space<any>>
    tpu.wait_dma2 semaphore(%arg9 : memref<!tpu.dma_semaphore, #tpu.memory_space<semaphore_mem>>) src(%dma_wait3A_992 : memref<16384x64xf32, #tpu.memory_space<any>>) dst(%dma_wait3A_989 : memref<16384x64xf32, #tpu.memory_space<vmem>>)
    %get3A_993 = arith.constant 0 : index
    %get3A_994 = arith.constant 0 : index
    %get3A_995 = vector.load %arg5[%get3A_993, %get3A_994] : memref<16384x64xf32, #tpu.memory_space<vmem>>, vector<16384x64xf32>
    %reshape3A_996 = vector.shape_cast %get3A_995 : vector<16384x64xf32> to vector<128x128x64xf32>
    %mul3A_997 = vector.broadcast %reshape3A : vector<1x1x64xf32> to vector<128x128x64xf32>
    %mul3A_998 = arith.mulf %reshape3A_996, %mul3A_997 : vector<128x128x64xf32>
    %reduce_sum3A_999 = arith.constant dense<0.000000e+00> : vector<128x128xf32>
    %reduce_sum3A_1000 = vector.multi_reduction <add>, %mul3A_998, %reduce_sum3A_999 [2] : vector<128x128x64xf32> to vector<128x128xf32>
    %swap3A_1001 = arith.constant 5376 : index
    %swap3A_1002 = arith.constant 0 : index
    %swap3A_1003 = vector.load %arg2[%swap3A_1001, %swap3A_1002] : memref<7936x128xf32, #tpu.memory_space<vmem>>, vector<128x128xf32>
    tpu.vector_store %arg2[%swap3A_1001, %swap3A_1002], %reduce_sum3A_1000 {strides = array<i32>} : memref<7936x128xf32, #tpu.memory_space<vmem>>, vector<128x128xf32>,
    %dma_start3A_1004 = arith.constant 0 : i32
    %dma_start3A_1005 = arith.constant 0 : i32
    %dma_start3A_1006 = tpu.memref_slice %arg5[%dma_start3A_1004, %dma_start3A_1005] : memref<16384x64xf32, #tpu.memory_space<vmem>> -> memref<16384x64xf32, #tpu.memory_space<vmem>>
    %dma_start3A_1007 = arith.constant 753664 : i32
    %dma_start3A_1008 = arith.constant 0 : i32
    %dma_start3A_1009 = tpu.memref_slice %arg0[%dma_start3A_1007, %dma_start3A_1008] : memref<1000000x64xf32, #tpu.memory_space<any>> -> memref<16384x64xf32, #tpu.memory_space<any>>
    tpu.enqueue_dma source(%dma_start3A_1009 : memref<16384x64xf32, #tpu.memory_space<any>>) target(%dma_start3A_1006 : memref<16384x64xf32, #tpu.memory_space<vmem>>) target_semaphore(%arg9 : memref<!tpu.dma_semaphore, #tpu.memory_space<semaphore_mem>>)
    %dma_wait3A_1010 = arith.constant 0 : i32
    %dma_wait3A_1011 = arith.constant 0 : i32
    %dma_wait3A_1012 = tpu.memref_slice %arg6[%dma_wait3A_1010, %dma_wait3A_1011] : memref<16384x64xf32, #tpu.memory_space<vmem>> -> memref<16384x64xf32, #tpu.memory_space<vmem>>
    %dma_wait3A_1013 = arith.constant 704512 : i32
    %dma_wait3A_1014 = arith.constant 0 : i32
    %dma_wait3A_1015 = tpu.memref_slice %arg0[%dma_wait3A_1013, %dma_wait3A_1014] : memref<1000000x64xf32, #tpu.memory_space<any>> -> memref<16384x64xf32, #tpu.memory_space<any>>
    tpu.wait_dma2 semaphore(%arg10 : memref<!tpu.dma_semaphore, #tpu.memory_space<semaphore_mem>>) src(%dma_wait3A_1015 : memref<16384x64xf32, #tpu.memory_space<any>>) dst(%dma_wait3A_1012 : memref<16384x64xf32, #tpu.memory_space<vmem>>)
    %get3A_1016 = arith.constant 0 : index
    %get3A_1017 = arith.constant 0 : index
    %get3A_1018 = vector.load %arg6[%get3A_1016, %get3A_1017] : memref<16384x64xf32, #tpu.memory_space<vmem>>, vector<16384x64xf32>
    %reshape3A_1019 = vector.shape_cast %get3A_1018 : vector<16384x64xf32> to vector<128x128x64xf32>
    %mul3A_1020 = vector.broadcast %reshape3A : vector<1x1x64xf32> to vector<128x128x64xf32>
    %mul3A_1021 = arith.mulf %reshape3A_1019, %mul3A_1020 : vector<128x128x64xf32>
    %reduce_sum3A_1022 = arith.constant dense<0.000000e+00> : vector<128x128xf32>
    %reduce_sum3A_1023 = vector.multi_reduction <add>, %mul3A_1021, %reduce_sum3A_1022 [2] : vector<128x128x64xf32> to vector<128x128xf32>
    %swap3A_1024 = arith.constant 5504 : index
    %swap3A_1025 = arith.constant 0 : index
    %swap3A_1026 = vector.load %arg2[%swap3A_1024, %swap3A_1025] : memref<7936x128xf32, #tpu.memory_space<vmem>>, vector<128x128xf32>
    tpu.vector_store %arg2[%swap3A_1024, %swap3A_1025], %reduce_sum3A_1023 {strides = array<i32>} : memref<7936x128xf32, #tpu.memory_space<vmem>>, vector<128x128xf32>,
    %dma_start3A_1027 = arith.constant 0 : i32
    %dma_start3A_1028 = arith.constant 0 : i32
    %dma_start3A_1029 = tpu.memref_slice %arg6[%dma_start3A_1027, %dma_start3A_1028] : memref<16384x64xf32, #tpu.memory_space<vmem>> -> memref<16384x64xf32, #tpu.memory_space<vmem>>
    %dma_start3A_1030 = arith.constant 770048 : i32
    %dma_start3A_1031 = arith.constant 0 : i32
    %dma_start3A_1032 = tpu.memref_slice %arg0[%dma_start3A_1030, %dma_start3A_1031] : memref<1000000x64xf32, #tpu.memory_space<any>> -> memref<16384x64xf32, #tpu.memory_space<any>>
    tpu.enqueue_dma source(%dma_start3A_1032 : memref<16384x64xf32, #tpu.memory_space<any>>) target(%dma_start3A_1029 : memref<16384x64xf32, #tpu.memory_space<vmem>>) target_semaphore(%arg10 : memref<!tpu.dma_semaphore, #tpu.memory_space<semaphore_mem>>)
    %dma_wait3A_1033 = arith.constant 0 : i32
    %dma_wait3A_1034 = arith.constant 0 : i32
    %dma_wait3A_1035 = tpu.memref_slice %arg3[%dma_wait3A_1033, %dma_wait3A_1034] : memref<16384x64xf32, #tpu.memory_space<vmem>> -> memref<16384x64xf32, #tpu.memory_space<vmem>>
    %dma_wait3A_1036 = arith.constant 720896 : i32
    %dma_wait3A_1037 = arith.constant 0 : i32
    %dma_wait3A_1038 = tpu.memref_slice %arg0[%dma_wait3A_1036, %dma_wait3A_1037] : memref<1000000x64xf32, #tpu.memory_space<any>> -> memref<16384x64xf32, #tpu.memory_space<any>>
    tpu.wait_dma2 semaphore(%arg7 : memref<!tpu.dma_semaphore, #tpu.memory_space<semaphore_mem>>) src(%dma_wait3A_1038 : memref<16384x64xf32, #tpu.memory_space<any>>) dst(%dma_wait3A_1035 : memref<16384x64xf32, #tpu.memory_space<vmem>>)
    %get3A_1039 = arith.constant 0 : index
    %get3A_1040 = arith.constant 0 : index
    %get3A_1041 = vector.load %arg3[%get3A_1039, %get3A_1040] : memref<16384x64xf32, #tpu.memory_space<vmem>>, vector<16384x64xf32>
    %reshape3A_1042 = vector.shape_cast %get3A_1041 : vector<16384x64xf32> to vector<128x128x64xf32>
    %mul3A_1043 = vector.broadcast %reshape3A : vector<1x1x64xf32> to vector<128x128x64xf32>
    %mul3A_1044 = arith.mulf %reshape3A_1042, %mul3A_1043 : vector<128x128x64xf32>
    %reduce_sum3A_1045 = arith.constant dense<0.000000e+00> : vector<128x128xf32>
    %reduce_sum3A_1046 = vector.multi_reduction <add>, %mul3A_1044, %reduce_sum3A_1045 [2] : vector<128x128x64xf32> to vector<128x128xf32>
    %swap3A_1047 = arith.constant 5632 : index
    %swap3A_1048 = arith.constant 0 : index
    %swap3A_1049 = vector.load %arg2[%swap3A_1047, %swap3A_1048] : memref<7936x128xf32, #tpu.memory_space<vmem>>, vector<128x128xf32>
    tpu.vector_store %arg2[%swap3A_1047, %swap3A_1048], %reduce_sum3A_1046 {strides = array<i32>} : memref<7936x128xf32, #tpu.memory_space<vmem>>, vector<128x128xf32>,
    %dma_start3A_1050 = arith.constant 0 : i32
    %dma_start3A_1051 = arith.constant 0 : i32
    %dma_start3A_1052 = tpu.memref_slice %arg3[%dma_start3A_1050, %dma_start3A_1051] : memref<16384x64xf32, #tpu.memory_space<vmem>> -> memref<16384x64xf32, #tpu.memory_space<vmem>>
    %dma_start3A_1053 = arith.constant 786432 : i32
    %dma_start3A_1054 = arith.constant 0 : i32
    %dma_start3A_1055 = tpu.memref_slice %arg0[%dma_start3A_1053, %dma_start3A_1054] : memref<1000000x64xf32, #tpu.memory_space<any>> -> memref<16384x64xf32, #tpu.memory_space<any>>
    tpu.enqueue_dma source(%dma_start3A_1055 : memref<16384x64xf32, #tpu.memory_space<any>>) target(%dma_start3A_1052 : memref<16384x64xf32, #tpu.memory_space<vmem>>) target_semaphore(%arg7 : memref<!tpu.dma_semaphore, #tpu.memory_space<semaphore_mem>>)
    %dma_wait3A_1056 = arith.constant 0 : i32
    %dma_wait3A_1057 = arith.constant 0 : i32
    %dma_wait3A_1058 = tpu.memref_slice %arg4[%dma_wait3A_1056, %dma_wait3A_1057] : memref<16384x64xf32, #tpu.memory_space<vmem>> -> memref<16384x64xf32, #tpu.memory_space<vmem>>
    %dma_wait3A_1059 = arith.constant 737280 : i32
    %dma_wait3A_1060 = arith.constant 0 : i32
    %dma_wait3A_1061 = tpu.memref_slice %arg0[%dma_wait3A_1059, %dma_wait3A_1060] : memref<1000000x64xf32, #tpu.memory_space<any>> -> memref<16384x64xf32, #tpu.memory_space<any>>
    tpu.wait_dma2 semaphore(%arg8 : memref<!tpu.dma_semaphore, #tpu.memory_space<semaphore_mem>>) src(%dma_wait3A_1061 : memref<16384x64xf32, #tpu.memory_space<any>>) dst(%dma_wait3A_1058 : memref<16384x64xf32, #tpu.memory_space<vmem>>)
    %get3A_1062 = arith.constant 0 : index
    %get3A_1063 = arith.constant 0 : index
    %get3A_1064 = vector.load %arg4[%get3A_1062, %get3A_1063] : memref<16384x64xf32, #tpu.memory_space<vmem>>, vector<16384x64xf32>
    %reshape3A_1065 = vector.shape_cast %get3A_1064 : vector<16384x64xf32> to vector<128x128x64xf32>
    %mul3A_1066 = vector.broadcast %reshape3A : vector<1x1x64xf32> to vector<128x128x64xf32>
    %mul3A_1067 = arith.mulf %reshape3A_1065, %mul3A_1066 : vector<128x128x64xf32>
    %reduce_sum3A_1068 = arith.constant dense<0.000000e+00> : vector<128x128xf32>
    %reduce_sum3A_1069 = vector.multi_reduction <add>, %mul3A_1067, %reduce_sum3A_1068 [2] : vector<128x128x64xf32> to vector<128x128xf32>
    %swap3A_1070 = arith.constant 5760 : index
    %swap3A_1071 = arith.constant 0 : index
    %swap3A_1072 = vector.load %arg2[%swap3A_1070, %swap3A_1071] : memref<7936x128xf32, #tpu.memory_space<vmem>>, vector<128x128xf32>
    tpu.vector_store %arg2[%swap3A_1070, %swap3A_1071], %reduce_sum3A_1069 {strides = array<i32>} : memref<7936x128xf32, #tpu.memory_space<vmem>>, vector<128x128xf32>,
    %dma_start3A_1073 = arith.constant 0 : i32
    %dma_start3A_1074 = arith.constant 0 : i32
    %dma_start3A_1075 = tpu.memref_slice %arg4[%dma_start3A_1073, %dma_start3A_1074] : memref<16384x64xf32, #tpu.memory_space<vmem>> -> memref<16384x64xf32, #tpu.memory_space<vmem>>
    %dma_start3A_1076 = arith.constant 802816 : i32
    %dma_start3A_1077 = arith.constant 0 : i32
    %dma_start3A_1078 = tpu.memref_slice %arg0[%dma_start3A_1076, %dma_start3A_1077] : memref<1000000x64xf32, #tpu.memory_space<any>> -> memref<16384x64xf32, #tpu.memory_space<any>>
    tpu.enqueue_dma source(%dma_start3A_1078 : memref<16384x64xf32, #tpu.memory_space<any>>) target(%dma_start3A_1075 : memref<16384x64xf32, #tpu.memory_space<vmem>>) target_semaphore(%arg8 : memref<!tpu.dma_semaphore, #tpu.memory_space<semaphore_mem>>)
    %dma_wait3A_1079 = arith.constant 0 : i32
    %dma_wait3A_1080 = arith.constant 0 : i32
    %dma_wait3A_1081 = tpu.memref_slice %arg5[%dma_wait3A_1079, %dma_wait3A_1080] : memref<16384x64xf32, #tpu.memory_space<vmem>> -> memref<16384x64xf32, #tpu.memory_space<vmem>>
    %dma_wait3A_1082 = arith.constant 753664 : i32
    %dma_wait3A_1083 = arith.constant 0 : i32
    %dma_wait3A_1084 = tpu.memref_slice %arg0[%dma_wait3A_1082, %dma_wait3A_1083] : memref<1000000x64xf32, #tpu.memory_space<any>> -> memref<16384x64xf32, #tpu.memory_space<any>>
    tpu.wait_dma2 semaphore(%arg9 : memref<!tpu.dma_semaphore, #tpu.memory_space<semaphore_mem>>) src(%dma_wait3A_1084 : memref<16384x64xf32, #tpu.memory_space<any>>) dst(%dma_wait3A_1081 : memref<16384x64xf32, #tpu.memory_space<vmem>>)
    %get3A_1085 = arith.constant 0 : index
    %get3A_1086 = arith.constant 0 : index
    %get3A_1087 = vector.load %arg5[%get3A_1085, %get3A_1086] : memref<16384x64xf32, #tpu.memory_space<vmem>>, vector<16384x64xf32>
    %reshape3A_1088 = vector.shape_cast %get3A_1087 : vector<16384x64xf32> to vector<128x128x64xf32>
    %mul3A_1089 = vector.broadcast %reshape3A : vector<1x1x64xf32> to vector<128x128x64xf32>
    %mul3A_1090 = arith.mulf %reshape3A_1088, %mul3A_1089 : vector<128x128x64xf32>
    %reduce_sum3A_1091 = arith.constant dense<0.000000e+00> : vector<128x128xf32>
    %reduce_sum3A_1092 = vector.multi_reduction <add>, %mul3A_1090, %reduce_sum3A_1091 [2] : vector<128x128x64xf32> to vector<128x128xf32>
    %swap3A_1093 = arith.constant 5888 : index
    %swap3A_1094 = arith.constant 0 : index
    %swap3A_1095 = vector.load %arg2[%swap3A_1093, %swap3A_1094] : memref<7936x128xf32, #tpu.memory_space<vmem>>, vector<128x128xf32>
    tpu.vector_store %arg2[%swap3A_1093, %swap3A_1094], %reduce_sum3A_1092 {strides = array<i32>} : memref<7936x128xf32, #tpu.memory_space<vmem>>, vector<128x128xf32>,
    %dma_start3A_1096 = arith.constant 0 : i32
    %dma_start3A_1097 = arith.constant 0 : i32
    %dma_start3A_1098 = tpu.memref_slice %arg5[%dma_start3A_1096, %dma_start3A_1097] : memref<16384x64xf32, #tpu.memory_space<vmem>> -> memref<16384x64xf32, #tpu.memory_space<vmem>>
    %dma_start3A_1099 = arith.constant 819200 : i32
    %dma_start3A_1100 = arith.constant 0 : i32
    %dma_start3A_1101 = tpu.memref_slice %arg0[%dma_start3A_1099, %dma_start3A_1100] : memref<1000000x64xf32, #tpu.memory_space<any>> -> memref<16384x64xf32, #tpu.memory_space<any>>
    tpu.enqueue_dma source(%dma_start3A_1101 : memref<16384x64xf32, #tpu.memory_space<any>>) target(%dma_start3A_1098 : memref<16384x64xf32, #tpu.memory_space<vmem>>) target_semaphore(%arg9 : memref<!tpu.dma_semaphore, #tpu.memory_space<semaphore_mem>>)
    %dma_wait3A_1102 = arith.constant 0 : i32
    %dma_wait3A_1103 = arith.constant 0 : i32
    %dma_wait3A_1104 = tpu.memref_slice %arg6[%dma_wait3A_1102, %dma_wait3A_1103] : memref<16384x64xf32, #tpu.memory_space<vmem>> -> memref<16384x64xf32, #tpu.memory_space<vmem>>
    %dma_wait3A_1105 = arith.constant 770048 : i32
    %dma_wait3A_1106 = arith.constant 0 : i32
    %dma_wait3A_1107 = tpu.memref_slice %arg0[%dma_wait3A_1105, %dma_wait3A_1106] : memref<1000000x64xf32, #tpu.memory_space<any>> -> memref<16384x64xf32, #tpu.memory_space<any>>
    tpu.wait_dma2 semaphore(%arg10 : memref<!tpu.dma_semaphore, #tpu.memory_space<semaphore_mem>>) src(%dma_wait3A_1107 : memref<16384x64xf32, #tpu.memory_space<any>>) dst(%dma_wait3A_1104 : memref<16384x64xf32, #tpu.memory_space<vmem>>)
    %get3A_1108 = arith.constant 0 : index
    %get3A_1109 = arith.constant 0 : index
    %get3A_1110 = vector.load %arg6[%get3A_1108, %get3A_1109] : memref<16384x64xf32, #tpu.memory_space<vmem>>, vector<16384x64xf32>
    %reshape3A_1111 = vector.shape_cast %get3A_1110 : vector<16384x64xf32> to vector<128x128x64xf32>
    %mul3A_1112 = vector.broadcast %reshape3A : vector<1x1x64xf32> to vector<128x128x64xf32>
    %mul3A_1113 = arith.mulf %reshape3A_1111, %mul3A_1112 : vector<128x128x64xf32>
    %reduce_sum3A_1114 = arith.constant dense<0.000000e+00> : vector<128x128xf32>
    %reduce_sum3A_1115 = vector.multi_reduction <add>, %mul3A_1113, %reduce_sum3A_1114 [2] : vector<128x128x64xf32> to vector<128x128xf32>
    %swap3A_1116 = arith.constant 6016 : index
    %swap3A_1117 = arith.constant 0 : index
    %swap3A_1118 = vector.load %arg2[%swap3A_1116, %swap3A_1117] : memref<7936x128xf32, #tpu.memory_space<vmem>>, vector<128x128xf32>
    tpu.vector_store %arg2[%swap3A_1116, %swap3A_1117], %reduce_sum3A_1115 {strides = array<i32>} : memref<7936x128xf32, #tpu.memory_space<vmem>>, vector<128x128xf32>,
    %dma_start3A_1119 = arith.constant 0 : i32
    %dma_start3A_1120 = arith.constant 0 : i32
    %dma_start3A_1121 = tpu.memref_slice %arg6[%dma_start3A_1119, %dma_start3A_1120] : memref<16384x64xf32, #tpu.memory_space<vmem>> -> memref<16384x64xf32, #tpu.memory_space<vmem>>
    %dma_start3A_1122 = arith.constant 835584 : i32
    %dma_start3A_1123 = arith.constant 0 : i32
    %dma_start3A_1124 = tpu.memref_slice %arg0[%dma_start3A_1122, %dma_start3A_1123] : memref<1000000x64xf32, #tpu.memory_space<any>> -> memref<16384x64xf32, #tpu.memory_space<any>>
    tpu.enqueue_dma source(%dma_start3A_1124 : memref<16384x64xf32, #tpu.memory_space<any>>) target(%dma_start3A_1121 : memref<16384x64xf32, #tpu.memory_space<vmem>>) target_semaphore(%arg10 : memref<!tpu.dma_semaphore, #tpu.memory_space<semaphore_mem>>)
    %dma_wait3A_1125 = arith.constant 0 : i32
    %dma_wait3A_1126 = arith.constant 0 : i32
    %dma_wait3A_1127 = tpu.memref_slice %arg3[%dma_wait3A_1125, %dma_wait3A_1126] : memref<16384x64xf32, #tpu.memory_space<vmem>> -> memref<16384x64xf32, #tpu.memory_space<vmem>>
    %dma_wait3A_1128 = arith.constant 786432 : i32
    %dma_wait3A_1129 = arith.constant 0 : i32
    %dma_wait3A_1130 = tpu.memref_slice %arg0[%dma_wait3A_1128, %dma_wait3A_1129] : memref<1000000x64xf32, #tpu.memory_space<any>> -> memref<16384x64xf32, #tpu.memory_space<any>>
    tpu.wait_dma2 semaphore(%arg7 : memref<!tpu.dma_semaphore, #tpu.memory_space<semaphore_mem>>) src(%dma_wait3A_1130 : memref<16384x64xf32, #tpu.memory_space<any>>) dst(%dma_wait3A_1127 : memref<16384x64xf32, #tpu.memory_space<vmem>>)
    %get3A_1131 = arith.constant 0 : index
    %get3A_1132 = arith.constant 0 : index
    %get3A_1133 = vector.load %arg3[%get3A_1131, %get3A_1132] : memref<16384x64xf32, #tpu.memory_space<vmem>>, vector<16384x64xf32>
    %reshape3A_1134 = vector.shape_cast %get3A_1133 : vector<16384x64xf32> to vector<128x128x64xf32>
    %mul3A_1135 = vector.broadcast %reshape3A : vector<1x1x64xf32> to vector<128x128x64xf32>
    %mul3A_1136 = arith.mulf %reshape3A_1134, %mul3A_1135 : vector<128x128x64xf32>
    %reduce_sum3A_1137 = arith.constant dense<0.000000e+00> : vector<128x128xf32>
    %reduce_sum3A_1138 = vector.multi_reduction <add>, %mul3A_1136, %reduce_sum3A_1137 [2] : vector<128x128x64xf32> to vector<128x128xf32>
    %swap3A_1139 = arith.constant 6144 : index
    %swap3A_1140 = arith.constant 0 : index
    %swap3A_1141 = vector.load %arg2[%swap3A_1139, %swap3A_1140] : memref<7936x128xf32, #tpu.memory_space<vmem>>, vector<128x128xf32>
    tpu.vector_store %arg2[%swap3A_1139, %swap3A_1140], %reduce_sum3A_1138 {strides = array<i32>} : memref<7936x128xf32, #tpu.memory_space<vmem>>, vector<128x128xf32>,
    %dma_start3A_1142 = arith.constant 0 : i32
    %dma_start3A_1143 = arith.constant 0 : i32
    %dma_start3A_1144 = tpu.memref_slice %arg3[%dma_start3A_1142, %dma_start3A_1143] : memref<16384x64xf32, #tpu.memory_space<vmem>> -> memref<16384x64xf32, #tpu.memory_space<vmem>>
    %dma_start3A_1145 = arith.constant 851968 : i32
    %dma_start3A_1146 = arith.constant 0 : i32
    %dma_start3A_1147 = tpu.memref_slice %arg0[%dma_start3A_1145, %dma_start3A_1146] : memref<1000000x64xf32, #tpu.memory_space<any>> -> memref<16384x64xf32, #tpu.memory_space<any>>
    tpu.enqueue_dma source(%dma_start3A_1147 : memref<16384x64xf32, #tpu.memory_space<any>>) target(%dma_start3A_1144 : memref<16384x64xf32, #tpu.memory_space<vmem>>) target_semaphore(%arg7 : memref<!tpu.dma_semaphore, #tpu.memory_space<semaphore_mem>>)
    %dma_wait3A_1148 = arith.constant 0 : i32
    %dma_wait3A_1149 = arith.constant 0 : i32
    %dma_wait3A_1150 = tpu.memref_slice %arg4[%dma_wait3A_1148, %dma_wait3A_1149] : memref<16384x64xf32, #tpu.memory_space<vmem>> -> memref<16384x64xf32, #tpu.memory_space<vmem>>
    %dma_wait3A_1151 = arith.constant 802816 : i32
    %dma_wait3A_1152 = arith.constant 0 : i32
    %dma_wait3A_1153 = tpu.memref_slice %arg0[%dma_wait3A_1151, %dma_wait3A_1152] : memref<1000000x64xf32, #tpu.memory_space<any>> -> memref<16384x64xf32, #tpu.memory_space<any>>
    tpu.wait_dma2 semaphore(%arg8 : memref<!tpu.dma_semaphore, #tpu.memory_space<semaphore_mem>>) src(%dma_wait3A_1153 : memref<16384x64xf32, #tpu.memory_space<any>>) dst(%dma_wait3A_1150 : memref<16384x64xf32, #tpu.memory_space<vmem>>)
    %get3A_1154 = arith.constant 0 : index
    %get3A_1155 = arith.constant 0 : index
    %get3A_1156 = vector.load %arg4[%get3A_1154, %get3A_1155] : memref<16384x64xf32, #tpu.memory_space<vmem>>, vector<16384x64xf32>
    %reshape3A_1157 = vector.shape_cast %get3A_1156 : vector<16384x64xf32> to vector<128x128x64xf32>
    %mul3A_1158 = vector.broadcast %reshape3A : vector<1x1x64xf32> to vector<128x128x64xf32>
    %mul3A_1159 = arith.mulf %reshape3A_1157, %mul3A_1158 : vector<128x128x64xf32>
    %reduce_sum3A_1160 = arith.constant dense<0.000000e+00> : vector<128x128xf32>
    %reduce_sum3A_1161 = vector.multi_reduction <add>, %mul3A_1159, %reduce_sum3A_1160 [2] : vector<128x128x64xf32> to vector<128x128xf32>
    %swap3A_1162 = arith.constant 6272 : index
    %swap3A_1163 = arith.constant 0 : index
    %swap3A_1164 = vector.load %arg2[%swap3A_1162, %swap3A_1163] : memref<7936x128xf32, #tpu.memory_space<vmem>>, vector<128x128xf32>
    tpu.vector_store %arg2[%swap3A_1162, %swap3A_1163], %reduce_sum3A_1161 {strides = array<i32>} : memref<7936x128xf32, #tpu.memory_space<vmem>>, vector<128x128xf32>,
    %dma_start3A_1165 = arith.constant 0 : i32
    %dma_start3A_1166 = arith.constant 0 : i32
    %dma_start3A_1167 = tpu.memref_slice %arg4[%dma_start3A_1165, %dma_start3A_1166] : memref<16384x64xf32, #tpu.memory_space<vmem>> -> memref<16384x64xf32, #tpu.memory_space<vmem>>
    %dma_start3A_1168 = arith.constant 868352 : i32
    %dma_start3A_1169 = arith.constant 0 : i32
    %dma_start3A_1170 = tpu.memref_slice %arg0[%dma_start3A_1168, %dma_start3A_1169] : memref<1000000x64xf32, #tpu.memory_space<any>> -> memref<16384x64xf32, #tpu.memory_space<any>>
    tpu.enqueue_dma source(%dma_start3A_1170 : memref<16384x64xf32, #tpu.memory_space<any>>) target(%dma_start3A_1167 : memref<16384x64xf32, #tpu.memory_space<vmem>>) target_semaphore(%arg8 : memref<!tpu.dma_semaphore, #tpu.memory_space<semaphore_mem>>)
    %dma_wait3A_1171 = arith.constant 0 : i32
    %dma_wait3A_1172 = arith.constant 0 : i32
    %dma_wait3A_1173 = tpu.memref_slice %arg5[%dma_wait3A_1171, %dma_wait3A_1172] : memref<16384x64xf32, #tpu.memory_space<vmem>> -> memref<16384x64xf32, #tpu.memory_space<vmem>>
    %dma_wait3A_1174 = arith.constant 819200 : i32
    %dma_wait3A_1175 = arith.constant 0 : i32
    %dma_wait3A_1176 = tpu.memref_slice %arg0[%dma_wait3A_1174, %dma_wait3A_1175] : memref<1000000x64xf32, #tpu.memory_space<any>> -> memref<16384x64xf32, #tpu.memory_space<any>>
    tpu.wait_dma2 semaphore(%arg9 : memref<!tpu.dma_semaphore, #tpu.memory_space<semaphore_mem>>) src(%dma_wait3A_1176 : memref<16384x64xf32, #tpu.memory_space<any>>) dst(%dma_wait3A_1173 : memref<16384x64xf32, #tpu.memory_space<vmem>>)
    %get3A_1177 = arith.constant 0 : index
    %get3A_1178 = arith.constant 0 : index
    %get3A_1179 = vector.load %arg5[%get3A_1177, %get3A_1178] : memref<16384x64xf32, #tpu.memory_space<vmem>>, vector<16384x64xf32>
    %reshape3A_1180 = vector.shape_cast %get3A_1179 : vector<16384x64xf32> to vector<128x128x64xf32>
    %mul3A_1181 = vector.broadcast %reshape3A : vector<1x1x64xf32> to vector<128x128x64xf32>
    %mul3A_1182 = arith.mulf %reshape3A_1180, %mul3A_1181 : vector<128x128x64xf32>
    %reduce_sum3A_1183 = arith.constant dense<0.000000e+00> : vector<128x128xf32>
    %reduce_sum3A_1184 = vector.multi_reduction <add>, %mul3A_1182, %reduce_sum3A_1183 [2] : vector<128x128x64xf32> to vector<128x128xf32>
    %swap3A_1185 = arith.constant 6400 : index
    %swap3A_1186 = arith.constant 0 : index
    %swap3A_1187 = vector.load %arg2[%swap3A_1185, %swap3A_1186] : memref<7936x128xf32, #tpu.memory_space<vmem>>, vector<128x128xf32>
    tpu.vector_store %arg2[%swap3A_1185, %swap3A_1186], %reduce_sum3A_1184 {strides = array<i32>} : memref<7936x128xf32, #tpu.memory_space<vmem>>, vector<128x128xf32>,
    %dma_start3A_1188 = arith.constant 0 : i32
    %dma_start3A_1189 = arith.constant 0 : i32
    %dma_start3A_1190 = tpu.memref_slice %arg5[%dma_start3A_1188, %dma_start3A_1189] : memref<16384x64xf32, #tpu.memory_space<vmem>> -> memref<16384x64xf32, #tpu.memory_space<vmem>>
    %dma_start3A_1191 = arith.constant 884736 : i32
    %dma_start3A_1192 = arith.constant 0 : i32
    %dma_start3A_1193 = tpu.memref_slice %arg0[%dma_start3A_1191, %dma_start3A_1192] : memref<1000000x64xf32, #tpu.memory_space<any>> -> memref<16384x64xf32, #tpu.memory_space<any>>
    tpu.enqueue_dma source(%dma_start3A_1193 : memref<16384x64xf32, #tpu.memory_space<any>>) target(%dma_start3A_1190 : memref<16384x64xf32, #tpu.memory_space<vmem>>) target_semaphore(%arg9 : memref<!tpu.dma_semaphore, #tpu.memory_space<semaphore_mem>>)
    %dma_wait3A_1194 = arith.constant 0 : i32
    %dma_wait3A_1195 = arith.constant 0 : i32
    %dma_wait3A_1196 = tpu.memref_slice %arg6[%dma_wait3A_1194, %dma_wait3A_1195] : memref<16384x64xf32, #tpu.memory_space<vmem>> -> memref<16384x64xf32, #tpu.memory_space<vmem>>
    %dma_wait3A_1197 = arith.constant 835584 : i32
    %dma_wait3A_1198 = arith.constant 0 : i32
    %dma_wait3A_1199 = tpu.memref_slice %arg0[%dma_wait3A_1197, %dma_wait3A_1198] : memref<1000000x64xf32, #tpu.memory_space<any>> -> memref<16384x64xf32, #tpu.memory_space<any>>
    tpu.wait_dma2 semaphore(%arg10 : memref<!tpu.dma_semaphore, #tpu.memory_space<semaphore_mem>>) src(%dma_wait3A_1199 : memref<16384x64xf32, #tpu.memory_space<any>>) dst(%dma_wait3A_1196 : memref<16384x64xf32, #tpu.memory_space<vmem>>)
    %get3A_1200 = arith.constant 0 : index
    %get3A_1201 = arith.constant 0 : index
    %get3A_1202 = vector.load %arg6[%get3A_1200, %get3A_1201] : memref<16384x64xf32, #tpu.memory_space<vmem>>, vector<16384x64xf32>
    %reshape3A_1203 = vector.shape_cast %get3A_1202 : vector<16384x64xf32> to vector<128x128x64xf32>
    %mul3A_1204 = vector.broadcast %reshape3A : vector<1x1x64xf32> to vector<128x128x64xf32>
    %mul3A_1205 = arith.mulf %reshape3A_1203, %mul3A_1204 : vector<128x128x64xf32>
    %reduce_sum3A_1206 = arith.constant dense<0.000000e+00> : vector<128x128xf32>
    %reduce_sum3A_1207 = vector.multi_reduction <add>, %mul3A_1205, %reduce_sum3A_1206 [2] : vector<128x128x64xf32> to vector<128x128xf32>
    %swap3A_1208 = arith.constant 6528 : index
    %swap3A_1209 = arith.constant 0 : index
    %swap3A_1210 = vector.load %arg2[%swap3A_1208, %swap3A_1209] : memref<7936x128xf32, #tpu.memory_space<vmem>>, vector<128x128xf32>
    tpu.vector_store %arg2[%swap3A_1208, %swap3A_1209], %reduce_sum3A_1207 {strides = array<i32>} : memref<7936x128xf32, #tpu.memory_space<vmem>>, vector<128x128xf32>,
    %dma_start3A_1211 = arith.constant 0 : i32
    %dma_start3A_1212 = arith.constant 0 : i32
    %dma_start3A_1213 = tpu.memref_slice %arg6[%dma_start3A_1211, %dma_start3A_1212] : memref<16384x64xf32, #tpu.memory_space<vmem>> -> memref<16384x64xf32, #tpu.memory_space<vmem>>
    %dma_start3A_1214 = arith.constant 901120 : i32
    %dma_start3A_1215 = arith.constant 0 : i32
    %dma_start3A_1216 = tpu.memref_slice %arg0[%dma_start3A_1214, %dma_start3A_1215] : memref<1000000x64xf32, #tpu.memory_space<any>> -> memref<16384x64xf32, #tpu.memory_space<any>>
    tpu.enqueue_dma source(%dma_start3A_1216 : memref<16384x64xf32, #tpu.memory_space<any>>) target(%dma_start3A_1213 : memref<16384x64xf32, #tpu.memory_space<vmem>>) target_semaphore(%arg10 : memref<!tpu.dma_semaphore, #tpu.memory_space<semaphore_mem>>)
    %dma_wait3A_1217 = arith.constant 0 : i32
    %dma_wait3A_1218 = arith.constant 0 : i32
    %dma_wait3A_1219 = tpu.memref_slice %arg3[%dma_wait3A_1217, %dma_wait3A_1218] : memref<16384x64xf32, #tpu.memory_space<vmem>> -> memref<16384x64xf32, #tpu.memory_space<vmem>>
    %dma_wait3A_1220 = arith.constant 851968 : i32
    %dma_wait3A_1221 = arith.constant 0 : i32
    %dma_wait3A_1222 = tpu.memref_slice %arg0[%dma_wait3A_1220, %dma_wait3A_1221] : memref<1000000x64xf32, #tpu.memory_space<any>> -> memref<16384x64xf32, #tpu.memory_space<any>>
    tpu.wait_dma2 semaphore(%arg7 : memref<!tpu.dma_semaphore, #tpu.memory_space<semaphore_mem>>) src(%dma_wait3A_1222 : memref<16384x64xf32, #tpu.memory_space<any>>) dst(%dma_wait3A_1219 : memref<16384x64xf32, #tpu.memory_space<vmem>>)
    %get3A_1223 = arith.constant 0 : index
    %get3A_1224 = arith.constant 0 : index
    %get3A_1225 = vector.load %arg3[%get3A_1223, %get3A_1224] : memref<16384x64xf32, #tpu.memory_space<vmem>>, vector<16384x64xf32>
    %reshape3A_1226 = vector.shape_cast %get3A_1225 : vector<16384x64xf32> to vector<128x128x64xf32>
    %mul3A_1227 = vector.broadcast %reshape3A : vector<1x1x64xf32> to vector<128x128x64xf32>
    %mul3A_1228 = arith.mulf %reshape3A_1226, %mul3A_1227 : vector<128x128x64xf32>
    %reduce_sum3A_1229 = arith.constant dense<0.000000e+00> : vector<128x128xf32>
    %reduce_sum3A_1230 = vector.multi_reduction <add>, %mul3A_1228, %reduce_sum3A_1229 [2] : vector<128x128x64xf32> to vector<128x128xf32>
    %swap3A_1231 = arith.constant 6656 : index
    %swap3A_1232 = arith.constant 0 : index
    %swap3A_1233 = vector.load %arg2[%swap3A_1231, %swap3A_1232] : memref<7936x128xf32, #tpu.memory_space<vmem>>, vector<128x128xf32>
    tpu.vector_store %arg2[%swap3A_1231, %swap3A_1232], %reduce_sum3A_1230 {strides = array<i32>} : memref<7936x128xf32, #tpu.memory_space<vmem>>, vector<128x128xf32>,
    %dma_start3A_1234 = arith.constant 0 : i32
    %dma_start3A_1235 = arith.constant 0 : i32
    %dma_start3A_1236 = tpu.memref_slice %arg3[%dma_start3A_1234, %dma_start3A_1235] : memref<16384x64xf32, #tpu.memory_space<vmem>> -> memref<16384x64xf32, #tpu.memory_space<vmem>>
    %dma_start3A_1237 = arith.constant 917504 : i32
    %dma_start3A_1238 = arith.constant 0 : i32
    %dma_start3A_1239 = tpu.memref_slice %arg0[%dma_start3A_1237, %dma_start3A_1238] : memref<1000000x64xf32, #tpu.memory_space<any>> -> memref<16384x64xf32, #tpu.memory_space<any>>
    tpu.enqueue_dma source(%dma_start3A_1239 : memref<16384x64xf32, #tpu.memory_space<any>>) target(%dma_start3A_1236 : memref<16384x64xf32, #tpu.memory_space<vmem>>) target_semaphore(%arg7 : memref<!tpu.dma_semaphore, #tpu.memory_space<semaphore_mem>>)
    %dma_wait3A_1240 = arith.constant 0 : i32
    %dma_wait3A_1241 = arith.constant 0 : i32
    %dma_wait3A_1242 = tpu.memref_slice %arg4[%dma_wait3A_1240, %dma_wait3A_1241] : memref<16384x64xf32, #tpu.memory_space<vmem>> -> memref<16384x64xf32, #tpu.memory_space<vmem>>
    %dma_wait3A_1243 = arith.constant 868352 : i32
    %dma_wait3A_1244 = arith.constant 0 : i32
    %dma_wait3A_1245 = tpu.memref_slice %arg0[%dma_wait3A_1243, %dma_wait3A_1244] : memref<1000000x64xf32, #tpu.memory_space<any>> -> memref<16384x64xf32, #tpu.memory_space<any>>
    tpu.wait_dma2 semaphore(%arg8 : memref<!tpu.dma_semaphore, #tpu.memory_space<semaphore_mem>>) src(%dma_wait3A_1245 : memref<16384x64xf32, #tpu.memory_space<any>>) dst(%dma_wait3A_1242 : memref<16384x64xf32, #tpu.memory_space<vmem>>)
    %get3A_1246 = arith.constant 0 : index
    %get3A_1247 = arith.constant 0 : index
    %get3A_1248 = vector.load %arg4[%get3A_1246, %get3A_1247] : memref<16384x64xf32, #tpu.memory_space<vmem>>, vector<16384x64xf32>
    %reshape3A_1249 = vector.shape_cast %get3A_1248 : vector<16384x64xf32> to vector<128x128x64xf32>
    %mul3A_1250 = vector.broadcast %reshape3A : vector<1x1x64xf32> to vector<128x128x64xf32>
    %mul3A_1251 = arith.mulf %reshape3A_1249, %mul3A_1250 : vector<128x128x64xf32>
    %reduce_sum3A_1252 = arith.constant dense<0.000000e+00> : vector<128x128xf32>
    %reduce_sum3A_1253 = vector.multi_reduction <add>, %mul3A_1251, %reduce_sum3A_1252 [2] : vector<128x128x64xf32> to vector<128x128xf32>
    %swap3A_1254 = arith.constant 6784 : index
    %swap3A_1255 = arith.constant 0 : index
    %swap3A_1256 = vector.load %arg2[%swap3A_1254, %swap3A_1255] : memref<7936x128xf32, #tpu.memory_space<vmem>>, vector<128x128xf32>
    tpu.vector_store %arg2[%swap3A_1254, %swap3A_1255], %reduce_sum3A_1253 {strides = array<i32>} : memref<7936x128xf32, #tpu.memory_space<vmem>>, vector<128x128xf32>,
    %dma_start3A_1257 = arith.constant 0 : i32
    %dma_start3A_1258 = arith.constant 0 : i32
    %dma_start3A_1259 = tpu.memref_slice %arg4[%dma_start3A_1257, %dma_start3A_1258] : memref<16384x64xf32, #tpu.memory_space<vmem>> -> memref<16384x64xf32, #tpu.memory_space<vmem>>
    %dma_start3A_1260 = arith.constant 933888 : i32
    %dma_start3A_1261 = arith.constant 0 : i32
    %dma_start3A_1262 = tpu.memref_slice %arg0[%dma_start3A_1260, %dma_start3A_1261] : memref<1000000x64xf32, #tpu.memory_space<any>> -> memref<16384x64xf32, #tpu.memory_space<any>>
    tpu.enqueue_dma source(%dma_start3A_1262 : memref<16384x64xf32, #tpu.memory_space<any>>) target(%dma_start3A_1259 : memref<16384x64xf32, #tpu.memory_space<vmem>>) target_semaphore(%arg8 : memref<!tpu.dma_semaphore, #tpu.memory_space<semaphore_mem>>)
    %dma_wait3A_1263 = arith.constant 0 : i32
    %dma_wait3A_1264 = arith.constant 0 : i32
    %dma_wait3A_1265 = tpu.memref_slice %arg5[%dma_wait3A_1263, %dma_wait3A_1264] : memref<16384x64xf32, #tpu.memory_space<vmem>> -> memref<16384x64xf32, #tpu.memory_space<vmem>>
    %dma_wait3A_1266 = arith.constant 884736 : i32
    %dma_wait3A_1267 = arith.constant 0 : i32
    %dma_wait3A_1268 = tpu.memref_slice %arg0[%dma_wait3A_1266, %dma_wait3A_1267] : memref<1000000x64xf32, #tpu.memory_space<any>> -> memref<16384x64xf32, #tpu.memory_space<any>>
    tpu.wait_dma2 semaphore(%arg9 : memref<!tpu.dma_semaphore, #tpu.memory_space<semaphore_mem>>) src(%dma_wait3A_1268 : memref<16384x64xf32, #tpu.memory_space<any>>) dst(%dma_wait3A_1265 : memref<16384x64xf32, #tpu.memory_space<vmem>>)
    %get3A_1269 = arith.constant 0 : index
    %get3A_1270 = arith.constant 0 : index
    %get3A_1271 = vector.load %arg5[%get3A_1269, %get3A_1270] : memref<16384x64xf32, #tpu.memory_space<vmem>>, vector<16384x64xf32>
    %reshape3A_1272 = vector.shape_cast %get3A_1271 : vector<16384x64xf32> to vector<128x128x64xf32>
    %mul3A_1273 = vector.broadcast %reshape3A : vector<1x1x64xf32> to vector<128x128x64xf32>
    %mul3A_1274 = arith.mulf %reshape3A_1272, %mul3A_1273 : vector<128x128x64xf32>
    %reduce_sum3A_1275 = arith.constant dense<0.000000e+00> : vector<128x128xf32>
    %reduce_sum3A_1276 = vector.multi_reduction <add>, %mul3A_1274, %reduce_sum3A_1275 [2] : vector<128x128x64xf32> to vector<128x128xf32>
    %swap3A_1277 = arith.constant 6912 : index
    %swap3A_1278 = arith.constant 0 : index
    %swap3A_1279 = vector.load %arg2[%swap3A_1277, %swap3A_1278] : memref<7936x128xf32, #tpu.memory_space<vmem>>, vector<128x128xf32>
    tpu.vector_store %arg2[%swap3A_1277, %swap3A_1278], %reduce_sum3A_1276 {strides = array<i32>} : memref<7936x128xf32, #tpu.memory_space<vmem>>, vector<128x128xf32>,
    %dma_start3A_1280 = arith.constant 0 : i32
    %dma_start3A_1281 = arith.constant 0 : i32
    %dma_start3A_1282 = tpu.memref_slice %arg5[%dma_start3A_1280, %dma_start3A_1281] : memref<16384x64xf32, #tpu.memory_space<vmem>> -> memref<16384x64xf32, #tpu.memory_space<vmem>>
    %dma_start3A_1283 = arith.constant 950272 : i32
    %dma_start3A_1284 = arith.constant 0 : i32
    %dma_start3A_1285 = tpu.memref_slice %arg0[%dma_start3A_1283, %dma_start3A_1284] : memref<1000000x64xf32, #tpu.memory_space<any>> -> memref<16384x64xf32, #tpu.memory_space<any>>
    tpu.enqueue_dma source(%dma_start3A_1285 : memref<16384x64xf32, #tpu.memory_space<any>>) target(%dma_start3A_1282 : memref<16384x64xf32, #tpu.memory_space<vmem>>) target_semaphore(%arg9 : memref<!tpu.dma_semaphore, #tpu.memory_space<semaphore_mem>>)
    %dma_wait3A_1286 = arith.constant 0 : i32
    %dma_wait3A_1287 = arith.constant 0 : i32
    %dma_wait3A_1288 = tpu.memref_slice %arg6[%dma_wait3A_1286, %dma_wait3A_1287] : memref<16384x64xf32, #tpu.memory_space<vmem>> -> memref<16384x64xf32, #tpu.memory_space<vmem>>
    %dma_wait3A_1289 = arith.constant 901120 : i32
    %dma_wait3A_1290 = arith.constant 0 : i32
    %dma_wait3A_1291 = tpu.memref_slice %arg0[%dma_wait3A_1289, %dma_wait3A_1290] : memref<1000000x64xf32, #tpu.memory_space<any>> -> memref<16384x64xf32, #tpu.memory_space<any>>
    tpu.wait_dma2 semaphore(%arg10 : memref<!tpu.dma_semaphore, #tpu.memory_space<semaphore_mem>>) src(%dma_wait3A_1291 : memref<16384x64xf32, #tpu.memory_space<any>>) dst(%dma_wait3A_1288 : memref<16384x64xf32, #tpu.memory_space<vmem>>)
    %get3A_1292 = arith.constant 0 : index
    %get3A_1293 = arith.constant 0 : index
    %get3A_1294 = vector.load %arg6[%get3A_1292, %get3A_1293] : memref<16384x64xf32, #tpu.memory_space<vmem>>, vector<16384x64xf32>
    %reshape3A_1295 = vector.shape_cast %get3A_1294 : vector<16384x64xf32> to vector<128x128x64xf32>
    %mul3A_1296 = vector.broadcast %reshape3A : vector<1x1x64xf32> to vector<128x128x64xf32>
    %mul3A_1297 = arith.mulf %reshape3A_1295, %mul3A_1296 : vector<128x128x64xf32>
    %reduce_sum3A_1298 = arith.constant dense<0.000000e+00> : vector<128x128xf32>
    %reduce_sum3A_1299 = vector.multi_reduction <add>, %mul3A_1297, %reduce_sum3A_1298 [2] : vector<128x128x64xf32> to vector<128x128xf32>
    %swap3A_1300 = arith.constant 7040 : index
    %swap3A_1301 = arith.constant 0 : index
    %swap3A_1302 = vector.load %arg2[%swap3A_1300, %swap3A_1301] : memref<7936x128xf32, #tpu.memory_space<vmem>>, vector<128x128xf32>
    tpu.vector_store %arg2[%swap3A_1300, %swap3A_1301], %reduce_sum3A_1299 {strides = array<i32>} : memref<7936x128xf32, #tpu.memory_space<vmem>>, vector<128x128xf32>,
    %dma_start3A_1303 = arith.constant 0 : i32
    %dma_start3A_1304 = arith.constant 0 : i32
    %dma_start3A_1305 = tpu.memref_slice %arg6[%dma_start3A_1303, %dma_start3A_1304] : memref<16384x64xf32, #tpu.memory_space<vmem>> -> memref<16384x64xf32, #tpu.memory_space<vmem>>
    %dma_start3A_1306 = arith.constant 966656 : i32
    %dma_start3A_1307 = arith.constant 0 : i32
    %dma_start3A_1308 = tpu.memref_slice %arg0[%dma_start3A_1306, %dma_start3A_1307] : memref<1000000x64xf32, #tpu.memory_space<any>> -> memref<16384x64xf32, #tpu.memory_space<any>>
    tpu.enqueue_dma source(%dma_start3A_1308 : memref<16384x64xf32, #tpu.memory_space<any>>) target(%dma_start3A_1305 : memref<16384x64xf32, #tpu.memory_space<vmem>>) target_semaphore(%arg10 : memref<!tpu.dma_semaphore, #tpu.memory_space<semaphore_mem>>)
    %dma_wait3A_1309 = arith.constant 0 : i32
    %dma_wait3A_1310 = arith.constant 0 : i32
    %dma_wait3A_1311 = tpu.memref_slice %arg3[%dma_wait3A_1309, %dma_wait3A_1310] : memref<16384x64xf32, #tpu.memory_space<vmem>> -> memref<16384x64xf32, #tpu.memory_space<vmem>>
    %dma_wait3A_1312 = arith.constant 917504 : i32
    %dma_wait3A_1313 = arith.constant 0 : i32
    %dma_wait3A_1314 = tpu.memref_slice %arg0[%dma_wait3A_1312, %dma_wait3A_1313] : memref<1000000x64xf32, #tpu.memory_space<any>> -> memref<16384x64xf32, #tpu.memory_space<any>>
    tpu.wait_dma2 semaphore(%arg7 : memref<!tpu.dma_semaphore, #tpu.memory_space<semaphore_mem>>) src(%dma_wait3A_1314 : memref<16384x64xf32, #tpu.memory_space<any>>) dst(%dma_wait3A_1311 : memref<16384x64xf32, #tpu.memory_space<vmem>>)
    %get3A_1315 = arith.constant 0 : index
    %get3A_1316 = arith.constant 0 : index
    %get3A_1317 = vector.load %arg3[%get3A_1315, %get3A_1316] : memref<16384x64xf32, #tpu.memory_space<vmem>>, vector<16384x64xf32>
    %reshape3A_1318 = vector.shape_cast %get3A_1317 : vector<16384x64xf32> to vector<128x128x64xf32>
    %mul3A_1319 = vector.broadcast %reshape3A : vector<1x1x64xf32> to vector<128x128x64xf32>
    %mul3A_1320 = arith.mulf %reshape3A_1318, %mul3A_1319 : vector<128x128x64xf32>
    %reduce_sum3A_1321 = arith.constant dense<0.000000e+00> : vector<128x128xf32>
    %reduce_sum3A_1322 = vector.multi_reduction <add>, %mul3A_1320, %reduce_sum3A_1321 [2] : vector<128x128x64xf32> to vector<128x128xf32>
    %swap3A_1323 = arith.constant 7168 : index
    %swap3A_1324 = arith.constant 0 : index
    %swap3A_1325 = vector.load %arg2[%swap3A_1323, %swap3A_1324] : memref<7936x128xf32, #tpu.memory_space<vmem>>, vector<128x128xf32>
    tpu.vector_store %arg2[%swap3A_1323, %swap3A_1324], %reduce_sum3A_1322 {strides = array<i32>} : memref<7936x128xf32, #tpu.memory_space<vmem>>, vector<128x128xf32>,
    %dma_start3A_1326 = arith.constant 0 : i32
    %dma_start3A_1327 = arith.constant 0 : i32
    %dma_start3A_1328 = tpu.memref_slice %arg3[%dma_start3A_1326, %dma_start3A_1327] : memref<16384x64xf32, #tpu.memory_space<vmem>> -> memref<16384x64xf32, #tpu.memory_space<vmem>>
    %dma_start3A_1329 = arith.constant 983040 : i32
    %dma_start3A_1330 = arith.constant 0 : i32
    %dma_start3A_1331 = tpu.memref_slice %arg0[%dma_start3A_1329, %dma_start3A_1330] : memref<1000000x64xf32, #tpu.memory_space<any>> -> memref<16384x64xf32, #tpu.memory_space<any>>
    tpu.enqueue_dma source(%dma_start3A_1331 : memref<16384x64xf32, #tpu.memory_space<any>>) target(%dma_start3A_1328 : memref<16384x64xf32, #tpu.memory_space<vmem>>) target_semaphore(%arg7 : memref<!tpu.dma_semaphore, #tpu.memory_space<semaphore_mem>>)
    %dma_wait3A_1332 = arith.constant 0 : i32
    %dma_wait3A_1333 = arith.constant 0 : i32
    %dma_wait3A_1334 = tpu.memref_slice %arg4[%dma_wait3A_1332, %dma_wait3A_1333] : memref<16384x64xf32, #tpu.memory_space<vmem>> -> memref<16384x64xf32, #tpu.memory_space<vmem>>
    %dma_wait3A_1335 = arith.constant 933888 : i32
    %dma_wait3A_1336 = arith.constant 0 : i32
    %dma_wait3A_1337 = tpu.memref_slice %arg0[%dma_wait3A_1335, %dma_wait3A_1336] : memref<1000000x64xf32, #tpu.memory_space<any>> -> memref<16384x64xf32, #tpu.memory_space<any>>
    tpu.wait_dma2 semaphore(%arg8 : memref<!tpu.dma_semaphore, #tpu.memory_space<semaphore_mem>>) src(%dma_wait3A_1337 : memref<16384x64xf32, #tpu.memory_space<any>>) dst(%dma_wait3A_1334 : memref<16384x64xf32, #tpu.memory_space<vmem>>)
    %get3A_1338 = arith.constant 0 : index
    %get3A_1339 = arith.constant 0 : index
    %get3A_1340 = vector.load %arg4[%get3A_1338, %get3A_1339] : memref<16384x64xf32, #tpu.memory_space<vmem>>, vector<16384x64xf32>
    %reshape3A_1341 = vector.shape_cast %get3A_1340 : vector<16384x64xf32> to vector<128x128x64xf32>
    %mul3A_1342 = vector.broadcast %reshape3A : vector<1x1x64xf32> to vector<128x128x64xf32>
    %mul3A_1343 = arith.mulf %reshape3A_1341, %mul3A_1342 : vector<128x128x64xf32>
    %reduce_sum3A_1344 = arith.constant dense<0.000000e+00> : vector<128x128xf32>
    %reduce_sum3A_1345 = vector.multi_reduction <add>, %mul3A_1343, %reduce_sum3A_1344 [2] : vector<128x128x64xf32> to vector<128x128xf32>
    %swap3A_1346 = arith.constant 7296 : index
    %swap3A_1347 = arith.constant 0 : index
    %swap3A_1348 = vector.load %arg2[%swap3A_1346, %swap3A_1347] : memref<7936x128xf32, #tpu.memory_space<vmem>>, vector<128x128xf32>
    tpu.vector_store %arg2[%swap3A_1346, %swap3A_1347], %reduce_sum3A_1345 {strides = array<i32>} : memref<7936x128xf32, #tpu.memory_space<vmem>>, vector<128x128xf32>,
    %dma_start3A_1349 = arith.constant 0 : i32
    %dma_start3A_1350 = arith.constant 0 : i32
    %dma_start3A_1351 = tpu.memref_slice %arg4[%dma_start3A_1349, %dma_start3A_1350] : memref<16384x64xf32, #tpu.memory_space<vmem>> -> memref<576x64xf32, #tpu.memory_space<vmem>>
    %dma_start3A_1352 = arith.constant 999424 : i32
    %dma_start3A_1353 = arith.constant 0 : i32
    %dma_start3A_1354 = tpu.memref_slice %arg0[%dma_start3A_1352, %dma_start3A_1353] : memref<1000000x64xf32, #tpu.memory_space<any>> -> memref<576x64xf32, #tpu.memory_space<any>>
    tpu.enqueue_dma source(%dma_start3A_1354 : memref<576x64xf32, #tpu.memory_space<any>>) target(%dma_start3A_1351 : memref<576x64xf32, #tpu.memory_space<vmem>>) target_semaphore(%arg8 : memref<!tpu.dma_semaphore, #tpu.memory_space<semaphore_mem>>)
    %dma_wait3A_1355 = arith.constant 0 : i32
    %dma_wait3A_1356 = arith.constant 0 : i32
    %dma_wait3A_1357 = tpu.memref_slice %arg5[%dma_wait3A_1355, %dma_wait3A_1356] : memref<16384x64xf32, #tpu.memory_space<vmem>> -> memref<16384x64xf32, #tpu.memory_space<vmem>>
    %dma_wait3A_1358 = arith.constant 950272 : i32
    %dma_wait3A_1359 = arith.constant 0 : i32
    %dma_wait3A_1360 = tpu.memref_slice %arg0[%dma_wait3A_1358, %dma_wait3A_1359] : memref<1000000x64xf32, #tpu.memory_space<any>> -> memref<16384x64xf32, #tpu.memory_space<any>>
    tpu.wait_dma2 semaphore(%arg9 : memref<!tpu.dma_semaphore, #tpu.memory_space<semaphore_mem>>) src(%dma_wait3A_1360 : memref<16384x64xf32, #tpu.memory_space<any>>) dst(%dma_wait3A_1357 : memref<16384x64xf32, #tpu.memory_space<vmem>>)
    %get3A_1361 = arith.constant 0 : index
    %get3A_1362 = arith.constant 0 : index
    %get3A_1363 = vector.load %arg5[%get3A_1361, %get3A_1362] : memref<16384x64xf32, #tpu.memory_space<vmem>>, vector<16384x64xf32>
    %reshape3A_1364 = vector.shape_cast %get3A_1363 : vector<16384x64xf32> to vector<128x128x64xf32>
    %mul3A_1365 = vector.broadcast %reshape3A : vector<1x1x64xf32> to vector<128x128x64xf32>
    %mul3A_1366 = arith.mulf %reshape3A_1364, %mul3A_1365 : vector<128x128x64xf32>
    %reduce_sum3A_1367 = arith.constant dense<0.000000e+00> : vector<128x128xf32>
    %reduce_sum3A_1368 = vector.multi_reduction <add>, %mul3A_1366, %reduce_sum3A_1367 [2] : vector<128x128x64xf32> to vector<128x128xf32>
    %swap3A_1369 = arith.constant 7424 : index
    %swap3A_1370 = arith.constant 0 : index
    %swap3A_1371 = vector.load %arg2[%swap3A_1369, %swap3A_1370] : memref<7936x128xf32, #tpu.memory_space<vmem>>, vector<128x128xf32>
    tpu.vector_store %arg2[%swap3A_1369, %swap3A_1370], %reduce_sum3A_1368 {strides = array<i32>} : memref<7936x128xf32, #tpu.memory_space<vmem>>, vector<128x128xf32>,
    %dma_wait3A_1372 = arith.constant 0 : i32
    %dma_wait3A_1373 = arith.constant 0 : i32
    %dma_wait3A_1374 = tpu.memref_slice %arg6[%dma_wait3A_1372, %dma_wait3A_1373] : memref<16384x64xf32, #tpu.memory_space<vmem>> -> memref<16384x64xf32, #tpu.memory_space<vmem>>
    %dma_wait3A_1375 = arith.constant 966656 : i32
    %dma_wait3A_1376 = arith.constant 0 : i32
    %dma_wait3A_1377 = tpu.memref_slice %arg0[%dma_wait3A_1375, %dma_wait3A_1376] : memref<1000000x64xf32, #tpu.memory_space<any>> -> memref<16384x64xf32, #tpu.memory_space<any>>
    tpu.wait_dma2 semaphore(%arg10 : memref<!tpu.dma_semaphore, #tpu.memory_space<semaphore_mem>>) src(%dma_wait3A_1377 : memref<16384x64xf32, #tpu.memory_space<any>>) dst(%dma_wait3A_1374 : memref<16384x64xf32, #tpu.memory_space<vmem>>)
    %get3A_1378 = arith.constant 0 : index
    %get3A_1379 = arith.constant 0 : index
    %get3A_1380 = vector.load %arg6[%get3A_1378, %get3A_1379] : memref<16384x64xf32, #tpu.memory_space<vmem>>, vector<16384x64xf32>
    %reshape3A_1381 = vector.shape_cast %get3A_1380 : vector<16384x64xf32> to vector<128x128x64xf32>
    %mul3A_1382 = vector.broadcast %reshape3A : vector<1x1x64xf32> to vector<128x128x64xf32>
    %mul3A_1383 = arith.mulf %reshape3A_1381, %mul3A_1382 : vector<128x128x64xf32>
    %reduce_sum3A_1384 = arith.constant dense<0.000000e+00> : vector<128x128xf32>
    %reduce_sum3A_1385 = vector.multi_reduction <add>, %mul3A_1383, %reduce_sum3A_1384 [2] : vector<128x128x64xf32> to vector<128x128xf32>
    %swap3A_1386 = arith.constant 7552 : index
    %swap3A_1387 = arith.constant 0 : index
    %swap3A_1388 = vector.load %arg2[%swap3A_1386, %swap3A_1387] : memref<7936x128xf32, #tpu.memory_space<vmem>>, vector<128x128xf32>
    tpu.vector_store %arg2[%swap3A_1386, %swap3A_1387], %reduce_sum3A_1385 {strides = array<i32>} : memref<7936x128xf32, #tpu.memory_space<vmem>>, vector<128x128xf32>,
    %dma_wait3A_1389 = arith.constant 0 : i32
    %dma_wait3A_1390 = arith.constant 0 : i32
    %dma_wait3A_1391 = tpu.memref_slice %arg3[%dma_wait3A_1389, %dma_wait3A_1390] : memref<16384x64xf32, #tpu.memory_space<vmem>> -> memref<16384x64xf32, #tpu.memory_space<vmem>>
    %dma_wait3A_1392 = arith.constant 983040 : i32
    %dma_wait3A_1393 = arith.constant 0 : i32
    %dma_wait3A_1394 = tpu.memref_slice %arg0[%dma_wait3A_1392, %dma_wait3A_1393] : memref<1000000x64xf32, #tpu.memory_space<any>> -> memref<16384x64xf32, #tpu.memory_space<any>>
    tpu.wait_dma2 semaphore(%arg7 : memref<!tpu.dma_semaphore, #tpu.memory_space<semaphore_mem>>) src(%dma_wait3A_1394 : memref<16384x64xf32, #tpu.memory_space<any>>) dst(%dma_wait3A_1391 : memref<16384x64xf32, #tpu.memory_space<vmem>>)
    %get3A_1395 = arith.constant 0 : index
    %get3A_1396 = arith.constant 0 : index
    %get3A_1397 = vector.load %arg3[%get3A_1395, %get3A_1396] : memref<16384x64xf32, #tpu.memory_space<vmem>>, vector<16384x64xf32>
    %reshape3A_1398 = vector.shape_cast %get3A_1397 : vector<16384x64xf32> to vector<128x128x64xf32>
    %mul3A_1399 = vector.broadcast %reshape3A : vector<1x1x64xf32> to vector<128x128x64xf32>
    %mul3A_1400 = arith.mulf %reshape3A_1398, %mul3A_1399 : vector<128x128x64xf32>
    %reduce_sum3A_1401 = arith.constant dense<0.000000e+00> : vector<128x128xf32>
    %reduce_sum3A_1402 = vector.multi_reduction <add>, %mul3A_1400, %reduce_sum3A_1401 [2] : vector<128x128x64xf32> to vector<128x128xf32>
    %swap3A_1403 = arith.constant 7680 : index
    %swap3A_1404 = arith.constant 0 : index
    %swap3A_1405 = vector.load %arg2[%swap3A_1403, %swap3A_1404] : memref<7936x128xf32, #tpu.memory_space<vmem>>, vector<128x128xf32>
    tpu.vector_store %arg2[%swap3A_1403, %swap3A_1404], %reduce_sum3A_1402 {strides = array<i32>} : memref<7936x128xf32, #tpu.memory_space<vmem>>, vector<128x128xf32>,
    %dma_wait3A_1406 = arith.constant 0 : i32
    %dma_wait3A_1407 = arith.constant 0 : i32
    %dma_wait3A_1408 = tpu.memref_slice %arg4[%dma_wait3A_1406, %dma_wait3A_1407] : memref<16384x64xf32, #tpu.memory_space<vmem>> -> memref<576x64xf32, #tpu.memory_space<vmem>>
    %dma_wait3A_1409 = arith.constant 999424 : i32
    %dma_wait3A_1410 = arith.constant 0 : i32
    %dma_wait3A_1411 = tpu.memref_slice %arg0[%dma_wait3A_1409, %dma_wait3A_1410] : memref<1000000x64xf32, #tpu.memory_space<any>> -> memref<576x64xf32, #tpu.memory_space<any>>
    tpu.wait_dma2 semaphore(%arg8 : memref<!tpu.dma_semaphore, #tpu.memory_space<semaphore_mem>>) src(%dma_wait3A_1411 : memref<576x64xf32, #tpu.memory_space<any>>) dst(%dma_wait3A_1408 : memref<576x64xf32, #tpu.memory_space<vmem>>)
    %get3A_1412 = arith.constant 0 : index
    %get3A_1413 = arith.constant 0 : index
    %get3A_1414 = vector.load %arg4[%get3A_1412, %get3A_1413] : memref<16384x64xf32, #tpu.memory_space<vmem>>, vector<16384x64xf32>
    %reshape3A_1415 = vector.shape_cast %get3A_1414 : vector<16384x64xf32> to vector<128x128x64xf32>
    %mul3A_1416 = vector.broadcast %reshape3A : vector<1x1x64xf32> to vector<128x128x64xf32>
    %mul3A_1417 = arith.mulf %reshape3A_1415, %mul3A_1416 : vector<128x128x64xf32>
    %reduce_sum3A_1418 = arith.constant dense<0.000000e+00> : vector<128x128xf32>
    %reduce_sum3A_1419 = vector.multi_reduction <add>, %mul3A_1417, %reduce_sum3A_1418 [2] : vector<128x128x64xf32> to vector<128x128xf32>
    %swap3A_1420 = arith.constant 7808 : index
    %swap3A_1421 = arith.constant 0 : index
    %swap3A_1422 = vector.load %arg2[%swap3A_1420, %swap3A_1421] : memref<7936x128xf32, #tpu.memory_space<vmem>>, vector<128x128xf32>
    tpu.vector_store %arg2[%swap3A_1420, %swap3A_1421], %reduce_sum3A_1419 {strides = array<i32>} : memref<7936x128xf32, #tpu.memory_space<vmem>>, vector<128x128xf32>,
    return
  }
}

</mosaic_0001>

<sc_bundles>
// kernel: kernel.5.cloned.1.call-start
scs
__scs_entry_jumppad:
0x0: {  	(pc) =	sbr.rel $0x88, $3  }
0x1: {  	(tag) =	ssettag $0x0;
	lr =	simm.s32 $0x1  }
0x2: {  	[smem:$0x3F9B] =	sst lr;
	_ =	strace $0xD0000000  }
0x3: {  	_ = 	snop  }
0x4: {  	_ = 	snop  }
0x5: {  	_ = 	snop  }
0x6: {  	_ = 	snop  }
0x7: {  	_ = 	snop  }
__scs_overlays_trampoline_lowered:
0x8: {  	[smem:$0x3FAA] =	sst s0  }
0x9: {  	[smem:$0x3FAB] =	sst s1  }
0xa: {  	[smem:$0x3FAC] =	sst s2  }
0xb: {  	[smem:$0x3FAD] =	sst s3  }
0xc: {  	[smem:$0x3FAE] =	sst s4  }
0xd: {  	[smem:$0x3FAF] =	sst s5  }
0xe: {  	[smem:$0x3FB0] =	sst s6  }
0xf: {  	[smem:$0x3FB1] =	sst s7  }
0x10: {  	[smem:$0x3FB2] =	sst s8  }
0x11: {  	[smem:$0x3FB3] =	sst s9;
	s0 =	simm.s32 @!p0 $0x0  }
0x12: {  	s1 =	sld [smem:$0x3F99];
	s0 =	simm.s32 @p0 $0x1  }
0x13: {  	[smem:$0x3FB4] =	sst s0;
	s0 =	simm.s32 @!p1 $0x0  }
0x14: {  	s2 =	sld [smem:$0x3F98];
	s0 =	simm.s32 @p1 $0x1  }
0x15: {  	[smem:$0x3FB5] =	sst s0;
	s0 =	simm.s32 @!p2 $0x0  }
0x16: {  	s3 =	sld [smem:$0x3FDB];
	s0 =	simm.s32 @p2 $0x1  }
0x17: {  	s4 =	simm.s32 $0x1BF5;
	[smem:$0x3FB7] =	sst s0  }
0x18: {  	s0 =	sld [smem:$0x3F9A];
	_ =	swait.ge [sflag:s4], $0x0  }
0x19: {  	s7 =	sld [smem:$0x3F9B]  }
0x1a: {  	s8 =	sadd.s32 $0xFFFFE003, lr  }
0x1b: {  	s9 =	sadd.s32 $0xFFFFFEF7, lr;
	s5 =	simm.s32 $0xFFFFFFFF;
	p2 =	slt.u32 s8, $0xFFFFF086  }
0x1c: {  	p1 =	slt.u32 s9, $0xF7A;
	s5 =	simm.s32 @!p2 $0x0  }
0x1d: {  	s5 =	simm.s32 @p1 $0x1;
	p0 =	seq.s32 s7, s2  }
0x1e: {  	s7 =	smul.u32 @!p0 $0xF7A, s2;
	p2 =	seq.s32 @!p0 s5, $0x0  }
0x1f: {  	s9 =	smul.u32 $0xF7A, s1;
	s8 =	simm.s32 @!p0 $0x1BF5;
	p2 =	por !p2, p0  }
0x20: {  	[sflag:s8] =	ssyncset.s32 @!p0 $0xFFFFF086;
	s6 =	sadd.s32 @!p0 s3, s7;
	s7 =	simm.s32 @!p0 $0x108  }
0x21: {  	s3 =	sadd.s32 s3, s9;
	s6 =	sadd.s32 @!p0 $0x88, s6;
	s7 =	simm.s32 @p2 $0x1082  }
0x22: {  	[simem:s7], [sflag:s8] =	dma.local @!p0 [hbm:s6], $0xF7A  }
0x23: {  	s9 =	sor.u32 $0xD0000000, s2;
	s6 =	simm.s32 $0x108;
	_ =	swait.ge @!p0 [sflag:s8], $0x0  }
0x24: {  	s3 =	sadd.s32 $0x88, s3;
	s6 =	simm.s32 @!p1 $0x1082;
	[sflag:s4] =	ssyncset.s32 $0xFFFFF086  }
0x25: {  	[simem:s6], [sflag:s4] =	dma.local [hbm:s3], $0xF7A  }
0x26: {  	[smem:$0x3F9B] =	sst s1;
	(tag) =	ssettag s2;
	_ =	strace s9  }
0x27: {  	s1 =	sld [smem:$0x3FAB]  }
0x28: {  	s2 =	sld [smem:$0x3FAC]  }
0x29: {  	s4 =	sld [smem:$0x3FAE]  }
0x2a: {  	p0 =	seq.s32 s5, $0x0;
	s5 =	sld [smem:$0x3FAF]  }
0x2b: {  	s6 =	sld [smem:$0x3FB0]  }
0x2c: {  	s7 =	sld [smem:$0x3FB1]  }
0x2d: {  	s3 =	simm.s32 $0x108;
	s8 =	sld [smem:$0x3FB2]  }
0x2e: {  	s3 =	simm.s32 @!p0 $0x1082;
	s9 =	sld [smem:$0x3FB3]  }
0x2f: {  	lr =	sadd.s32 s0, s3;
	s0 =	sld [smem:$0x3FAA]  }
0x30: {  	s3 =	sld [smem:$0x3FAD]  }
0x31: {  	[smem:$0x3FB6] =	sst s10  }
0x32: {  	s10 =	sld [smem:$0x3FB4];
	_ =	sdelay $0x3  }
0x33: {  	p0 =	seq.s32 s10, $0x1;
	s10 =	sld [smem:$0x3FB6];
	_ =	sdelay $0x3  }
0x34: {  	[smem:$0x3FB6] =	sst s10  }
0x35: {  	s10 =	sld [smem:$0x3FB5];
	_ =	sdelay $0x3  }
0x36: {  	p1 =	seq.s32 s10, $0x1;
	s10 =	sld [smem:$0x3FB6];
	_ =	sdelay $0x3  }
0x37: {  	[smem:$0x3FB6] =	sst s10  }
0x38: {  	s10 =	sld [smem:$0x3FB7]  }
0x39: {  	_ = 	snop;
	(pc) =	sbr.ind lr, $3  }
0x3a: {  	_ = 	snop  }
0x3b: {  	_ = 	snop  }
0x3c: {  	p2 =	seq.s32 s10, $0x1;
	s10 =	sld [smem:$0x3FB6]  }
0x3d: {  	_ =	shalt  }
0x3e: {  	_ =	shalt  }
0x3f: {  	_ =	shalt  }
0x40: {  	_ =	shalt  }
0x41: {  	_ =	shalt  }
0x42: {  	_ =	shalt  }
0x43: {  	_ =	shalt  }
0x44: {  	_ =	shalt  }
0x45: {  	_ =	shalt  }
0x46: {  	_ =	shalt  }
0x47: {  	_ =	shalt  }
0x48: {  	_ =	shalt  }
0x49: {  	_ =	shalt  }
0x4a: {  	_ =	shalt  }
0x4b: {  	_ =	shalt  }
0x4c: {  	_ =	shalt  }
0x4d: {  	_ =	shalt  }
0x4e: {  	_ =	shalt  }
0x4f: {  	_ =	shalt  }
0x50: {  	_ =	shalt  }
0x51: {  	_ =	shalt  }
0x52: {  	_ =	shalt  }
0x53: {  	_ =	shalt  }
0x54: {  	_ =	shalt  }
0x55: {  	_ =	shalt  }
0x56: {  	_ =	shalt  }
0x57: {  	_ =	shalt  }
0x58: {  	_ =	shalt  }
0x59: {  	_ =	shalt  }
0x5a: {  	_ =	shalt  }
0x5b: {  	_ =	shalt  }
0x5c: {  	_ =	shalt  }
0x5d: {  	_ =	shalt  }
0x5e: {  	_ =	shalt  }
0x5f: {  	_ =	shalt  }
0x60: {  	_ =	shalt  }
0x61: {  	_ =	shalt  }
0x62: {  	_ =	shalt  }
0x63: {  	_ =	shalt  }
0x64: {  	_ =	shalt  }
0x65: {  	_ =	shalt  }
0x66: {  	_ =	shalt  }
0x67: {  	_ =	shalt  }
0x68: {  	_ =	shalt  }
0x69: {  	_ =	shalt  }
0x6a: {  	_ =	shalt  }
0x6b: {  	_ =	shalt  }
0x6c: {  	_ =	shalt  }
0x6d: {  	_ =	shalt  }
0x6e: {  	_ =	shalt  }
0x6f: {  	_ =	shalt  }
0x70: {  	_ =	shalt  }
0x71: {  	_ =	shalt  }
0x72: {  	_ =	shalt  }
0x73: {  	_ =	shalt  }
0x74: {  	_ =	shalt  }
0x75: {  	_ =	shalt  }
0x76: {  	_ =	shalt  }
0x77: {  	_ =	shalt  }
0x78: {  	_ =	shalt  }
0x79: {  	_ =	shalt  }
0x7a: {  	_ =	shalt  }
0x7b: {  	_ =	shalt  }
0x7c: {  	_ =	shalt  }
0x7d: {  	_ =	shalt  }
0x7e: {  	_ =	shalt  }
0x7f: {  	_ =	shalt  }
0x80: {  	_ =	shalt  }
0x81: {  	_ =	shalt  }
0x82: {  	_ =	shalt  }
0x83: {  	_ =	shalt  }
0x84: {  	_ =	shalt  }
0x85: {  	_ =	shalt  }
0x86: {  	_ =	shalt  }
0x87: {  	_ =	shalt  }
.Lfunc_end0:
.L_simem_size_0:
called_computation_lowered:
.L_overlay_start_0:
0x88: {  	s2 =	sld [smem:$0x3FD9]  }
0x89: {  	s3 =	sld [smem:$0x3FFE];
	_ =	sdelay $0x1  }
0x8a: {  	s1 =	srdreg.scid  }
0x8b: {  	s0 =	sand.u32 $0x1, s1  }
0x8c: {  	s17 =	sshll.u32 s0, $0xA;
	s2 =	sadd.s32 s3, s2  }
0x8d: {  	s2 =	sadd.s32 s2, s17  }
0x8e: {  	[smem:$0x3FC2] =	sst s2  }
0x8f: {  	_ = 	snop  }
0x90: {  	s2 =	sld [smem:$0x3FC9]  }
0x91: {  	s18 =	sld [smem:$0x3FC8]  }
0x92: {  	s4 =	sld [smem:$0x3FD0];
	(tm) =	ssettm $0x1  }
0x93: {  	s5 =	sld [smem:$0x3FFB];
	_ =	sdelay $0x3  }
0x94: {  	_ =	strace s5  }
0x95: {  	s5 =	sld [smem:$0x3FFC];
	_ =	sdelay $0x3  }
0x96: {  	_ =	strace s5  }
0x97: {  	s5 =	sld [smem:$0x3FFD];
	_ =	sdelay $0x3  }
0x98: {  	_ =	strace s5  }
0x99: {  	_ =	strace $0x8FFFFFFF  }
0x9a: {  	s19 =	sld [smem:$0x3FDB];
	_ =	sdelay $0x1  }
0x9b: {  	s6 =	simm.s32 $_scs_section_size  }
0x9c: {  	s7 =	simm.s32 $_size__tile_overlayer_lowered;
	s8 =	simm.s32 $_tile_overlayer_lowered  }
0x9d: {  	s22 =	simm.s32 $0x1BFF;
	s21 =	sshll.u32 s8, $0x1;
	s5 =	sadd.s32 s6, s19  }
0x9e: {  	s9 =	simm.s32 $0x0;
	s20 =	sshll.u32 s7, $0x1;
	s7 =	sadd.s32 s21, s5  }
0x9f: {  	[timem:s9], [sflag:s22] =	dma.local [hbm:s7], s20  }
0xa0: {  	_ =	swait.ge [sflag:s22], s20  }
0xa1: {  	s6 =	ssub.s32 $0x0, s20;
	[sflag:s22] =	ssyncset.done $0x0  }
0xa2: {  	[sflag:s22] =	ssyncadd.s32 s6;
	_ =	sdelay $0x1  }
0xa3: {  	s23 =	simm.s32 $0x1B8B  }
0xa4: {  	_ =	swait.ge [sflag:s23], $0x1  }
0xa5: {  	[sflag:s23] =	ssyncset.done $0x0  }
0xa6: {  	s25 =	simm.s32 $0x1B8E;
	s24 =	sld [smem:$0x3FFE];
	[sflag:s23] =	ssyncadd.s32 $0xFFFFFFFF  }
0xa7: {  	s26 =	simm.s32 $execute0_lowered;
	[smem:$0x3FD2] =	sst s25  }
0xa8: {  	s7 =	sshll.u32 s26, $0x1;
	_ =	strace $0x80000046;
	[dreg:$0x1] =	wrdreg $0xFFFFFFFF  }
0xa9: {  	s28 =	simm.s32 $_size_execute0_lowered;
	s5 =	sadd.s32 s5, s7;
	[dreg:$0x0] =	wrdreg $0x0  }
0xaa: {  	s7 =	sshll.u32 s28, $0x1;
	[dreg:$0x2] =	wrdreg s5  }
0xab: {  	[dreg:$0x3] =	wrdreg s7  }
0xac: {  	[dreg:$0x4] =	wrdreg $0xC0  }
0xad: {  	_ =	task [dreg:s9], $0x5FFFF  }
0xae: {  	[dreg:$0x1] =	wrdreg $0xFFFFFFFF  }
0xaf: {  	[dreg:$0x0] =	wrdreg $0x60  }
0xb0: {  	[dreg:$0x2] =	wrdreg s2  }
0xb1: {  	[dreg:$0x3] =	wrdreg s18  }
0xb2: {  	[dreg:$0x4] =	wrdreg s24  }
0xb3: {  	[dreg:$0x5] =	wrdreg s4  }
0xb4: {  	[dreg:$0x6] =	wrdreg $0x9  }
0xb5: {  	_ =	task.clear_ibuf [dreg:s9], $0x7FFFF;
	_ =	strace $0x90000046  }
0xb6: {  	s29 =	simm.s32 $0x9;
	_ =	strace $0x80000048  }
0xb7: {  	_ =	swait.ge [sflag:s29], $0x1  }
0xb8: {  	[sflag:s29] =	ssyncadd.s32 $0xFFFFFFFF  }
0xb9: {  	_ =	strace $0x90000048  }
0xba: {  	_ =	sfence  }
0xbb: {  	s30 =	sld [smem:$0x0];
	_ =	sdelay $0x2  }
0xbc: {  	s31 =	sshll.u32 s1, $0xD;
	s1 =	sshrl.u32 s1, $0x2  }
0xbd: {  	s3 =	sand.u32 $0x4000, s31;
	s1 =	sadd.s32 s1, s30  }
0xbe: {  	s0 =	sor.u32 s3, s0;
	s1 =	sshll.u32 s1, $0x11  }
0xbf: {  	s0 =	sor.u32 s1, s0  }
0xc0: {  	s0 =	sadd.s32 $0x8F2B, s0  }
0xc1: {  	[sflag:s0] =	ssyncadd.remote.s32 $0x1  }
0xc2: {  	_ =	sfence.sel $0xFFFF  }
0xc3: {  	[dreg:$0x0] =	wrdreg $0xFFFFFFFF;
	(pc) =	sbr.abs _section_cstart, $3  }
0xc4: {  	[dreg:$0x1] =	wrdreg $0xFFFFFFFF  }
0xc5: {  	_ =	task.clear_ibuf [dreg:s9], $0x2FFFF;
	_ =	strace $0x9FFFFFFF  }
0xc6: {  	(tm) =	ssettm $0x7FFFFFFF  }
0xc7: {  	_ =	shalt  }
tec
execute0_lowered:
.L_overlay_start_1:
0x0: {  	(tag) =	ssettag $0x1  }
0x1: {  	s0 =	rddreg [dreg:$0x0]  }
0x2: {  	s2 =	rddreg [dreg:$0x1]  }
0x3: {  	s5 =	rddreg [dreg:$0x2]  }
0x4: {  	s8 =	rddreg [dreg:$0x3]  }
0x5: {  	s1 =	simm.s32 $0x0;
	s6 =	srdreg.scid;
	s9 =	stileid.u32  }
0x6: {  	s13 =	simm.s32 $0x10;
	s15 =	simm.s32 $0x800;
	s17 =	simm.s32 $0x1800  }
0x7: {  	s19 =	simm.s32 $0x1000;
	s21 =	simm.s32 $0x2000;
	s22 =	simm.s32 $0x1  }
0x8: {  	s25 =	simm.s32 $0x2;
	s30 =	simm.s32 $0x5B0;
	s31 =	simm.s32 $0x7B0  }
0x9: {  	s11 =	simm.s32 $0x5D0;
	s12 =	simm.s32 $0x7D0;
	s14 =	simm.s32 $0x5E0  }
0xa: {  	s16 =	simm.s32 $0x7E0;
	s18 =	simm.s32 $0x5F0;
	s20 =	simm.s32 $0x7F0  }
0xb: {  	s23 =	simm.s32 $0x2800;
	s24 =	simm.s32 $0x0;
	[smem:$0x7FF] =	sst s1  }
0xc: {  	s3 =	sadd.s32 $0xC00, s5;
	s4 =	sadd.s32 $0x1FC00, s5;
	s6 =	sand.u32 $0x1, s6  }
0xd: {  	s9 =	sshll.u32 s9, $0x7;
	s7 =	ssub.s32 $0x2, s6;
	s6 =	sshll.u32 s6, $0x6  }
0xe: {  	s5 =	sadd.s32 $0x23400, s5;
	s10 =	sshrl.u32 s7, $0x1;
	s9 =	sor.u32 s6, s9  }
0xf: {  	_ =	strace $0x80000047;
	s10 =	ssub.s32 s7, s10;
	s6 =	sadd.s32 s0, s9  }
0x10: {  	v0 =	vlaneseq.u32;
	s7 =	sadd.s32 s2, s9;
	s8 =	sadd.s32 s8, s9;
	s0 =	simm.s32 $0x5C0  }
0x11: {  	v0 =	vmul.u32 $0x80, v0;
	s2 =	simm.s32 $0x7C0;
	s9 =	smax.u32 s10, $0x1;
	s10 =	simm.s32 $0x3  }
.LBB2_1:
0x12: {  	[tilespmem:s1], [sflag:$0x3] =	stream.linear.gather [hbm4b:s6+s1], $0x200, $0x38;
	[tilespmem:$0x2A80] =	vst v63  }
0x13: {  	_ =	swait.ge [sflag:s10], $0x200  }
0x14: {  	[sflag:s10] =	ssyncset.done $0x0  }
0x15: {  	s26 =	simm.s32 $0x200;
	[sflag:s10] =	ssyncadd.s32 $0xFFFFFE00  }
0x16: {  	[tilespmem:s26], [sflag:$0x3] =	stream.linear.gather [hbm4b:s7+s1], $0x200, $0x38;
	[tilespmem:$0x2A80] =	vst v63  }
0x17: {  	_ =	swait.ge [sflag:s10], $0x200  }
0x18: {  	[sflag:s10] =	ssyncset.done $0x0  }
0x19: {  	s29 =	simm.s32 $0x2A00;
	[sflag:s10] =	ssyncadd.s32 $0xFFFFFE00  }
0x1a: {  	[tilespmem:s29], [sflag:$0x3] =	stream.linear.gather [hbm4b:s5+s1], $0x80, $0x38;
	[tilespmem:$0x2A80] =	vst v63  }
0x1b: {  	_ =	swait.ge [sflag:s10], $0x80  }
0x1c: {  	[sflag:s10] =	ssyncset.done $0x0  }
0x1d: {  	s26 =	simm.s32 $0x0;
	[sflag:s10] =	ssyncadd.s32 $0xFFFFFF80  }
0x1e: {  	v1 =	vld [tilespmem:s26+$0x200]  }
0x1f: {  	s28 =	simm.s32 $0x40;
	v2 =	vld [tilespmem:s26+$0x0]  }
.LBB2_2:
0x20: {  	p0 =	sne.s32 s28, $0x7C0  }
.Ltmp0:
0x21: {  	_ = 	snop;
	(pc) =	sbr.rel @p0 .LBB2_2-.Ltmp0, $4  }
0x22: {  	_ = 	snop  }
0x23: {  	s29 =	sshra.s32 s28, $0x2;
	s28 =	sadd.s32 $0x40, s28;
	v3 =	vshra.s32 v1, $0x7  }
0x24: {  	v1 =	vld [tilespmem:s29+$0x200];
	v4 =	vshra.s32 v2, $0x7;
	[tilespmem:s26+$0x600] =	vst v3  }
0x25: {  	v2 =	vld [tilespmem:s29+$0x0];
	[tilespmem:s26+$0x400] =	vst v4;
	s26 =	smov.u32 s29  }
0x26: {  	_ =	sdelay $0x2  }
0x27: {  	v1 =	vshra.s32 v1, $0x7  }
0x28: {  	v2 =	vshra.s32 v2, $0x7;
	[tilespmem:s26+$0x600] =	vst v1  }
0x29: {  	s28 =	simm.s32 $0x400;
	[tilespmem:s26+$0x400] =	vst v2  }
0x2a: {  	v1 =	vld [tilespmem:$0x2A00];
	[tilespmem:s15], [sflag:$0x1] =	stream.indirect.gather [hbm4b:s3+s13], $0x80, s28, s13, $0xb8  }
0x2b: {  	s29 =	simm.s32 $0x600  }
0x2c: {  	[tilespmem:s17], [sflag:$0x1] =	stream.indirect.gather [hbm4b:s4+s13], $0x80, s29, s13, $0xb8;
	[tilespmem:$0x2A80] =	vst v63  }
0x2d: {  	s28 =	simm.s32 $0x410  }
0x2e: {  	[tilespmem:s19], [sflag:$0x2] =	stream.indirect.gather [hbm4b:s3+s13], $0x80, s28, s13, $0xb8;
	[tilespmem:$0x2A80] =	vst v63  }
0x2f: {  	s29 =	simm.s32 $0x610  }
0x30: {  	[tilespmem:s21], [sflag:$0x2] =	stream.indirect.gather [hbm4b:s4+s13], $0x80, s29, s13, $0xb8;
	[tilespmem:$0x2A80] =	vst v63  }
0x31: {  	_ =	swait.ge [sflag:s22], $0x800  }
0x32: {  	[sflag:s22] =	ssyncset.done $0x0  }
0x33: {  	[sflag:s22] =	ssyncadd.s32 $0xFFFFF800  }
0x34: {  	_ =	swait.ge [sflag:s22], $0x800  }
0x35: {  	[sflag:s22] =	ssyncset.done $0x0  }
0x36: {  	[sflag:s22] =	ssyncadd.s32 $0xFFFFF800  }
0x37: {  	v2 =	vld [tilespmem:$0x0]  }
0x38: {  	v3 =	vld [tilespmem:$0x200];
	_ =	sdelay $0x3  }
0x39: {  	v2 =	vand.u32 $0x7F, v2  }
0x3a: {  	v3 =	vand.u32 $0x7F, v3;
	v2 =	vor.u32 v0, v2  }
0x3b: {  	v3 =	vor.u32 v0, v3;
	_ =	sdelay $0x3  }
0x3c: {  	v2 =	vld.idx.msk [tilespmem:v2+s15+$0x0], $0xffff  }
0x3d: {  	v3 =	vld.idx.msk [tilespmem:v3+s17+$0x0], $0xffff;
	_ =	sdelay $0x4  }
0x3e: {  	v2 =	vadd.f32 v3, v2;
	_ =	sdelay $0x1  }
0x3f: {  	v2 =	vadd.f32 v2, v1;
	_ =	sdelay $0x1  }
0x40: {  	s28 =	simm.s32 $0x420;
	[tilespmem:$0x2800] =	vst v2  }
0x41: {  	[tilespmem:s15], [sflag:$0x1] =	stream.indirect.gather [hbm4b:s3+s13], $0x80, s28, s13, $0xb8;
	[tilespmem:$0x2A80] =	vst v63  }
0x42: {  	s29 =	simm.s32 $0x620  }
0x43: {  	[tilespmem:s17], [sflag:$0x1] =	stream.indirect.gather [hbm4b:s4+s13], $0x80, s29, s13, $0xb8;
	[tilespmem:$0x2A80] =	vst v63  }
0x44: {  	_ =	swait.ge [sflag:s25], $0x800  }
0x45: {  	[sflag:s25] =	ssyncset.done $0x0  }
0x46: {  	[sflag:s25] =	ssyncadd.s32 $0xFFFFF800  }
0x47: {  	_ =	swait.ge [sflag:s25], $0x800  }
0x48: {  	[sflag:s25] =	ssyncset.done $0x0  }
0x49: {  	[sflag:s25] =	ssyncadd.s32 $0xFFFFF800  }
0x4a: {  	v2 =	vld [tilespmem:$0x10]  }
0x4b: {  	v3 =	vld [tilespmem:$0x210];
	_ =	sdelay $0x3  }
0x4c: {  	v2 =	vand.u32 $0x7F, v2  }
0x4d: {  	v3 =	vand.u32 $0x7F, v3;
	v2 =	vor.u32 v0, v2  }
0x4e: {  	v3 =	vor.u32 v0, v3;
	_ =	sdelay $0x3  }
0x4f: {  	v2 =	vld.idx.msk [tilespmem:v2+s19+$0x0], $0xffff  }
0x50: {  	v3 =	vld.idx.msk [tilespmem:v3+s21+$0x0], $0xffff;
	_ =	sdelay $0x4  }
0x51: {  	v2 =	vadd.f32 v3, v2;
	_ =	sdelay $0x1  }
0x52: {  	v2 =	vadd.f32 v2, v1;
	_ =	sdelay $0x1  }
0x53: {  	s28 =	simm.s32 $0x430;
	[tilespmem:$0x2810] =	vst v2  }
0x54: {  	[tilespmem:s19], [sflag:$0x2] =	stream.indirect.gather [hbm4b:s3+s13], $0x80, s28, s13, $0xb8;
	[tilespmem:$0x2A80] =	vst v63  }
0x55: {  	s29 =	simm.s32 $0x630  }
0x56: {  	[tilespmem:s21], [sflag:$0x2] =	stream.indirect.gather [hbm4b:s4+s13], $0x80, s29, s13, $0xb8;
	[tilespmem:$0x2A80] =	vst v63  }
0x57: {  	_ =	swait.ge [sflag:s22], $0x800  }
0x58: {  	[sflag:s22] =	ssyncset.done $0x0  }
0x59: {  	[sflag:s22] =	ssyncadd.s32 $0xFFFFF800  }
0x5a: {  	_ =	swait.ge [sflag:s22], $0x800  }
0x5b: {  	[sflag:s22] =	ssyncset.done $0x0  }
0x5c: {  	[sflag:s22] =	ssyncadd.s32 $0xFFFFF800  }
0x5d: {  	v2 =	vld [tilespmem:$0x20]  }
0x5e: {  	v3 =	vld [tilespmem:$0x220];
	_ =	sdelay $0x3  }
0x5f: {  	v2 =	vand.u32 $0x7F, v2  }
0x60: {  	v3 =	vand.u32 $0x7F, v3;
	v2 =	vor.u32 v0, v2  }
0x61: {  	v3 =	vor.u32 v0, v3;
	_ =	sdelay $0x3  }
0x62: {  	v2 =	vld.idx.msk [tilespmem:v2+s15+$0x0], $0xffff  }
0x63: {  	v3 =	vld.idx.msk [tilespmem:v3+s17+$0x0], $0xffff;
	_ =	sdelay $0x4  }
0x64: {  	v2 =	vadd.f32 v3, v2;
	_ =	sdelay $0x1  }
0x65: {  	v2 =	vadd.f32 v2, v1;
	_ =	sdelay $0x1  }
0x66: {  	s28 =	simm.s32 $0x440;
	[tilespmem:$0x2820] =	vst v2  }
0x67: {  	[tilespmem:s15], [sflag:$0x1] =	stream.indirect.gather [hbm4b:s3+s13], $0x80, s28, s13, $0xb8;
	[tilespmem:$0x2A80] =	vst v63  }
0x68: {  	s29 =	simm.s32 $0x640  }
0x69: {  	[tilespmem:s17], [sflag:$0x1] =	stream.indirect.gather [hbm4b:s4+s13], $0x80, s29, s13, $0xb8;
	[tilespmem:$0x2A80] =	vst v63  }
0x6a: {  	_ =	swait.ge [sflag:s25], $0x800  }
0x6b: {  	[sflag:s25] =	ssyncset.done $0x0  }
0x6c: {  	[sflag:s25] =	ssyncadd.s32 $0xFFFFF800  }
0x6d: {  	_ =	swait.ge [sflag:s25], $0x800  }
0x6e: {  	[sflag:s25] =	ssyncset.done $0x0  }
0x6f: {  	[sflag:s25] =	ssyncadd.s32 $0xFFFFF800  }
0x70: {  	v2 =	vld [tilespmem:$0x30]  }
0x71: {  	v3 =	vld [tilespmem:$0x230];
	_ =	sdelay $0x3  }
0x72: {  	v2 =	vand.u32 $0x7F, v2  }
0x73: {  	v3 =	vand.u32 $0x7F, v3;
	v2 =	vor.u32 v0, v2  }
0x74: {  	v3 =	vor.u32 v0, v3;
	_ =	sdelay $0x3  }
0x75: {  	v2 =	vld.idx.msk [tilespmem:v2+s19+$0x0], $0xffff  }
0x76: {  	v3 =	vld.idx.msk [tilespmem:v3+s21+$0x0], $0xffff;
	_ =	sdelay $0x4  }
0x77: {  	v2 =	vadd.f32 v3, v2;
	_ =	sdelay $0x1  }
0x78: {  	v2 =	vadd.f32 v2, v1;
	_ =	sdelay $0x1  }
0x79: {  	s28 =	simm.s32 $0x450;
	[tilespmem:$0x2830] =	vst v2  }
0x7a: {  	[tilespmem:s19], [sflag:$0x2] =	stream.indirect.gather [hbm4b:s3+s13], $0x80, s28, s13, $0xb8;
	[tilespmem:$0x2A80] =	vst v63  }
0x7b: {  	s29 =	simm.s32 $0x650  }
0x7c: {  	[tilespmem:s21], [sflag:$0x2] =	stream.indirect.gather [hbm4b:s4+s13], $0x80, s29, s13, $0xb8;
	[tilespmem:$0x2A80] =	vst v63  }
0x7d: {  	_ =	swait.ge [sflag:s22], $0x800  }
0x7e: {  	[sflag:s22] =	ssyncset.done $0x0  }
0x7f: {  	[sflag:s22] =	ssyncadd.s32 $0xFFFFF800  }
0x80: {  	_ =	swait.ge [sflag:s22], $0x800  }
0x81: {  	[sflag:s22] =	ssyncset.done $0x0  }
0x82: {  	[sflag:s22] =	ssyncadd.s32 $0xFFFFF800  }
0x83: {  	v2 =	vld [tilespmem:$0x40]  }
0x84: {  	v3 =	vld [tilespmem:$0x240];
	_ =	sdelay $0x3  }
0x85: {  	v2 =	vand.u32 $0x7F, v2  }
0x86: {  	v3 =	vand.u32 $0x7F, v3;
	v2 =	vor.u32 v0, v2  }
0x87: {  	v3 =	vor.u32 v0, v3;
	_ =	sdelay $0x3  }
0x88: {  	v2 =	vld.idx.msk [tilespmem:v2+s15+$0x0], $0xffff  }
0x89: {  	v3 =	vld.idx.msk [tilespmem:v3+s17+$0x0], $0xffff;
	_ =	sdelay $0x4  }
0x8a: {  	v2 =	vadd.f32 v3, v2;
	_ =	sdelay $0x1  }
0x8b: {  	v2 =	vadd.f32 v2, v1;
	_ =	sdelay $0x1  }
0x8c: {  	s28 =	simm.s32 $0x460;
	[tilespmem:$0x2840] =	vst v2  }
0x8d: {  	[tilespmem:s15], [sflag:$0x1] =	stream.indirect.gather [hbm4b:s3+s13], $0x80, s28, s13, $0xb8;
	[tilespmem:$0x2A80] =	vst v63  }
0x8e: {  	s29 =	simm.s32 $0x660  }
0x8f: {  	[tilespmem:s17], [sflag:$0x1] =	stream.indirect.gather [hbm4b:s4+s13], $0x80, s29, s13, $0xb8;
	[tilespmem:$0x2A80] =	vst v63  }
0x90: {  	_ =	swait.ge [sflag:s25], $0x800  }
0x91: {  	[sflag:s25] =	ssyncset.done $0x0  }
0x92: {  	[sflag:s25] =	ssyncadd.s32 $0xFFFFF800  }
0x93: {  	_ =	swait.ge [sflag:s25], $0x800  }
0x94: {  	[sflag:s25] =	ssyncset.done $0x0  }
0x95: {  	[sflag:s25] =	ssyncadd.s32 $0xFFFFF800  }
0x96: {  	v2 =	vld [tilespmem:$0x50]  }
0x97: {  	v3 =	vld [tilespmem:$0x250];
	_ =	sdelay $0x3  }
0x98: {  	v2 =	vand.u32 $0x7F, v2  }
0x99: {  	v3 =	vand.u32 $0x7F, v3;
	v2 =	vor.u32 v0, v2  }
0x9a: {  	v3 =	vor.u32 v0, v3;
	_ =	sdelay $0x3  }
0x9b: {  	v2 =	vld.idx.msk [tilespmem:v2+s19+$0x0], $0xffff  }
0x9c: {  	v3 =	vld.idx.msk [tilespmem:v3+s21+$0x0], $0xffff;
	_ =	sdelay $0x4  }
0x9d: {  	v2 =	vadd.f32 v3, v2;
	_ =	sdelay $0x1  }
0x9e: {  	v2 =	vadd.f32 v2, v1;
	_ =	sdelay $0x1  }
0x9f: {  	s28 =	simm.s32 $0x470;
	[tilespmem:$0x2850] =	vst v2  }
0xa0: {  	[tilespmem:s19], [sflag:$0x2] =	stream.indirect.gather [hbm4b:s3+s13], $0x80, s28, s13, $0xb8;
	[tilespmem:$0x2A80] =	vst v63  }
0xa1: {  	s29 =	simm.s32 $0x670  }
0xa2: {  	[tilespmem:s21], [sflag:$0x2] =	stream.indirect.gather [hbm4b:s4+s13], $0x80, s29, s13, $0xb8;
	[tilespmem:$0x2A80] =	vst v63  }
0xa3: {  	_ =	swait.ge [sflag:s22], $0x800  }
0xa4: {  	[sflag:s22] =	ssyncset.done $0x0  }
0xa5: {  	[sflag:s22] =	ssyncadd.s32 $0xFFFFF800  }
0xa6: {  	_ =	swait.ge [sflag:s22], $0x800  }
0xa7: {  	[sflag:s22] =	ssyncset.done $0x0  }
0xa8: {  	[sflag:s22] =	ssyncadd.s32 $0xFFFFF800  }
0xa9: {  	v2 =	vld [tilespmem:$0x60]  }
0xaa: {  	v3 =	vld [tilespmem:$0x260];
	_ =	sdelay $0x3  }
0xab: {  	v2 =	vand.u32 $0x7F, v2  }
0xac: {  	v3 =	vand.u32 $0x7F, v3;
	v2 =	vor.u32 v0, v2  }
0xad: {  	v3 =	vor.u32 v0, v3;
	_ =	sdelay $0x3  }
0xae: {  	v2 =	vld.idx.msk [tilespmem:v2+s15+$0x0], $0xffff  }
0xaf: {  	v3 =	vld.idx.msk [tilespmem:v3+s17+$0x0], $0xffff;
	_ =	sdelay $0x4  }
0xb0: {  	v2 =	vadd.f32 v3, v2;
	_ =	sdelay $0x1  }
0xb1: {  	v2 =	vadd.f32 v2, v1;
	_ =	sdelay $0x1  }
0xb2: {  	s28 =	simm.s32 $0x480;
	[tilespmem:$0x2860] =	vst v2  }
0xb3: {  	[tilespmem:s15], [sflag:$0x1] =	stream.indirect.gather [hbm4b:s3+s13], $0x80, s28, s13, $0xb8;
	[tilespmem:$0x2A80] =	vst v63  }
0xb4: {  	s29 =	simm.s32 $0x680  }
0xb5: {  	[tilespmem:s17], [sflag:$0x1] =	stream.indirect.gather [hbm4b:s4+s13], $0x80, s29, s13, $0xb8;
	[tilespmem:$0x2A80] =	vst v63  }
0xb6: {  	_ =	swait.ge [sflag:s25], $0x800  }
0xb7: {  	[sflag:s25] =	ssyncset.done $0x0  }
0xb8: {  	[sflag:s25] =	ssyncadd.s32 $0xFFFFF800  }
0xb9: {  	_ =	swait.ge [sflag:s25], $0x800  }
0xba: {  	[sflag:s25] =	ssyncset.done $0x0  }
0xbb: {  	[sflag:s25] =	ssyncadd.s32 $0xFFFFF800  }
0xbc: {  	v2 =	vld [tilespmem:$0x70]  }
0xbd: {  	v3 =	vld [tilespmem:$0x270];
	_ =	sdelay $0x3  }
0xbe: {  	v2 =	vand.u32 $0x7F, v2  }
0xbf: {  	v3 =	vand.u32 $0x7F, v3;
	v2 =	vor.u32 v0, v2  }
0xc0: {  	v3 =	vor.u32 v0, v3;
	_ =	sdelay $0x3  }
0xc1: {  	v2 =	vld.idx.msk [tilespmem:v2+s19+$0x0], $0xffff  }
0xc2: {  	v3 =	vld.idx.msk [tilespmem:v3+s21+$0x0], $0xffff;
	_ =	sdelay $0x4  }
0xc3: {  	v2 =	vadd.f32 v3, v2;
	_ =	sdelay $0x1  }
0xc4: {  	v2 =	vadd.f32 v2, v1;
	_ =	sdelay $0x1  }
0xc5: {  	s28 =	simm.s32 $0x490;
	[tilespmem:$0x2870] =	vst v2  }
0xc6: {  	[tilespmem:s19], [sflag:$0x2] =	stream.indirect.gather [hbm4b:s3+s13], $0x80, s28, s13, $0xb8;
	[tilespmem:$0x2A80] =	vst v63  }
0xc7: {  	s29 =	simm.s32 $0x690  }
0xc8: {  	[tilespmem:s21], [sflag:$0x2] =	stream.indirect.gather [hbm4b:s4+s13], $0x80, s29, s13, $0xb8;
	[tilespmem:$0x2A80] =	vst v63  }
0xc9: {  	_ =	swait.ge [sflag:s22], $0x800  }
0xca: {  	[sflag:s22] =	ssyncset.done $0x0  }
0xcb: {  	[sflag:s22] =	ssyncadd.s32 $0xFFFFF800  }
0xcc: {  	_ =	swait.ge [sflag:s22], $0x800  }
0xcd: {  	[sflag:s22] =	ssyncset.done $0x0  }
0xce: {  	[sflag:s22] =	ssyncadd.s32 $0xFFFFF800  }
0xcf: {  	v2 =	vld [tilespmem:$0x80]  }
0xd0: {  	v3 =	vld [tilespmem:$0x280];
	_ =	sdelay $0x3  }
0xd1: {  	v2 =	vand.u32 $0x7F, v2  }
0xd2: {  	v3 =	vand.u32 $0x7F, v3;
	v2 =	vor.u32 v0, v2  }
0xd3: {  	v3 =	vor.u32 v0, v3;
	_ =	sdelay $0x3  }
0xd4: {  	v2 =	vld.idx.msk [tilespmem:v2+s15+$0x0], $0xffff  }
0xd5: {  	v3 =	vld.idx.msk [tilespmem:v3+s17+$0x0], $0xffff;
	_ =	sdelay $0x4  }
0xd6: {  	v2 =	vadd.f32 v3, v2;
	_ =	sdelay $0x1  }
0xd7: {  	v2 =	vadd.f32 v2, v1;
	_ =	sdelay $0x1  }
0xd8: {  	s28 =	simm.s32 $0x4A0;
	[tilespmem:$0x2880] =	vst v2  }
0xd9: {  	[tilespmem:s15], [sflag:$0x1] =	stream.indirect.gather [hbm4b:s3+s13], $0x80, s28, s13, $0xb8;
	[tilespmem:$0x2A80] =	vst v63  }
0xda: {  	s29 =	simm.s32 $0x6A0  }
0xdb: {  	[tilespmem:s17], [sflag:$0x1] =	stream.indirect.gather [hbm4b:s4+s13], $0x80, s29, s13, $0xb8;
	[tilespmem:$0x2A80] =	vst v63  }
0xdc: {  	_ =	swait.ge [sflag:s25], $0x800  }
0xdd: {  	[sflag:s25] =	ssyncset.done $0x0  }
0xde: {  	[sflag:s25] =	ssyncadd.s32 $0xFFFFF800  }
0xdf: {  	_ =	swait.ge [sflag:s25], $0x800  }
0xe0: {  	[sflag:s25] =	ssyncset.done $0x0  }
0xe1: {  	[sflag:s25] =	ssyncadd.s32 $0xFFFFF800  }
0xe2: {  	v2 =	vld [tilespmem:$0x90]  }
0xe3: {  	v3 =	vld [tilespmem:$0x290];
	_ =	sdelay $0x3  }
0xe4: {  	v2 =	vand.u32 $0x7F, v2  }
0xe5: {  	v3 =	vand.u32 $0x7F, v3;
	v2 =	vor.u32 v0, v2  }
0xe6: {  	v3 =	vor.u32 v0, v3;
	_ =	sdelay $0x3  }
0xe7: {  	v2 =	vld.idx.msk [tilespmem:v2+s19+$0x0], $0xffff  }
0xe8: {  	v3 =	vld.idx.msk [tilespmem:v3+s21+$0x0], $0xffff;
	_ =	sdelay $0x4  }
0xe9: {  	v2 =	vadd.f32 v3, v2;
	_ =	sdelay $0x1  }
0xea: {  	v2 =	vadd.f32 v2, v1;
	_ =	sdelay $0x1  }
0xeb: {  	s28 =	simm.s32 $0x4B0;
	[tilespmem:$0x2890] =	vst v2  }
0xec: {  	[tilespmem:s19], [sflag:$0x2] =	stream.indirect.gather [hbm4b:s3+s13], $0x80, s28, s13, $0xb8;
	[tilespmem:$0x2A80] =	vst v63  }
0xed: {  	s29 =	simm.s32 $0x6B0  }
0xee: {  	[tilespmem:s21], [sflag:$0x2] =	stream.indirect.gather [hbm4b:s4+s13], $0x80, s29, s13, $0xb8;
	[tilespmem:$0x2A80] =	vst v63  }
0xef: {  	_ =	swait.ge [sflag:s22], $0x800  }
0xf0: {  	[sflag:s22] =	ssyncset.done $0x0  }
0xf1: {  	[sflag:s22] =	ssyncadd.s32 $0xFFFFF800  }
0xf2: {  	_ =	swait.ge [sflag:s22], $0x800  }
0xf3: {  	[sflag:s22] =	ssyncset.done $0x0  }
0xf4: {  	[sflag:s22] =	ssyncadd.s32 $0xFFFFF800  }
0xf5: {  	v2 =	vld [tilespmem:$0xA0]  }
0xf6: {  	v3 =	vld [tilespmem:$0x2A0];
	_ =	sdelay $0x3  }
0xf7: {  	v2 =	vand.u32 $0x7F, v2  }
0xf8: {  	v3 =	vand.u32 $0x7F, v3;
	v2 =	vor.u32 v0, v2  }
0xf9: {  	v3 =	vor.u32 v0, v3;
	_ =	sdelay $0x3  }
0xfa: {  	v2 =	vld.idx.msk [tilespmem:v2+s15+$0x0], $0xffff  }
0xfb: {  	v3 =	vld.idx.msk [tilespmem:v3+s17+$0x0], $0xffff;
	_ =	sdelay $0x4  }
0xfc: {  	v2 =	vadd.f32 v3, v2;
	_ =	sdelay $0x1  }
0xfd: {  	v2 =	vadd.f32 v2, v1;
	_ =	sdelay $0x1  }
0xfe: {  	s28 =	simm.s32 $0x4C0;
	[tilespmem:$0x28A0] =	vst v2  }
0xff: {  	[tilespmem:s15], [sflag:$0x1] =	stream.indirect.gather [hbm4b:s3+s13], $0x80, s28, s13, $0xb8;
	[tilespmem:$0x2A80] =	vst v63  }
0x100: {  	s29 =	simm.s32 $0x6C0  }
0x101: {  	[tilespmem:s17], [sflag:$0x1] =	stream.indirect.gather [hbm4b:s4+s13], $0x80, s29, s13, $0xb8;
	[tilespmem:$0x2A80] =	vst v63  }
0x102: {  	_ =	swait.ge [sflag:s25], $0x800  }
0x103: {  	[sflag:s25] =	ssyncset.done $0x0  }
0x104: {  	[sflag:s25] =	ssyncadd.s32 $0xFFFFF800  }
0x105: {  	_ =	swait.ge [sflag:s25], $0x800  }
0x106: {  	[sflag:s25] =	ssyncset.done $0x0  }
0x107: {  	[sflag:s25] =	ssyncadd.s32 $0xFFFFF800  }
0x108: {  	v2 =	vld [tilespmem:$0xB0]  }
0x109: {  	v3 =	vld [tilespmem:$0x2B0];
	_ =	sdelay $0x3  }
0x10a: {  	v2 =	vand.u32 $0x7F, v2  }
0x10b: {  	v3 =	vand.u32 $0x7F, v3;
	v2 =	vor.u32 v0, v2  }
0x10c: {  	v3 =	vor.u32 v0, v3;
	_ =	sdelay $0x3  }
0x10d: {  	v2 =	vld.idx.msk [tilespmem:v2+s19+$0x0], $0xffff  }
0x10e: {  	v3 =	vld.idx.msk [tilespmem:v3+s21+$0x0], $0xffff;
	_ =	sdelay $0x4  }
0x10f: {  	v2 =	vadd.f32 v3, v2;
	_ =	sdelay $0x1  }
0x110: {  	v2 =	vadd.f32 v2, v1;
	_ =	sdelay $0x1  }
0x111: {  	s28 =	simm.s32 $0x4D0;
	[tilespmem:$0x28B0] =	vst v2  }
0x112: {  	[tilespmem:s19], [sflag:$0x2] =	stream.indirect.gather [hbm4b:s3+s13], $0x80, s28, s13, $0xb8;
	[tilespmem:$0x2A80] =	vst v63  }
0x113: {  	s29 =	simm.s32 $0x6D0  }
0x114: {  	[tilespmem:s21], [sflag:$0x2] =	stream.indirect.gather [hbm4b:s4+s13], $0x80, s29, s13, $0xb8;
	[tilespmem:$0x2A80] =	vst v63  }
0x115: {  	_ =	swait.ge [sflag:s22], $0x800  }
0x116: {  	[sflag:s22] =	ssyncset.done $0x0  }
0x117: {  	[sflag:s22] =	ssyncadd.s32 $0xFFFFF800  }
0x118: {  	_ =	swait.ge [sflag:s22], $0x800  }
0x119: {  	[sflag:s22] =	ssyncset.done $0x0  }
0x11a: {  	[sflag:s22] =	ssyncadd.s32 $0xFFFFF800  }
0x11b: {  	v2 =	vld [tilespmem:$0xC0]  }
0x11c: {  	v3 =	vld [tilespmem:$0x2C0];
	_ =	sdelay $0x3  }
0x11d: {  	v2 =	vand.u32 $0x7F, v2  }
0x11e: {  	v3 =	vand.u32 $0x7F, v3;
	v2 =	vor.u32 v0, v2  }
0x11f: {  	v3 =	vor.u32 v0, v3;
	_ =	sdelay $0x3  }
0x120: {  	v2 =	vld.idx.msk [tilespmem:v2+s15+$0x0], $0xffff  }
0x121: {  	v3 =	vld.idx.msk [tilespmem:v3+s17+$0x0], $0xffff;
	_ =	sdelay $0x4  }
0x122: {  	v2 =	vadd.f32 v3, v2;
	_ =	sdelay $0x1  }
0x123: {  	v2 =	vadd.f32 v2, v1;
	_ =	sdelay $0x1  }
0x124: {  	s28 =	simm.s32 $0x4E0;
	[tilespmem:$0x28C0] =	vst v2  }
0x125: {  	[tilespmem:s15], [sflag:$0x1] =	stream.indirect.gather [hbm4b:s3+s13], $0x80, s28, s13, $0xb8;
	[tilespmem:$0x2A80] =	vst v63  }
0x126: {  	s29 =	simm.s32 $0x6E0  }
0x127: {  	[tilespmem:s17], [sflag:$0x1] =	stream.indirect.gather [hbm4b:s4+s13], $0x80, s29, s13, $0xb8;
	[tilespmem:$0x2A80] =	vst v63  }
0x128: {  	_ =	swait.ge [sflag:s25], $0x800  }
0x129: {  	[sflag:s25] =	ssyncset.done $0x0  }
0x12a: {  	[sflag:s25] =	ssyncadd.s32 $0xFFFFF800  }
0x12b: {  	_ =	swait.ge [sflag:s25], $0x800  }
0x12c: {  	[sflag:s25] =	ssyncset.done $0x0  }
0x12d: {  	[sflag:s25] =	ssyncadd.s32 $0xFFFFF800  }
0x12e: {  	v2 =	vld [tilespmem:$0xD0]  }
0x12f: {  	v3 =	vld [tilespmem:$0x2D0];
	_ =	sdelay $0x3  }
0x130: {  	v2 =	vand.u32 $0x7F, v2  }
0x131: {  	v3 =	vand.u32 $0x7F, v3;
	v2 =	vor.u32 v0, v2  }
0x132: {  	v3 =	vor.u32 v0, v3;
	_ =	sdelay $0x3  }
0x133: {  	v2 =	vld.idx.msk [tilespmem:v2+s19+$0x0], $0xffff  }
0x134: {  	v3 =	vld.idx.msk [tilespmem:v3+s21+$0x0], $0xffff;
	_ =	sdelay $0x4  }
0x135: {  	v2 =	vadd.f32 v3, v2;
	_ =	sdelay $0x1  }
0x136: {  	v2 =	vadd.f32 v2, v1;
	_ =	sdelay $0x1  }
0x137: {  	s28 =	simm.s32 $0x4F0;
	[tilespmem:$0x28D0] =	vst v2  }
0x138: {  	[tilespmem:s19], [sflag:$0x2] =	stream.indirect.gather [hbm4b:s3+s13], $0x80, s28, s13, $0xb8;
	[tilespmem:$0x2A80] =	vst v63  }
0x139: {  	s29 =	simm.s32 $0x6F0  }
0x13a: {  	[tilespmem:s21], [sflag:$0x2] =	stream.indirect.gather [hbm4b:s4+s13], $0x80, s29, s13, $0xb8;
	[tilespmem:$0x2A80] =	vst v63  }
0x13b: {  	_ =	swait.ge [sflag:s22], $0x800  }
0x13c: {  	[sflag:s22] =	ssyncset.done $0x0  }
0x13d: {  	[sflag:s22] =	ssyncadd.s32 $0xFFFFF800  }
0x13e: {  	_ =	swait.ge [sflag:s22], $0x800  }
0x13f: {  	[sflag:s22] =	ssyncset.done $0x0  }
0x140: {  	[sflag:s22] =	ssyncadd.s32 $0xFFFFF800  }
0x141: {  	v2 =	vld [tilespmem:$0xE0]  }
0x142: {  	v3 =	vld [tilespmem:$0x2E0];
	_ =	sdelay $0x3  }
0x143: {  	v2 =	vand.u32 $0x7F, v2  }
0x144: {  	v3 =	vand.u32 $0x7F, v3;
	v2 =	vor.u32 v0, v2  }
0x145: {  	v3 =	vor.u32 v0, v3;
	_ =	sdelay $0x3  }
0x146: {  	v2 =	vld.idx.msk [tilespmem:v2+s15+$0x0], $0xffff  }
0x147: {  	v3 =	vld.idx.msk [tilespmem:v3+s17+$0x0], $0xffff;
	_ =	sdelay $0x4  }
0x148: {  	v2 =	vadd.f32 v3, v2;
	_ =	sdelay $0x1  }
0x149: {  	v2 =	vadd.f32 v2, v1;
	_ =	sdelay $0x1  }
0x14a: {  	s28 =	simm.s32 $0x500;
	[tilespmem:$0x28E0] =	vst v2  }
0x14b: {  	[tilespmem:s15], [sflag:$0x1] =	stream.indirect.gather [hbm4b:s3+s13], $0x80, s28, s13, $0xb8;
	[tilespmem:$0x2A80] =	vst v63  }
0x14c: {  	s29 =	simm.s32 $0x700  }
0x14d: {  	[tilespmem:s17], [sflag:$0x1] =	stream.indirect.gather [hbm4b:s4+s13], $0x80, s29, s13, $0xb8;
	[tilespmem:$0x2A80] =	vst v63  }
0x14e: {  	_ =	swait.ge [sflag:s25], $0x800  }
0x14f: {  	[sflag:s25] =	ssyncset.done $0x0  }
0x150: {  	[sflag:s25] =	ssyncadd.s32 $0xFFFFF800  }
0x151: {  	_ =	swait.ge [sflag:s25], $0x800  }
0x152: {  	[sflag:s25] =	ssyncset.done $0x0  }
0x153: {  	[sflag:s25] =	ssyncadd.s32 $0xFFFFF800  }
0x154: {  	v2 =	vld [tilespmem:$0xF0]  }
0x155: {  	v3 =	vld [tilespmem:$0x2F0];
	_ =	sdelay $0x3  }
0x156: {  	v2 =	vand.u32 $0x7F, v2  }
0x157: {  	v3 =	vand.u32 $0x7F, v3;
	v2 =	vor.u32 v0, v2  }
0x158: {  	v3 =	vor.u32 v0, v3;
	_ =	sdelay $0x3  }
0x159: {  	v2 =	vld.idx.msk [tilespmem:v2+s19+$0x0], $0xffff  }
0x15a: {  	v3 =	vld.idx.msk [tilespmem:v3+s21+$0x0], $0xffff;
	_ =	sdelay $0x4  }
0x15b: {  	v2 =	vadd.f32 v3, v2;
	_ =	sdelay $0x1  }
0x15c: {  	v2 =	vadd.f32 v2, v1;
	_ =	sdelay $0x1  }
0x15d: {  	s28 =	simm.s32 $0x510;
	[tilespmem:$0x28F0] =	vst v2  }
0x15e: {  	[tilespmem:s19], [sflag:$0x2] =	stream.indirect.gather [hbm4b:s3+s13], $0x80, s28, s13, $0xb8;
	[tilespmem:$0x2A80] =	vst v63  }
0x15f: {  	s29 =	simm.s32 $0x710  }
0x160: {  	[tilespmem:s21], [sflag:$0x2] =	stream.indirect.gather [hbm4b:s4+s13], $0x80, s29, s13, $0xb8;
	[tilespmem:$0x2A80] =	vst v63  }
0x161: {  	_ =	swait.ge [sflag:s22], $0x800  }
0x162: {  	[sflag:s22] =	ssyncset.done $0x0  }
0x163: {  	[sflag:s22] =	ssyncadd.s32 $0xFFFFF800  }
0x164: {  	_ =	swait.ge [sflag:s22], $0x800  }
0x165: {  	[sflag:s22] =	ssyncset.done $0x0  }
0x166: {  	[sflag:s22] =	ssyncadd.s32 $0xFFFFF800  }
0x167: {  	v2 =	vld [tilespmem:$0x100]  }
0x168: {  	v3 =	vld [tilespmem:$0x300];
	_ =	sdelay $0x3  }
0x169: {  	v2 =	vand.u32 $0x7F, v2  }
0x16a: {  	v3 =	vand.u32 $0x7F, v3;
	v2 =	vor.u32 v0, v2  }
0x16b: {  	v3 =	vor.u32 v0, v3;
	_ =	sdelay $0x3  }
0x16c: {  	v2 =	vld.idx.msk [tilespmem:v2+s15+$0x0], $0xffff  }
0x16d: {  	v3 =	vld.idx.msk [tilespmem:v3+s17+$0x0], $0xffff;
	_ =	sdelay $0x4  }
0x16e: {  	v2 =	vadd.f32 v3, v2;
	_ =	sdelay $0x1  }
0x16f: {  	v2 =	vadd.f32 v2, v1;
	_ =	sdelay $0x1  }
0x170: {  	s28 =	simm.s32 $0x520;
	[tilespmem:$0x2900] =	vst v2  }
0x171: {  	[tilespmem:s15], [sflag:$0x1] =	stream.indirect.gather [hbm4b:s3+s13], $0x80, s28, s13, $0xb8;
	[tilespmem:$0x2A80] =	vst v63  }
0x172: {  	s29 =	simm.s32 $0x720  }
0x173: {  	[tilespmem:s17], [sflag:$0x1] =	stream.indirect.gather [hbm4b:s4+s13], $0x80, s29, s13, $0xb8;
	[tilespmem:$0x2A80] =	vst v63  }
0x174: {  	_ =	swait.ge [sflag:s25], $0x800  }
0x175: {  	[sflag:s25] =	ssyncset.done $0x0  }
0x176: {  	[sflag:s25] =	ssyncadd.s32 $0xFFFFF800  }
0x177: {  	_ =	swait.ge [sflag:s25], $0x800  }
0x178: {  	[sflag:s25] =	ssyncset.done $0x0  }
0x179: {  	[sflag:s25] =	ssyncadd.s32 $0xFFFFF800  }
0x17a: {  	v2 =	vld [tilespmem:$0x110]  }
0x17b: {  	v3 =	vld [tilespmem:$0x310];
	_ =	sdelay $0x3  }
0x17c: {  	v2 =	vand.u32 $0x7F, v2  }
0x17d: {  	v3 =	vand.u32 $0x7F, v3;
	v2 =	vor.u32 v0, v2  }
0x17e: {  	v3 =	vor.u32 v0, v3;
	_ =	sdelay $0x3  }
0x17f: {  	v2 =	vld.idx.msk [tilespmem:v2+s19+$0x0], $0xffff  }
0x180: {  	v3 =	vld.idx.msk [tilespmem:v3+s21+$0x0], $0xffff;
	_ =	sdelay $0x4  }
0x181: {  	v2 =	vadd.f32 v3, v2;
	_ =	sdelay $0x1  }
0x182: {  	v2 =	vadd.f32 v2, v1;
	_ =	sdelay $0x1  }
0x183: {  	s28 =	simm.s32 $0x530;
	[tilespmem:$0x2910] =	vst v2  }
0x184: {  	[tilespmem:s19], [sflag:$0x2] =	stream.indirect.gather [hbm4b:s3+s13], $0x80, s28, s13, $0xb8;
	[tilespmem:$0x2A80] =	vst v63  }
0x185: {  	s29 =	simm.s32 $0x730  }
0x186: {  	[tilespmem:s21], [sflag:$0x2] =	stream.indirect.gather [hbm4b:s4+s13], $0x80, s29, s13, $0xb8;
	[tilespmem:$0x2A80] =	vst v63  }
0x187: {  	_ =	swait.ge [sflag:s22], $0x800  }
0x188: {  	[sflag:s22] =	ssyncset.done $0x0  }
0x189: {  	[sflag:s22] =	ssyncadd.s32 $0xFFFFF800  }
0x18a: {  	_ =	swait.ge [sflag:s22], $0x800  }
0x18b: {  	[sflag:s22] =	ssyncset.done $0x0  }
0x18c: {  	[sflag:s22] =	ssyncadd.s32 $0xFFFFF800  }
0x18d: {  	v2 =	vld [tilespmem:$0x120]  }
0x18e: {  	v3 =	vld [tilespmem:$0x320];
	_ =	sdelay $0x3  }
0x18f: {  	v2 =	vand.u32 $0x7F, v2  }
0x190: {  	v3 =	vand.u32 $0x7F, v3;
	v2 =	vor.u32 v0, v2  }
0x191: {  	v3 =	vor.u32 v0, v3;
	_ =	sdelay $0x3  }
0x192: {  	v2 =	vld.idx.msk [tilespmem:v2+s15+$0x0], $0xffff  }
0x193: {  	v3 =	vld.idx.msk [tilespmem:v3+s17+$0x0], $0xffff;
	_ =	sdelay $0x4  }
0x194: {  	v2 =	vadd.f32 v3, v2;
	_ =	sdelay $0x1  }
0x195: {  	v2 =	vadd.f32 v2, v1;
	_ =	sdelay $0x1  }
0x196: {  	s28 =	simm.s32 $0x540;
	[tilespmem:$0x2920] =	vst v2  }
0x197: {  	[tilespmem:s15], [sflag:$0x1] =	stream.indirect.gather [hbm4b:s3+s13], $0x80, s28, s13, $0xb8;
	[tilespmem:$0x2A80] =	vst v63  }
0x198: {  	s29 =	simm.s32 $0x740  }
0x199: {  	[tilespmem:s17], [sflag:$0x1] =	stream.indirect.gather [hbm4b:s4+s13], $0x80, s29, s13, $0xb8;
	[tilespmem:$0x2A80] =	vst v63  }
0x19a: {  	_ =	swait.ge [sflag:s25], $0x800  }
0x19b: {  	[sflag:s25] =	ssyncset.done $0x0  }
0x19c: {  	[sflag:s25] =	ssyncadd.s32 $0xFFFFF800  }
0x19d: {  	_ =	swait.ge [sflag:s25], $0x800  }
0x19e: {  	[sflag:s25] =	ssyncset.done $0x0  }
0x19f: {  	[sflag:s25] =	ssyncadd.s32 $0xFFFFF800  }
0x1a0: {  	v2 =	vld [tilespmem:$0x130]  }
0x1a1: {  	v3 =	vld [tilespmem:$0x330];
	_ =	sdelay $0x3  }
0x1a2: {  	v2 =	vand.u32 $0x7F, v2  }
0x1a3: {  	v3 =	vand.u32 $0x7F, v3;
	v2 =	vor.u32 v0, v2  }
0x1a4: {  	v3 =	vor.u32 v0, v3;
	_ =	sdelay $0x3  }
0x1a5: {  	v2 =	vld.idx.msk [tilespmem:v2+s19+$0x0], $0xffff  }
0x1a6: {  	v3 =	vld.idx.msk [tilespmem:v3+s21+$0x0], $0xffff;
	_ =	sdelay $0x4  }
0x1a7: {  	v2 =	vadd.f32 v3, v2;
	_ =	sdelay $0x1  }
0x1a8: {  	v2 =	vadd.f32 v2, v1;
	_ =	sdelay $0x1  }
0x1a9: {  	s28 =	simm.s32 $0x550;
	[tilespmem:$0x2930] =	vst v2  }
0x1aa: {  	[tilespmem:s19], [sflag:$0x2] =	stream.indirect.gather [hbm4b:s3+s13], $0x80, s28, s13, $0xb8;
	[tilespmem:$0x2A80] =	vst v63  }
0x1ab: {  	s29 =	simm.s32 $0x750  }
0x1ac: {  	[tilespmem:s21], [sflag:$0x2] =	stream.indirect.gather [hbm4b:s4+s13], $0x80, s29, s13, $0xb8;
	[tilespmem:$0x2A80] =	vst v63  }
0x1ad: {  	_ =	swait.ge [sflag:s22], $0x800  }
0x1ae: {  	[sflag:s22] =	ssyncset.done $0x0  }
0x1af: {  	[sflag:s22] =	ssyncadd.s32 $0xFFFFF800  }
0x1b0: {  	_ =	swait.ge [sflag:s22], $0x800  }
0x1b1: {  	[sflag:s22] =	ssyncset.done $0x0  }
0x1b2: {  	[sflag:s22] =	ssyncadd.s32 $0xFFFFF800  }
0x1b3: {  	v2 =	vld [tilespmem:$0x140]  }
0x1b4: {  	v3 =	vld [tilespmem:$0x340];
	_ =	sdelay $0x3  }
0x1b5: {  	v2 =	vand.u32 $0x7F, v2  }
0x1b6: {  	v3 =	vand.u32 $0x7F, v3;
	v2 =	vor.u32 v0, v2  }
0x1b7: {  	v3 =	vor.u32 v0, v3;
	_ =	sdelay $0x3  }
0x1b8: {  	v2 =	vld.idx.msk [tilespmem:v2+s15+$0x0], $0xffff  }
0x1b9: {  	v3 =	vld.idx.msk [tilespmem:v3+s17+$0x0], $0xffff;
	_ =	sdelay $0x4  }
0x1ba: {  	v2 =	vadd.f32 v3, v2;
	_ =	sdelay $0x1  }
0x1bb: {  	v2 =	vadd.f32 v2, v1;
	_ =	sdelay $0x1  }
0x1bc: {  	s28 =	simm.s32 $0x560;
	[tilespmem:$0x2940] =	vst v2  }
0x1bd: {  	[tilespmem:s15], [sflag:$0x1] =	stream.indirect.gather [hbm4b:s3+s13], $0x80, s28, s13, $0xb8;
	[tilespmem:$0x2A80] =	vst v63  }
0x1be: {  	s29 =	simm.s32 $0x760  }
0x1bf: {  	[tilespmem:s17], [sflag:$0x1] =	stream.indirect.gather [hbm4b:s4+s13], $0x80, s29, s13, $0xb8;
	[tilespmem:$0x2A80] =	vst v63  }
0x1c0: {  	_ =	swait.ge [sflag:s25], $0x800  }
0x1c1: {  	[sflag:s25] =	ssyncset.done $0x0  }
0x1c2: {  	[sflag:s25] =	ssyncadd.s32 $0xFFFFF800  }
0x1c3: {  	_ =	swait.ge [sflag:s25], $0x800  }
0x1c4: {  	[sflag:s25] =	ssyncset.done $0x0  }
0x1c5: {  	[sflag:s25] =	ssyncadd.s32 $0xFFFFF800  }
0x1c6: {  	v2 =	vld [tilespmem:$0x150]  }
0x1c7: {  	v3 =	vld [tilespmem:$0x350];
	_ =	sdelay $0x3  }
0x1c8: {  	v2 =	vand.u32 $0x7F, v2  }
0x1c9: {  	v3 =	vand.u32 $0x7F, v3;
	v2 =	vor.u32 v0, v2  }
0x1ca: {  	v3 =	vor.u32 v0, v3;
	_ =	sdelay $0x3  }
0x1cb: {  	v2 =	vld.idx.msk [tilespmem:v2+s19+$0x0], $0xffff  }
0x1cc: {  	v3 =	vld.idx.msk [tilespmem:v3+s21+$0x0], $0xffff;
	_ =	sdelay $0x4  }
0x1cd: {  	v2 =	vadd.f32 v3, v2;
	_ =	sdelay $0x1  }
0x1ce: {  	v2 =	vadd.f32 v2, v1;
	_ =	sdelay $0x1  }
0x1cf: {  	s28 =	simm.s32 $0x570;
	[tilespmem:$0x2950] =	vst v2  }
0x1d0: {  	[tilespmem:s19], [sflag:$0x2] =	stream.indirect.gather [hbm4b:s3+s13], $0x80, s28, s13, $0xb8;
	[tilespmem:$0x2A80] =	vst v63  }
0x1d1: {  	s29 =	simm.s32 $0x770  }
0x1d2: {  	[tilespmem:s21], [sflag:$0x2] =	stream.indirect.gather [hbm4b:s4+s13], $0x80, s29, s13, $0xb8;
	[tilespmem:$0x2A80] =	vst v63  }
0x1d3: {  	_ =	swait.ge [sflag:s22], $0x800  }
0x1d4: {  	[sflag:s22] =	ssyncset.done $0x0  }
0x1d5: {  	[sflag:s22] =	ssyncadd.s32 $0xFFFFF800  }
0x1d6: {  	_ =	swait.ge [sflag:s22], $0x800  }
0x1d7: {  	[sflag:s22] =	ssyncset.done $0x0  }
0x1d8: {  	[sflag:s22] =	ssyncadd.s32 $0xFFFFF800  }
0x1d9: {  	v2 =	vld [tilespmem:$0x160]  }
0x1da: {  	v3 =	vld [tilespmem:$0x360];
	_ =	sdelay $0x3  }
0x1db: {  	v2 =	vand.u32 $0x7F, v2  }
0x1dc: {  	v3 =	vand.u32 $0x7F, v3;
	v2 =	vor.u32 v0, v2  }
0x1dd: {  	v3 =	vor.u32 v0, v3;
	_ =	sdelay $0x3  }
0x1de: {  	v2 =	vld.idx.msk [tilespmem:v2+s15+$0x0], $0xffff  }
0x1df: {  	v3 =	vld.idx.msk [tilespmem:v3+s17+$0x0], $0xffff;
	_ =	sdelay $0x4  }
0x1e0: {  	v2 =	vadd.f32 v3, v2;
	_ =	sdelay $0x1  }
0x1e1: {  	v2 =	vadd.f32 v2, v1;
	_ =	sdelay $0x1  }
0x1e2: {  	s28 =	simm.s32 $0x580;
	[tilespmem:$0x2960] =	vst v2  }
0x1e3: {  	[tilespmem:s15], [sflag:$0x1] =	stream.indirect.gather [hbm4b:s3+s13], $0x80, s28, s13, $0xb8;
	[tilespmem:$0x2A80] =	vst v63  }
0x1e4: {  	s29 =	simm.s32 $0x780  }
0x1e5: {  	[tilespmem:s17], [sflag:$0x1] =	stream.indirect.gather [hbm4b:s4+s13], $0x80, s29, s13, $0xb8;
	[tilespmem:$0x2A80] =	vst v63  }
0x1e6: {  	_ =	swait.ge [sflag:s25], $0x800  }
0x1e7: {  	[sflag:s25] =	ssyncset.done $0x0  }
0x1e8: {  	[sflag:s25] =	ssyncadd.s32 $0xFFFFF800  }
0x1e9: {  	_ =	swait.ge [sflag:s25], $0x800  }
0x1ea: {  	[sflag:s25] =	ssyncset.done $0x0  }
0x1eb: {  	[sflag:s25] =	ssyncadd.s32 $0xFFFFF800  }
0x1ec: {  	v2 =	vld [tilespmem:$0x170]  }
0x1ed: {  	v3 =	vld [tilespmem:$0x370];
	_ =	sdelay $0x3  }
0x1ee: {  	v2 =	vand.u32 $0x7F, v2  }
0x1ef: {  	v3 =	vand.u32 $0x7F, v3;
	v2 =	vor.u32 v0, v2  }
0x1f0: {  	v3 =	vor.u32 v0, v3;
	_ =	sdelay $0x3  }
0x1f1: {  	v2 =	vld.idx.msk [tilespmem:v2+s19+$0x0], $0xffff  }
0x1f2: {  	v3 =	vld.idx.msk [tilespmem:v3+s21+$0x0], $0xffff;
	_ =	sdelay $0x4  }
0x1f3: {  	v2 =	vadd.f32 v3, v2;
	_ =	sdelay $0x1  }
0x1f4: {  	v2 =	vadd.f32 v2, v1;
	_ =	sdelay $0x1  }
0x1f5: {  	s28 =	simm.s32 $0x590;
	[tilespmem:$0x2970] =	vst v2  }
0x1f6: {  	[tilespmem:s19], [sflag:$0x2] =	stream.indirect.gather [hbm4b:s3+s13], $0x80, s28, s13, $0xb8;
	[tilespmem:$0x2A80] =	vst v63  }
0x1f7: {  	s29 =	simm.s32 $0x790  }
0x1f8: {  	[tilespmem:s21], [sflag:$0x2] =	stream.indirect.gather [hbm4b:s4+s13], $0x80, s29, s13, $0xb8;
	[tilespmem:$0x2A80] =	vst v63  }
0x1f9: {  	_ =	swait.ge [sflag:s22], $0x800  }
0x1fa: {  	[sflag:s22] =	ssyncset.done $0x0  }
0x1fb: {  	[sflag:s22] =	ssyncadd.s32 $0xFFFFF800  }
0x1fc: {  	_ =	swait.ge [sflag:s22], $0x800  }
0x1fd: {  	[sflag:s22] =	ssyncset.done $0x0  }
0x1fe: {  	[sflag:s22] =	ssyncadd.s32 $0xFFFFF800  }
0x1ff: {  	v2 =	vld [tilespmem:$0x180]  }
0x200: {  	v3 =	vld [tilespmem:$0x380];
	_ =	sdelay $0x3  }
0x201: {  	v2 =	vand.u32 $0x7F, v2  }
0x202: {  	v3 =	vand.u32 $0x7F, v3;
	v2 =	vor.u32 v0, v2  }
0x203: {  	v3 =	vor.u32 v0, v3;
	_ =	sdelay $0x3  }
0x204: {  	v2 =	vld.idx.msk [tilespmem:v2+s15+$0x0], $0xffff  }
0x205: {  	v3 =	vld.idx.msk [tilespmem:v3+s17+$0x0], $0xffff;
	_ =	sdelay $0x4  }
0x206: {  	v2 =	vadd.f32 v3, v2;
	_ =	sdelay $0x1  }
0x207: {  	v2 =	vadd.f32 v2, v1;
	_ =	sdelay $0x1  }
0x208: {  	s28 =	simm.s32 $0x5A0;
	[tilespmem:$0x2980] =	vst v2  }
0x209: {  	[tilespmem:s15], [sflag:$0x1] =	stream.indirect.gather [hbm4b:s3+s13], $0x80, s28, s13, $0xb8;
	[tilespmem:$0x2A80] =	vst v63  }
0x20a: {  	s29 =	simm.s32 $0x7A0  }
0x20b: {  	[tilespmem:s17], [sflag:$0x1] =	stream.indirect.gather [hbm4b:s4+s13], $0x80, s29, s13, $0xb8;
	[tilespmem:$0x2A80] =	vst v63  }
0x20c: {  	_ =	swait.ge [sflag:s25], $0x800  }
0x20d: {  	[sflag:s25] =	ssyncset.done $0x0  }
0x20e: {  	[sflag:s25] =	ssyncadd.s32 $0xFFFFF800  }
0x20f: {  	_ =	swait.ge [sflag:s25], $0x800  }
0x210: {  	[sflag:s25] =	ssyncset.done $0x0  }
0x211: {  	[sflag:s25] =	ssyncadd.s32 $0xFFFFF800  }
0x212: {  	v2 =	vld [tilespmem:$0x190]  }
0x213: {  	v3 =	vld [tilespmem:$0x390];
	_ =	sdelay $0x3  }
0x214: {  	v2 =	vand.u32 $0x7F, v2  }
0x215: {  	v3 =	vand.u32 $0x7F, v3;
	v2 =	vor.u32 v0, v2  }
0x216: {  	v3 =	vor.u32 v0, v3;
	_ =	sdelay $0x3  }
0x217: {  	v2 =	vld.idx.msk [tilespmem:v2+s19+$0x0], $0xffff  }
0x218: {  	v3 =	vld.idx.msk [tilespmem:v3+s21+$0x0], $0xffff;
	_ =	sdelay $0x4  }
0x219: {  	v2 =	vadd.f32 v3, v2;
	_ =	sdelay $0x1  }
0x21a: {  	v2 =	vadd.f32 v2, v1;
	_ =	sdelay $0x1  }
0x21b: {  	[tilespmem:$0x2990] =	vst v2  }
0x21c: {  	[tilespmem:s19], [sflag:$0x2] =	stream.indirect.gather [hbm4b:s3+s13], $0x80, s30, s13, $0xb8;
	[tilespmem:$0x2A80] =	vst v63  }
0x21d: {  	_ = 	snop  }
0x21e: {  	[tilespmem:s21], [sflag:$0x2] =	stream.indirect.gather [hbm4b:s4+s13], $0x80, s31, s13, $0xb8;
	[tilespmem:$0x2A80] =	vst v63  }
0x21f: {  	_ =	swait.ge [sflag:s22], $0x800  }
0x220: {  	[sflag:s22] =	ssyncset.done $0x0  }
0x221: {  	[sflag:s22] =	ssyncadd.s32 $0xFFFFF800  }
0x222: {  	_ =	swait.ge [sflag:s22], $0x800  }
0x223: {  	[sflag:s22] =	ssyncset.done $0x0  }
0x224: {  	[sflag:s22] =	ssyncadd.s32 $0xFFFFF800  }
0x225: {  	v2 =	vld [tilespmem:$0x1A0]  }
0x226: {  	v3 =	vld [tilespmem:$0x3A0];
	_ =	sdelay $0x3  }
0x227: {  	v2 =	vand.u32 $0x7F, v2  }
0x228: {  	v3 =	vand.u32 $0x7F, v3;
	v2 =	vor.u32 v0, v2  }
0x229: {  	v3 =	vor.u32 v0, v3;
	_ =	sdelay $0x3  }
0x22a: {  	v2 =	vld.idx.msk [tilespmem:v2+s15+$0x0], $0xffff  }
0x22b: {  	v3 =	vld.idx.msk [tilespmem:v3+s17+$0x0], $0xffff;
	_ =	sdelay $0x4  }
0x22c: {  	v2 =	vadd.f32 v3, v2;
	_ =	sdelay $0x1  }
0x22d: {  	v2 =	vadd.f32 v2, v1;
	_ =	sdelay $0x1  }
0x22e: {  	[tilespmem:$0x29A0] =	vst v2  }
0x22f: {  	[tilespmem:s15], [sflag:$0x1] =	stream.indirect.gather [hbm4b:s3+s13], $0x80, s0, s13, $0xb8;
	[tilespmem:$0x2A80] =	vst v63  }
0x230: {  	_ = 	snop  }
0x231: {  	[tilespmem:s17], [sflag:$0x1] =	stream.indirect.gather [hbm4b:s4+s13], $0x80, s2, s13, $0xb8;
	[tilespmem:$0x2A80] =	vst v63  }
0x232: {  	_ =	swait.ge [sflag:s25], $0x800  }
0x233: {  	[sflag:s25] =	ssyncset.done $0x0  }
0x234: {  	[sflag:s25] =	ssyncadd.s32 $0xFFFFF800  }
0x235: {  	_ =	swait.ge [sflag:s25], $0x800  }
0x236: {  	[sflag:s25] =	ssyncset.done $0x0  }
0x237: {  	[sflag:s25] =	ssyncadd.s32 $0xFFFFF800  }
0x238: {  	v2 =	vld [tilespmem:$0x1B0]  }
0x239: {  	v3 =	vld [tilespmem:$0x3B0];
	_ =	sdelay $0x3  }
0x23a: {  	v2 =	vand.u32 $0x7F, v2  }
0x23b: {  	v3 =	vand.u32 $0x7F, v3;
	v2 =	vor.u32 v0, v2  }
0x23c: {  	v3 =	vor.u32 v0, v3;
	_ =	sdelay $0x3  }
0x23d: {  	v2 =	vld.idx.msk [tilespmem:v2+s19+$0x0], $0xffff  }
0x23e: {  	v3 =	vld.idx.msk [tilespmem:v3+s21+$0x0], $0xffff;
	_ =	sdelay $0x4  }
0x23f: {  	v2 =	vadd.f32 v3, v2;
	_ =	sdelay $0x1  }
0x240: {  	v2 =	vadd.f32 v2, v1;
	_ =	sdelay $0x1  }
0x241: {  	[tilespmem:$0x29B0] =	vst v2  }
0x242: {  	[tilespmem:s19], [sflag:$0x2] =	stream.indirect.gather [hbm4b:s3+s13], $0x80, s11, s13, $0xb8;
	[tilespmem:$0x2A80] =	vst v63  }
0x243: {  	_ = 	snop  }
0x244: {  	[tilespmem:s21], [sflag:$0x2] =	stream.indirect.gather [hbm4b:s4+s13], $0x80, s12, s13, $0xb8;
	[tilespmem:$0x2A80] =	vst v63  }
0x245: {  	_ =	swait.ge [sflag:s22], $0x800  }
0x246: {  	[sflag:s22] =	ssyncset.done $0x0  }
0x247: {  	[sflag:s22] =	ssyncadd.s32 $0xFFFFF800  }
0x248: {  	_ =	swait.ge [sflag:s22], $0x800  }
0x249: {  	[sflag:s22] =	ssyncset.done $0x0  }
0x24a: {  	[sflag:s22] =	ssyncadd.s32 $0xFFFFF800  }
0x24b: {  	v2 =	vld [tilespmem:$0x1C0]  }
0x24c: {  	v3 =	vld [tilespmem:$0x3C0];
	_ =	sdelay $0x3  }
0x24d: {  	v2 =	vand.u32 $0x7F, v2  }
0x24e: {  	v3 =	vand.u32 $0x7F, v3;
	v2 =	vor.u32 v0, v2  }
0x24f: {  	v3 =	vor.u32 v0, v3;
	_ =	sdelay $0x3  }
0x250: {  	v2 =	vld.idx.msk [tilespmem:v2+s15+$0x0], $0xffff  }
0x251: {  	v3 =	vld.idx.msk [tilespmem:v3+s17+$0x0], $0xffff;
	_ =	sdelay $0x4  }
0x252: {  	v2 =	vadd.f32 v3, v2;
	_ =	sdelay $0x1  }
0x253: {  	v2 =	vadd.f32 v2, v1;
	_ =	sdelay $0x1  }
0x254: {  	[tilespmem:$0x29C0] =	vst v2  }
0x255: {  	[tilespmem:s15], [sflag:$0x1] =	stream.indirect.gather [hbm4b:s3+s13], $0x80, s14, s13, $0xb8;
	[tilespmem:$0x2A80] =	vst v63  }
0x256: {  	_ = 	snop  }
0x257: {  	[tilespmem:s17], [sflag:$0x1] =	stream.indirect.gather [hbm4b:s4+s13], $0x80, s16, s13, $0xb8;
	[tilespmem:$0x2A80] =	vst v63  }
0x258: {  	_ =	swait.ge [sflag:s25], $0x800  }
0x259: {  	[sflag:s25] =	ssyncset.done $0x0  }
0x25a: {  	[sflag:s25] =	ssyncadd.s32 $0xFFFFF800  }
0x25b: {  	_ =	swait.ge [sflag:s25], $0x800  }
0x25c: {  	[sflag:s25] =	ssyncset.done $0x0  }
0x25d: {  	[sflag:s25] =	ssyncadd.s32 $0xFFFFF800  }
0x25e: {  	v2 =	vld [tilespmem:$0x1D0]  }
0x25f: {  	v3 =	vld [tilespmem:$0x3D0];
	_ =	sdelay $0x3  }
0x260: {  	v2 =	vand.u32 $0x7F, v2  }
0x261: {  	v3 =	vand.u32 $0x7F, v3;
	v2 =	vor.u32 v0, v2  }
0x262: {  	v3 =	vor.u32 v0, v3;
	_ =	sdelay $0x3  }
0x263: {  	v2 =	vld.idx.msk [tilespmem:v2+s19+$0x0], $0xffff  }
0x264: {  	v3 =	vld.idx.msk [tilespmem:v3+s21+$0x0], $0xffff;
	_ =	sdelay $0x4  }
0x265: {  	v2 =	vadd.f32 v3, v2;
	_ =	sdelay $0x1  }
0x266: {  	v2 =	vadd.f32 v2, v1;
	_ =	sdelay $0x1  }
0x267: {  	[tilespmem:$0x29D0] =	vst v2  }
0x268: {  	[tilespmem:s19], [sflag:$0x2] =	stream.indirect.gather [hbm4b:s3+s13], $0x80, s18, s13, $0xb8;
	[tilespmem:$0x2A80] =	vst v63  }
0x269: {  	_ = 	snop  }
0x26a: {  	[tilespmem:s21], [sflag:$0x2] =	stream.indirect.gather [hbm4b:s4+s13], $0x80, s20, s13, $0xb8;
	[tilespmem:$0x2A80] =	vst v63  }
0x26b: {  	_ =	swait.ge [sflag:s22], $0x800  }
0x26c: {  	[sflag:s22] =	ssyncset.done $0x0  }
0x26d: {  	[sflag:s22] =	ssyncadd.s32 $0xFFFFF800  }
0x26e: {  	_ =	swait.ge [sflag:s22], $0x800  }
0x26f: {  	[sflag:s22] =	ssyncset.done $0x0  }
0x270: {  	[sflag:s22] =	ssyncadd.s32 $0xFFFFF800  }
0x271: {  	v2 =	vld [tilespmem:$0x1E0]  }
0x272: {  	v3 =	vld [tilespmem:$0x3E0];
	_ =	sdelay $0x3  }
0x273: {  	v2 =	vand.u32 $0x7F, v2  }
0x274: {  	v3 =	vand.u32 $0x7F, v3;
	v2 =	vor.u32 v0, v2  }
0x275: {  	v3 =	vor.u32 v0, v3;
	_ =	sdelay $0x3  }
0x276: {  	v2 =	vld.idx.msk [tilespmem:v2+s15+$0x0], $0xffff  }
0x277: {  	v3 =	vld.idx.msk [tilespmem:v3+s17+$0x0], $0xffff;
	_ =	sdelay $0x4  }
0x278: {  	v2 =	vadd.f32 v3, v2;
	_ =	sdelay $0x1  }
0x279: {  	v2 =	vadd.f32 v2, v1;
	_ =	sdelay $0x1  }
0x27a: {  	[tilespmem:$0x29E0] =	vst v2  }
0x27b: {  	_ =	swait.ge [sflag:s25], $0x800  }
0x27c: {  	[sflag:s25] =	ssyncset.done $0x0  }
0x27d: {  	[sflag:s25] =	ssyncadd.s32 $0xFFFFF800  }
0x27e: {  	_ =	swait.ge [sflag:s25], $0x800  }
0x27f: {  	[sflag:s25] =	ssyncset.done $0x0  }
0x280: {  	[sflag:s25] =	ssyncadd.s32 $0xFFFFF800  }
0x281: {  	v2 =	vld [tilespmem:$0x1F0]  }
0x282: {  	v3 =	vld [tilespmem:$0x3F0];
	_ =	sdelay $0x3  }
0x283: {  	v2 =	vand.u32 $0x7F, v2  }
0x284: {  	v3 =	vand.u32 $0x7F, v3;
	v2 =	vor.u32 v0, v2  }
0x285: {  	v3 =	vor.u32 v0, v3;
	_ =	sdelay $0x3  }
0x286: {  	v2 =	vld.idx.msk [tilespmem:v2+s19+$0x0], $0xffff  }
0x287: {  	v3 =	vld.idx.msk [tilespmem:v3+s21+$0x0], $0xffff;
	_ =	sdelay $0x4  }
0x288: {  	v2 =	vadd.f32 v3, v2;
	_ =	sdelay $0x1  }
0x289: {  	s24 =	sadd.s32 $0x1, s24;
	v1 =	vadd.f32 v2, v1  }
0x28a: {  	p0 =	sne.s32 s24, s9  }
.Ltmp1:
0x28b: {  	[tilespmem:$0x29F0] =	vst v1;
	(pc) =	sbr.rel @p0 .LBB2_1-.Ltmp1, $4  }
0x28c: {  	[hbm4b:s8+s1] =	stream.linear.scatter [tilespmem:s23], [sflag:$0x3], $0x200, $0x38;
	[tilespmem:$0x2A80] =	vst v63  }
0x28d: {  	_ =	swait.ge [sflag:s10], $0x200  }
0x28e: {  	[sflag:s10] =	ssyncset.done $0x0  }
0x28f: {  	[sflag:s10] =	ssyncadd.s32 $0xFFFFFE00  }
0x290: {  	_ =	sfence.sel $0x180000  }
0x291: {  	[bflag:$0x0] =	sbarrier.arrive $0xFFFF  }
0x292: {  	_ =	strace $0x90000047  }
0x293: {  	s0 =	stileid.u32;
	[bflag:$0x2] =	sbarrier.arrive $0xFFFF  }
0x294: {  	p0 =	sne.s32 s0, $0x0;
	s0 =	rddreg [dreg:$0x4]  }
0x295: {  	s0 =	sadd.s32 @!p0 $0x100000, s0  }
0x296: {  	[sflag:s0] =	ssyncadd.tile.s32 @!p0 $0x1;
	_ =	shalt  }
.Lfunc_end2:
_tile_overlayer_lowered:
.L_overlay_start_2:
0x297: {  	(tag) =	ssettag $0x2  }
0x298: {  	s0 =	rddreg [dreg:$0x0];
	s2 =	stileid.u32  }
0x299: {  	s1 =	rddreg [dreg:$0x1];
	p0 =	sne.s32 s2, $0x0  }
0x29a: {  	s3 =	rddreg [dreg:$0x2];
	[bflag:$0x3] =	sbarrier.arrive $0xFFFF;
	s2 =	simm.s32 @!p0 $0x1C03  }
0x29b: {  	[timem:s3], [sflag:s2] =	dma.local @!p0 [hbm:s0], s1  }
0x29c: {  	s0 =	simm.s32 @!p0 $0x3  }
0x29d: {  	_ =	swait.ge @!p0 [sflag:s0], s1  }
0x29e: {  	s1 =	ssub.s32 @!p0 $0x0, s1;
	[sflag:s0] =	ssyncset.done @!p0 $0x0  }
0x29f: {  	[sflag:s0] =	ssyncadd.s32 @!p0 s1  }
0x2a0: {  	[bflag:$0x3] =	sbarrier.arrive $0xFFFF  }
0x2a1: {  	_ =	shalt  }

</sc_bundles>
